<compile_context>
chip_gen: v7x
topology: tpu7x:2x2x1
jax: 0.10.2.dev20260603
libtpu: 0.0.44.dev20260713+nightly
codegen_flags: <defaults>
</compile_context>

<pallas_src>
import jax
import jax.numpy as jnp
from jax import lax
from jax.experimental import pallas as pl
from jax.experimental.pallas import tpu as pltpu
from jax.experimental.pallas import tpu_sc as plsc

N = 10000
D = 128
E = 320000
K = 160
NCHUNK = E // K
NC = 2
NS = 16
NW = NC * NS
ITERS = -(-NCHUNK // NW)
NPAD = 10240
RZ = NPAD // NS
KD = 320
NCHUNKD = E // KD
ITERSD = -(-NCHUNKD // NW)

_MESH = plsc.VectorSubcoreMesh(core_axis_name="c", subcore_axis_name="s")



def _sc_agg_body(h_hbm, src_hbm, dst_hbm, z_hbm, out_hbm,
                 srcA, dstA, rowsA, srcB, dstB, rowsB, acc, semA, semB):
    cid = lax.axis_index("c")
    sid = lax.axis_index("s")
    r0 = sid * RZ
    for j in range(RZ // K):
        pltpu.sync_copy(z_hbm, acc.at[pl.ds(r0 + j * K, K)])
    plsc.subcore_barrier()

    def it(i, carry):
        c = (sid * NC + cid) + NW * i
        live = c < NCHUNK

        @pl.when(live & (cid == 0))
        def _():
            pltpu.sync_copy(src_hbm.at[pl.ds(c * K, K)], srcA)
            pltpu.sync_copy(dst_hbm.at[pl.ds(c * K, K)], dstA)
            pltpu.async_copy(h_hbm.at[srcA], rowsA, semA).wait()

        @pl.when(live & (cid == 1))
        def _():
            pltpu.sync_copy(src_hbm.at[pl.ds(c * K, K)], srcB)
            pltpu.sync_copy(dst_hbm.at[pl.ds(c * K, K)], dstB)
            pltpu.async_copy(h_hbm.at[srcB], rowsB, semB).wait()

        for t in range(NS):
            plsc.subcore_barrier()

            @pl.when(live & (sid == t) & (cid == 0))
            def _():
                pltpu.sync_copy(rowsA, acc.at[dstA], add=True)

            @pl.when(live & (sid == t) & (cid == 1))
            def _():
                pltpu.sync_copy(rowsB, acc.at[dstB], add=True)

        return carry

    lax.fori_loop(0, ITERS, it, 0)
    plsc.subcore_barrier()
    pltpu.sync_copy(acc.at[pl.ds(r0, RZ)],
                    out_hbm.at[pl.ds(cid * NPAD + r0, RZ)])


_sc_agg = pl.kernel(
    _sc_agg_body,
    out_type=jax.ShapeDtypeStruct((NC * NPAD, D), jnp.float32),
    mesh=_MESH,
    scratch_types=[
        pltpu.VMEM((K,), jnp.int32),
        pltpu.VMEM((K,), jnp.int32),
        pltpu.VMEM((K, D), jnp.float32),
        pltpu.VMEM((K,), jnp.int32),
        pltpu.VMEM((K,), jnp.int32),
        pltpu.VMEM((K, D), jnp.float32),
        pltpu.VMEM_SHARED((NPAD, D), jnp.float32),
        pltpu.SemaphoreType.DMA,
        pltpu.SemaphoreType.DMA,
    ],
)


def _sc_deg_body(ones_hbm, dst_hbm, z_hbm, out_hbm,
                 dstA, dstB, rows_v, acc, sem):
    cid = lax.axis_index("c")
    sid = lax.axis_index("s")
    r0 = sid * RZ
    pltpu.sync_copy(ones_hbm, rows_v)
    for j in range(RZ // KD):
        pltpu.sync_copy(z_hbm, acc.at[pl.ds(r0 + j * KD, KD)])
    plsc.subcore_barrier()

    def it(i, carry):
        c = (sid * NC + cid) + NW * i
        live = c < NCHUNKD

        @pl.when(live & (cid == 0))
        def _():
            pltpu.sync_copy(dst_hbm.at[pl.ds(c * KD, KD)], dstA)

        @pl.when(live & (cid == 1))
        def _():
            pltpu.sync_copy(dst_hbm.at[pl.ds(c * KD, KD)], dstB)

        for t in range(NS):
            plsc.subcore_barrier()

            @pl.when(live & (sid == t) & (cid == 0))
            def _():
                pltpu.sync_copy(rows_v, acc.at[dstA], add=True)

            @pl.when(live & (sid == t) & (cid == 1))
            def _():
                pltpu.sync_copy(rows_v, acc.at[dstB], add=True)

        return carry

    lax.fori_loop(0, ITERSD, it, 0)
    plsc.subcore_barrier()
    pltpu.sync_copy(acc.at[pl.ds(r0, RZ)],
                    out_hbm.at[pl.ds(cid * NPAD + r0, RZ)])


_sc_deg = pl.kernel(
    _sc_deg_body,
    out_type=jax.ShapeDtypeStruct((NC * NPAD, D), jnp.float32),
    mesh=_MESH,
    scratch_types=[
        pltpu.VMEM((KD,), jnp.int32),
        pltpu.VMEM((KD,), jnp.int32),
        pltpu.VMEM((KD, D), jnp.float32),
        pltpu.VMEM_SHARED((NPAD, D), jnp.float32),
        pltpu.SemaphoreType.DMA,
    ],
)



def _tc_pre_body(x_ref, w_ref, aggd_ref, h1p_ref, dis_ref):
    a = aggd_ref[...]
    deg = a[:N, 0:1] + a[NPAD:NPAD + N, 0:1] + 1.0
    dis = lax.rsqrt(deg)
    h = jnp.dot(x_ref[...], w_ref[...], preferred_element_type=jnp.float32)
    h1p_ref[...] = h * dis
    dis_ref[...] = dis


_tc_pre = pl.pallas_call(
    _tc_pre_body,
    out_shape=(
        jax.ShapeDtypeStruct((N, D), jnp.float32),
        jax.ShapeDtypeStruct((N, 1), jnp.float32),
    ),
)


def _tc_mid_body(p_ref, h1p_ref, dis_ref, b1_ref, w2_ref, h2p_ref):
    p = p_ref[...]
    dis = dis_ref[...]
    a = dis * (p[:N] + p[NPAD:NPAD + N] + h1p_ref[...]) + b1_ref[...]
    z = jnp.maximum(a, 0.0)
    h2p_ref[...] = dis * jnp.dot(z, w2_ref[...],
                                 preferred_element_type=jnp.float32)


_tc_mid = pl.pallas_call(
    _tc_mid_body,
    out_shape=jax.ShapeDtypeStruct((N, D), jnp.float32),
)


def _tc_post_body(p_ref, h2p_ref, dis_ref, b2_ref, out_ref):
    p = p_ref[...]
    out_ref[...] = dis_ref[...] * (p[:N] + p[NPAD:NPAD + N]
                                   + h2p_ref[...]) + b2_ref[...]


_tc_post = pl.pallas_call(
    _tc_post_body,
    out_shape=jax.ShapeDtypeStruct((N, D), jnp.float32),
)



def kernel(x, edge_index, W1, b1, W2, b2):
    src = edge_index[0]
    dst = edge_index[1]
    z128 = jnp.zeros((K, D), jnp.float32)
    zd = jnp.zeros((KD, D), jnp.float32)
    ones_kd = jnp.ones((KD, D), jnp.float32)

    aggd = _sc_deg(ones_kd, dst, zd)
    h1p, dis = _tc_pre(x, W1, aggd)
    p1 = _sc_agg(h1p, src, dst, z128)
    h2p = _tc_mid(p1, h1p, dis, b1.reshape(1, D), W2)
    p2 = _sc_agg(h2p, src, dst, z128)
    return _tc_post(p2, h2p, dis, b2.reshape(1, D))

# --- scband reference (transcript-rebuilt; emitter-appended) ---
"""Pipeline reference for scband-gcn-54537494724630 (READ-ONLY COPY).

The authoritative reference and input builder live on the scoring server;
editing this copy changes nothing except your own understanding.
"""

import jax, jax.numpy as jnp
import numpy as np

N = 10000
E = 320000
D_IN = 128
D_HID = 128
D_OUT = 128


def _glorot(key, shape):
    fan_in, fan_out = shape[0], shape[1]
    limit = np.sqrt(6.0 / (fan_in + fan_out))
    return jax.random.uniform(key, shape, jnp.float32, -limit, limit)


def setup_inputs(seed: int = 0) -> dict:
    key = jax.random.key(seed)
    k1, k2, k3, k4 = jax.random.split(key, 4)
    x = jax.random.normal(k1, (N, D_IN), dtype=jnp.float32)
    edge_index = jax.random.randint(k2, (2, E), 0, N, dtype=jnp.int32)
    W1 = _glorot(k3, (D_IN, D_HID))
    b1 = jnp.zeros((D_HID,), jnp.float32)
    W2 = _glorot(k4, (D_HID, D_OUT))
    b2 = jnp.zeros((D_OUT,), jnp.float32)
    return {"x": x, "edge_index": edge_index, "W1": W1, "b1": b1, "W2": W2, "b2": b2}


def _gcn_conv(x, edge_index, W, b):
    # GCNConv: x' = D^{-1/2} (A + I) D^{-1/2} (x W) + b
    n = x.shape[0]
    src = edge_index[0]
    dst = edge_index[1]
    loop = jnp.arange(n, dtype=edge_index.dtype)
    src = jnp.concatenate([src, loop])
    dst = jnp.concatenate([dst, loop])
    h = x @ W
    deg = jnp.zeros((n,), h.dtype).at[dst].add(1.0)
    deg_inv_sqrt = jnp.where(deg > 0, jax.lax.rsqrt(deg), 0.0)
    norm = deg_inv_sqrt[src] * deg_inv_sqrt[dst]
    msg = h[src] * norm[:, None]
    out = jnp.zeros_like(h).at[dst].add(msg)
    return out + b


def reference(x, edge_index, W1, b1, W2, b2):
    h = _gcn_conv(x, edge_index, W1, b1)
    h = jax.nn.relu(h)
    out = _gcn_conv(h, edge_index, W2, b2)
    return out

if __name__ == "__main__":
    import jax
    _d = setup_inputs()
    print(jax.jit(kernel)(*tuple(_d.values())))

</pallas_src>

<mosaic_0001>
#map = affine_map<(d0, d1) -> (0, 0)>
#map1 = affine_map<(d0, d1) -> (0)>
module attributes {stable_mosaic.version = 14 : i64} {
  func.func @_sc_agg_body(%arg0: i32, %arg1: i32, %arg2: memref<10000x128xf32, #tpu.memory_space<hbm>>, %arg3: memref<320000xi32, #tpu.memory_space<hbm>>, %arg4: memref<320000xi32, #tpu.memory_space<hbm>>, %arg5: memref<160x128xf32, #tpu.memory_space<hbm>>, %arg6: memref<20480x128xf32, #tpu.memory_space<hbm>>, %arg7: memref<160xi32, #tpu.memory_space<vmem>>, %arg8: memref<160xi32, #tpu.memory_space<vmem>>, %arg9: memref<160x128xf32, #tpu.memory_space<vmem>>, %arg10: memref<160xi32, #tpu.memory_space<vmem>>, %arg11: memref<160xi32, #tpu.memory_space<vmem>>, %arg12: memref<160x128xf32, #tpu.memory_space<vmem>>, %arg13: memref<10240x128xf32, #tpu.memory_space<vmem_shared>>, %arg14: memref<!tpu.dma_semaphore, #tpu.memory_space<semaphore_mem>>, %arg15: memref<!tpu.dma_semaphore, #tpu.memory_space<semaphore_mem>>) attributes {dimension_semantics = [#tpu.dimension_semantics<core_parallel>, #tpu.dimension_semantics<subcore_parallel>], iteration_bounds = array<i64: 2, 16>, scalar_prefetch = 0 : i64, scratch_operands = 9 : i64, tpu.core_type = #tpu.core_type<sc_vector_subcore>, window_params = [{transform_indices = #map}, {transform_indices = #map1}, {transform_indices = #map1}, {transform_indices = #map}, {transform_indices = #map}]} {
    %mul3A = arith.constant 640 : i32
    %mul3A_0 = arith.muli %arg1, %mul3A : i32
    %add3A = arith.constant 0 : i32
    %add3A_1 = arith.addi %mul3A_0, %add3A : i32
    "tpu.region"() ({
      %run_scoped3A = tpu.sem_alloc : memref<!tpu.dma_semaphore, #tpu.memory_space<semaphore_mem>>
      %dma_start3A = arith.constant 0 : i32
      %dma_start3A_17 = tpu.memref_slice %arg13[%add3A_1, %dma_start3A] : memref<10240x128xf32, #tpu.memory_space<vmem_shared>> -> memref<160x128xf32, #tpu.memory_space<vmem_shared>>
      tpu.enqueue_dma source(%arg5 : memref<160x128xf32, #tpu.memory_space<hbm>>) target(%dma_start3A_17 : memref<160x128xf32, #tpu.memory_space<vmem_shared>>) target_semaphore(%run_scoped3A : memref<!tpu.dma_semaphore, #tpu.memory_space<semaphore_mem>>)
      %dma_wait3A = arith.constant 0 : i32
      %dma_wait3A_18 = tpu.memref_slice %arg13[%add3A_1, %dma_wait3A] : memref<10240x128xf32, #tpu.memory_space<vmem_shared>> -> memref<160x128xf32, #tpu.memory_space<vmem_shared>>
      tpu.wait_dma2 semaphore(%run_scoped3A : memref<!tpu.dma_semaphore, #tpu.memory_space<semaphore_mem>>) src(%arg5 : memref<160x128xf32, #tpu.memory_space<hbm>>) dst(%dma_wait3A_18 : memref<160x128xf32, #tpu.memory_space<vmem_shared>>)
      tpu.yield
    }) : () -> ()
    %add3A_2 = arith.constant 160 : i32
    %add3A_3 = arith.addi %mul3A_0, %add3A_2 : i32
    "tpu.region"() ({
      %run_scoped3A = tpu.sem_alloc : memref<!tpu.dma_semaphore, #tpu.memory_space<semaphore_mem>>
      %dma_start3A = arith.constant 0 : i32
      %dma_start3A_17 = tpu.memref_slice %arg13[%add3A_3, %dma_start3A] : memref<10240x128xf32, #tpu.memory_space<vmem_shared>> -> memref<160x128xf32, #tpu.memory_space<vmem_shared>>
      tpu.enqueue_dma source(%arg5 : memref<160x128xf32, #tpu.memory_space<hbm>>) target(%dma_start3A_17 : memref<160x128xf32, #tpu.memory_space<vmem_shared>>) target_semaphore(%run_scoped3A : memref<!tpu.dma_semaphore, #tpu.memory_space<semaphore_mem>>)
      %dma_wait3A = arith.constant 0 : i32
      %dma_wait3A_18 = tpu.memref_slice %arg13[%add3A_3, %dma_wait3A] : memref<10240x128xf32, #tpu.memory_space<vmem_shared>> -> memref<160x128xf32, #tpu.memory_space<vmem_shared>>
      tpu.wait_dma2 semaphore(%run_scoped3A : memref<!tpu.dma_semaphore, #tpu.memory_space<semaphore_mem>>) src(%arg5 : memref<160x128xf32, #tpu.memory_space<hbm>>) dst(%dma_wait3A_18 : memref<160x128xf32, #tpu.memory_space<vmem_shared>>)
      tpu.yield
    }) : () -> ()
    %add3A_4 = arith.constant 320 : i32
    %add3A_5 = arith.addi %mul3A_0, %add3A_4 : i32
    "tpu.region"() ({
      %run_scoped3A = tpu.sem_alloc : memref<!tpu.dma_semaphore, #tpu.memory_space<semaphore_mem>>
      %dma_start3A = arith.constant 0 : i32
      %dma_start3A_17 = tpu.memref_slice %arg13[%add3A_5, %dma_start3A] : memref<10240x128xf32, #tpu.memory_space<vmem_shared>> -> memref<160x128xf32, #tpu.memory_space<vmem_shared>>
      tpu.enqueue_dma source(%arg5 : memref<160x128xf32, #tpu.memory_space<hbm>>) target(%dma_start3A_17 : memref<160x128xf32, #tpu.memory_space<vmem_shared>>) target_semaphore(%run_scoped3A : memref<!tpu.dma_semaphore, #tpu.memory_space<semaphore_mem>>)
      %dma_wait3A = arith.constant 0 : i32
      %dma_wait3A_18 = tpu.memref_slice %arg13[%add3A_5, %dma_wait3A] : memref<10240x128xf32, #tpu.memory_space<vmem_shared>> -> memref<160x128xf32, #tpu.memory_space<vmem_shared>>
      tpu.wait_dma2 semaphore(%run_scoped3A : memref<!tpu.dma_semaphore, #tpu.memory_space<semaphore_mem>>) src(%arg5 : memref<160x128xf32, #tpu.memory_space<hbm>>) dst(%dma_wait3A_18 : memref<160x128xf32, #tpu.memory_space<vmem_shared>>)
      tpu.yield
    }) : () -> ()
    %add3A_6 = arith.constant 480 : i32
    %add3A_7 = arith.addi %mul3A_0, %add3A_6 : i32
    "tpu.region"() ({
      %run_scoped3A = tpu.sem_alloc : memref<!tpu.dma_semaphore, #tpu.memory_space<semaphore_mem>>
      %dma_start3A = arith.constant 0 : i32
      %dma_start3A_17 = tpu.memref_slice %arg13[%add3A_7, %dma_start3A] : memref<10240x128xf32, #tpu.memory_space<vmem_shared>> -> memref<160x128xf32, #tpu.memory_space<vmem_shared>>
      tpu.enqueue_dma source(%arg5 : memref<160x128xf32, #tpu.memory_space<hbm>>) target(%dma_start3A_17 : memref<160x128xf32, #tpu.memory_space<vmem_shared>>) target_semaphore(%run_scoped3A : memref<!tpu.dma_semaphore, #tpu.memory_space<semaphore_mem>>)
      %dma_wait3A = arith.constant 0 : i32
      %dma_wait3A_18 = tpu.memref_slice %arg13[%add3A_7, %dma_wait3A] : memref<10240x128xf32, #tpu.memory_space<vmem_shared>> -> memref<160x128xf32, #tpu.memory_space<vmem_shared>>
      tpu.wait_dma2 semaphore(%run_scoped3A : memref<!tpu.dma_semaphore, #tpu.memory_space<semaphore_mem>>) src(%arg5 : memref<160x128xf32, #tpu.memory_space<hbm>>) dst(%dma_wait3A_18 : memref<160x128xf32, #tpu.memory_space<vmem_shared>>)
      tpu.yield
    }) : () -> ()
    %barrier3A = arith.constant 0 : index
    tpu.barrier barrier_id(%barrier3A)
    %scan3A = arith.constant 0 : i32
    %scan3A_8 = arith.constant 0 : i32
    %scan3A_9 = arith.constant 63 : i32
    %scan3A_10 = arith.addi %scan3A_8, %scan3A_9 : i32
    %scan3A_11 = arith.constant 1 : i32
    scf.for %scan3A_17 = %scan3A_8 to %scan3A_10 step %scan3A_11  : i32 {
      %mul3A_18 = arith.constant 2 : i32
      %mul3A_19 = arith.muli %arg1, %mul3A_18 : i32
      %add3A_20 = arith.addi %mul3A_19, %arg0 : i32
      %mul3A_21 = arith.constant 32 : i32
      %mul3A_22 = arith.muli %mul3A_21, %scan3A_17 : i32
      %add3A_23 = arith.addi %add3A_20, %mul3A_22 : i32
      %lt3A = arith.constant 2000 : i32
      %lt3A_24 = arith.cmpi slt, %add3A_23, %lt3A : i32
      %eq3A = arith.constant 0 : i32
      %eq3A_25 = arith.cmpi eq, %arg0, %eq3A : i32
      %and3A = arith.andi %lt3A_24, %eq3A_25 : i1
      %convert_element_type3A = arith.extui %and3A : i1 to i32
      %cond3A = arith.constant 0 : i32
      %cond3A_26 = arith.cmpi ne, %convert_element_type3A, %cond3A : i32
      scf.if %cond3A_26 {
        %mul3A_337 = arith.constant 160 : i32
        %mul3A_338 = arith.muli %add3A_23, %mul3A_337 : i32
        "tpu.region"() ({
          %run_scoped3A = tpu.sem_alloc : memref<!tpu.dma_semaphore, #tpu.memory_space<semaphore_mem>>
          %dma_start3A_345 = tpu.memref_slice %arg3[%mul3A_338] : memref<320000xi32, #tpu.memory_space<hbm>> -> memref<160xi32, #tpu.memory_space<hbm>>
          %dma_start3A_346 = tpu.memref_slice %arg3[%mul3A_338] : memref<320000xi32, #tpu.memory_space<hbm>> -> memref<160xi32, #tpu.memory_space<hbm>>
          tpu.enqueue_dma source(%dma_start3A_346 : memref<160xi32, #tpu.memory_space<hbm>>) target(%arg7 : memref<160xi32, #tpu.memory_space<vmem>>) target_semaphore(%run_scoped3A : memref<!tpu.dma_semaphore, #tpu.memory_space<semaphore_mem>>)
          %dma_wait3A_347 = tpu.memref_slice %arg3[%mul3A_338] : memref<320000xi32, #tpu.memory_space<hbm>> -> memref<160xi32, #tpu.memory_space<hbm>>
          %dma_wait3A_348 = tpu.memref_slice %arg3[%mul3A_338] : memref<320000xi32, #tpu.memory_space<hbm>> -> memref<160xi32, #tpu.memory_space<hbm>>
          tpu.wait_dma2 semaphore(%run_scoped3A : memref<!tpu.dma_semaphore, #tpu.memory_space<semaphore_mem>>) src(%dma_wait3A_348 : memref<160xi32, #tpu.memory_space<hbm>>) dst(%arg7 : memref<160xi32, #tpu.memory_space<vmem>>)
          tpu.yield
        }) : () -> ()
        %mul3A_339 = arith.constant 160 : i32
        %mul3A_340 = arith.muli %add3A_23, %mul3A_339 : i32
        "tpu.region"() ({
          %run_scoped3A = tpu.sem_alloc : memref<!tpu.dma_semaphore, #tpu.memory_space<semaphore_mem>>
          %dma_start3A_345 = tpu.memref_slice %arg4[%mul3A_340] : memref<320000xi32, #tpu.memory_space<hbm>> -> memref<160xi32, #tpu.memory_space<hbm>>
          %dma_start3A_346 = tpu.memref_slice %arg4[%mul3A_340] : memref<320000xi32, #tpu.memory_space<hbm>> -> memref<160xi32, #tpu.memory_space<hbm>>
          tpu.enqueue_dma source(%dma_start3A_346 : memref<160xi32, #tpu.memory_space<hbm>>) target(%arg8 : memref<160xi32, #tpu.memory_space<vmem>>) target_semaphore(%run_scoped3A : memref<!tpu.dma_semaphore, #tpu.memory_space<semaphore_mem>>)
          %dma_wait3A_347 = tpu.memref_slice %arg4[%mul3A_340] : memref<320000xi32, #tpu.memory_space<hbm>> -> memref<160xi32, #tpu.memory_space<hbm>>
          %dma_wait3A_348 = tpu.memref_slice %arg4[%mul3A_340] : memref<320000xi32, #tpu.memory_space<hbm>> -> memref<160xi32, #tpu.memory_space<hbm>>
          tpu.wait_dma2 semaphore(%run_scoped3A : memref<!tpu.dma_semaphore, #tpu.memory_space<semaphore_mem>>) src(%dma_wait3A_348 : memref<160xi32, #tpu.memory_space<hbm>>) dst(%arg8 : memref<160xi32, #tpu.memory_space<vmem>>)
          tpu.yield
        }) : () -> ()
        %dma_start3A = arith.constant 0 : i32
        %dma_start3A_341 = arith.constant 0 : i32
        %dma_start3A_342 = tpu.memref_slice %arg2[%dma_start3A, %dma_start3A_341] : memref<10000x128xf32, #tpu.memory_space<hbm>> -> memref<10000x128xf32, #tpu.memory_space<hbm>>
        tpu.enqueue_indirect_dma source(%dma_start3A_342 : memref<10000x128xf32, #tpu.memory_space<hbm>>) target(%arg9 : memref<160x128xf32, #tpu.memory_space<vmem>>) offsets(%arg7 : memref<160xi32, #tpu.memory_space<vmem>>) semaphore(%arg14 : memref<!tpu.dma_semaphore, #tpu.memory_space<semaphore_mem>>)
        %dma_wait3A = arith.constant 0 : i32
        %dma_wait3A_343 = arith.constant 0 : i32
        %dma_wait3A_344 = tpu.memref_slice %arg2[%dma_wait3A, %dma_wait3A_343] : memref<10000x128xf32, #tpu.memory_space<hbm>> -> memref<10000x128xf32, #tpu.memory_space<hbm>>
        tpu.wait_indirect_dma semaphore(%arg14 : memref<!tpu.dma_semaphore, #tpu.memory_space<semaphore_mem>>) src(%dma_wait3A_344 : memref<10000x128xf32, #tpu.memory_space<hbm>>) dst(%arg9 : memref<160x128xf32, #tpu.memory_space<vmem>>)
      } else {
      }
      %eq3A_27 = arith.constant 1 : i32
      %eq3A_28 = arith.cmpi eq, %arg0, %eq3A_27 : i32
      %and3A_29 = arith.andi %lt3A_24, %eq3A_28 : i1
      %convert_element_type3A_30 = arith.extui %and3A_29 : i1 to i32
      %cond3A_31 = arith.constant 0 : i32
      %cond3A_32 = arith.cmpi ne, %convert_element_type3A_30, %cond3A_31 : i32
      scf.if %cond3A_32 {
        %mul3A_337 = arith.constant 160 : i32
        %mul3A_338 = arith.muli %add3A_23, %mul3A_337 : i32
        "tpu.region"() ({
          %run_scoped3A = tpu.sem_alloc : memref<!tpu.dma_semaphore, #tpu.memory_space<semaphore_mem>>
          %dma_start3A_345 = tpu.memref_slice %arg3[%mul3A_338] : memref<320000xi32, #tpu.memory_space<hbm>> -> memref<160xi32, #tpu.memory_space<hbm>>
          %dma_start3A_346 = tpu.memref_slice %arg3[%mul3A_338] : memref<320000xi32, #tpu.memory_space<hbm>> -> memref<160xi32, #tpu.memory_space<hbm>>
          tpu.enqueue_dma source(%dma_start3A_346 : memref<160xi32, #tpu.memory_space<hbm>>) target(%arg10 : memref<160xi32, #tpu.memory_space<vmem>>) target_semaphore(%run_scoped3A : memref<!tpu.dma_semaphore, #tpu.memory_space<semaphore_mem>>)
          %dma_wait3A_347 = tpu.memref_slice %arg3[%mul3A_338] : memref<320000xi32, #tpu.memory_space<hbm>> -> memref<160xi32, #tpu.memory_space<hbm>>
          %dma_wait3A_348 = tpu.memref_slice %arg3[%mul3A_338] : memref<320000xi32, #tpu.memory_space<hbm>> -> memref<160xi32, #tpu.memory_space<hbm>>
          tpu.wait_dma2 semaphore(%run_scoped3A : memref<!tpu.dma_semaphore, #tpu.memory_space<semaphore_mem>>) src(%dma_wait3A_348 : memref<160xi32, #tpu.memory_space<hbm>>) dst(%arg10 : memref<160xi32, #tpu.memory_space<vmem>>)
          tpu.yield
        }) : () -> ()
        %mul3A_339 = arith.constant 160 : i32
        %mul3A_340 = arith.muli %add3A_23, %mul3A_339 : i32
        "tpu.region"() ({
          %run_scoped3A = tpu.sem_alloc : memref<!tpu.dma_semaphore, #tpu.memory_space<semaphore_mem>>
          %dma_start3A_345 = tpu.memref_slice %arg4[%mul3A_340] : memref<320000xi32, #tpu.memory_space<hbm>> -> memref<160xi32, #tpu.memory_space<hbm>>
          %dma_start3A_346 = tpu.memref_slice %arg4[%mul3A_340] : memref<320000xi32, #tpu.memory_space<hbm>> -> memref<160xi32, #tpu.memory_space<hbm>>
          tpu.enqueue_dma source(%dma_start3A_346 : memref<160xi32, #tpu.memory_space<hbm>>) target(%arg11 : memref<160xi32, #tpu.memory_space<vmem>>) target_semaphore(%run_scoped3A : memref<!tpu.dma_semaphore, #tpu.memory_space<semaphore_mem>>)
          %dma_wait3A_347 = tpu.memref_slice %arg4[%mul3A_340] : memref<320000xi32, #tpu.memory_space<hbm>> -> memref<160xi32, #tpu.memory_space<hbm>>
          %dma_wait3A_348 = tpu.memref_slice %arg4[%mul3A_340] : memref<320000xi32, #tpu.memory_space<hbm>> -> memref<160xi32, #tpu.memory_space<hbm>>
          tpu.wait_dma2 semaphore(%run_scoped3A : memref<!tpu.dma_semaphore, #tpu.memory_space<semaphore_mem>>) src(%dma_wait3A_348 : memref<160xi32, #tpu.memory_space<hbm>>) dst(%arg11 : memref<160xi32, #tpu.memory_space<vmem>>)
          tpu.yield
        }) : () -> ()
        %dma_start3A = arith.constant 0 : i32
        %dma_start3A_341 = arith.constant 0 : i32
        %dma_start3A_342 = tpu.memref_slice %arg2[%dma_start3A, %dma_start3A_341] : memref<10000x128xf32, #tpu.memory_space<hbm>> -> memref<10000x128xf32, #tpu.memory_space<hbm>>
        tpu.enqueue_indirect_dma source(%dma_start3A_342 : memref<10000x128xf32, #tpu.memory_space<hbm>>) target(%arg12 : memref<160x128xf32, #tpu.memory_space<vmem>>) offsets(%arg10 : memref<160xi32, #tpu.memory_space<vmem>>) semaphore(%arg15 : memref<!tpu.dma_semaphore, #tpu.memory_space<semaphore_mem>>)
        %dma_wait3A = arith.constant 0 : i32
        %dma_wait3A_343 = arith.constant 0 : i32
        %dma_wait3A_344 = tpu.memref_slice %arg2[%dma_wait3A, %dma_wait3A_343] : memref<10000x128xf32, #tpu.memory_space<hbm>> -> memref<10000x128xf32, #tpu.memory_space<hbm>>
        tpu.wait_indirect_dma semaphore(%arg15 : memref<!tpu.dma_semaphore, #tpu.memory_space<semaphore_mem>>) src(%dma_wait3A_344 : memref<10000x128xf32, #tpu.memory_space<hbm>>) dst(%arg12 : memref<160x128xf32, #tpu.memory_space<vmem>>)
      } else {
      }
      %barrier3A_33 = arith.constant 0 : index
      tpu.barrier barrier_id(%barrier3A_33)
      %eq3A_34 = arith.constant 0 : i32
      %eq3A_35 = arith.cmpi eq, %arg1, %eq3A_34 : i32
      %and3A_36 = arith.andi %lt3A_24, %eq3A_35 : i1
      %eq3A_37 = arith.constant 0 : i32
      %eq3A_38 = arith.cmpi eq, %arg0, %eq3A_37 : i32
      %and3A_39 = arith.andi %and3A_36, %eq3A_38 : i1
      %convert_element_type3A_40 = arith.extui %and3A_39 : i1 to i32
      %cond3A_41 = arith.constant 0 : i32
      %cond3A_42 = arith.cmpi ne, %convert_element_type3A_40, %cond3A_41 : i32
      scf.if %cond3A_42 {
        "tpu.region"() ({
          %run_scoped3A = tpu.sem_alloc : memref<!tpu.dma_semaphore, #tpu.memory_space<semaphore_mem>>
          %dma_start3A = arith.constant 0 : i32
          %dma_start3A_337 = arith.constant 0 : i32
          %dma_start3A_338 = tpu.memref_slice %arg13[%dma_start3A, %dma_start3A_337] : memref<10240x128xf32, #tpu.memory_space<vmem_shared>> -> memref<10240x128xf32, #tpu.memory_space<vmem_shared>>
          tpu.enqueue_indirect_dma source(%arg9 : memref<160x128xf32, #tpu.memory_space<vmem>>) target(%dma_start3A_338 : memref<10240x128xf32, #tpu.memory_space<vmem_shared>>) offsets(%arg8 : memref<160xi32, #tpu.memory_space<vmem>>) semaphore(%run_scoped3A : memref<!tpu.dma_semaphore, #tpu.memory_space<semaphore_mem>>) {add = true}
          %dma_wait3A = arith.constant 0 : i32
          %dma_wait3A_339 = arith.constant 0 : i32
          %dma_wait3A_340 = tpu.memref_slice %arg13[%dma_wait3A, %dma_wait3A_339] : memref<10240x128xf32, #tpu.memory_space<vmem_shared>> -> memref<10240x128xf32, #tpu.memory_space<vmem_shared>>
          tpu.wait_indirect_dma semaphore(%run_scoped3A : memref<!tpu.dma_semaphore, #tpu.memory_space<semaphore_mem>>) src(%arg9 : memref<160x128xf32, #tpu.memory_space<vmem>>) dst(%dma_wait3A_340 : memref<10240x128xf32, #tpu.memory_space<vmem_shared>>)
          tpu.yield
        }) : () -> ()
      } else {
      }
      %eq3A_43 = arith.constant 0 : i32
      %eq3A_44 = arith.cmpi eq, %arg1, %eq3A_43 : i32
      %and3A_45 = arith.andi %lt3A_24, %eq3A_44 : i1
      %eq3A_46 = arith.constant 1 : i32
      %eq3A_47 = arith.cmpi eq, %arg0, %eq3A_46 : i32
      %and3A_48 = arith.andi %and3A_45, %eq3A_47 : i1
      %convert_element_type3A_49 = arith.extui %and3A_48 : i1 to i32
      %cond3A_50 = arith.constant 0 : i32
      %cond3A_51 = arith.cmpi ne, %convert_element_type3A_49, %cond3A_50 : i32
      scf.if %cond3A_51 {
        "tpu.region"() ({
          %run_scoped3A = tpu.sem_alloc : memref<!tpu.dma_semaphore, #tpu.memory_space<semaphore_mem>>
          %dma_start3A = arith.constant 0 : i32
          %dma_start3A_337 = arith.constant 0 : i32
          %dma_start3A_338 = tpu.memref_slice %arg13[%dma_start3A, %dma_start3A_337] : memref<10240x128xf32, #tpu.memory_space<vmem_shared>> -> memref<10240x128xf32, #tpu.memory_space<vmem_shared>>
          tpu.enqueue_indirect_dma source(%arg12 : memref<160x128xf32, #tpu.memory_space<vmem>>) target(%dma_start3A_338 : memref<10240x128xf32, #tpu.memory_space<vmem_shared>>) offsets(%arg11 : memref<160xi32, #tpu.memory_space<vmem>>) semaphore(%run_scoped3A : memref<!tpu.dma_semaphore, #tpu.memory_space<semaphore_mem>>) {add = true}
          %dma_wait3A = arith.constant 0 : i32
          %dma_wait3A_339 = arith.constant 0 : i32
          %dma_wait3A_340 = tpu.memref_slice %arg13[%dma_wait3A, %dma_wait3A_339] : memref<10240x128xf32, #tpu.memory_space<vmem_shared>> -> memref<10240x128xf32, #tpu.memory_space<vmem_shared>>
          tpu.wait_indirect_dma semaphore(%run_scoped3A : memref<!tpu.dma_semaphore, #tpu.memory_space<semaphore_mem>>) src(%arg12 : memref<160x128xf32, #tpu.memory_space<vmem>>) dst(%dma_wait3A_340 : memref<10240x128xf32, #tpu.memory_space<vmem_shared>>)
          tpu.yield
        }) : () -> ()
      } else {
      }
      %barrier3A_52 = arith.constant 0 : index
      tpu.barrier barrier_id(%barrier3A_52)
      %eq3A_53 = arith.constant 1 : i32
      %eq3A_54 = arith.cmpi eq, %arg1, %eq3A_53 : i32
      %and3A_55 = arith.andi %lt3A_24, %eq3A_54 : i1
      %eq3A_56 = arith.constant 0 : i32
      %eq3A_57 = arith.cmpi eq, %arg0, %eq3A_56 : i32
      %and3A_58 = arith.andi %and3A_55, %eq3A_57 : i1
      %convert_element_type3A_59 = arith.extui %and3A_58 : i1 to i32
      %cond3A_60 = arith.constant 0 : i32
      %cond3A_61 = arith.cmpi ne, %convert_element_type3A_59, %cond3A_60 : i32
      scf.if %cond3A_61 {
        "tpu.region"() ({
          %run_scoped3A = tpu.sem_alloc : memref<!tpu.dma_semaphore, #tpu.memory_space<semaphore_mem>>
          %dma_start3A = arith.constant 0 : i32
          %dma_start3A_337 = arith.constant 0 : i32
          %dma_start3A_338 = tpu.memref_slice %arg13[%dma_start3A, %dma_start3A_337] : memref<10240x128xf32, #tpu.memory_space<vmem_shared>> -> memref<10240x128xf32, #tpu.memory_space<vmem_shared>>
          tpu.enqueue_indirect_dma source(%arg9 : memref<160x128xf32, #tpu.memory_space<vmem>>) target(%dma_start3A_338 : memref<10240x128xf32, #tpu.memory_space<vmem_shared>>) offsets(%arg8 : memref<160xi32, #tpu.memory_space<vmem>>) semaphore(%run_scoped3A : memref<!tpu.dma_semaphore, #tpu.memory_space<semaphore_mem>>) {add = true}
          %dma_wait3A = arith.constant 0 : i32
          %dma_wait3A_339 = arith.constant 0 : i32
          %dma_wait3A_340 = tpu.memref_slice %arg13[%dma_wait3A, %dma_wait3A_339] : memref<10240x128xf32, #tpu.memory_space<vmem_shared>> -> memref<10240x128xf32, #tpu.memory_space<vmem_shared>>
          tpu.wait_indirect_dma semaphore(%run_scoped3A : memref<!tpu.dma_semaphore, #tpu.memory_space<semaphore_mem>>) src(%arg9 : memref<160x128xf32, #tpu.memory_space<vmem>>) dst(%dma_wait3A_340 : memref<10240x128xf32, #tpu.memory_space<vmem_shared>>)
          tpu.yield
        }) : () -> ()
      } else {
      }
      %eq3A_62 = arith.constant 1 : i32
      %eq3A_63 = arith.cmpi eq, %arg1, %eq3A_62 : i32
      %and3A_64 = arith.andi %lt3A_24, %eq3A_63 : i1
      %eq3A_65 = arith.constant 1 : i32
      %eq3A_66 = arith.cmpi eq, %arg0, %eq3A_65 : i32
      %and3A_67 = arith.andi %and3A_64, %eq3A_66 : i1
      %convert_element_type3A_68 = arith.extui %and3A_67 : i1 to i32
      %cond3A_69 = arith.constant 0 : i32
      %cond3A_70 = arith.cmpi ne, %convert_element_type3A_68, %cond3A_69 : i32
      scf.if %cond3A_70 {
        "tpu.region"() ({
          %run_scoped3A = tpu.sem_alloc : memref<!tpu.dma_semaphore, #tpu.memory_space<semaphore_mem>>
          %dma_start3A = arith.constant 0 : i32
          %dma_start3A_337 = arith.constant 0 : i32
          %dma_start3A_338 = tpu.memref_slice %arg13[%dma_start3A, %dma_start3A_337] : memref<10240x128xf32, #tpu.memory_space<vmem_shared>> -> memref<10240x128xf32, #tpu.memory_space<vmem_shared>>
          tpu.enqueue_indirect_dma source(%arg12 : memref<160x128xf32, #tpu.memory_space<vmem>>) target(%dma_start3A_338 : memref<10240x128xf32, #tpu.memory_space<vmem_shared>>) offsets(%arg11 : memref<160xi32, #tpu.memory_space<vmem>>) semaphore(%run_scoped3A : memref<!tpu.dma_semaphore, #tpu.memory_space<semaphore_mem>>) {add = true}
          %dma_wait3A = arith.constant 0 : i32
          %dma_wait3A_339 = arith.constant 0 : i32
          %dma_wait3A_340 = tpu.memref_slice %arg13[%dma_wait3A, %dma_wait3A_339] : memref<10240x128xf32, #tpu.memory_space<vmem_shared>> -> memref<10240x128xf32, #tpu.memory_space<vmem_shared>>
          tpu.wait_indirect_dma semaphore(%run_scoped3A : memref<!tpu.dma_semaphore, #tpu.memory_space<semaphore_mem>>) src(%arg12 : memref<160x128xf32, #tpu.memory_space<vmem>>) dst(%dma_wait3A_340 : memref<10240x128xf32, #tpu.memory_space<vmem_shared>>)
          tpu.yield
        }) : () -> ()
      } else {
      }
      %barrier3A_71 = arith.constant 0 : index
      tpu.barrier barrier_id(%barrier3A_71)
      %eq3A_72 = arith.constant 2 : i32
      %eq3A_73 = arith.cmpi eq, %arg1, %eq3A_72 : i32
      %and3A_74 = arith.andi %lt3A_24, %eq3A_73 : i1
      %eq3A_75 = arith.constant 0 : i32
      %eq3A_76 = arith.cmpi eq, %arg0, %eq3A_75 : i32
      %and3A_77 = arith.andi %and3A_74, %eq3A_76 : i1
      %convert_element_type3A_78 = arith.extui %and3A_77 : i1 to i32
      %cond3A_79 = arith.constant 0 : i32
      %cond3A_80 = arith.cmpi ne, %convert_element_type3A_78, %cond3A_79 : i32
      scf.if %cond3A_80 {
        "tpu.region"() ({
          %run_scoped3A = tpu.sem_alloc : memref<!tpu.dma_semaphore, #tpu.memory_space<semaphore_mem>>
          %dma_start3A = arith.constant 0 : i32
          %dma_start3A_337 = arith.constant 0 : i32
          %dma_start3A_338 = tpu.memref_slice %arg13[%dma_start3A, %dma_start3A_337] : memref<10240x128xf32, #tpu.memory_space<vmem_shared>> -> memref<10240x128xf32, #tpu.memory_space<vmem_shared>>
          tpu.enqueue_indirect_dma source(%arg9 : memref<160x128xf32, #tpu.memory_space<vmem>>) target(%dma_start3A_338 : memref<10240x128xf32, #tpu.memory_space<vmem_shared>>) offsets(%arg8 : memref<160xi32, #tpu.memory_space<vmem>>) semaphore(%run_scoped3A : memref<!tpu.dma_semaphore, #tpu.memory_space<semaphore_mem>>) {add = true}
          %dma_wait3A = arith.constant 0 : i32
          %dma_wait3A_339 = arith.constant 0 : i32
          %dma_wait3A_340 = tpu.memref_slice %arg13[%dma_wait3A, %dma_wait3A_339] : memref<10240x128xf32, #tpu.memory_space<vmem_shared>> -> memref<10240x128xf32, #tpu.memory_space<vmem_shared>>
          tpu.wait_indirect_dma semaphore(%run_scoped3A : memref<!tpu.dma_semaphore, #tpu.memory_space<semaphore_mem>>) src(%arg9 : memref<160x128xf32, #tpu.memory_space<vmem>>) dst(%dma_wait3A_340 : memref<10240x128xf32, #tpu.memory_space<vmem_shared>>)
          tpu.yield
        }) : () -> ()
      } else {
      }
      %eq3A_81 = arith.constant 2 : i32
      %eq3A_82 = arith.cmpi eq, %arg1, %eq3A_81 : i32
      %and3A_83 = arith.andi %lt3A_24, %eq3A_82 : i1
      %eq3A_84 = arith.constant 1 : i32
      %eq3A_85 = arith.cmpi eq, %arg0, %eq3A_84 : i32
      %and3A_86 = arith.andi %and3A_83, %eq3A_85 : i1
      %convert_element_type3A_87 = arith.extui %and3A_86 : i1 to i32
      %cond3A_88 = arith.constant 0 : i32
      %cond3A_89 = arith.cmpi ne, %convert_element_type3A_87, %cond3A_88 : i32
      scf.if %cond3A_89 {
        "tpu.region"() ({
          %run_scoped3A = tpu.sem_alloc : memref<!tpu.dma_semaphore, #tpu.memory_space<semaphore_mem>>
          %dma_start3A = arith.constant 0 : i32
          %dma_start3A_337 = arith.constant 0 : i32
          %dma_start3A_338 = tpu.memref_slice %arg13[%dma_start3A, %dma_start3A_337] : memref<10240x128xf32, #tpu.memory_space<vmem_shared>> -> memref<10240x128xf32, #tpu.memory_space<vmem_shared>>
          tpu.enqueue_indirect_dma source(%arg12 : memref<160x128xf32, #tpu.memory_space<vmem>>) target(%dma_start3A_338 : memref<10240x128xf32, #tpu.memory_space<vmem_shared>>) offsets(%arg11 : memref<160xi32, #tpu.memory_space<vmem>>) semaphore(%run_scoped3A : memref<!tpu.dma_semaphore, #tpu.memory_space<semaphore_mem>>) {add = true}
          %dma_wait3A = arith.constant 0 : i32
          %dma_wait3A_339 = arith.constant 0 : i32
          %dma_wait3A_340 = tpu.memref_slice %arg13[%dma_wait3A, %dma_wait3A_339] : memref<10240x128xf32, #tpu.memory_space<vmem_shared>> -> memref<10240x128xf32, #tpu.memory_space<vmem_shared>>
          tpu.wait_indirect_dma semaphore(%run_scoped3A : memref<!tpu.dma_semaphore, #tpu.memory_space<semaphore_mem>>) src(%arg12 : memref<160x128xf32, #tpu.memory_space<vmem>>) dst(%dma_wait3A_340 : memref<10240x128xf32, #tpu.memory_space<vmem_shared>>)
          tpu.yield
        }) : () -> ()
      } else {
      }
      %barrier3A_90 = arith.constant 0 : index
      tpu.barrier barrier_id(%barrier3A_90)
      %eq3A_91 = arith.constant 3 : i32
      %eq3A_92 = arith.cmpi eq, %arg1, %eq3A_91 : i32
      %and3A_93 = arith.andi %lt3A_24, %eq3A_92 : i1
      %eq3A_94 = arith.constant 0 : i32
      %eq3A_95 = arith.cmpi eq, %arg0, %eq3A_94 : i32
      %and3A_96 = arith.andi %and3A_93, %eq3A_95 : i1
      %convert_element_type3A_97 = arith.extui %and3A_96 : i1 to i32
      %cond3A_98 = arith.constant 0 : i32
      %cond3A_99 = arith.cmpi ne, %convert_element_type3A_97, %cond3A_98 : i32
      scf.if %cond3A_99 {
        "tpu.region"() ({
          %run_scoped3A = tpu.sem_alloc : memref<!tpu.dma_semaphore, #tpu.memory_space<semaphore_mem>>
          %dma_start3A = arith.constant 0 : i32
          %dma_start3A_337 = arith.constant 0 : i32
          %dma_start3A_338 = tpu.memref_slice %arg13[%dma_start3A, %dma_start3A_337] : memref<10240x128xf32, #tpu.memory_space<vmem_shared>> -> memref<10240x128xf32, #tpu.memory_space<vmem_shared>>
          tpu.enqueue_indirect_dma source(%arg9 : memref<160x128xf32, #tpu.memory_space<vmem>>) target(%dma_start3A_338 : memref<10240x128xf32, #tpu.memory_space<vmem_shared>>) offsets(%arg8 : memref<160xi32, #tpu.memory_space<vmem>>) semaphore(%run_scoped3A : memref<!tpu.dma_semaphore, #tpu.memory_space<semaphore_mem>>) {add = true}
          %dma_wait3A = arith.constant 0 : i32
          %dma_wait3A_339 = arith.constant 0 : i32
          %dma_wait3A_340 = tpu.memref_slice %arg13[%dma_wait3A, %dma_wait3A_339] : memref<10240x128xf32, #tpu.memory_space<vmem_shared>> -> memref<10240x128xf32, #tpu.memory_space<vmem_shared>>
          tpu.wait_indirect_dma semaphore(%run_scoped3A : memref<!tpu.dma_semaphore, #tpu.memory_space<semaphore_mem>>) src(%arg9 : memref<160x128xf32, #tpu.memory_space<vmem>>) dst(%dma_wait3A_340 : memref<10240x128xf32, #tpu.memory_space<vmem_shared>>)
          tpu.yield
        }) : () -> ()
      } else {
      }
      %eq3A_100 = arith.constant 3 : i32
      %eq3A_101 = arith.cmpi eq, %arg1, %eq3A_100 : i32
      %and3A_102 = arith.andi %lt3A_24, %eq3A_101 : i1
      %eq3A_103 = arith.constant 1 : i32
      %eq3A_104 = arith.cmpi eq, %arg0, %eq3A_103 : i32
      %and3A_105 = arith.andi %and3A_102, %eq3A_104 : i1
      %convert_element_type3A_106 = arith.extui %and3A_105 : i1 to i32
      %cond3A_107 = arith.constant 0 : i32
      %cond3A_108 = arith.cmpi ne, %convert_element_type3A_106, %cond3A_107 : i32
      scf.if %cond3A_108 {
        "tpu.region"() ({
          %run_scoped3A = tpu.sem_alloc : memref<!tpu.dma_semaphore, #tpu.memory_space<semaphore_mem>>
          %dma_start3A = arith.constant 0 : i32
          %dma_start3A_337 = arith.constant 0 : i32
          %dma_start3A_338 = tpu.memref_slice %arg13[%dma_start3A, %dma_start3A_337] : memref<10240x128xf32, #tpu.memory_space<vmem_shared>> -> memref<10240x128xf32, #tpu.memory_space<vmem_shared>>
          tpu.enqueue_indirect_dma source(%arg12 : memref<160x128xf32, #tpu.memory_space<vmem>>) target(%dma_start3A_338 : memref<10240x128xf32, #tpu.memory_space<vmem_shared>>) offsets(%arg11 : memref<160xi32, #tpu.memory_space<vmem>>) semaphore(%run_scoped3A : memref<!tpu.dma_semaphore, #tpu.memory_space<semaphore_mem>>) {add = true}
          %dma_wait3A = arith.constant 0 : i32
          %dma_wait3A_339 = arith.constant 0 : i32
          %dma_wait3A_340 = tpu.memref_slice %arg13[%dma_wait3A, %dma_wait3A_339] : memref<10240x128xf32, #tpu.memory_space<vmem_shared>> -> memref<10240x128xf32, #tpu.memory_space<vmem_shared>>
          tpu.wait_indirect_dma semaphore(%run_scoped3A : memref<!tpu.dma_semaphore, #tpu.memory_space<semaphore_mem>>) src(%arg12 : memref<160x128xf32, #tpu.memory_space<vmem>>) dst(%dma_wait3A_340 : memref<10240x128xf32, #tpu.memory_space<vmem_shared>>)
          tpu.yield
        }) : () -> ()
      } else {
      }
      %barrier3A_109 = arith.constant 0 : index
      tpu.barrier barrier_id(%barrier3A_109)
      %eq3A_110 = arith.constant 4 : i32
      %eq3A_111 = arith.cmpi eq, %arg1, %eq3A_110 : i32
      %and3A_112 = arith.andi %lt3A_24, %eq3A_111 : i1
      %eq3A_113 = arith.constant 0 : i32
      %eq3A_114 = arith.cmpi eq, %arg0, %eq3A_113 : i32
      %and3A_115 = arith.andi %and3A_112, %eq3A_114 : i1
      %convert_element_type3A_116 = arith.extui %and3A_115 : i1 to i32
      %cond3A_117 = arith.constant 0 : i32
      %cond3A_118 = arith.cmpi ne, %convert_element_type3A_116, %cond3A_117 : i32
      scf.if %cond3A_118 {
        "tpu.region"() ({
          %run_scoped3A = tpu.sem_alloc : memref<!tpu.dma_semaphore, #tpu.memory_space<semaphore_mem>>
          %dma_start3A = arith.constant 0 : i32
          %dma_start3A_337 = arith.constant 0 : i32
          %dma_start3A_338 = tpu.memref_slice %arg13[%dma_start3A, %dma_start3A_337] : memref<10240x128xf32, #tpu.memory_space<vmem_shared>> -> memref<10240x128xf32, #tpu.memory_space<vmem_shared>>
          tpu.enqueue_indirect_dma source(%arg9 : memref<160x128xf32, #tpu.memory_space<vmem>>) target(%dma_start3A_338 : memref<10240x128xf32, #tpu.memory_space<vmem_shared>>) offsets(%arg8 : memref<160xi32, #tpu.memory_space<vmem>>) semaphore(%run_scoped3A : memref<!tpu.dma_semaphore, #tpu.memory_space<semaphore_mem>>) {add = true}
          %dma_wait3A = arith.constant 0 : i32
          %dma_wait3A_339 = arith.constant 0 : i32
          %dma_wait3A_340 = tpu.memref_slice %arg13[%dma_wait3A, %dma_wait3A_339] : memref<10240x128xf32, #tpu.memory_space<vmem_shared>> -> memref<10240x128xf32, #tpu.memory_space<vmem_shared>>
          tpu.wait_indirect_dma semaphore(%run_scoped3A : memref<!tpu.dma_semaphore, #tpu.memory_space<semaphore_mem>>) src(%arg9 : memref<160x128xf32, #tpu.memory_space<vmem>>) dst(%dma_wait3A_340 : memref<10240x128xf32, #tpu.memory_space<vmem_shared>>)
          tpu.yield
        }) : () -> ()
      } else {
      }
      %eq3A_119 = arith.constant 4 : i32
      %eq3A_120 = arith.cmpi eq, %arg1, %eq3A_119 : i32
      %and3A_121 = arith.andi %lt3A_24, %eq3A_120 : i1
      %eq3A_122 = arith.constant 1 : i32
      %eq3A_123 = arith.cmpi eq, %arg0, %eq3A_122 : i32
      %and3A_124 = arith.andi %and3A_121, %eq3A_123 : i1
      %convert_element_type3A_125 = arith.extui %and3A_124 : i1 to i32
      %cond3A_126 = arith.constant 0 : i32
      %cond3A_127 = arith.cmpi ne, %convert_element_type3A_125, %cond3A_126 : i32
      scf.if %cond3A_127 {
        "tpu.region"() ({
          %run_scoped3A = tpu.sem_alloc : memref<!tpu.dma_semaphore, #tpu.memory_space<semaphore_mem>>
          %dma_start3A = arith.constant 0 : i32
          %dma_start3A_337 = arith.constant 0 : i32
          %dma_start3A_338 = tpu.memref_slice %arg13[%dma_start3A, %dma_start3A_337] : memref<10240x128xf32, #tpu.memory_space<vmem_shared>> -> memref<10240x128xf32, #tpu.memory_space<vmem_shared>>
          tpu.enqueue_indirect_dma source(%arg12 : memref<160x128xf32, #tpu.memory_space<vmem>>) target(%dma_start3A_338 : memref<10240x128xf32, #tpu.memory_space<vmem_shared>>) offsets(%arg11 : memref<160xi32, #tpu.memory_space<vmem>>) semaphore(%run_scoped3A : memref<!tpu.dma_semaphore, #tpu.memory_space<semaphore_mem>>) {add = true}
          %dma_wait3A = arith.constant 0 : i32
          %dma_wait3A_339 = arith.constant 0 : i32
          %dma_wait3A_340 = tpu.memref_slice %arg13[%dma_wait3A, %dma_wait3A_339] : memref<10240x128xf32, #tpu.memory_space<vmem_shared>> -> memref<10240x128xf32, #tpu.memory_space<vmem_shared>>
          tpu.wait_indirect_dma semaphore(%run_scoped3A : memref<!tpu.dma_semaphore, #tpu.memory_space<semaphore_mem>>) src(%arg12 : memref<160x128xf32, #tpu.memory_space<vmem>>) dst(%dma_wait3A_340 : memref<10240x128xf32, #tpu.memory_space<vmem_shared>>)
          tpu.yield
        }) : () -> ()
      } else {
      }
      %barrier3A_128 = arith.constant 0 : index
      tpu.barrier barrier_id(%barrier3A_128)
      %eq3A_129 = arith.constant 5 : i32
      %eq3A_130 = arith.cmpi eq, %arg1, %eq3A_129 : i32
      %and3A_131 = arith.andi %lt3A_24, %eq3A_130 : i1
      %eq3A_132 = arith.constant 0 : i32
      %eq3A_133 = arith.cmpi eq, %arg0, %eq3A_132 : i32
      %and3A_134 = arith.andi %and3A_131, %eq3A_133 : i1
      %convert_element_type3A_135 = arith.extui %and3A_134 : i1 to i32
      %cond3A_136 = arith.constant 0 : i32
      %cond3A_137 = arith.cmpi ne, %convert_element_type3A_135, %cond3A_136 : i32
      scf.if %cond3A_137 {
        "tpu.region"() ({
          %run_scoped3A = tpu.sem_alloc : memref<!tpu.dma_semaphore, #tpu.memory_space<semaphore_mem>>
          %dma_start3A = arith.constant 0 : i32
          %dma_start3A_337 = arith.constant 0 : i32
          %dma_start3A_338 = tpu.memref_slice %arg13[%dma_start3A, %dma_start3A_337] : memref<10240x128xf32, #tpu.memory_space<vmem_shared>> -> memref<10240x128xf32, #tpu.memory_space<vmem_shared>>
          tpu.enqueue_indirect_dma source(%arg9 : memref<160x128xf32, #tpu.memory_space<vmem>>) target(%dma_start3A_338 : memref<10240x128xf32, #tpu.memory_space<vmem_shared>>) offsets(%arg8 : memref<160xi32, #tpu.memory_space<vmem>>) semaphore(%run_scoped3A : memref<!tpu.dma_semaphore, #tpu.memory_space<semaphore_mem>>) {add = true}
          %dma_wait3A = arith.constant 0 : i32
          %dma_wait3A_339 = arith.constant 0 : i32
          %dma_wait3A_340 = tpu.memref_slice %arg13[%dma_wait3A, %dma_wait3A_339] : memref<10240x128xf32, #tpu.memory_space<vmem_shared>> -> memref<10240x128xf32, #tpu.memory_space<vmem_shared>>
          tpu.wait_indirect_dma semaphore(%run_scoped3A : memref<!tpu.dma_semaphore, #tpu.memory_space<semaphore_mem>>) src(%arg9 : memref<160x128xf32, #tpu.memory_space<vmem>>) dst(%dma_wait3A_340 : memref<10240x128xf32, #tpu.memory_space<vmem_shared>>)
          tpu.yield
        }) : () -> ()
      } else {
      }
      %eq3A_138 = arith.constant 5 : i32
      %eq3A_139 = arith.cmpi eq, %arg1, %eq3A_138 : i32
      %and3A_140 = arith.andi %lt3A_24, %eq3A_139 : i1
      %eq3A_141 = arith.constant 1 : i32
      %eq3A_142 = arith.cmpi eq, %arg0, %eq3A_141 : i32
      %and3A_143 = arith.andi %and3A_140, %eq3A_142 : i1
      %convert_element_type3A_144 = arith.extui %and3A_143 : i1 to i32
      %cond3A_145 = arith.constant 0 : i32
      %cond3A_146 = arith.cmpi ne, %convert_element_type3A_144, %cond3A_145 : i32
      scf.if %cond3A_146 {
        "tpu.region"() ({
          %run_scoped3A = tpu.sem_alloc : memref<!tpu.dma_semaphore, #tpu.memory_space<semaphore_mem>>
          %dma_start3A = arith.constant 0 : i32
          %dma_start3A_337 = arith.constant 0 : i32
          %dma_start3A_338 = tpu.memref_slice %arg13[%dma_start3A, %dma_start3A_337] : memref<10240x128xf32, #tpu.memory_space<vmem_shared>> -> memref<10240x128xf32, #tpu.memory_space<vmem_shared>>
          tpu.enqueue_indirect_dma source(%arg12 : memref<160x128xf32, #tpu.memory_space<vmem>>) target(%dma_start3A_338 : memref<10240x128xf32, #tpu.memory_space<vmem_shared>>) offsets(%arg11 : memref<160xi32, #tpu.memory_space<vmem>>) semaphore(%run_scoped3A : memref<!tpu.dma_semaphore, #tpu.memory_space<semaphore_mem>>) {add = true}
          %dma_wait3A = arith.constant 0 : i32
          %dma_wait3A_339 = arith.constant 0 : i32
          %dma_wait3A_340 = tpu.memref_slice %arg13[%dma_wait3A, %dma_wait3A_339] : memref<10240x128xf32, #tpu.memory_space<vmem_shared>> -> memref<10240x128xf32, #tpu.memory_space<vmem_shared>>
          tpu.wait_indirect_dma semaphore(%run_scoped3A : memref<!tpu.dma_semaphore, #tpu.memory_space<semaphore_mem>>) src(%arg12 : memref<160x128xf32, #tpu.memory_space<vmem>>) dst(%dma_wait3A_340 : memref<10240x128xf32, #tpu.memory_space<vmem_shared>>)
          tpu.yield
        }) : () -> ()
      } else {
      }
      %barrier3A_147 = arith.constant 0 : index
      tpu.barrier barrier_id(%barrier3A_147)
      %eq3A_148 = arith.constant 6 : i32
      %eq3A_149 = arith.cmpi eq, %arg1, %eq3A_148 : i32
      %and3A_150 = arith.andi %lt3A_24, %eq3A_149 : i1
      %eq3A_151 = arith.constant 0 : i32
      %eq3A_152 = arith.cmpi eq, %arg0, %eq3A_151 : i32
      %and3A_153 = arith.andi %and3A_150, %eq3A_152 : i1
      %convert_element_type3A_154 = arith.extui %and3A_153 : i1 to i32
      %cond3A_155 = arith.constant 0 : i32
      %cond3A_156 = arith.cmpi ne, %convert_element_type3A_154, %cond3A_155 : i32
      scf.if %cond3A_156 {
        "tpu.region"() ({
          %run_scoped3A = tpu.sem_alloc : memref<!tpu.dma_semaphore, #tpu.memory_space<semaphore_mem>>
          %dma_start3A = arith.constant 0 : i32
          %dma_start3A_337 = arith.constant 0 : i32
          %dma_start3A_338 = tpu.memref_slice %arg13[%dma_start3A, %dma_start3A_337] : memref<10240x128xf32, #tpu.memory_space<vmem_shared>> -> memref<10240x128xf32, #tpu.memory_space<vmem_shared>>
          tpu.enqueue_indirect_dma source(%arg9 : memref<160x128xf32, #tpu.memory_space<vmem>>) target(%dma_start3A_338 : memref<10240x128xf32, #tpu.memory_space<vmem_shared>>) offsets(%arg8 : memref<160xi32, #tpu.memory_space<vmem>>) semaphore(%run_scoped3A : memref<!tpu.dma_semaphore, #tpu.memory_space<semaphore_mem>>) {add = true}
          %dma_wait3A = arith.constant 0 : i32
          %dma_wait3A_339 = arith.constant 0 : i32
          %dma_wait3A_340 = tpu.memref_slice %arg13[%dma_wait3A, %dma_wait3A_339] : memref<10240x128xf32, #tpu.memory_space<vmem_shared>> -> memref<10240x128xf32, #tpu.memory_space<vmem_shared>>
          tpu.wait_indirect_dma semaphore(%run_scoped3A : memref<!tpu.dma_semaphore, #tpu.memory_space<semaphore_mem>>) src(%arg9 : memref<160x128xf32, #tpu.memory_space<vmem>>) dst(%dma_wait3A_340 : memref<10240x128xf32, #tpu.memory_space<vmem_shared>>)
          tpu.yield
        }) : () -> ()
      } else {
      }
      %eq3A_157 = arith.constant 6 : i32
      %eq3A_158 = arith.cmpi eq, %arg1, %eq3A_157 : i32
      %and3A_159 = arith.andi %lt3A_24, %eq3A_158 : i1
      %eq3A_160 = arith.constant 1 : i32
      %eq3A_161 = arith.cmpi eq, %arg0, %eq3A_160 : i32
      %and3A_162 = arith.andi %and3A_159, %eq3A_161 : i1
      %convert_element_type3A_163 = arith.extui %and3A_162 : i1 to i32
      %cond3A_164 = arith.constant 0 : i32
      %cond3A_165 = arith.cmpi ne, %convert_element_type3A_163, %cond3A_164 : i32
      scf.if %cond3A_165 {
        "tpu.region"() ({
          %run_scoped3A = tpu.sem_alloc : memref<!tpu.dma_semaphore, #tpu.memory_space<semaphore_mem>>
          %dma_start3A = arith.constant 0 : i32
          %dma_start3A_337 = arith.constant 0 : i32
          %dma_start3A_338 = tpu.memref_slice %arg13[%dma_start3A, %dma_start3A_337] : memref<10240x128xf32, #tpu.memory_space<vmem_shared>> -> memref<10240x128xf32, #tpu.memory_space<vmem_shared>>
          tpu.enqueue_indirect_dma source(%arg12 : memref<160x128xf32, #tpu.memory_space<vmem>>) target(%dma_start3A_338 : memref<10240x128xf32, #tpu.memory_space<vmem_shared>>) offsets(%arg11 : memref<160xi32, #tpu.memory_space<vmem>>) semaphore(%run_scoped3A : memref<!tpu.dma_semaphore, #tpu.memory_space<semaphore_mem>>) {add = true}
          %dma_wait3A = arith.constant 0 : i32
          %dma_wait3A_339 = arith.constant 0 : i32
          %dma_wait3A_340 = tpu.memref_slice %arg13[%dma_wait3A, %dma_wait3A_339] : memref<10240x128xf32, #tpu.memory_space<vmem_shared>> -> memref<10240x128xf32, #tpu.memory_space<vmem_shared>>
          tpu.wait_indirect_dma semaphore(%run_scoped3A : memref<!tpu.dma_semaphore, #tpu.memory_space<semaphore_mem>>) src(%arg12 : memref<160x128xf32, #tpu.memory_space<vmem>>) dst(%dma_wait3A_340 : memref<10240x128xf32, #tpu.memory_space<vmem_shared>>)
          tpu.yield
        }) : () -> ()
      } else {
      }
      %barrier3A_166 = arith.constant 0 : index
      tpu.barrier barrier_id(%barrier3A_166)
      %eq3A_167 = arith.constant 7 : i32
      %eq3A_168 = arith.cmpi eq, %arg1, %eq3A_167 : i32
      %and3A_169 = arith.andi %lt3A_24, %eq3A_168 : i1
      %eq3A_170 = arith.constant 0 : i32
      %eq3A_171 = arith.cmpi eq, %arg0, %eq3A_170 : i32
      %and3A_172 = arith.andi %and3A_169, %eq3A_171 : i1
      %convert_element_type3A_173 = arith.extui %and3A_172 : i1 to i32
      %cond3A_174 = arith.constant 0 : i32
      %cond3A_175 = arith.cmpi ne, %convert_element_type3A_173, %cond3A_174 : i32
      scf.if %cond3A_175 {
        "tpu.region"() ({
          %run_scoped3A = tpu.sem_alloc : memref<!tpu.dma_semaphore, #tpu.memory_space<semaphore_mem>>
          %dma_start3A = arith.constant 0 : i32
          %dma_start3A_337 = arith.constant 0 : i32
          %dma_start3A_338 = tpu.memref_slice %arg13[%dma_start3A, %dma_start3A_337] : memref<10240x128xf32, #tpu.memory_space<vmem_shared>> -> memref<10240x128xf32, #tpu.memory_space<vmem_shared>>
          tpu.enqueue_indirect_dma source(%arg9 : memref<160x128xf32, #tpu.memory_space<vmem>>) target(%dma_start3A_338 : memref<10240x128xf32, #tpu.memory_space<vmem_shared>>) offsets(%arg8 : memref<160xi32, #tpu.memory_space<vmem>>) semaphore(%run_scoped3A : memref<!tpu.dma_semaphore, #tpu.memory_space<semaphore_mem>>) {add = true}
          %dma_wait3A = arith.constant 0 : i32
          %dma_wait3A_339 = arith.constant 0 : i32
          %dma_wait3A_340 = tpu.memref_slice %arg13[%dma_wait3A, %dma_wait3A_339] : memref<10240x128xf32, #tpu.memory_space<vmem_shared>> -> memref<10240x128xf32, #tpu.memory_space<vmem_shared>>
          tpu.wait_indirect_dma semaphore(%run_scoped3A : memref<!tpu.dma_semaphore, #tpu.memory_space<semaphore_mem>>) src(%arg9 : memref<160x128xf32, #tpu.memory_space<vmem>>) dst(%dma_wait3A_340 : memref<10240x128xf32, #tpu.memory_space<vmem_shared>>)
          tpu.yield
        }) : () -> ()
      } else {
      }
      %eq3A_176 = arith.constant 7 : i32
      %eq3A_177 = arith.cmpi eq, %arg1, %eq3A_176 : i32
      %and3A_178 = arith.andi %lt3A_24, %eq3A_177 : i1
      %eq3A_179 = arith.constant 1 : i32
      %eq3A_180 = arith.cmpi eq, %arg0, %eq3A_179 : i32
      %and3A_181 = arith.andi %and3A_178, %eq3A_180 : i1
      %convert_element_type3A_182 = arith.extui %and3A_181 : i1 to i32
      %cond3A_183 = arith.constant 0 : i32
      %cond3A_184 = arith.cmpi ne, %convert_element_type3A_182, %cond3A_183 : i32
      scf.if %cond3A_184 {
        "tpu.region"() ({
          %run_scoped3A = tpu.sem_alloc : memref<!tpu.dma_semaphore, #tpu.memory_space<semaphore_mem>>
          %dma_start3A = arith.constant 0 : i32
          %dma_start3A_337 = arith.constant 0 : i32
          %dma_start3A_338 = tpu.memref_slice %arg13[%dma_start3A, %dma_start3A_337] : memref<10240x128xf32, #tpu.memory_space<vmem_shared>> -> memref<10240x128xf32, #tpu.memory_space<vmem_shared>>
          tpu.enqueue_indirect_dma source(%arg12 : memref<160x128xf32, #tpu.memory_space<vmem>>) target(%dma_start3A_338 : memref<10240x128xf32, #tpu.memory_space<vmem_shared>>) offsets(%arg11 : memref<160xi32, #tpu.memory_space<vmem>>) semaphore(%run_scoped3A : memref<!tpu.dma_semaphore, #tpu.memory_space<semaphore_mem>>) {add = true}
          %dma_wait3A = arith.constant 0 : i32
          %dma_wait3A_339 = arith.constant 0 : i32
          %dma_wait3A_340 = tpu.memref_slice %arg13[%dma_wait3A, %dma_wait3A_339] : memref<10240x128xf32, #tpu.memory_space<vmem_shared>> -> memref<10240x128xf32, #tpu.memory_space<vmem_shared>>
          tpu.wait_indirect_dma semaphore(%run_scoped3A : memref<!tpu.dma_semaphore, #tpu.memory_space<semaphore_mem>>) src(%arg12 : memref<160x128xf32, #tpu.memory_space<vmem>>) dst(%dma_wait3A_340 : memref<10240x128xf32, #tpu.memory_space<vmem_shared>>)
          tpu.yield
        }) : () -> ()
      } else {
      }
      %barrier3A_185 = arith.constant 0 : index
      tpu.barrier barrier_id(%barrier3A_185)
      %eq3A_186 = arith.constant 8 : i32
      %eq3A_187 = arith.cmpi eq, %arg1, %eq3A_186 : i32
      %and3A_188 = arith.andi %lt3A_24, %eq3A_187 : i1
      %eq3A_189 = arith.constant 0 : i32
      %eq3A_190 = arith.cmpi eq, %arg0, %eq3A_189 : i32
      %and3A_191 = arith.andi %and3A_188, %eq3A_190 : i1
      %convert_element_type3A_192 = arith.extui %and3A_191 : i1 to i32
      %cond3A_193 = arith.constant 0 : i32
      %cond3A_194 = arith.cmpi ne, %convert_element_type3A_192, %cond3A_193 : i32
      scf.if %cond3A_194 {
        "tpu.region"() ({
          %run_scoped3A = tpu.sem_alloc : memref<!tpu.dma_semaphore, #tpu.memory_space<semaphore_mem>>
          %dma_start3A = arith.constant 0 : i32
          %dma_start3A_337 = arith.constant 0 : i32
          %dma_start3A_338 = tpu.memref_slice %arg13[%dma_start3A, %dma_start3A_337] : memref<10240x128xf32, #tpu.memory_space<vmem_shared>> -> memref<10240x128xf32, #tpu.memory_space<vmem_shared>>
          tpu.enqueue_indirect_dma source(%arg9 : memref<160x128xf32, #tpu.memory_space<vmem>>) target(%dma_start3A_338 : memref<10240x128xf32, #tpu.memory_space<vmem_shared>>) offsets(%arg8 : memref<160xi32, #tpu.memory_space<vmem>>) semaphore(%run_scoped3A : memref<!tpu.dma_semaphore, #tpu.memory_space<semaphore_mem>>) {add = true}
          %dma_wait3A = arith.constant 0 : i32
          %dma_wait3A_339 = arith.constant 0 : i32
          %dma_wait3A_340 = tpu.memref_slice %arg13[%dma_wait3A, %dma_wait3A_339] : memref<10240x128xf32, #tpu.memory_space<vmem_shared>> -> memref<10240x128xf32, #tpu.memory_space<vmem_shared>>
          tpu.wait_indirect_dma semaphore(%run_scoped3A : memref<!tpu.dma_semaphore, #tpu.memory_space<semaphore_mem>>) src(%arg9 : memref<160x128xf32, #tpu.memory_space<vmem>>) dst(%dma_wait3A_340 : memref<10240x128xf32, #tpu.memory_space<vmem_shared>>)
          tpu.yield
        }) : () -> ()
      } else {
      }
      %eq3A_195 = arith.constant 8 : i32
      %eq3A_196 = arith.cmpi eq, %arg1, %eq3A_195 : i32
      %and3A_197 = arith.andi %lt3A_24, %eq3A_196 : i1
      %eq3A_198 = arith.constant 1 : i32
      %eq3A_199 = arith.cmpi eq, %arg0, %eq3A_198 : i32
      %and3A_200 = arith.andi %and3A_197, %eq3A_199 : i1
      %convert_element_type3A_201 = arith.extui %and3A_200 : i1 to i32
      %cond3A_202 = arith.constant 0 : i32
      %cond3A_203 = arith.cmpi ne, %convert_element_type3A_201, %cond3A_202 : i32
      scf.if %cond3A_203 {
        "tpu.region"() ({
          %run_scoped3A = tpu.sem_alloc : memref<!tpu.dma_semaphore, #tpu.memory_space<semaphore_mem>>
          %dma_start3A = arith.constant 0 : i32
          %dma_start3A_337 = arith.constant 0 : i32
          %dma_start3A_338 = tpu.memref_slice %arg13[%dma_start3A, %dma_start3A_337] : memref<10240x128xf32, #tpu.memory_space<vmem_shared>> -> memref<10240x128xf32, #tpu.memory_space<vmem_shared>>
          tpu.enqueue_indirect_dma source(%arg12 : memref<160x128xf32, #tpu.memory_space<vmem>>) target(%dma_start3A_338 : memref<10240x128xf32, #tpu.memory_space<vmem_shared>>) offsets(%arg11 : memref<160xi32, #tpu.memory_space<vmem>>) semaphore(%run_scoped3A : memref<!tpu.dma_semaphore, #tpu.memory_space<semaphore_mem>>) {add = true}
          %dma_wait3A = arith.constant 0 : i32
          %dma_wait3A_339 = arith.constant 0 : i32
          %dma_wait3A_340 = tpu.memref_slice %arg13[%dma_wait3A, %dma_wait3A_339] : memref<10240x128xf32, #tpu.memory_space<vmem_shared>> -> memref<10240x128xf32, #tpu.memory_space<vmem_shared>>
          tpu.wait_indirect_dma semaphore(%run_scoped3A : memref<!tpu.dma_semaphore, #tpu.memory_space<semaphore_mem>>) src(%arg12 : memref<160x128xf32, #tpu.memory_space<vmem>>) dst(%dma_wait3A_340 : memref<10240x128xf32, #tpu.memory_space<vmem_shared>>)
          tpu.yield
        }) : () -> ()
      } else {
      }
      %barrier3A_204 = arith.constant 0 : index
      tpu.barrier barrier_id(%barrier3A_204)
      %eq3A_205 = arith.constant 9 : i32
      %eq3A_206 = arith.cmpi eq, %arg1, %eq3A_205 : i32
      %and3A_207 = arith.andi %lt3A_24, %eq3A_206 : i1
      %eq3A_208 = arith.constant 0 : i32
      %eq3A_209 = arith.cmpi eq, %arg0, %eq3A_208 : i32
      %and3A_210 = arith.andi %and3A_207, %eq3A_209 : i1
      %convert_element_type3A_211 = arith.extui %and3A_210 : i1 to i32
      %cond3A_212 = arith.constant 0 : i32
      %cond3A_213 = arith.cmpi ne, %convert_element_type3A_211, %cond3A_212 : i32
      scf.if %cond3A_213 {
        "tpu.region"() ({
          %run_scoped3A = tpu.sem_alloc : memref<!tpu.dma_semaphore, #tpu.memory_space<semaphore_mem>>
          %dma_start3A = arith.constant 0 : i32
          %dma_start3A_337 = arith.constant 0 : i32
          %dma_start3A_338 = tpu.memref_slice %arg13[%dma_start3A, %dma_start3A_337] : memref<10240x128xf32, #tpu.memory_space<vmem_shared>> -> memref<10240x128xf32, #tpu.memory_space<vmem_shared>>
          tpu.enqueue_indirect_dma source(%arg9 : memref<160x128xf32, #tpu.memory_space<vmem>>) target(%dma_start3A_338 : memref<10240x128xf32, #tpu.memory_space<vmem_shared>>) offsets(%arg8 : memref<160xi32, #tpu.memory_space<vmem>>) semaphore(%run_scoped3A : memref<!tpu.dma_semaphore, #tpu.memory_space<semaphore_mem>>) {add = true}
          %dma_wait3A = arith.constant 0 : i32
          %dma_wait3A_339 = arith.constant 0 : i32
          %dma_wait3A_340 = tpu.memref_slice %arg13[%dma_wait3A, %dma_wait3A_339] : memref<10240x128xf32, #tpu.memory_space<vmem_shared>> -> memref<10240x128xf32, #tpu.memory_space<vmem_shared>>
          tpu.wait_indirect_dma semaphore(%run_scoped3A : memref<!tpu.dma_semaphore, #tpu.memory_space<semaphore_mem>>) src(%arg9 : memref<160x128xf32, #tpu.memory_space<vmem>>) dst(%dma_wait3A_340 : memref<10240x128xf32, #tpu.memory_space<vmem_shared>>)
          tpu.yield
        }) : () -> ()
      } else {
      }
      %eq3A_214 = arith.constant 9 : i32
      %eq3A_215 = arith.cmpi eq, %arg1, %eq3A_214 : i32
      %and3A_216 = arith.andi %lt3A_24, %eq3A_215 : i1
      %eq3A_217 = arith.constant 1 : i32
      %eq3A_218 = arith.cmpi eq, %arg0, %eq3A_217 : i32
      %and3A_219 = arith.andi %and3A_216, %eq3A_218 : i1
      %convert_element_type3A_220 = arith.extui %and3A_219 : i1 to i32
      %cond3A_221 = arith.constant 0 : i32
      %cond3A_222 = arith.cmpi ne, %convert_element_type3A_220, %cond3A_221 : i32
      scf.if %cond3A_222 {
        "tpu.region"() ({
          %run_scoped3A = tpu.sem_alloc : memref<!tpu.dma_semaphore, #tpu.memory_space<semaphore_mem>>
          %dma_start3A = arith.constant 0 : i32
          %dma_start3A_337 = arith.constant 0 : i32
          %dma_start3A_338 = tpu.memref_slice %arg13[%dma_start3A, %dma_start3A_337] : memref<10240x128xf32, #tpu.memory_space<vmem_shared>> -> memref<10240x128xf32, #tpu.memory_space<vmem_shared>>
          tpu.enqueue_indirect_dma source(%arg12 : memref<160x128xf32, #tpu.memory_space<vmem>>) target(%dma_start3A_338 : memref<10240x128xf32, #tpu.memory_space<vmem_shared>>) offsets(%arg11 : memref<160xi32, #tpu.memory_space<vmem>>) semaphore(%run_scoped3A : memref<!tpu.dma_semaphore, #tpu.memory_space<semaphore_mem>>) {add = true}
          %dma_wait3A = arith.constant 0 : i32
          %dma_wait3A_339 = arith.constant 0 : i32
          %dma_wait3A_340 = tpu.memref_slice %arg13[%dma_wait3A, %dma_wait3A_339] : memref<10240x128xf32, #tpu.memory_space<vmem_shared>> -> memref<10240x128xf32, #tpu.memory_space<vmem_shared>>
          tpu.wait_indirect_dma semaphore(%run_scoped3A : memref<!tpu.dma_semaphore, #tpu.memory_space<semaphore_mem>>) src(%arg12 : memref<160x128xf32, #tpu.memory_space<vmem>>) dst(%dma_wait3A_340 : memref<10240x128xf32, #tpu.memory_space<vmem_shared>>)
          tpu.yield
        }) : () -> ()
      } else {
      }
      %barrier3A_223 = arith.constant 0 : index
      tpu.barrier barrier_id(%barrier3A_223)
      %eq3A_224 = arith.constant 10 : i32
      %eq3A_225 = arith.cmpi eq, %arg1, %eq3A_224 : i32
      %and3A_226 = arith.andi %lt3A_24, %eq3A_225 : i1
      %eq3A_227 = arith.constant 0 : i32
      %eq3A_228 = arith.cmpi eq, %arg0, %eq3A_227 : i32
      %and3A_229 = arith.andi %and3A_226, %eq3A_228 : i1
      %convert_element_type3A_230 = arith.extui %and3A_229 : i1 to i32
      %cond3A_231 = arith.constant 0 : i32
      %cond3A_232 = arith.cmpi ne, %convert_element_type3A_230, %cond3A_231 : i32
      scf.if %cond3A_232 {
        "tpu.region"() ({
          %run_scoped3A = tpu.sem_alloc : memref<!tpu.dma_semaphore, #tpu.memory_space<semaphore_mem>>
          %dma_start3A = arith.constant 0 : i32
          %dma_start3A_337 = arith.constant 0 : i32
          %dma_start3A_338 = tpu.memref_slice %arg13[%dma_start3A, %dma_start3A_337] : memref<10240x128xf32, #tpu.memory_space<vmem_shared>> -> memref<10240x128xf32, #tpu.memory_space<vmem_shared>>
          tpu.enqueue_indirect_dma source(%arg9 : memref<160x128xf32, #tpu.memory_space<vmem>>) target(%dma_start3A_338 : memref<10240x128xf32, #tpu.memory_space<vmem_shared>>) offsets(%arg8 : memref<160xi32, #tpu.memory_space<vmem>>) semaphore(%run_scoped3A : memref<!tpu.dma_semaphore, #tpu.memory_space<semaphore_mem>>) {add = true}
          %dma_wait3A = arith.constant 0 : i32
          %dma_wait3A_339 = arith.constant 0 : i32
          %dma_wait3A_340 = tpu.memref_slice %arg13[%dma_wait3A, %dma_wait3A_339] : memref<10240x128xf32, #tpu.memory_space<vmem_shared>> -> memref<10240x128xf32, #tpu.memory_space<vmem_shared>>
          tpu.wait_indirect_dma semaphore(%run_scoped3A : memref<!tpu.dma_semaphore, #tpu.memory_space<semaphore_mem>>) src(%arg9 : memref<160x128xf32, #tpu.memory_space<vmem>>) dst(%dma_wait3A_340 : memref<10240x128xf32, #tpu.memory_space<vmem_shared>>)
          tpu.yield
        }) : () -> ()
      } else {
      }
      %eq3A_233 = arith.constant 10 : i32
      %eq3A_234 = arith.cmpi eq, %arg1, %eq3A_233 : i32
      %and3A_235 = arith.andi %lt3A_24, %eq3A_234 : i1
      %eq3A_236 = arith.constant 1 : i32
      %eq3A_237 = arith.cmpi eq, %arg0, %eq3A_236 : i32
      %and3A_238 = arith.andi %and3A_235, %eq3A_237 : i1
      %convert_element_type3A_239 = arith.extui %and3A_238 : i1 to i32
      %cond3A_240 = arith.constant 0 : i32
      %cond3A_241 = arith.cmpi ne, %convert_element_type3A_239, %cond3A_240 : i32
      scf.if %cond3A_241 {
        "tpu.region"() ({
          %run_scoped3A = tpu.sem_alloc : memref<!tpu.dma_semaphore, #tpu.memory_space<semaphore_mem>>
          %dma_start3A = arith.constant 0 : i32
          %dma_start3A_337 = arith.constant 0 : i32
          %dma_start3A_338 = tpu.memref_slice %arg13[%dma_start3A, %dma_start3A_337] : memref<10240x128xf32, #tpu.memory_space<vmem_shared>> -> memref<10240x128xf32, #tpu.memory_space<vmem_shared>>
          tpu.enqueue_indirect_dma source(%arg12 : memref<160x128xf32, #tpu.memory_space<vmem>>) target(%dma_start3A_338 : memref<10240x128xf32, #tpu.memory_space<vmem_shared>>) offsets(%arg11 : memref<160xi32, #tpu.memory_space<vmem>>) semaphore(%run_scoped3A : memref<!tpu.dma_semaphore, #tpu.memory_space<semaphore_mem>>) {add = true}
          %dma_wait3A = arith.constant 0 : i32
          %dma_wait3A_339 = arith.constant 0 : i32
          %dma_wait3A_340 = tpu.memref_slice %arg13[%dma_wait3A, %dma_wait3A_339] : memref<10240x128xf32, #tpu.memory_space<vmem_shared>> -> memref<10240x128xf32, #tpu.memory_space<vmem_shared>>
          tpu.wait_indirect_dma semaphore(%run_scoped3A : memref<!tpu.dma_semaphore, #tpu.memory_space<semaphore_mem>>) src(%arg12 : memref<160x128xf32, #tpu.memory_space<vmem>>) dst(%dma_wait3A_340 : memref<10240x128xf32, #tpu.memory_space<vmem_shared>>)
          tpu.yield
        }) : () -> ()
      } else {
      }
      %barrier3A_242 = arith.constant 0 : index
      tpu.barrier barrier_id(%barrier3A_242)
      %eq3A_243 = arith.constant 11 : i32
      %eq3A_244 = arith.cmpi eq, %arg1, %eq3A_243 : i32
      %and3A_245 = arith.andi %lt3A_24, %eq3A_244 : i1
      %eq3A_246 = arith.constant 0 : i32
      %eq3A_247 = arith.cmpi eq, %arg0, %eq3A_246 : i32
      %and3A_248 = arith.andi %and3A_245, %eq3A_247 : i1
      %convert_element_type3A_249 = arith.extui %and3A_248 : i1 to i32
      %cond3A_250 = arith.constant 0 : i32
      %cond3A_251 = arith.cmpi ne, %convert_element_type3A_249, %cond3A_250 : i32
      scf.if %cond3A_251 {
        "tpu.region"() ({
          %run_scoped3A = tpu.sem_alloc : memref<!tpu.dma_semaphore, #tpu.memory_space<semaphore_mem>>
          %dma_start3A = arith.constant 0 : i32
          %dma_start3A_337 = arith.constant 0 : i32
          %dma_start3A_338 = tpu.memref_slice %arg13[%dma_start3A, %dma_start3A_337] : memref<10240x128xf32, #tpu.memory_space<vmem_shared>> -> memref<10240x128xf32, #tpu.memory_space<vmem_shared>>
          tpu.enqueue_indirect_dma source(%arg9 : memref<160x128xf32, #tpu.memory_space<vmem>>) target(%dma_start3A_338 : memref<10240x128xf32, #tpu.memory_space<vmem_shared>>) offsets(%arg8 : memref<160xi32, #tpu.memory_space<vmem>>) semaphore(%run_scoped3A : memref<!tpu.dma_semaphore, #tpu.memory_space<semaphore_mem>>) {add = true}
          %dma_wait3A = arith.constant 0 : i32
          %dma_wait3A_339 = arith.constant 0 : i32
          %dma_wait3A_340 = tpu.memref_slice %arg13[%dma_wait3A, %dma_wait3A_339] : memref<10240x128xf32, #tpu.memory_space<vmem_shared>> -> memref<10240x128xf32, #tpu.memory_space<vmem_shared>>
          tpu.wait_indirect_dma semaphore(%run_scoped3A : memref<!tpu.dma_semaphore, #tpu.memory_space<semaphore_mem>>) src(%arg9 : memref<160x128xf32, #tpu.memory_space<vmem>>) dst(%dma_wait3A_340 : memref<10240x128xf32, #tpu.memory_space<vmem_shared>>)
          tpu.yield
        }) : () -> ()
      } else {
      }
      %eq3A_252 = arith.constant 11 : i32
      %eq3A_253 = arith.cmpi eq, %arg1, %eq3A_252 : i32
      %and3A_254 = arith.andi %lt3A_24, %eq3A_253 : i1
      %eq3A_255 = arith.constant 1 : i32
      %eq3A_256 = arith.cmpi eq, %arg0, %eq3A_255 : i32
      %and3A_257 = arith.andi %and3A_254, %eq3A_256 : i1
      %convert_element_type3A_258 = arith.extui %and3A_257 : i1 to i32
      %cond3A_259 = arith.constant 0 : i32
      %cond3A_260 = arith.cmpi ne, %convert_element_type3A_258, %cond3A_259 : i32
      scf.if %cond3A_260 {
        "tpu.region"() ({
          %run_scoped3A = tpu.sem_alloc : memref<!tpu.dma_semaphore, #tpu.memory_space<semaphore_mem>>
          %dma_start3A = arith.constant 0 : i32
          %dma_start3A_337 = arith.constant 0 : i32
          %dma_start3A_338 = tpu.memref_slice %arg13[%dma_start3A, %dma_start3A_337] : memref<10240x128xf32, #tpu.memory_space<vmem_shared>> -> memref<10240x128xf32, #tpu.memory_space<vmem_shared>>
          tpu.enqueue_indirect_dma source(%arg12 : memref<160x128xf32, #tpu.memory_space<vmem>>) target(%dma_start3A_338 : memref<10240x128xf32, #tpu.memory_space<vmem_shared>>) offsets(%arg11 : memref<160xi32, #tpu.memory_space<vmem>>) semaphore(%run_scoped3A : memref<!tpu.dma_semaphore, #tpu.memory_space<semaphore_mem>>) {add = true}
          %dma_wait3A = arith.constant 0 : i32
          %dma_wait3A_339 = arith.constant 0 : i32
          %dma_wait3A_340 = tpu.memref_slice %arg13[%dma_wait3A, %dma_wait3A_339] : memref<10240x128xf32, #tpu.memory_space<vmem_shared>> -> memref<10240x128xf32, #tpu.memory_space<vmem_shared>>
          tpu.wait_indirect_dma semaphore(%run_scoped3A : memref<!tpu.dma_semaphore, #tpu.memory_space<semaphore_mem>>) src(%arg12 : memref<160x128xf32, #tpu.memory_space<vmem>>) dst(%dma_wait3A_340 : memref<10240x128xf32, #tpu.memory_space<vmem_shared>>)
          tpu.yield
        }) : () -> ()
      } else {
      }
      %barrier3A_261 = arith.constant 0 : index
      tpu.barrier barrier_id(%barrier3A_261)
      %eq3A_262 = arith.constant 12 : i32
      %eq3A_263 = arith.cmpi eq, %arg1, %eq3A_262 : i32
      %and3A_264 = arith.andi %lt3A_24, %eq3A_263 : i1
      %eq3A_265 = arith.constant 0 : i32
      %eq3A_266 = arith.cmpi eq, %arg0, %eq3A_265 : i32
      %and3A_267 = arith.andi %and3A_264, %eq3A_266 : i1
      %convert_element_type3A_268 = arith.extui %and3A_267 : i1 to i32
      %cond3A_269 = arith.constant 0 : i32
      %cond3A_270 = arith.cmpi ne, %convert_element_type3A_268, %cond3A_269 : i32
      scf.if %cond3A_270 {
        "tpu.region"() ({
          %run_scoped3A = tpu.sem_alloc : memref<!tpu.dma_semaphore, #tpu.memory_space<semaphore_mem>>
          %dma_start3A = arith.constant 0 : i32
          %dma_start3A_337 = arith.constant 0 : i32
          %dma_start3A_338 = tpu.memref_slice %arg13[%dma_start3A, %dma_start3A_337] : memref<10240x128xf32, #tpu.memory_space<vmem_shared>> -> memref<10240x128xf32, #tpu.memory_space<vmem_shared>>
          tpu.enqueue_indirect_dma source(%arg9 : memref<160x128xf32, #tpu.memory_space<vmem>>) target(%dma_start3A_338 : memref<10240x128xf32, #tpu.memory_space<vmem_shared>>) offsets(%arg8 : memref<160xi32, #tpu.memory_space<vmem>>) semaphore(%run_scoped3A : memref<!tpu.dma_semaphore, #tpu.memory_space<semaphore_mem>>) {add = true}
          %dma_wait3A = arith.constant 0 : i32
          %dma_wait3A_339 = arith.constant 0 : i32
          %dma_wait3A_340 = tpu.memref_slice %arg13[%dma_wait3A, %dma_wait3A_339] : memref<10240x128xf32, #tpu.memory_space<vmem_shared>> -> memref<10240x128xf32, #tpu.memory_space<vmem_shared>>
          tpu.wait_indirect_dma semaphore(%run_scoped3A : memref<!tpu.dma_semaphore, #tpu.memory_space<semaphore_mem>>) src(%arg9 : memref<160x128xf32, #tpu.memory_space<vmem>>) dst(%dma_wait3A_340 : memref<10240x128xf32, #tpu.memory_space<vmem_shared>>)
          tpu.yield
        }) : () -> ()
      } else {
      }
      %eq3A_271 = arith.constant 12 : i32
      %eq3A_272 = arith.cmpi eq, %arg1, %eq3A_271 : i32
      %and3A_273 = arith.andi %lt3A_24, %eq3A_272 : i1
      %eq3A_274 = arith.constant 1 : i32
      %eq3A_275 = arith.cmpi eq, %arg0, %eq3A_274 : i32
      %and3A_276 = arith.andi %and3A_273, %eq3A_275 : i1
      %convert_element_type3A_277 = arith.extui %and3A_276 : i1 to i32
      %cond3A_278 = arith.constant 0 : i32
      %cond3A_279 = arith.cmpi ne, %convert_element_type3A_277, %cond3A_278 : i32
      scf.if %cond3A_279 {
        "tpu.region"() ({
          %run_scoped3A = tpu.sem_alloc : memref<!tpu.dma_semaphore, #tpu.memory_space<semaphore_mem>>
          %dma_start3A = arith.constant 0 : i32
          %dma_start3A_337 = arith.constant 0 : i32
          %dma_start3A_338 = tpu.memref_slice %arg13[%dma_start3A, %dma_start3A_337] : memref<10240x128xf32, #tpu.memory_space<vmem_shared>> -> memref<10240x128xf32, #tpu.memory_space<vmem_shared>>
          tpu.enqueue_indirect_dma source(%arg12 : memref<160x128xf32, #tpu.memory_space<vmem>>) target(%dma_start3A_338 : memref<10240x128xf32, #tpu.memory_space<vmem_shared>>) offsets(%arg11 : memref<160xi32, #tpu.memory_space<vmem>>) semaphore(%run_scoped3A : memref<!tpu.dma_semaphore, #tpu.memory_space<semaphore_mem>>) {add = true}
          %dma_wait3A = arith.constant 0 : i32
          %dma_wait3A_339 = arith.constant 0 : i32
          %dma_wait3A_340 = tpu.memref_slice %arg13[%dma_wait3A, %dma_wait3A_339] : memref<10240x128xf32, #tpu.memory_space<vmem_shared>> -> memref<10240x128xf32, #tpu.memory_space<vmem_shared>>
          tpu.wait_indirect_dma semaphore(%run_scoped3A : memref<!tpu.dma_semaphore, #tpu.memory_space<semaphore_mem>>) src(%arg12 : memref<160x128xf32, #tpu.memory_space<vmem>>) dst(%dma_wait3A_340 : memref<10240x128xf32, #tpu.memory_space<vmem_shared>>)
          tpu.yield
        }) : () -> ()
      } else {
      }
      %barrier3A_280 = arith.constant 0 : index
      tpu.barrier barrier_id(%barrier3A_280)
      %eq3A_281 = arith.constant 13 : i32
      %eq3A_282 = arith.cmpi eq, %arg1, %eq3A_281 : i32
      %and3A_283 = arith.andi %lt3A_24, %eq3A_282 : i1
      %eq3A_284 = arith.constant 0 : i32
      %eq3A_285 = arith.cmpi eq, %arg0, %eq3A_284 : i32
      %and3A_286 = arith.andi %and3A_283, %eq3A_285 : i1
      %convert_element_type3A_287 = arith.extui %and3A_286 : i1 to i32
      %cond3A_288 = arith.constant 0 : i32
      %cond3A_289 = arith.cmpi ne, %convert_element_type3A_287, %cond3A_288 : i32
      scf.if %cond3A_289 {
        "tpu.region"() ({
          %run_scoped3A = tpu.sem_alloc : memref<!tpu.dma_semaphore, #tpu.memory_space<semaphore_mem>>
          %dma_start3A = arith.constant 0 : i32
          %dma_start3A_337 = arith.constant 0 : i32
          %dma_start3A_338 = tpu.memref_slice %arg13[%dma_start3A, %dma_start3A_337] : memref<10240x128xf32, #tpu.memory_space<vmem_shared>> -> memref<10240x128xf32, #tpu.memory_space<vmem_shared>>
          tpu.enqueue_indirect_dma source(%arg9 : memref<160x128xf32, #tpu.memory_space<vmem>>) target(%dma_start3A_338 : memref<10240x128xf32, #tpu.memory_space<vmem_shared>>) offsets(%arg8 : memref<160xi32, #tpu.memory_space<vmem>>) semaphore(%run_scoped3A : memref<!tpu.dma_semaphore, #tpu.memory_space<semaphore_mem>>) {add = true}
          %dma_wait3A = arith.constant 0 : i32
          %dma_wait3A_339 = arith.constant 0 : i32
          %dma_wait3A_340 = tpu.memref_slice %arg13[%dma_wait3A, %dma_wait3A_339] : memref<10240x128xf32, #tpu.memory_space<vmem_shared>> -> memref<10240x128xf32, #tpu.memory_space<vmem_shared>>
          tpu.wait_indirect_dma semaphore(%run_scoped3A : memref<!tpu.dma_semaphore, #tpu.memory_space<semaphore_mem>>) src(%arg9 : memref<160x128xf32, #tpu.memory_space<vmem>>) dst(%dma_wait3A_340 : memref<10240x128xf32, #tpu.memory_space<vmem_shared>>)
          tpu.yield
        }) : () -> ()
      } else {
      }
      %eq3A_290 = arith.constant 13 : i32
      %eq3A_291 = arith.cmpi eq, %arg1, %eq3A_290 : i32
      %and3A_292 = arith.andi %lt3A_24, %eq3A_291 : i1
      %eq3A_293 = arith.constant 1 : i32
      %eq3A_294 = arith.cmpi eq, %arg0, %eq3A_293 : i32
      %and3A_295 = arith.andi %and3A_292, %eq3A_294 : i1
      %convert_element_type3A_296 = arith.extui %and3A_295 : i1 to i32
      %cond3A_297 = arith.constant 0 : i32
      %cond3A_298 = arith.cmpi ne, %convert_element_type3A_296, %cond3A_297 : i32
      scf.if %cond3A_298 {
        "tpu.region"() ({
          %run_scoped3A = tpu.sem_alloc : memref<!tpu.dma_semaphore, #tpu.memory_space<semaphore_mem>>
          %dma_start3A = arith.constant 0 : i32
          %dma_start3A_337 = arith.constant 0 : i32
          %dma_start3A_338 = tpu.memref_slice %arg13[%dma_start3A, %dma_start3A_337] : memref<10240x128xf32, #tpu.memory_space<vmem_shared>> -> memref<10240x128xf32, #tpu.memory_space<vmem_shared>>
          tpu.enqueue_indirect_dma source(%arg12 : memref<160x128xf32, #tpu.memory_space<vmem>>) target(%dma_start3A_338 : memref<10240x128xf32, #tpu.memory_space<vmem_shared>>) offsets(%arg11 : memref<160xi32, #tpu.memory_space<vmem>>) semaphore(%run_scoped3A : memref<!tpu.dma_semaphore, #tpu.memory_space<semaphore_mem>>) {add = true}
          %dma_wait3A = arith.constant 0 : i32
          %dma_wait3A_339 = arith.constant 0 : i32
          %dma_wait3A_340 = tpu.memref_slice %arg13[%dma_wait3A, %dma_wait3A_339] : memref<10240x128xf32, #tpu.memory_space<vmem_shared>> -> memref<10240x128xf32, #tpu.memory_space<vmem_shared>>
          tpu.wait_indirect_dma semaphore(%run_scoped3A : memref<!tpu.dma_semaphore, #tpu.memory_space<semaphore_mem>>) src(%arg12 : memref<160x128xf32, #tpu.memory_space<vmem>>) dst(%dma_wait3A_340 : memref<10240x128xf32, #tpu.memory_space<vmem_shared>>)
          tpu.yield
        }) : () -> ()
      } else {
      }
      %barrier3A_299 = arith.constant 0 : index
      tpu.barrier barrier_id(%barrier3A_299)
      %eq3A_300 = arith.constant 14 : i32
      %eq3A_301 = arith.cmpi eq, %arg1, %eq3A_300 : i32
      %and3A_302 = arith.andi %lt3A_24, %eq3A_301 : i1
      %eq3A_303 = arith.constant 0 : i32
      %eq3A_304 = arith.cmpi eq, %arg0, %eq3A_303 : i32
      %and3A_305 = arith.andi %and3A_302, %eq3A_304 : i1
      %convert_element_type3A_306 = arith.extui %and3A_305 : i1 to i32
      %cond3A_307 = arith.constant 0 : i32
      %cond3A_308 = arith.cmpi ne, %convert_element_type3A_306, %cond3A_307 : i32
      scf.if %cond3A_308 {
        "tpu.region"() ({
          %run_scoped3A = tpu.sem_alloc : memref<!tpu.dma_semaphore, #tpu.memory_space<semaphore_mem>>
          %dma_start3A = arith.constant 0 : i32
          %dma_start3A_337 = arith.constant 0 : i32
          %dma_start3A_338 = tpu.memref_slice %arg13[%dma_start3A, %dma_start3A_337] : memref<10240x128xf32, #tpu.memory_space<vmem_shared>> -> memref<10240x128xf32, #tpu.memory_space<vmem_shared>>
          tpu.enqueue_indirect_dma source(%arg9 : memref<160x128xf32, #tpu.memory_space<vmem>>) target(%dma_start3A_338 : memref<10240x128xf32, #tpu.memory_space<vmem_shared>>) offsets(%arg8 : memref<160xi32, #tpu.memory_space<vmem>>) semaphore(%run_scoped3A : memref<!tpu.dma_semaphore, #tpu.memory_space<semaphore_mem>>) {add = true}
          %dma_wait3A = arith.constant 0 : i32
          %dma_wait3A_339 = arith.constant 0 : i32
          %dma_wait3A_340 = tpu.memref_slice %arg13[%dma_wait3A, %dma_wait3A_339] : memref<10240x128xf32, #tpu.memory_space<vmem_shared>> -> memref<10240x128xf32, #tpu.memory_space<vmem_shared>>
          tpu.wait_indirect_dma semaphore(%run_scoped3A : memref<!tpu.dma_semaphore, #tpu.memory_space<semaphore_mem>>) src(%arg9 : memref<160x128xf32, #tpu.memory_space<vmem>>) dst(%dma_wait3A_340 : memref<10240x128xf32, #tpu.memory_space<vmem_shared>>)
          tpu.yield
        }) : () -> ()
      } else {
      }
      %eq3A_309 = arith.constant 14 : i32
      %eq3A_310 = arith.cmpi eq, %arg1, %eq3A_309 : i32
      %and3A_311 = arith.andi %lt3A_24, %eq3A_310 : i1
      %eq3A_312 = arith.constant 1 : i32
      %eq3A_313 = arith.cmpi eq, %arg0, %eq3A_312 : i32
      %and3A_314 = arith.andi %and3A_311, %eq3A_313 : i1
      %convert_element_type3A_315 = arith.extui %and3A_314 : i1 to i32
      %cond3A_316 = arith.constant 0 : i32
      %cond3A_317 = arith.cmpi ne, %convert_element_type3A_315, %cond3A_316 : i32
      scf.if %cond3A_317 {
        "tpu.region"() ({
          %run_scoped3A = tpu.sem_alloc : memref<!tpu.dma_semaphore, #tpu.memory_space<semaphore_mem>>
          %dma_start3A = arith.constant 0 : i32
          %dma_start3A_337 = arith.constant 0 : i32
          %dma_start3A_338 = tpu.memref_slice %arg13[%dma_start3A, %dma_start3A_337] : memref<10240x128xf32, #tpu.memory_space<vmem_shared>> -> memref<10240x128xf32, #tpu.memory_space<vmem_shared>>
          tpu.enqueue_indirect_dma source(%arg12 : memref<160x128xf32, #tpu.memory_space<vmem>>) target(%dma_start3A_338 : memref<10240x128xf32, #tpu.memory_space<vmem_shared>>) offsets(%arg11 : memref<160xi32, #tpu.memory_space<vmem>>) semaphore(%run_scoped3A : memref<!tpu.dma_semaphore, #tpu.memory_space<semaphore_mem>>) {add = true}
          %dma_wait3A = arith.constant 0 : i32
          %dma_wait3A_339 = arith.constant 0 : i32
          %dma_wait3A_340 = tpu.memref_slice %arg13[%dma_wait3A, %dma_wait3A_339] : memref<10240x128xf32, #tpu.memory_space<vmem_shared>> -> memref<10240x128xf32, #tpu.memory_space<vmem_shared>>
          tpu.wait_indirect_dma semaphore(%run_scoped3A : memref<!tpu.dma_semaphore, #tpu.memory_space<semaphore_mem>>) src(%arg12 : memref<160x128xf32, #tpu.memory_space<vmem>>) dst(%dma_wait3A_340 : memref<10240x128xf32, #tpu.memory_space<vmem_shared>>)
          tpu.yield
        }) : () -> ()
      } else {
      }
      %barrier3A_318 = arith.constant 0 : index
      tpu.barrier barrier_id(%barrier3A_318)
      %eq3A_319 = arith.constant 15 : i32
      %eq3A_320 = arith.cmpi eq, %arg1, %eq3A_319 : i32
      %and3A_321 = arith.andi %lt3A_24, %eq3A_320 : i1
      %eq3A_322 = arith.constant 0 : i32
      %eq3A_323 = arith.cmpi eq, %arg0, %eq3A_322 : i32
      %and3A_324 = arith.andi %and3A_321, %eq3A_323 : i1
      %convert_element_type3A_325 = arith.extui %and3A_324 : i1 to i32
      %cond3A_326 = arith.constant 0 : i32
      %cond3A_327 = arith.cmpi ne, %convert_element_type3A_325, %cond3A_326 : i32
      scf.if %cond3A_327 {
        "tpu.region"() ({
          %run_scoped3A = tpu.sem_alloc : memref<!tpu.dma_semaphore, #tpu.memory_space<semaphore_mem>>
          %dma_start3A = arith.constant 0 : i32
          %dma_start3A_337 = arith.constant 0 : i32
          %dma_start3A_338 = tpu.memref_slice %arg13[%dma_start3A, %dma_start3A_337] : memref<10240x128xf32, #tpu.memory_space<vmem_shared>> -> memref<10240x128xf32, #tpu.memory_space<vmem_shared>>
          tpu.enqueue_indirect_dma source(%arg9 : memref<160x128xf32, #tpu.memory_space<vmem>>) target(%dma_start3A_338 : memref<10240x128xf32, #tpu.memory_space<vmem_shared>>) offsets(%arg8 : memref<160xi32, #tpu.memory_space<vmem>>) semaphore(%run_scoped3A : memref<!tpu.dma_semaphore, #tpu.memory_space<semaphore_mem>>) {add = true}
          %dma_wait3A = arith.constant 0 : i32
          %dma_wait3A_339 = arith.constant 0 : i32
          %dma_wait3A_340 = tpu.memref_slice %arg13[%dma_wait3A, %dma_wait3A_339] : memref<10240x128xf32, #tpu.memory_space<vmem_shared>> -> memref<10240x128xf32, #tpu.memory_space<vmem_shared>>
          tpu.wait_indirect_dma semaphore(%run_scoped3A : memref<!tpu.dma_semaphore, #tpu.memory_space<semaphore_mem>>) src(%arg9 : memref<160x128xf32, #tpu.memory_space<vmem>>) dst(%dma_wait3A_340 : memref<10240x128xf32, #tpu.memory_space<vmem_shared>>)
          tpu.yield
        }) : () -> ()
      } else {
      }
      %eq3A_328 = arith.constant 15 : i32
      %eq3A_329 = arith.cmpi eq, %arg1, %eq3A_328 : i32
      %and3A_330 = arith.andi %lt3A_24, %eq3A_329 : i1
      %eq3A_331 = arith.constant 1 : i32
      %eq3A_332 = arith.cmpi eq, %arg0, %eq3A_331 : i32
      %and3A_333 = arith.andi %and3A_330, %eq3A_332 : i1
      %convert_element_type3A_334 = arith.extui %and3A_333 : i1 to i32
      %cond3A_335 = arith.constant 0 : i32
      %cond3A_336 = arith.cmpi ne, %convert_element_type3A_334, %cond3A_335 : i32
      scf.if %cond3A_336 {
        "tpu.region"() ({
          %run_scoped3A = tpu.sem_alloc : memref<!tpu.dma_semaphore, #tpu.memory_space<semaphore_mem>>
          %dma_start3A = arith.constant 0 : i32
          %dma_start3A_337 = arith.constant 0 : i32
          %dma_start3A_338 = tpu.memref_slice %arg13[%dma_start3A, %dma_start3A_337] : memref<10240x128xf32, #tpu.memory_space<vmem_shared>> -> memref<10240x128xf32, #tpu.memory_space<vmem_shared>>
          tpu.enqueue_indirect_dma source(%arg12 : memref<160x128xf32, #tpu.memory_space<vmem>>) target(%dma_start3A_338 : memref<10240x128xf32, #tpu.memory_space<vmem_shared>>) offsets(%arg11 : memref<160xi32, #tpu.memory_space<vmem>>) semaphore(%run_scoped3A : memref<!tpu.dma_semaphore, #tpu.memory_space<semaphore_mem>>) {add = true}
          %dma_wait3A = arith.constant 0 : i32
          %dma_wait3A_339 = arith.constant 0 : i32
          %dma_wait3A_340 = tpu.memref_slice %arg13[%dma_wait3A, %dma_wait3A_339] : memref<10240x128xf32, #tpu.memory_space<vmem_shared>> -> memref<10240x128xf32, #tpu.memory_space<vmem_shared>>
          tpu.wait_indirect_dma semaphore(%run_scoped3A : memref<!tpu.dma_semaphore, #tpu.memory_space<semaphore_mem>>) src(%arg12 : memref<160x128xf32, #tpu.memory_space<vmem>>) dst(%dma_wait3A_340 : memref<10240x128xf32, #tpu.memory_space<vmem_shared>>)
          tpu.yield
        }) : () -> ()
      } else {
      }
    }
    %scan3A_12 = arith.constant 63 : i32
    %barrier3A_13 = arith.constant 0 : index
    tpu.barrier barrier_id(%barrier3A_13)
    %mul3A_14 = arith.constant 10240 : i32
    %mul3A_15 = arith.muli %arg0, %mul3A_14 : i32
    %add3A_16 = arith.addi %mul3A_15, %mul3A_0 : i32
    "tpu.region"() ({
      %run_scoped3A = tpu.sem_alloc : memref<!tpu.dma_semaphore, #tpu.memory_space<semaphore_mem>>
      %dma_start3A = arith.constant 0 : i32
      %dma_start3A_17 = tpu.memref_slice %arg6[%add3A_16, %dma_start3A] : memref<20480x128xf32, #tpu.memory_space<hbm>> -> memref<640x128xf32, #tpu.memory_space<hbm>>
      %dma_start3A_18 = arith.constant 0 : i32
      %dma_start3A_19 = tpu.memref_slice %arg13[%mul3A_0, %dma_start3A_18] : memref<10240x128xf32, #tpu.memory_space<vmem_shared>> -> memref<640x128xf32, #tpu.memory_space<vmem_shared>>
      tpu.enqueue_dma source(%dma_start3A_19 : memref<640x128xf32, #tpu.memory_space<vmem_shared>>) target(%dma_start3A_17 : memref<640x128xf32, #tpu.memory_space<hbm>>) target_semaphore(%run_scoped3A : memref<!tpu.dma_semaphore, #tpu.memory_space<semaphore_mem>>)
      %dma_wait3A = arith.constant 0 : i32
      %dma_wait3A_20 = tpu.memref_slice %arg6[%add3A_16, %dma_wait3A] : memref<20480x128xf32, #tpu.memory_space<hbm>> -> memref<640x128xf32, #tpu.memory_space<hbm>>
      %dma_wait3A_21 = arith.constant 0 : i32
      %dma_wait3A_22 = tpu.memref_slice %arg13[%mul3A_0, %dma_wait3A_21] : memref<10240x128xf32, #tpu.memory_space<vmem_shared>> -> memref<640x128xf32, #tpu.memory_space<vmem_shared>>
      tpu.wait_dma2 semaphore(%run_scoped3A : memref<!tpu.dma_semaphore, #tpu.memory_space<semaphore_mem>>) src(%dma_wait3A_22 : memref<640x128xf32, #tpu.memory_space<vmem_shared>>) dst(%dma_wait3A_20 : memref<640x128xf32, #tpu.memory_space<hbm>>)
      tpu.yield
    }) : () -> ()
    return
  }
}

#map = affine_map<(d0, d1) -> (0, 0)>
#map1 = affine_map<(d0, d1) -> (0)>
module attributes {stable_mosaic.version = 14 : i64} {
  func.func @_sc_agg_body(%arg0: i32, %arg1: i32, %arg2: memref<10000x128xf32, #tpu.memory_space<hbm>>, %arg3: memref<320000xi32, #tpu.memory_space<hbm>>, %arg4: memref<320000xi32, #tpu.memory_space<hbm>>, %arg5: memref<160x128xf32, #tpu.memory_space<hbm>>, %arg6: memref<20480x128xf32, #tpu.memory_space<hbm>>, %arg7: memref<160xi32, #tpu.memory_space<vmem>>, %arg8: memref<160xi32, #tpu.memory_space<vmem>>, %arg9: memref<160x128xf32, #tpu.memory_space<vmem>>, %arg10: memref<160xi32, #tpu.memory_space<vmem>>, %arg11: memref<160xi32, #tpu.memory_space<vmem>>, %arg12: memref<160x128xf32, #tpu.memory_space<vmem>>, %arg13: memref<10240x128xf32, #tpu.memory_space<vmem_shared>>, %arg14: memref<!tpu.dma_semaphore, #tpu.memory_space<semaphore_mem>>, %arg15: memref<!tpu.dma_semaphore, #tpu.memory_space<semaphore_mem>>) attributes {dimension_semantics = [#tpu.dimension_semantics<core_parallel>, #tpu.dimension_semantics<subcore_parallel>], iteration_bounds = array<i64: 2, 16>, scalar_prefetch = 0 : i64, scratch_operands = 9 : i64, tpu.core_type = #tpu.core_type<sc_vector_subcore>, window_params = [{transform_indices = #map}, {transform_indices = #map1}, {transform_indices = #map1}, {transform_indices = #map}, {transform_indices = #map}]} {
    %mul3A = arith.constant 640 : i32
    %mul3A_0 = arith.muli %arg1, %mul3A : i32
    %add3A = arith.constant 0 : i32
    %add3A_1 = arith.addi %mul3A_0, %add3A : i32
    "tpu.region"() ({
      %run_scoped3A = tpu.sem_alloc : memref<!tpu.dma_semaphore, #tpu.memory_space<semaphore_mem>>
      %dma_start3A = arith.constant 0 : i32
      %dma_start3A_17 = tpu.memref_slice %arg13[%add3A_1, %dma_start3A] : memref<10240x128xf32, #tpu.memory_space<vmem_shared>> -> memref<160x128xf32, #tpu.memory_space<vmem_shared>>
      tpu.enqueue_dma source(%arg5 : memref<160x128xf32, #tpu.memory_space<hbm>>) target(%dma_start3A_17 : memref<160x128xf32, #tpu.memory_space<vmem_shared>>) target_semaphore(%run_scoped3A : memref<!tpu.dma_semaphore, #tpu.memory_space<semaphore_mem>>)
      %dma_wait3A = arith.constant 0 : i32
      %dma_wait3A_18 = tpu.memref_slice %arg13[%add3A_1, %dma_wait3A] : memref<10240x128xf32, #tpu.memory_space<vmem_shared>> -> memref<160x128xf32, #tpu.memory_space<vmem_shared>>
      tpu.wait_dma2 semaphore(%run_scoped3A : memref<!tpu.dma_semaphore, #tpu.memory_space<semaphore_mem>>) src(%arg5 : memref<160x128xf32, #tpu.memory_space<hbm>>) dst(%dma_wait3A_18 : memref<160x128xf32, #tpu.memory_space<vmem_shared>>)
      tpu.yield
    }) : () -> ()
    %add3A_2 = arith.constant 160 : i32
    %add3A_3 = arith.addi %mul3A_0, %add3A_2 : i32
    "tpu.region"() ({
      %run_scoped3A = tpu.sem_alloc : memref<!tpu.dma_semaphore, #tpu.memory_space<semaphore_mem>>
      %dma_start3A = arith.constant 0 : i32
      %dma_start3A_17 = tpu.memref_slice %arg13[%add3A_3, %dma_start3A] : memref<10240x128xf32, #tpu.memory_space<vmem_shared>> -> memref<160x128xf32, #tpu.memory_space<vmem_shared>>
      tpu.enqueue_dma source(%arg5 : memref<160x128xf32, #tpu.memory_space<hbm>>) target(%dma_start3A_17 : memref<160x128xf32, #tpu.memory_space<vmem_shared>>) target_semaphore(%run_scoped3A : memref<!tpu.dma_semaphore, #tpu.memory_space<semaphore_mem>>)
      %dma_wait3A = arith.constant 0 : i32
      %dma_wait3A_18 = tpu.memref_slice %arg13[%add3A_3, %dma_wait3A] : memref<10240x128xf32, #tpu.memory_space<vmem_shared>> -> memref<160x128xf32, #tpu.memory_space<vmem_shared>>
      tpu.wait_dma2 semaphore(%run_scoped3A : memref<!tpu.dma_semaphore, #tpu.memory_space<semaphore_mem>>) src(%arg5 : memref<160x128xf32, #tpu.memory_space<hbm>>) dst(%dma_wait3A_18 : memref<160x128xf32, #tpu.memory_space<vmem_shared>>)
      tpu.yield
    }) : () -> ()
    %add3A_4 = arith.constant 320 : i32
    %add3A_5 = arith.addi %mul3A_0, %add3A_4 : i32
    "tpu.region"() ({
      %run_scoped3A = tpu.sem_alloc : memref<!tpu.dma_semaphore, #tpu.memory_space<semaphore_mem>>
      %dma_start3A = arith.constant 0 : i32
      %dma_start3A_17 = tpu.memref_slice %arg13[%add3A_5, %dma_start3A] : memref<10240x128xf32, #tpu.memory_space<vmem_shared>> -> memref<160x128xf32, #tpu.memory_space<vmem_shared>>
      tpu.enqueue_dma source(%arg5 : memref<160x128xf32, #tpu.memory_space<hbm>>) target(%dma_start3A_17 : memref<160x128xf32, #tpu.memory_space<vmem_shared>>) target_semaphore(%run_scoped3A : memref<!tpu.dma_semaphore, #tpu.memory_space<semaphore_mem>>)
      %dma_wait3A = arith.constant 0 : i32
      %dma_wait3A_18 = tpu.memref_slice %arg13[%add3A_5, %dma_wait3A] : memref<10240x128xf32, #tpu.memory_space<vmem_shared>> -> memref<160x128xf32, #tpu.memory_space<vmem_shared>>
      tpu.wait_dma2 semaphore(%run_scoped3A : memref<!tpu.dma_semaphore, #tpu.memory_space<semaphore_mem>>) src(%arg5 : memref<160x128xf32, #tpu.memory_space<hbm>>) dst(%dma_wait3A_18 : memref<160x128xf32, #tpu.memory_space<vmem_shared>>)
      tpu.yield
    }) : () -> ()
    %add3A_6 = arith.constant 480 : i32
    %add3A_7 = arith.addi %mul3A_0, %add3A_6 : i32
    "tpu.region"() ({
      %run_scoped3A = tpu.sem_alloc : memref<!tpu.dma_semaphore, #tpu.memory_space<semaphore_mem>>
      %dma_start3A = arith.constant 0 : i32
      %dma_start3A_17 = tpu.memref_slice %arg13[%add3A_7, %dma_start3A] : memref<10240x128xf32, #tpu.memory_space<vmem_shared>> -> memref<160x128xf32, #tpu.memory_space<vmem_shared>>
      tpu.enqueue_dma source(%arg5 : memref<160x128xf32, #tpu.memory_space<hbm>>) target(%dma_start3A_17 : memref<160x128xf32, #tpu.memory_space<vmem_shared>>) target_semaphore(%run_scoped3A : memref<!tpu.dma_semaphore, #tpu.memory_space<semaphore_mem>>)
      %dma_wait3A = arith.constant 0 : i32
      %dma_wait3A_18 = tpu.memref_slice %arg13[%add3A_7, %dma_wait3A] : memref<10240x128xf32, #tpu.memory_space<vmem_shared>> -> memref<160x128xf32, #tpu.memory_space<vmem_shared>>
      tpu.wait_dma2 semaphore(%run_scoped3A : memref<!tpu.dma_semaphore, #tpu.memory_space<semaphore_mem>>) src(%arg5 : memref<160x128xf32, #tpu.memory_space<hbm>>) dst(%dma_wait3A_18 : memref<160x128xf32, #tpu.memory_space<vmem_shared>>)
      tpu.yield
    }) : () -> ()
    %barrier3A = arith.constant 0 : index
    tpu.barrier barrier_id(%barrier3A)
    %scan3A = arith.constant 0 : i32
    %scan3A_8 = arith.constant 0 : i32
    %scan3A_9 = arith.constant 63 : i32
    %scan3A_10 = arith.addi %scan3A_8, %scan3A_9 : i32
    %scan3A_11 = arith.constant 1 : i32
    scf.for %scan3A_17 = %scan3A_8 to %scan3A_10 step %scan3A_11  : i32 {
      %mul3A_18 = arith.constant 2 : i32
      %mul3A_19 = arith.muli %arg1, %mul3A_18 : i32
      %add3A_20 = arith.addi %mul3A_19, %arg0 : i32
      %mul3A_21 = arith.constant 32 : i32
      %mul3A_22 = arith.muli %mul3A_21, %scan3A_17 : i32
      %add3A_23 = arith.addi %add3A_20, %mul3A_22 : i32
      %lt3A = arith.constant 2000 : i32
      %lt3A_24 = arith.cmpi slt, %add3A_23, %lt3A : i32
      %eq3A = arith.constant 0 : i32
      %eq3A_25 = arith.cmpi eq, %arg0, %eq3A : i32
      %and3A = arith.andi %lt3A_24, %eq3A_25 : i1
      %convert_element_type3A = arith.extui %and3A : i1 to i32
      %cond3A = arith.constant 0 : i32
      %cond3A_26 = arith.cmpi ne, %convert_element_type3A, %cond3A : i32
      scf.if %cond3A_26 {
        %mul3A_337 = arith.constant 160 : i32
        %mul3A_338 = arith.muli %add3A_23, %mul3A_337 : i32
        "tpu.region"() ({
          %run_scoped3A = tpu.sem_alloc : memref<!tpu.dma_semaphore, #tpu.memory_space<semaphore_mem>>
          %dma_start3A_345 = tpu.memref_slice %arg3[%mul3A_338] : memref<320000xi32, #tpu.memory_space<hbm>> -> memref<160xi32, #tpu.memory_space<hbm>>
          %dma_start3A_346 = tpu.memref_slice %arg3[%mul3A_338] : memref<320000xi32, #tpu.memory_space<hbm>> -> memref<160xi32, #tpu.memory_space<hbm>>
          tpu.enqueue_dma source(%dma_start3A_346 : memref<160xi32, #tpu.memory_space<hbm>>) target(%arg7 : memref<160xi32, #tpu.memory_space<vmem>>) target_semaphore(%run_scoped3A : memref<!tpu.dma_semaphore, #tpu.memory_space<semaphore_mem>>)
          %dma_wait3A_347 = tpu.memref_slice %arg3[%mul3A_338] : memref<320000xi32, #tpu.memory_space<hbm>> -> memref<160xi32, #tpu.memory_space<hbm>>
          %dma_wait3A_348 = tpu.memref_slice %arg3[%mul3A_338] : memref<320000xi32, #tpu.memory_space<hbm>> -> memref<160xi32, #tpu.memory_space<hbm>>
          tpu.wait_dma2 semaphore(%run_scoped3A : memref<!tpu.dma_semaphore, #tpu.memory_space<semaphore_mem>>) src(%dma_wait3A_348 : memref<160xi32, #tpu.memory_space<hbm>>) dst(%arg7 : memref<160xi32, #tpu.memory_space<vmem>>)
          tpu.yield
        }) : () -> ()
        %mul3A_339 = arith.constant 160 : i32
        %mul3A_340 = arith.muli %add3A_23, %mul3A_339 : i32
        "tpu.region"() ({
          %run_scoped3A = tpu.sem_alloc : memref<!tpu.dma_semaphore, #tpu.memory_space<semaphore_mem>>
          %dma_start3A_345 = tpu.memref_slice %arg4[%mul3A_340] : memref<320000xi32, #tpu.memory_space<hbm>> -> memref<160xi32, #tpu.memory_space<hbm>>
          %dma_start3A_346 = tpu.memref_slice %arg4[%mul3A_340] : memref<320000xi32, #tpu.memory_space<hbm>> -> memref<160xi32, #tpu.memory_space<hbm>>
          tpu.enqueue_dma source(%dma_start3A_346 : memref<160xi32, #tpu.memory_space<hbm>>) target(%arg8 : memref<160xi32, #tpu.memory_space<vmem>>) target_semaphore(%run_scoped3A : memref<!tpu.dma_semaphore, #tpu.memory_space<semaphore_mem>>)
          %dma_wait3A_347 = tpu.memref_slice %arg4[%mul3A_340] : memref<320000xi32, #tpu.memory_space<hbm>> -> memref<160xi32, #tpu.memory_space<hbm>>
          %dma_wait3A_348 = tpu.memref_slice %arg4[%mul3A_340] : memref<320000xi32, #tpu.memory_space<hbm>> -> memref<160xi32, #tpu.memory_space<hbm>>
          tpu.wait_dma2 semaphore(%run_scoped3A : memref<!tpu.dma_semaphore, #tpu.memory_space<semaphore_mem>>) src(%dma_wait3A_348 : memref<160xi32, #tpu.memory_space<hbm>>) dst(%arg8 : memref<160xi32, #tpu.memory_space<vmem>>)
          tpu.yield
        }) : () -> ()
        %dma_start3A = arith.constant 0 : i32
        %dma_start3A_341 = arith.constant 0 : i32
        %dma_start3A_342 = tpu.memref_slice %arg2[%dma_start3A, %dma_start3A_341] : memref<10000x128xf32, #tpu.memory_space<hbm>> -> memref<10000x128xf32, #tpu.memory_space<hbm>>
        tpu.enqueue_indirect_dma source(%dma_start3A_342 : memref<10000x128xf32, #tpu.memory_space<hbm>>) target(%arg9 : memref<160x128xf32, #tpu.memory_space<vmem>>) offsets(%arg7 : memref<160xi32, #tpu.memory_space<vmem>>) semaphore(%arg14 : memref<!tpu.dma_semaphore, #tpu.memory_space<semaphore_mem>>)
        %dma_wait3A = arith.constant 0 : i32
        %dma_wait3A_343 = arith.constant 0 : i32
        %dma_wait3A_344 = tpu.memref_slice %arg2[%dma_wait3A, %dma_wait3A_343] : memref<10000x128xf32, #tpu.memory_space<hbm>> -> memref<10000x128xf32, #tpu.memory_space<hbm>>
        tpu.wait_indirect_dma semaphore(%arg14 : memref<!tpu.dma_semaphore, #tpu.memory_space<semaphore_mem>>) src(%dma_wait3A_344 : memref<10000x128xf32, #tpu.memory_space<hbm>>) dst(%arg9 : memref<160x128xf32, #tpu.memory_space<vmem>>)
      } else {
      }
      %eq3A_27 = arith.constant 1 : i32
      %eq3A_28 = arith.cmpi eq, %arg0, %eq3A_27 : i32
      %and3A_29 = arith.andi %lt3A_24, %eq3A_28 : i1
      %convert_element_type3A_30 = arith.extui %and3A_29 : i1 to i32
      %cond3A_31 = arith.constant 0 : i32
      %cond3A_32 = arith.cmpi ne, %convert_element_type3A_30, %cond3A_31 : i32
      scf.if %cond3A_32 {
        %mul3A_337 = arith.constant 160 : i32
        %mul3A_338 = arith.muli %add3A_23, %mul3A_337 : i32
        "tpu.region"() ({
          %run_scoped3A = tpu.sem_alloc : memref<!tpu.dma_semaphore, #tpu.memory_space<semaphore_mem>>
          %dma_start3A_345 = tpu.memref_slice %arg3[%mul3A_338] : memref<320000xi32, #tpu.memory_space<hbm>> -> memref<160xi32, #tpu.memory_space<hbm>>
          %dma_start3A_346 = tpu.memref_slice %arg3[%mul3A_338] : memref<320000xi32, #tpu.memory_space<hbm>> -> memref<160xi32, #tpu.memory_space<hbm>>
          tpu.enqueue_dma source(%dma_start3A_346 : memref<160xi32, #tpu.memory_space<hbm>>) target(%arg10 : memref<160xi32, #tpu.memory_space<vmem>>) target_semaphore(%run_scoped3A : memref<!tpu.dma_semaphore, #tpu.memory_space<semaphore_mem>>)
          %dma_wait3A_347 = tpu.memref_slice %arg3[%mul3A_338] : memref<320000xi32, #tpu.memory_space<hbm>> -> memref<160xi32, #tpu.memory_space<hbm>>
          %dma_wait3A_348 = tpu.memref_slice %arg3[%mul3A_338] : memref<320000xi32, #tpu.memory_space<hbm>> -> memref<160xi32, #tpu.memory_space<hbm>>
          tpu.wait_dma2 semaphore(%run_scoped3A : memref<!tpu.dma_semaphore, #tpu.memory_space<semaphore_mem>>) src(%dma_wait3A_348 : memref<160xi32, #tpu.memory_space<hbm>>) dst(%arg10 : memref<160xi32, #tpu.memory_space<vmem>>)
          tpu.yield
        }) : () -> ()
        %mul3A_339 = arith.constant 160 : i32
        %mul3A_340 = arith.muli %add3A_23, %mul3A_339 : i32
        "tpu.region"() ({
          %run_scoped3A = tpu.sem_alloc : memref<!tpu.dma_semaphore, #tpu.memory_space<semaphore_mem>>
          %dma_start3A_345 = tpu.memref_slice %arg4[%mul3A_340] : memref<320000xi32, #tpu.memory_space<hbm>> -> memref<160xi32, #tpu.memory_space<hbm>>
          %dma_start3A_346 = tpu.memref_slice %arg4[%mul3A_340] : memref<320000xi32, #tpu.memory_space<hbm>> -> memref<160xi32, #tpu.memory_space<hbm>>
          tpu.enqueue_dma source(%dma_start3A_346 : memref<160xi32, #tpu.memory_space<hbm>>) target(%arg11 : memref<160xi32, #tpu.memory_space<vmem>>) target_semaphore(%run_scoped3A : memref<!tpu.dma_semaphore, #tpu.memory_space<semaphore_mem>>)
          %dma_wait3A_347 = tpu.memref_slice %arg4[%mul3A_340] : memref<320000xi32, #tpu.memory_space<hbm>> -> memref<160xi32, #tpu.memory_space<hbm>>
          %dma_wait3A_348 = tpu.memref_slice %arg4[%mul3A_340] : memref<320000xi32, #tpu.memory_space<hbm>> -> memref<160xi32, #tpu.memory_space<hbm>>
          tpu.wait_dma2 semaphore(%run_scoped3A : memref<!tpu.dma_semaphore, #tpu.memory_space<semaphore_mem>>) src(%dma_wait3A_348 : memref<160xi32, #tpu.memory_space<hbm>>) dst(%arg11 : memref<160xi32, #tpu.memory_space<vmem>>)
          tpu.yield
        }) : () -> ()
        %dma_start3A = arith.constant 0 : i32
        %dma_start3A_341 = arith.constant 0 : i32
        %dma_start3A_342 = tpu.memref_slice %arg2[%dma_start3A, %dma_start3A_341] : memref<10000x128xf32, #tpu.memory_space<hbm>> -> memref<10000x128xf32, #tpu.memory_space<hbm>>
        tpu.enqueue_indirect_dma source(%dma_start3A_342 : memref<10000x128xf32, #tpu.memory_space<hbm>>) target(%arg12 : memref<160x128xf32, #tpu.memory_space<vmem>>) offsets(%arg10 : memref<160xi32, #tpu.memory_space<vmem>>) semaphore(%arg15 : memref<!tpu.dma_semaphore, #tpu.memory_space<semaphore_mem>>)
        %dma_wait3A = arith.constant 0 : i32
        %dma_wait3A_343 = arith.constant 0 : i32
        %dma_wait3A_344 = tpu.memref_slice %arg2[%dma_wait3A, %dma_wait3A_343] : memref<10000x128xf32, #tpu.memory_space<hbm>> -> memref<10000x128xf32, #tpu.memory_space<hbm>>
        tpu.wait_indirect_dma semaphore(%arg15 : memref<!tpu.dma_semaphore, #tpu.memory_space<semaphore_mem>>) src(%dma_wait3A_344 : memref<10000x128xf32, #tpu.memory_space<hbm>>) dst(%arg12 : memref<160x128xf32, #tpu.memory_space<vmem>>)
      } else {
      }
      %barrier3A_33 = arith.constant 0 : index
      tpu.barrier barrier_id(%barrier3A_33)
      %eq3A_34 = arith.constant 0 : i32
      %eq3A_35 = arith.cmpi eq, %arg1, %eq3A_34 : i32
      %and3A_36 = arith.andi %lt3A_24, %eq3A_35 : i1
      %eq3A_37 = arith.constant 0 : i32
      %eq3A_38 = arith.cmpi eq, %arg0, %eq3A_37 : i32
      %and3A_39 = arith.andi %and3A_36, %eq3A_38 : i1
      %convert_element_type3A_40 = arith.extui %and3A_39 : i1 to i32
      %cond3A_41 = arith.constant 0 : i32
      %cond3A_42 = arith.cmpi ne, %convert_element_type3A_40, %cond3A_41 : i32
      scf.if %cond3A_42 {
        "tpu.region"() ({
          %run_scoped3A = tpu.sem_alloc : memref<!tpu.dma_semaphore, #tpu.memory_space<semaphore_mem>>
          %dma_start3A = arith.constant 0 : i32
          %dma_start3A_337 = arith.constant 0 : i32
          %dma_start3A_338 = tpu.memref_slice %arg13[%dma_start3A, %dma_start3A_337] : memref<10240x128xf32, #tpu.memory_space<vmem_shared>> -> memref<10240x128xf32, #tpu.memory_space<vmem_shared>>
          tpu.enqueue_indirect_dma source(%arg9 : memref<160x128xf32, #tpu.memory_space<vmem>>) target(%dma_start3A_338 : memref<10240x128xf32, #tpu.memory_space<vmem_shared>>) offsets(%arg8 : memref<160xi32, #tpu.memory_space<vmem>>) semaphore(%run_scoped3A : memref<!tpu.dma_semaphore, #tpu.memory_space<semaphore_mem>>) {add = true}
          %dma_wait3A = arith.constant 0 : i32
          %dma_wait3A_339 = arith.constant 0 : i32
          %dma_wait3A_340 = tpu.memref_slice %arg13[%dma_wait3A, %dma_wait3A_339] : memref<10240x128xf32, #tpu.memory_space<vmem_shared>> -> memref<10240x128xf32, #tpu.memory_space<vmem_shared>>
          tpu.wait_indirect_dma semaphore(%run_scoped3A : memref<!tpu.dma_semaphore, #tpu.memory_space<semaphore_mem>>) src(%arg9 : memref<160x128xf32, #tpu.memory_space<vmem>>) dst(%dma_wait3A_340 : memref<10240x128xf32, #tpu.memory_space<vmem_shared>>)
          tpu.yield
        }) : () -> ()
      } else {
      }
      %eq3A_43 = arith.constant 0 : i32
      %eq3A_44 = arith.cmpi eq, %arg1, %eq3A_43 : i32
      %and3A_45 = arith.andi %lt3A_24, %eq3A_44 : i1
      %eq3A_46 = arith.constant 1 : i32
      %eq3A_47 = arith.cmpi eq, %arg0, %eq3A_46 : i32
      %and3A_48 = arith.andi %and3A_45, %eq3A_47 : i1
      %convert_element_type3A_49 = arith.extui %and3A_48 : i1 to i32
      %cond3A_50 = arith.constant 0 : i32
      %cond3A_51 = arith.cmpi ne, %convert_element_type3A_49, %cond3A_50 : i32
      scf.if %cond3A_51 {
        "tpu.region"() ({
          %run_scoped3A = tpu.sem_alloc : memref<!tpu.dma_semaphore, #tpu.memory_space<semaphore_mem>>
          %dma_start3A = arith.constant 0 : i32
          %dma_start3A_337 = arith.constant 0 : i32
          %dma_start3A_338 = tpu.memref_slice %arg13[%dma_start3A, %dma_start3A_337] : memref<10240x128xf32, #tpu.memory_space<vmem_shared>> -> memref<10240x128xf32, #tpu.memory_space<vmem_shared>>
          tpu.enqueue_indirect_dma source(%arg12 : memref<160x128xf32, #tpu.memory_space<vmem>>) target(%dma_start3A_338 : memref<10240x128xf32, #tpu.memory_space<vmem_shared>>) offsets(%arg11 : memref<160xi32, #tpu.memory_space<vmem>>) semaphore(%run_scoped3A : memref<!tpu.dma_semaphore, #tpu.memory_space<semaphore_mem>>) {add = true}
          %dma_wait3A = arith.constant 0 : i32
          %dma_wait3A_339 = arith.constant 0 : i32
          %dma_wait3A_340 = tpu.memref_slice %arg13[%dma_wait3A, %dma_wait3A_339] : memref<10240x128xf32, #tpu.memory_space<vmem_shared>> -> memref<10240x128xf32, #tpu.memory_space<vmem_shared>>
          tpu.wait_indirect_dma semaphore(%run_scoped3A : memref<!tpu.dma_semaphore, #tpu.memory_space<semaphore_mem>>) src(%arg12 : memref<160x128xf32, #tpu.memory_space<vmem>>) dst(%dma_wait3A_340 : memref<10240x128xf32, #tpu.memory_space<vmem_shared>>)
          tpu.yield
        }) : () -> ()
      } else {
      }
      %barrier3A_52 = arith.constant 0 : index
      tpu.barrier barrier_id(%barrier3A_52)
      %eq3A_53 = arith.constant 1 : i32
      %eq3A_54 = arith.cmpi eq, %arg1, %eq3A_53 : i32
      %and3A_55 = arith.andi %lt3A_24, %eq3A_54 : i1
      %eq3A_56 = arith.constant 0 : i32
      %eq3A_57 = arith.cmpi eq, %arg0, %eq3A_56 : i32
      %and3A_58 = arith.andi %and3A_55, %eq3A_57 : i1
      %convert_element_type3A_59 = arith.extui %and3A_58 : i1 to i32
      %cond3A_60 = arith.constant 0 : i32
      %cond3A_61 = arith.cmpi ne, %convert_element_type3A_59, %cond3A_60 : i32
      scf.if %cond3A_61 {
        "tpu.region"() ({
          %run_scoped3A = tpu.sem_alloc : memref<!tpu.dma_semaphore, #tpu.memory_space<semaphore_mem>>
          %dma_start3A = arith.constant 0 : i32
          %dma_start3A_337 = arith.constant 0 : i32
          %dma_start3A_338 = tpu.memref_slice %arg13[%dma_start3A, %dma_start3A_337] : memref<10240x128xf32, #tpu.memory_space<vmem_shared>> -> memref<10240x128xf32, #tpu.memory_space<vmem_shared>>
          tpu.enqueue_indirect_dma source(%arg9 : memref<160x128xf32, #tpu.memory_space<vmem>>) target(%dma_start3A_338 : memref<10240x128xf32, #tpu.memory_space<vmem_shared>>) offsets(%arg8 : memref<160xi32, #tpu.memory_space<vmem>>) semaphore(%run_scoped3A : memref<!tpu.dma_semaphore, #tpu.memory_space<semaphore_mem>>) {add = true}
          %dma_wait3A = arith.constant 0 : i32
          %dma_wait3A_339 = arith.constant 0 : i32
          %dma_wait3A_340 = tpu.memref_slice %arg13[%dma_wait3A, %dma_wait3A_339] : memref<10240x128xf32, #tpu.memory_space<vmem_shared>> -> memref<10240x128xf32, #tpu.memory_space<vmem_shared>>
          tpu.wait_indirect_dma semaphore(%run_scoped3A : memref<!tpu.dma_semaphore, #tpu.memory_space<semaphore_mem>>) src(%arg9 : memref<160x128xf32, #tpu.memory_space<vmem>>) dst(%dma_wait3A_340 : memref<10240x128xf32, #tpu.memory_space<vmem_shared>>)
          tpu.yield
        }) : () -> ()
      } else {
      }
      %eq3A_62 = arith.constant 1 : i32
      %eq3A_63 = arith.cmpi eq, %arg1, %eq3A_62 : i32
      %and3A_64 = arith.andi %lt3A_24, %eq3A_63 : i1
      %eq3A_65 = arith.constant 1 : i32
      %eq3A_66 = arith.cmpi eq, %arg0, %eq3A_65 : i32
      %and3A_67 = arith.andi %and3A_64, %eq3A_66 : i1
      %convert_element_type3A_68 = arith.extui %and3A_67 : i1 to i32
      %cond3A_69 = arith.constant 0 : i32
      %cond3A_70 = arith.cmpi ne, %convert_element_type3A_68, %cond3A_69 : i32
      scf.if %cond3A_70 {
        "tpu.region"() ({
          %run_scoped3A = tpu.sem_alloc : memref<!tpu.dma_semaphore, #tpu.memory_space<semaphore_mem>>
          %dma_start3A = arith.constant 0 : i32
          %dma_start3A_337 = arith.constant 0 : i32
          %dma_start3A_338 = tpu.memref_slice %arg13[%dma_start3A, %dma_start3A_337] : memref<10240x128xf32, #tpu.memory_space<vmem_shared>> -> memref<10240x128xf32, #tpu.memory_space<vmem_shared>>
          tpu.enqueue_indirect_dma source(%arg12 : memref<160x128xf32, #tpu.memory_space<vmem>>) target(%dma_start3A_338 : memref<10240x128xf32, #tpu.memory_space<vmem_shared>>) offsets(%arg11 : memref<160xi32, #tpu.memory_space<vmem>>) semaphore(%run_scoped3A : memref<!tpu.dma_semaphore, #tpu.memory_space<semaphore_mem>>) {add = true}
          %dma_wait3A = arith.constant 0 : i32
          %dma_wait3A_339 = arith.constant 0 : i32
          %dma_wait3A_340 = tpu.memref_slice %arg13[%dma_wait3A, %dma_wait3A_339] : memref<10240x128xf32, #tpu.memory_space<vmem_shared>> -> memref<10240x128xf32, #tpu.memory_space<vmem_shared>>
          tpu.wait_indirect_dma semaphore(%run_scoped3A : memref<!tpu.dma_semaphore, #tpu.memory_space<semaphore_mem>>) src(%arg12 : memref<160x128xf32, #tpu.memory_space<vmem>>) dst(%dma_wait3A_340 : memref<10240x128xf32, #tpu.memory_space<vmem_shared>>)
          tpu.yield
        }) : () -> ()
      } else {
      }
      %barrier3A_71 = arith.constant 0 : index
      tpu.barrier barrier_id(%barrier3A_71)
      %eq3A_72 = arith.constant 2 : i32
      %eq3A_73 = arith.cmpi eq, %arg1, %eq3A_72 : i32
      %and3A_74 = arith.andi %lt3A_24, %eq3A_73 : i1
      %eq3A_75 = arith.constant 0 : i32
      %eq3A_76 = arith.cmpi eq, %arg0, %eq3A_75 : i32
      %and3A_77 = arith.andi %and3A_74, %eq3A_76 : i1
      %convert_element_type3A_78 = arith.extui %and3A_77 : i1 to i32
      %cond3A_79 = arith.constant 0 : i32
      %cond3A_80 = arith.cmpi ne, %convert_element_type3A_78, %cond3A_79 : i32
      scf.if %cond3A_80 {
        "tpu.region"() ({
          %run_scoped3A = tpu.sem_alloc : memref<!tpu.dma_semaphore, #tpu.memory_space<semaphore_mem>>
          %dma_start3A = arith.constant 0 : i32
          %dma_start3A_337 = arith.constant 0 : i32
          %dma_start3A_338 = tpu.memref_slice %arg13[%dma_start3A, %dma_start3A_337] : memref<10240x128xf32, #tpu.memory_space<vmem_shared>> -> memref<10240x128xf32, #tpu.memory_space<vmem_shared>>
          tpu.enqueue_indirect_dma source(%arg9 : memref<160x128xf32, #tpu.memory_space<vmem>>) target(%dma_start3A_338 : memref<10240x128xf32, #tpu.memory_space<vmem_shared>>) offsets(%arg8 : memref<160xi32, #tpu.memory_space<vmem>>) semaphore(%run_scoped3A : memref<!tpu.dma_semaphore, #tpu.memory_space<semaphore_mem>>) {add = true}
          %dma_wait3A = arith.constant 0 : i32
          %dma_wait3A_339 = arith.constant 0 : i32
          %dma_wait3A_340 = tpu.memref_slice %arg13[%dma_wait3A, %dma_wait3A_339] : memref<10240x128xf32, #tpu.memory_space<vmem_shared>> -> memref<10240x128xf32, #tpu.memory_space<vmem_shared>>
          tpu.wait_indirect_dma semaphore(%run_scoped3A : memref<!tpu.dma_semaphore, #tpu.memory_space<semaphore_mem>>) src(%arg9 : memref<160x128xf32, #tpu.memory_space<vmem>>) dst(%dma_wait3A_340 : memref<10240x128xf32, #tpu.memory_space<vmem_shared>>)
          tpu.yield
        }) : () -> ()
      } else {
      }
      %eq3A_81 = arith.constant 2 : i32
      %eq3A_82 = arith.cmpi eq, %arg1, %eq3A_81 : i32
      %and3A_83 = arith.andi %lt3A_24, %eq3A_82 : i1
      %eq3A_84 = arith.constant 1 : i32
      %eq3A_85 = arith.cmpi eq, %arg0, %eq3A_84 : i32
      %and3A_86 = arith.andi %and3A_83, %eq3A_85 : i1
      %convert_element_type3A_87 = arith.extui %and3A_86 : i1 to i32
      %cond3A_88 = arith.constant 0 : i32
      %cond3A_89 = arith.cmpi ne, %convert_element_type3A_87, %cond3A_88 : i32
      scf.if %cond3A_89 {
        "tpu.region"() ({
          %run_scoped3A = tpu.sem_alloc : memref<!tpu.dma_semaphore, #tpu.memory_space<semaphore_mem>>
          %dma_start3A = arith.constant 0 : i32
          %dma_start3A_337 = arith.constant 0 : i32
          %dma_start3A_338 = tpu.memref_slice %arg13[%dma_start3A, %dma_start3A_337] : memref<10240x128xf32, #tpu.memory_space<vmem_shared>> -> memref<10240x128xf32, #tpu.memory_space<vmem_shared>>
          tpu.enqueue_indirect_dma source(%arg12 : memref<160x128xf32, #tpu.memory_space<vmem>>) target(%dma_start3A_338 : memref<10240x128xf32, #tpu.memory_space<vmem_shared>>) offsets(%arg11 : memref<160xi32, #tpu.memory_space<vmem>>) semaphore(%run_scoped3A : memref<!tpu.dma_semaphore, #tpu.memory_space<semaphore_mem>>) {add = true}
          %dma_wait3A = arith.constant 0 : i32
          %dma_wait3A_339 = arith.constant 0 : i32
          %dma_wait3A_340 = tpu.memref_slice %arg13[%dma_wait3A, %dma_wait3A_339] : memref<10240x128xf32, #tpu.memory_space<vmem_shared>> -> memref<10240x128xf32, #tpu.memory_space<vmem_shared>>
          tpu.wait_indirect_dma semaphore(%run_scoped3A : memref<!tpu.dma_semaphore, #tpu.memory_space<semaphore_mem>>) src(%arg12 : memref<160x128xf32, #tpu.memory_space<vmem>>) dst(%dma_wait3A_340 : memref<10240x128xf32, #tpu.memory_space<vmem_shared>>)
          tpu.yield
        }) : () -> ()
      } else {
      }
      %barrier3A_90 = arith.constant 0 : index
      tpu.barrier barrier_id(%barrier3A_90)
      %eq3A_91 = arith.constant 3 : i32
      %eq3A_92 = arith.cmpi eq, %arg1, %eq3A_91 : i32
      %and3A_93 = arith.andi %lt3A_24, %eq3A_92 : i1
      %eq3A_94 = arith.constant 0 : i32
      %eq3A_95 = arith.cmpi eq, %arg0, %eq3A_94 : i32
      %and3A_96 = arith.andi %and3A_93, %eq3A_95 : i1
      %convert_element_type3A_97 = arith.extui %and3A_96 : i1 to i32
      %cond3A_98 = arith.constant 0 : i32
      %cond3A_99 = arith.cmpi ne, %convert_element_type3A_97, %cond3A_98 : i32
      scf.if %cond3A_99 {
        "tpu.region"() ({
          %run_scoped3A = tpu.sem_alloc : memref<!tpu.dma_semaphore, #tpu.memory_space<semaphore_mem>>
          %dma_start3A = arith.constant 0 : i32
          %dma_start3A_337 = arith.constant 0 : i32
          %dma_start3A_338 = tpu.memref_slice %arg13[%dma_start3A, %dma_start3A_337] : memref<10240x128xf32, #tpu.memory_space<vmem_shared>> -> memref<10240x128xf32, #tpu.memory_space<vmem_shared>>
          tpu.enqueue_indirect_dma source(%arg9 : memref<160x128xf32, #tpu.memory_space<vmem>>) target(%dma_start3A_338 : memref<10240x128xf32, #tpu.memory_space<vmem_shared>>) offsets(%arg8 : memref<160xi32, #tpu.memory_space<vmem>>) semaphore(%run_scoped3A : memref<!tpu.dma_semaphore, #tpu.memory_space<semaphore_mem>>) {add = true}
          %dma_wait3A = arith.constant 0 : i32
          %dma_wait3A_339 = arith.constant 0 : i32
          %dma_wait3A_340 = tpu.memref_slice %arg13[%dma_wait3A, %dma_wait3A_339] : memref<10240x128xf32, #tpu.memory_space<vmem_shared>> -> memref<10240x128xf32, #tpu.memory_space<vmem_shared>>
          tpu.wait_indirect_dma semaphore(%run_scoped3A : memref<!tpu.dma_semaphore, #tpu.memory_space<semaphore_mem>>) src(%arg9 : memref<160x128xf32, #tpu.memory_space<vmem>>) dst(%dma_wait3A_340 : memref<10240x128xf32, #tpu.memory_space<vmem_shared>>)
          tpu.yield
        }) : () -> ()
      } else {
      }
      %eq3A_100 = arith.constant 3 : i32
      %eq3A_101 = arith.cmpi eq, %arg1, %eq3A_100 : i32
      %and3A_102 = arith.andi %lt3A_24, %eq3A_101 : i1
      %eq3A_103 = arith.constant 1 : i32
      %eq3A_104 = arith.cmpi eq, %arg0, %eq3A_103 : i32
      %and3A_105 = arith.andi %and3A_102, %eq3A_104 : i1
      %convert_element_type3A_106 = arith.extui %and3A_105 : i1 to i32
      %cond3A_107 = arith.constant 0 : i32
      %cond3A_108 = arith.cmpi ne, %convert_element_type3A_106, %cond3A_107 : i32
      scf.if %cond3A_108 {
        "tpu.region"() ({
          %run_scoped3A = tpu.sem_alloc : memref<!tpu.dma_semaphore, #tpu.memory_space<semaphore_mem>>
          %dma_start3A = arith.constant 0 : i32
          %dma_start3A_337 = arith.constant 0 : i32
          %dma_start3A_338 = tpu.memref_slice %arg13[%dma_start3A, %dma_start3A_337] : memref<10240x128xf32, #tpu.memory_space<vmem_shared>> -> memref<10240x128xf32, #tpu.memory_space<vmem_shared>>
          tpu.enqueue_indirect_dma source(%arg12 : memref<160x128xf32, #tpu.memory_space<vmem>>) target(%dma_start3A_338 : memref<10240x128xf32, #tpu.memory_space<vmem_shared>>) offsets(%arg11 : memref<160xi32, #tpu.memory_space<vmem>>) semaphore(%run_scoped3A : memref<!tpu.dma_semaphore, #tpu.memory_space<semaphore_mem>>) {add = true}
          %dma_wait3A = arith.constant 0 : i32
          %dma_wait3A_339 = arith.constant 0 : i32
          %dma_wait3A_340 = tpu.memref_slice %arg13[%dma_wait3A, %dma_wait3A_339] : memref<10240x128xf32, #tpu.memory_space<vmem_shared>> -> memref<10240x128xf32, #tpu.memory_space<vmem_shared>>
          tpu.wait_indirect_dma semaphore(%run_scoped3A : memref<!tpu.dma_semaphore, #tpu.memory_space<semaphore_mem>>) src(%arg12 : memref<160x128xf32, #tpu.memory_space<vmem>>) dst(%dma_wait3A_340 : memref<10240x128xf32, #tpu.memory_space<vmem_shared>>)
          tpu.yield
        }) : () -> ()
      } else {
      }
      %barrier3A_109 = arith.constant 0 : index
      tpu.barrier barrier_id(%barrier3A_109)
      %eq3A_110 = arith.constant 4 : i32
      %eq3A_111 = arith.cmpi eq, %arg1, %eq3A_110 : i32
      %and3A_112 = arith.andi %lt3A_24, %eq3A_111 : i1
      %eq3A_113 = arith.constant 0 : i32
      %eq3A_114 = arith.cmpi eq, %arg0, %eq3A_113 : i32
      %and3A_115 = arith.andi %and3A_112, %eq3A_114 : i1
      %convert_element_type3A_116 = arith.extui %and3A_115 : i1 to i32
      %cond3A_117 = arith.constant 0 : i32
      %cond3A_118 = arith.cmpi ne, %convert_element_type3A_116, %cond3A_117 : i32
      scf.if %cond3A_118 {
        "tpu.region"() ({
          %run_scoped3A = tpu.sem_alloc : memref<!tpu.dma_semaphore, #tpu.memory_space<semaphore_mem>>
          %dma_start3A = arith.constant 0 : i32
          %dma_start3A_337 = arith.constant 0 : i32
          %dma_start3A_338 = tpu.memref_slice %arg13[%dma_start3A, %dma_start3A_337] : memref<10240x128xf32, #tpu.memory_space<vmem_shared>> -> memref<10240x128xf32, #tpu.memory_space<vmem_shared>>
          tpu.enqueue_indirect_dma source(%arg9 : memref<160x128xf32, #tpu.memory_space<vmem>>) target(%dma_start3A_338 : memref<10240x128xf32, #tpu.memory_space<vmem_shared>>) offsets(%arg8 : memref<160xi32, #tpu.memory_space<vmem>>) semaphore(%run_scoped3A : memref<!tpu.dma_semaphore, #tpu.memory_space<semaphore_mem>>) {add = true}
          %dma_wait3A = arith.constant 0 : i32
          %dma_wait3A_339 = arith.constant 0 : i32
          %dma_wait3A_340 = tpu.memref_slice %arg13[%dma_wait3A, %dma_wait3A_339] : memref<10240x128xf32, #tpu.memory_space<vmem_shared>> -> memref<10240x128xf32, #tpu.memory_space<vmem_shared>>
          tpu.wait_indirect_dma semaphore(%run_scoped3A : memref<!tpu.dma_semaphore, #tpu.memory_space<semaphore_mem>>) src(%arg9 : memref<160x128xf32, #tpu.memory_space<vmem>>) dst(%dma_wait3A_340 : memref<10240x128xf32, #tpu.memory_space<vmem_shared>>)
          tpu.yield
        }) : () -> ()
      } else {
      }
      %eq3A_119 = arith.constant 4 : i32
      %eq3A_120 = arith.cmpi eq, %arg1, %eq3A_119 : i32
      %and3A_121 = arith.andi %lt3A_24, %eq3A_120 : i1
      %eq3A_122 = arith.constant 1 : i32
      %eq3A_123 = arith.cmpi eq, %arg0, %eq3A_122 : i32
      %and3A_124 = arith.andi %and3A_121, %eq3A_123 : i1
      %convert_element_type3A_125 = arith.extui %and3A_124 : i1 to i32
      %cond3A_126 = arith.constant 0 : i32
      %cond3A_127 = arith.cmpi ne, %convert_element_type3A_125, %cond3A_126 : i32
      scf.if %cond3A_127 {
        "tpu.region"() ({
          %run_scoped3A = tpu.sem_alloc : memref<!tpu.dma_semaphore, #tpu.memory_space<semaphore_mem>>
          %dma_start3A = arith.constant 0 : i32
          %dma_start3A_337 = arith.constant 0 : i32
          %dma_start3A_338 = tpu.memref_slice %arg13[%dma_start3A, %dma_start3A_337] : memref<10240x128xf32, #tpu.memory_space<vmem_shared>> -> memref<10240x128xf32, #tpu.memory_space<vmem_shared>>
          tpu.enqueue_indirect_dma source(%arg12 : memref<160x128xf32, #tpu.memory_space<vmem>>) target(%dma_start3A_338 : memref<10240x128xf32, #tpu.memory_space<vmem_shared>>) offsets(%arg11 : memref<160xi32, #tpu.memory_space<vmem>>) semaphore(%run_scoped3A : memref<!tpu.dma_semaphore, #tpu.memory_space<semaphore_mem>>) {add = true}
          %dma_wait3A = arith.constant 0 : i32
          %dma_wait3A_339 = arith.constant 0 : i32
          %dma_wait3A_340 = tpu.memref_slice %arg13[%dma_wait3A, %dma_wait3A_339] : memref<10240x128xf32, #tpu.memory_space<vmem_shared>> -> memref<10240x128xf32, #tpu.memory_space<vmem_shared>>
          tpu.wait_indirect_dma semaphore(%run_scoped3A : memref<!tpu.dma_semaphore, #tpu.memory_space<semaphore_mem>>) src(%arg12 : memref<160x128xf32, #tpu.memory_space<vmem>>) dst(%dma_wait3A_340 : memref<10240x128xf32, #tpu.memory_space<vmem_shared>>)
          tpu.yield
        }) : () -> ()
      } else {
      }
      %barrier3A_128 = arith.constant 0 : index
      tpu.barrier barrier_id(%barrier3A_128)
      %eq3A_129 = arith.constant 5 : i32
      %eq3A_130 = arith.cmpi eq, %arg1, %eq3A_129 : i32
      %and3A_131 = arith.andi %lt3A_24, %eq3A_130 : i1
      %eq3A_132 = arith.constant 0 : i32
      %eq3A_133 = arith.cmpi eq, %arg0, %eq3A_132 : i32
      %and3A_134 = arith.andi %and3A_131, %eq3A_133 : i1
      %convert_element_type3A_135 = arith.extui %and3A_134 : i1 to i32
      %cond3A_136 = arith.constant 0 : i32
      %cond3A_137 = arith.cmpi ne, %convert_element_type3A_135, %cond3A_136 : i32
      scf.if %cond3A_137 {
        "tpu.region"() ({
          %run_scoped3A = tpu.sem_alloc : memref<!tpu.dma_semaphore, #tpu.memory_space<semaphore_mem>>
          %dma_start3A = arith.constant 0 : i32
          %dma_start3A_337 = arith.constant 0 : i32
          %dma_start3A_338 = tpu.memref_slice %arg13[%dma_start3A, %dma_start3A_337] : memref<10240x128xf32, #tpu.memory_space<vmem_shared>> -> memref<10240x128xf32, #tpu.memory_space<vmem_shared>>
          tpu.enqueue_indirect_dma source(%arg9 : memref<160x128xf32, #tpu.memory_space<vmem>>) target(%dma_start3A_338 : memref<10240x128xf32, #tpu.memory_space<vmem_shared>>) offsets(%arg8 : memref<160xi32, #tpu.memory_space<vmem>>) semaphore(%run_scoped3A : memref<!tpu.dma_semaphore, #tpu.memory_space<semaphore_mem>>) {add = true}
          %dma_wait3A = arith.constant 0 : i32
          %dma_wait3A_339 = arith.constant 0 : i32
          %dma_wait3A_340 = tpu.memref_slice %arg13[%dma_wait3A, %dma_wait3A_339] : memref<10240x128xf32, #tpu.memory_space<vmem_shared>> -> memref<10240x128xf32, #tpu.memory_space<vmem_shared>>
          tpu.wait_indirect_dma semaphore(%run_scoped3A : memref<!tpu.dma_semaphore, #tpu.memory_space<semaphore_mem>>) src(%arg9 : memref<160x128xf32, #tpu.memory_space<vmem>>) dst(%dma_wait3A_340 : memref<10240x128xf32, #tpu.memory_space<vmem_shared>>)
          tpu.yield
        }) : () -> ()
      } else {
      }
      %eq3A_138 = arith.constant 5 : i32
      %eq3A_139 = arith.cmpi eq, %arg1, %eq3A_138 : i32
      %and3A_140 = arith.andi %lt3A_24, %eq3A_139 : i1
      %eq3A_141 = arith.constant 1 : i32
      %eq3A_142 = arith.cmpi eq, %arg0, %eq3A_141 : i32
      %and3A_143 = arith.andi %and3A_140, %eq3A_142 : i1
      %convert_element_type3A_144 = arith.extui %and3A_143 : i1 to i32
      %cond3A_145 = arith.constant 0 : i32
      %cond3A_146 = arith.cmpi ne, %convert_element_type3A_144, %cond3A_145 : i32
      scf.if %cond3A_146 {
        "tpu.region"() ({
          %run_scoped3A = tpu.sem_alloc : memref<!tpu.dma_semaphore, #tpu.memory_space<semaphore_mem>>
          %dma_start3A = arith.constant 0 : i32
          %dma_start3A_337 = arith.constant 0 : i32
          %dma_start3A_338 = tpu.memref_slice %arg13[%dma_start3A, %dma_start3A_337] : memref<10240x128xf32, #tpu.memory_space<vmem_shared>> -> memref<10240x128xf32, #tpu.memory_space<vmem_shared>>
          tpu.enqueue_indirect_dma source(%arg12 : memref<160x128xf32, #tpu.memory_space<vmem>>) target(%dma_start3A_338 : memref<10240x128xf32, #tpu.memory_space<vmem_shared>>) offsets(%arg11 : memref<160xi32, #tpu.memory_space<vmem>>) semaphore(%run_scoped3A : memref<!tpu.dma_semaphore, #tpu.memory_space<semaphore_mem>>) {add = true}
          %dma_wait3A = arith.constant 0 : i32
          %dma_wait3A_339 = arith.constant 0 : i32
          %dma_wait3A_340 = tpu.memref_slice %arg13[%dma_wait3A, %dma_wait3A_339] : memref<10240x128xf32, #tpu.memory_space<vmem_shared>> -> memref<10240x128xf32, #tpu.memory_space<vmem_shared>>
          tpu.wait_indirect_dma semaphore(%run_scoped3A : memref<!tpu.dma_semaphore, #tpu.memory_space<semaphore_mem>>) src(%arg12 : memref<160x128xf32, #tpu.memory_space<vmem>>) dst(%dma_wait3A_340 : memref<10240x128xf32, #tpu.memory_space<vmem_shared>>)
          tpu.yield
        }) : () -> ()
      } else {
      }
      %barrier3A_147 = arith.constant 0 : index
      tpu.barrier barrier_id(%barrier3A_147)
      %eq3A_148 = arith.constant 6 : i32
      %eq3A_149 = arith.cmpi eq, %arg1, %eq3A_148 : i32
      %and3A_150 = arith.andi %lt3A_24, %eq3A_149 : i1
      %eq3A_151 = arith.constant 0 : i32
      %eq3A_152 = arith.cmpi eq, %arg0, %eq3A_151 : i32
      %and3A_153 = arith.andi %and3A_150, %eq3A_152 : i1
      %convert_element_type3A_154 = arith.extui %and3A_153 : i1 to i32
      %cond3A_155 = arith.constant 0 : i32
      %cond3A_156 = arith.cmpi ne, %convert_element_type3A_154, %cond3A_155 : i32
      scf.if %cond3A_156 {
        "tpu.region"() ({
          %run_scoped3A = tpu.sem_alloc : memref<!tpu.dma_semaphore, #tpu.memory_space<semaphore_mem>>
          %dma_start3A = arith.constant 0 : i32
          %dma_start3A_337 = arith.constant 0 : i32
          %dma_start3A_338 = tpu.memref_slice %arg13[%dma_start3A, %dma_start3A_337] : memref<10240x128xf32, #tpu.memory_space<vmem_shared>> -> memref<10240x128xf32, #tpu.memory_space<vmem_shared>>
          tpu.enqueue_indirect_dma source(%arg9 : memref<160x128xf32, #tpu.memory_space<vmem>>) target(%dma_start3A_338 : memref<10240x128xf32, #tpu.memory_space<vmem_shared>>) offsets(%arg8 : memref<160xi32, #tpu.memory_space<vmem>>) semaphore(%run_scoped3A : memref<!tpu.dma_semaphore, #tpu.memory_space<semaphore_mem>>) {add = true}
          %dma_wait3A = arith.constant 0 : i32
          %dma_wait3A_339 = arith.constant 0 : i32
          %dma_wait3A_340 = tpu.memref_slice %arg13[%dma_wait3A, %dma_wait3A_339] : memref<10240x128xf32, #tpu.memory_space<vmem_shared>> -> memref<10240x128xf32, #tpu.memory_space<vmem_shared>>
          tpu.wait_indirect_dma semaphore(%run_scoped3A : memref<!tpu.dma_semaphore, #tpu.memory_space<semaphore_mem>>) src(%arg9 : memref<160x128xf32, #tpu.memory_space<vmem>>) dst(%dma_wait3A_340 : memref<10240x128xf32, #tpu.memory_space<vmem_shared>>)
          tpu.yield
        }) : () -> ()
      } else {
      }
      %eq3A_157 = arith.constant 6 : i32
      %eq3A_158 = arith.cmpi eq, %arg1, %eq3A_157 : i32
      %and3A_159 = arith.andi %lt3A_24, %eq3A_158 : i1
      %eq3A_160 = arith.constant 1 : i32
      %eq3A_161 = arith.cmpi eq, %arg0, %eq3A_160 : i32
      %and3A_162 = arith.andi %and3A_159, %eq3A_161 : i1
      %convert_element_type3A_163 = arith.extui %and3A_162 : i1 to i32
      %cond3A_164 = arith.constant 0 : i32
      %cond3A_165 = arith.cmpi ne, %convert_element_type3A_163, %cond3A_164 : i32
      scf.if %cond3A_165 {
        "tpu.region"() ({
          %run_scoped3A = tpu.sem_alloc : memref<!tpu.dma_semaphore, #tpu.memory_space<semaphore_mem>>
          %dma_start3A = arith.constant 0 : i32
          %dma_start3A_337 = arith.constant 0 : i32
          %dma_start3A_338 = tpu.memref_slice %arg13[%dma_start3A, %dma_start3A_337] : memref<10240x128xf32, #tpu.memory_space<vmem_shared>> -> memref<10240x128xf32, #tpu.memory_space<vmem_shared>>
          tpu.enqueue_indirect_dma source(%arg12 : memref<160x128xf32, #tpu.memory_space<vmem>>) target(%dma_start3A_338 : memref<10240x128xf32, #tpu.memory_space<vmem_shared>>) offsets(%arg11 : memref<160xi32, #tpu.memory_space<vmem>>) semaphore(%run_scoped3A : memref<!tpu.dma_semaphore, #tpu.memory_space<semaphore_mem>>) {add = true}
          %dma_wait3A = arith.constant 0 : i32
          %dma_wait3A_339 = arith.constant 0 : i32
          %dma_wait3A_340 = tpu.memref_slice %arg13[%dma_wait3A, %dma_wait3A_339] : memref<10240x128xf32, #tpu.memory_space<vmem_shared>> -> memref<10240x128xf32, #tpu.memory_space<vmem_shared>>
          tpu.wait_indirect_dma semaphore(%run_scoped3A : memref<!tpu.dma_semaphore, #tpu.memory_space<semaphore_mem>>) src(%arg12 : memref<160x128xf32, #tpu.memory_space<vmem>>) dst(%dma_wait3A_340 : memref<10240x128xf32, #tpu.memory_space<vmem_shared>>)
          tpu.yield
        }) : () -> ()
      } else {
      }
      %barrier3A_166 = arith.constant 0 : index
      tpu.barrier barrier_id(%barrier3A_166)
      %eq3A_167 = arith.constant 7 : i32
      %eq3A_168 = arith.cmpi eq, %arg1, %eq3A_167 : i32
      %and3A_169 = arith.andi %lt3A_24, %eq3A_168 : i1
      %eq3A_170 = arith.constant 0 : i32
      %eq3A_171 = arith.cmpi eq, %arg0, %eq3A_170 : i32
      %and3A_172 = arith.andi %and3A_169, %eq3A_171 : i1
      %convert_element_type3A_173 = arith.extui %and3A_172 : i1 to i32
      %cond3A_174 = arith.constant 0 : i32
      %cond3A_175 = arith.cmpi ne, %convert_element_type3A_173, %cond3A_174 : i32
      scf.if %cond3A_175 {
        "tpu.region"() ({
          %run_scoped3A = tpu.sem_alloc : memref<!tpu.dma_semaphore, #tpu.memory_space<semaphore_mem>>
          %dma_start3A = arith.constant 0 : i32
          %dma_start3A_337 = arith.constant 0 : i32
          %dma_start3A_338 = tpu.memref_slice %arg13[%dma_start3A, %dma_start3A_337] : memref<10240x128xf32, #tpu.memory_space<vmem_shared>> -> memref<10240x128xf32, #tpu.memory_space<vmem_shared>>
          tpu.enqueue_indirect_dma source(%arg9 : memref<160x128xf32, #tpu.memory_space<vmem>>) target(%dma_start3A_338 : memref<10240x128xf32, #tpu.memory_space<vmem_shared>>) offsets(%arg8 : memref<160xi32, #tpu.memory_space<vmem>>) semaphore(%run_scoped3A : memref<!tpu.dma_semaphore, #tpu.memory_space<semaphore_mem>>) {add = true}
          %dma_wait3A = arith.constant 0 : i32
          %dma_wait3A_339 = arith.constant 0 : i32
          %dma_wait3A_340 = tpu.memref_slice %arg13[%dma_wait3A, %dma_wait3A_339] : memref<10240x128xf32, #tpu.memory_space<vmem_shared>> -> memref<10240x128xf32, #tpu.memory_space<vmem_shared>>
          tpu.wait_indirect_dma semaphore(%run_scoped3A : memref<!tpu.dma_semaphore, #tpu.memory_space<semaphore_mem>>) src(%arg9 : memref<160x128xf32, #tpu.memory_space<vmem>>) dst(%dma_wait3A_340 : memref<10240x128xf32, #tpu.memory_space<vmem_shared>>)
          tpu.yield
        }) : () -> ()
      } else {
      }
      %eq3A_176 = arith.constant 7 : i32
      %eq3A_177 = arith.cmpi eq, %arg1, %eq3A_176 : i32
      %and3A_178 = arith.andi %lt3A_24, %eq3A_177 : i1
      %eq3A_179 = arith.constant 1 : i32
      %eq3A_180 = arith.cmpi eq, %arg0, %eq3A_179 : i32
      %and3A_181 = arith.andi %and3A_178, %eq3A_180 : i1
      %convert_element_type3A_182 = arith.extui %and3A_181 : i1 to i32
      %cond3A_183 = arith.constant 0 : i32
      %cond3A_184 = arith.cmpi ne, %convert_element_type3A_182, %cond3A_183 : i32
      scf.if %cond3A_184 {
        "tpu.region"() ({
          %run_scoped3A = tpu.sem_alloc : memref<!tpu.dma_semaphore, #tpu.memory_space<semaphore_mem>>
          %dma_start3A = arith.constant 0 : i32
          %dma_start3A_337 = arith.constant 0 : i32
          %dma_start3A_338 = tpu.memref_slice %arg13[%dma_start3A, %dma_start3A_337] : memref<10240x128xf32, #tpu.memory_space<vmem_shared>> -> memref<10240x128xf32, #tpu.memory_space<vmem_shared>>
          tpu.enqueue_indirect_dma source(%arg12 : memref<160x128xf32, #tpu.memory_space<vmem>>) target(%dma_start3A_338 : memref<10240x128xf32, #tpu.memory_space<vmem_shared>>) offsets(%arg11 : memref<160xi32, #tpu.memory_space<vmem>>) semaphore(%run_scoped3A : memref<!tpu.dma_semaphore, #tpu.memory_space<semaphore_mem>>) {add = true}
          %dma_wait3A = arith.constant 0 : i32
          %dma_wait3A_339 = arith.constant 0 : i32
          %dma_wait3A_340 = tpu.memref_slice %arg13[%dma_wait3A, %dma_wait3A_339] : memref<10240x128xf32, #tpu.memory_space<vmem_shared>> -> memref<10240x128xf32, #tpu.memory_space<vmem_shared>>
          tpu.wait_indirect_dma semaphore(%run_scoped3A : memref<!tpu.dma_semaphore, #tpu.memory_space<semaphore_mem>>) src(%arg12 : memref<160x128xf32, #tpu.memory_space<vmem>>) dst(%dma_wait3A_340 : memref<10240x128xf32, #tpu.memory_space<vmem_shared>>)
          tpu.yield
        }) : () -> ()
      } else {
      }
      %barrier3A_185 = arith.constant 0 : index
      tpu.barrier barrier_id(%barrier3A_185)
      %eq3A_186 = arith.constant 8 : i32
      %eq3A_187 = arith.cmpi eq, %arg1, %eq3A_186 : i32
      %and3A_188 = arith.andi %lt3A_24, %eq3A_187 : i1
      %eq3A_189 = arith.constant 0 : i32
      %eq3A_190 = arith.cmpi eq, %arg0, %eq3A_189 : i32
      %and3A_191 = arith.andi %and3A_188, %eq3A_190 : i1
      %convert_element_type3A_192 = arith.extui %and3A_191 : i1 to i32
      %cond3A_193 = arith.constant 0 : i32
      %cond3A_194 = arith.cmpi ne, %convert_element_type3A_192, %cond3A_193 : i32
      scf.if %cond3A_194 {
        "tpu.region"() ({
          %run_scoped3A = tpu.sem_alloc : memref<!tpu.dma_semaphore, #tpu.memory_space<semaphore_mem>>
          %dma_start3A = arith.constant 0 : i32
          %dma_start3A_337 = arith.constant 0 : i32
          %dma_start3A_338 = tpu.memref_slice %arg13[%dma_start3A, %dma_start3A_337] : memref<10240x128xf32, #tpu.memory_space<vmem_shared>> -> memref<10240x128xf32, #tpu.memory_space<vmem_shared>>
          tpu.enqueue_indirect_dma source(%arg9 : memref<160x128xf32, #tpu.memory_space<vmem>>) target(%dma_start3A_338 : memref<10240x128xf32, #tpu.memory_space<vmem_shared>>) offsets(%arg8 : memref<160xi32, #tpu.memory_space<vmem>>) semaphore(%run_scoped3A : memref<!tpu.dma_semaphore, #tpu.memory_space<semaphore_mem>>) {add = true}
          %dma_wait3A = arith.constant 0 : i32
          %dma_wait3A_339 = arith.constant 0 : i32
          %dma_wait3A_340 = tpu.memref_slice %arg13[%dma_wait3A, %dma_wait3A_339] : memref<10240x128xf32, #tpu.memory_space<vmem_shared>> -> memref<10240x128xf32, #tpu.memory_space<vmem_shared>>
          tpu.wait_indirect_dma semaphore(%run_scoped3A : memref<!tpu.dma_semaphore, #tpu.memory_space<semaphore_mem>>) src(%arg9 : memref<160x128xf32, #tpu.memory_space<vmem>>) dst(%dma_wait3A_340 : memref<10240x128xf32, #tpu.memory_space<vmem_shared>>)
          tpu.yield
        }) : () -> ()
      } else {
      }
      %eq3A_195 = arith.constant 8 : i32
      %eq3A_196 = arith.cmpi eq, %arg1, %eq3A_195 : i32
      %and3A_197 = arith.andi %lt3A_24, %eq3A_196 : i1
      %eq3A_198 = arith.constant 1 : i32
      %eq3A_199 = arith.cmpi eq, %arg0, %eq3A_198 : i32
      %and3A_200 = arith.andi %and3A_197, %eq3A_199 : i1
      %convert_element_type3A_201 = arith.extui %and3A_200 : i1 to i32
      %cond3A_202 = arith.constant 0 : i32
      %cond3A_203 = arith.cmpi ne, %convert_element_type3A_201, %cond3A_202 : i32
      scf.if %cond3A_203 {
        "tpu.region"() ({
          %run_scoped3A = tpu.sem_alloc : memref<!tpu.dma_semaphore, #tpu.memory_space<semaphore_mem>>
          %dma_start3A = arith.constant 0 : i32
          %dma_start3A_337 = arith.constant 0 : i32
          %dma_start3A_338 = tpu.memref_slice %arg13[%dma_start3A, %dma_start3A_337] : memref<10240x128xf32, #tpu.memory_space<vmem_shared>> -> memref<10240x128xf32, #tpu.memory_space<vmem_shared>>
          tpu.enqueue_indirect_dma source(%arg12 : memref<160x128xf32, #tpu.memory_space<vmem>>) target(%dma_start3A_338 : memref<10240x128xf32, #tpu.memory_space<vmem_shared>>) offsets(%arg11 : memref<160xi32, #tpu.memory_space<vmem>>) semaphore(%run_scoped3A : memref<!tpu.dma_semaphore, #tpu.memory_space<semaphore_mem>>) {add = true}
          %dma_wait3A = arith.constant 0 : i32
          %dma_wait3A_339 = arith.constant 0 : i32
          %dma_wait3A_340 = tpu.memref_slice %arg13[%dma_wait3A, %dma_wait3A_339] : memref<10240x128xf32, #tpu.memory_space<vmem_shared>> -> memref<10240x128xf32, #tpu.memory_space<vmem_shared>>
          tpu.wait_indirect_dma semaphore(%run_scoped3A : memref<!tpu.dma_semaphore, #tpu.memory_space<semaphore_mem>>) src(%arg12 : memref<160x128xf32, #tpu.memory_space<vmem>>) dst(%dma_wait3A_340 : memref<10240x128xf32, #tpu.memory_space<vmem_shared>>)
          tpu.yield
        }) : () -> ()
      } else {
      }
      %barrier3A_204 = arith.constant 0 : index
      tpu.barrier barrier_id(%barrier3A_204)
      %eq3A_205 = arith.constant 9 : i32
      %eq3A_206 = arith.cmpi eq, %arg1, %eq3A_205 : i32
      %and3A_207 = arith.andi %lt3A_24, %eq3A_206 : i1
      %eq3A_208 = arith.constant 0 : i32
      %eq3A_209 = arith.cmpi eq, %arg0, %eq3A_208 : i32
      %and3A_210 = arith.andi %and3A_207, %eq3A_209 : i1
      %convert_element_type3A_211 = arith.extui %and3A_210 : i1 to i32
      %cond3A_212 = arith.constant 0 : i32
      %cond3A_213 = arith.cmpi ne, %convert_element_type3A_211, %cond3A_212 : i32
      scf.if %cond3A_213 {
        "tpu.region"() ({
          %run_scoped3A = tpu.sem_alloc : memref<!tpu.dma_semaphore, #tpu.memory_space<semaphore_mem>>
          %dma_start3A = arith.constant 0 : i32
          %dma_start3A_337 = arith.constant 0 : i32
          %dma_start3A_338 = tpu.memref_slice %arg13[%dma_start3A, %dma_start3A_337] : memref<10240x128xf32, #tpu.memory_space<vmem_shared>> -> memref<10240x128xf32, #tpu.memory_space<vmem_shared>>
          tpu.enqueue_indirect_dma source(%arg9 : memref<160x128xf32, #tpu.memory_space<vmem>>) target(%dma_start3A_338 : memref<10240x128xf32, #tpu.memory_space<vmem_shared>>) offsets(%arg8 : memref<160xi32, #tpu.memory_space<vmem>>) semaphore(%run_scoped3A : memref<!tpu.dma_semaphore, #tpu.memory_space<semaphore_mem>>) {add = true}
          %dma_wait3A = arith.constant 0 : i32
          %dma_wait3A_339 = arith.constant 0 : i32
          %dma_wait3A_340 = tpu.memref_slice %arg13[%dma_wait3A, %dma_wait3A_339] : memref<10240x128xf32, #tpu.memory_space<vmem_shared>> -> memref<10240x128xf32, #tpu.memory_space<vmem_shared>>
          tpu.wait_indirect_dma semaphore(%run_scoped3A : memref<!tpu.dma_semaphore, #tpu.memory_space<semaphore_mem>>) src(%arg9 : memref<160x128xf32, #tpu.memory_space<vmem>>) dst(%dma_wait3A_340 : memref<10240x128xf32, #tpu.memory_space<vmem_shared>>)
          tpu.yield
        }) : () -> ()
      } else {
      }
      %eq3A_214 = arith.constant 9 : i32
      %eq3A_215 = arith.cmpi eq, %arg1, %eq3A_214 : i32
      %and3A_216 = arith.andi %lt3A_24, %eq3A_215 : i1
      %eq3A_217 = arith.constant 1 : i32
      %eq3A_218 = arith.cmpi eq, %arg0, %eq3A_217 : i32
      %and3A_219 = arith.andi %and3A_216, %eq3A_218 : i1
      %convert_element_type3A_220 = arith.extui %and3A_219 : i1 to i32
      %cond3A_221 = arith.constant 0 : i32
      %cond3A_222 = arith.cmpi ne, %convert_element_type3A_220, %cond3A_221 : i32
      scf.if %cond3A_222 {
        "tpu.region"() ({
          %run_scoped3A = tpu.sem_alloc : memref<!tpu.dma_semaphore, #tpu.memory_space<semaphore_mem>>
          %dma_start3A = arith.constant 0 : i32
          %dma_start3A_337 = arith.constant 0 : i32
          %dma_start3A_338 = tpu.memref_slice %arg13[%dma_start3A, %dma_start3A_337] : memref<10240x128xf32, #tpu.memory_space<vmem_shared>> -> memref<10240x128xf32, #tpu.memory_space<vmem_shared>>
          tpu.enqueue_indirect_dma source(%arg12 : memref<160x128xf32, #tpu.memory_space<vmem>>) target(%dma_start3A_338 : memref<10240x128xf32, #tpu.memory_space<vmem_shared>>) offsets(%arg11 : memref<160xi32, #tpu.memory_space<vmem>>) semaphore(%run_scoped3A : memref<!tpu.dma_semaphore, #tpu.memory_space<semaphore_mem>>) {add = true}
          %dma_wait3A = arith.constant 0 : i32
          %dma_wait3A_339 = arith.constant 0 : i32
          %dma_wait3A_340 = tpu.memref_slice %arg13[%dma_wait3A, %dma_wait3A_339] : memref<10240x128xf32, #tpu.memory_space<vmem_shared>> -> memref<10240x128xf32, #tpu.memory_space<vmem_shared>>
          tpu.wait_indirect_dma semaphore(%run_scoped3A : memref<!tpu.dma_semaphore, #tpu.memory_space<semaphore_mem>>) src(%arg12 : memref<160x128xf32, #tpu.memory_space<vmem>>) dst(%dma_wait3A_340 : memref<10240x128xf32, #tpu.memory_space<vmem_shared>>)
          tpu.yield
        }) : () -> ()
      } else {
      }
      %barrier3A_223 = arith.constant 0 : index
      tpu.barrier barrier_id(%barrier3A_223)
      %eq3A_224 = arith.constant 10 : i32
      %eq3A_225 = arith.cmpi eq, %arg1, %eq3A_224 : i32
      %and3A_226 = arith.andi %lt3A_24, %eq3A_225 : i1
      %eq3A_227 = arith.constant 0 : i32
      %eq3A_228 = arith.cmpi eq, %arg0, %eq3A_227 : i32
      %and3A_229 = arith.andi %and3A_226, %eq3A_228 : i1
      %convert_element_type3A_230 = arith.extui %and3A_229 : i1 to i32
      %cond3A_231 = arith.constant 0 : i32
      %cond3A_232 = arith.cmpi ne, %convert_element_type3A_230, %cond3A_231 : i32
      scf.if %cond3A_232 {
        "tpu.region"() ({
          %run_scoped3A = tpu.sem_alloc : memref<!tpu.dma_semaphore, #tpu.memory_space<semaphore_mem>>
          %dma_start3A = arith.constant 0 : i32
          %dma_start3A_337 = arith.constant 0 : i32
          %dma_start3A_338 = tpu.memref_slice %arg13[%dma_start3A, %dma_start3A_337] : memref<10240x128xf32, #tpu.memory_space<vmem_shared>> -> memref<10240x128xf32, #tpu.memory_space<vmem_shared>>
          tpu.enqueue_indirect_dma source(%arg9 : memref<160x128xf32, #tpu.memory_space<vmem>>) target(%dma_start3A_338 : memref<10240x128xf32, #tpu.memory_space<vmem_shared>>) offsets(%arg8 : memref<160xi32, #tpu.memory_space<vmem>>) semaphore(%run_scoped3A : memref<!tpu.dma_semaphore, #tpu.memory_space<semaphore_mem>>) {add = true}
          %dma_wait3A = arith.constant 0 : i32
          %dma_wait3A_339 = arith.constant 0 : i32
          %dma_wait3A_340 = tpu.memref_slice %arg13[%dma_wait3A, %dma_wait3A_339] : memref<10240x128xf32, #tpu.memory_space<vmem_shared>> -> memref<10240x128xf32, #tpu.memory_space<vmem_shared>>
          tpu.wait_indirect_dma semaphore(%run_scoped3A : memref<!tpu.dma_semaphore, #tpu.memory_space<semaphore_mem>>) src(%arg9 : memref<160x128xf32, #tpu.memory_space<vmem>>) dst(%dma_wait3A_340 : memref<10240x128xf32, #tpu.memory_space<vmem_shared>>)
          tpu.yield
        }) : () -> ()
      } else {
      }
      %eq3A_233 = arith.constant 10 : i32
      %eq3A_234 = arith.cmpi eq, %arg1, %eq3A_233 : i32
      %and3A_235 = arith.andi %lt3A_24, %eq3A_234 : i1
      %eq3A_236 = arith.constant 1 : i32
      %eq3A_237 = arith.cmpi eq, %arg0, %eq3A_236 : i32
      %and3A_238 = arith.andi %and3A_235, %eq3A_237 : i1
      %convert_element_type3A_239 = arith.extui %and3A_238 : i1 to i32
      %cond3A_240 = arith.constant 0 : i32
      %cond3A_241 = arith.cmpi ne, %convert_element_type3A_239, %cond3A_240 : i32
      scf.if %cond3A_241 {
        "tpu.region"() ({
          %run_scoped3A = tpu.sem_alloc : memref<!tpu.dma_semaphore, #tpu.memory_space<semaphore_mem>>
          %dma_start3A = arith.constant 0 : i32
          %dma_start3A_337 = arith.constant 0 : i32
          %dma_start3A_338 = tpu.memref_slice %arg13[%dma_start3A, %dma_start3A_337] : memref<10240x128xf32, #tpu.memory_space<vmem_shared>> -> memref<10240x128xf32, #tpu.memory_space<vmem_shared>>
          tpu.enqueue_indirect_dma source(%arg12 : memref<160x128xf32, #tpu.memory_space<vmem>>) target(%dma_start3A_338 : memref<10240x128xf32, #tpu.memory_space<vmem_shared>>) offsets(%arg11 : memref<160xi32, #tpu.memory_space<vmem>>) semaphore(%run_scoped3A : memref<!tpu.dma_semaphore, #tpu.memory_space<semaphore_mem>>) {add = true}
          %dma_wait3A = arith.constant 0 : i32
          %dma_wait3A_339 = arith.constant 0 : i32
          %dma_wait3A_340 = tpu.memref_slice %arg13[%dma_wait3A, %dma_wait3A_339] : memref<10240x128xf32, #tpu.memory_space<vmem_shared>> -> memref<10240x128xf32, #tpu.memory_space<vmem_shared>>
          tpu.wait_indirect_dma semaphore(%run_scoped3A : memref<!tpu.dma_semaphore, #tpu.memory_space<semaphore_mem>>) src(%arg12 : memref<160x128xf32, #tpu.memory_space<vmem>>) dst(%dma_wait3A_340 : memref<10240x128xf32, #tpu.memory_space<vmem_shared>>)
          tpu.yield
        }) : () -> ()
      } else {
      }
      %barrier3A_242 = arith.constant 0 : index
      tpu.barrier barrier_id(%barrier3A_242)
      %eq3A_243 = arith.constant 11 : i32
      %eq3A_244 = arith.cmpi eq, %arg1, %eq3A_243 : i32
      %and3A_245 = arith.andi %lt3A_24, %eq3A_244 : i1
      %eq3A_246 = arith.constant 0 : i32
      %eq3A_247 = arith.cmpi eq, %arg0, %eq3A_246 : i32
      %and3A_248 = arith.andi %and3A_245, %eq3A_247 : i1
      %convert_element_type3A_249 = arith.extui %and3A_248 : i1 to i32
      %cond3A_250 = arith.constant 0 : i32
      %cond3A_251 = arith.cmpi ne, %convert_element_type3A_249, %cond3A_250 : i32
      scf.if %cond3A_251 {
        "tpu.region"() ({
          %run_scoped3A = tpu.sem_alloc : memref<!tpu.dma_semaphore, #tpu.memory_space<semaphore_mem>>
          %dma_start3A = arith.constant 0 : i32
          %dma_start3A_337 = arith.constant 0 : i32
          %dma_start3A_338 = tpu.memref_slice %arg13[%dma_start3A, %dma_start3A_337] : memref<10240x128xf32, #tpu.memory_space<vmem_shared>> -> memref<10240x128xf32, #tpu.memory_space<vmem_shared>>
          tpu.enqueue_indirect_dma source(%arg9 : memref<160x128xf32, #tpu.memory_space<vmem>>) target(%dma_start3A_338 : memref<10240x128xf32, #tpu.memory_space<vmem_shared>>) offsets(%arg8 : memref<160xi32, #tpu.memory_space<vmem>>) semaphore(%run_scoped3A : memref<!tpu.dma_semaphore, #tpu.memory_space<semaphore_mem>>) {add = true}
          %dma_wait3A = arith.constant 0 : i32
          %dma_wait3A_339 = arith.constant 0 : i32
          %dma_wait3A_340 = tpu.memref_slice %arg13[%dma_wait3A, %dma_wait3A_339] : memref<10240x128xf32, #tpu.memory_space<vmem_shared>> -> memref<10240x128xf32, #tpu.memory_space<vmem_shared>>
          tpu.wait_indirect_dma semaphore(%run_scoped3A : memref<!tpu.dma_semaphore, #tpu.memory_space<semaphore_mem>>) src(%arg9 : memref<160x128xf32, #tpu.memory_space<vmem>>) dst(%dma_wait3A_340 : memref<10240x128xf32, #tpu.memory_space<vmem_shared>>)
          tpu.yield
        }) : () -> ()
      } else {
      }
      %eq3A_252 = arith.constant 11 : i32
      %eq3A_253 = arith.cmpi eq, %arg1, %eq3A_252 : i32
      %and3A_254 = arith.andi %lt3A_24, %eq3A_253 : i1
      %eq3A_255 = arith.constant 1 : i32
      %eq3A_256 = arith.cmpi eq, %arg0, %eq3A_255 : i32
      %and3A_257 = arith.andi %and3A_254, %eq3A_256 : i1
      %convert_element_type3A_258 = arith.extui %and3A_257 : i1 to i32
      %cond3A_259 = arith.constant 0 : i32
      %cond3A_260 = arith.cmpi ne, %convert_element_type3A_258, %cond3A_259 : i32
      scf.if %cond3A_260 {
        "tpu.region"() ({
          %run_scoped3A = tpu.sem_alloc : memref<!tpu.dma_semaphore, #tpu.memory_space<semaphore_mem>>
          %dma_start3A = arith.constant 0 : i32
          %dma_start3A_337 = arith.constant 0 : i32
          %dma_start3A_338 = tpu.memref_slice %arg13[%dma_start3A, %dma_start3A_337] : memref<10240x128xf32, #tpu.memory_space<vmem_shared>> -> memref<10240x128xf32, #tpu.memory_space<vmem_shared>>
          tpu.enqueue_indirect_dma source(%arg12 : memref<160x128xf32, #tpu.memory_space<vmem>>) target(%dma_start3A_338 : memref<10240x128xf32, #tpu.memory_space<vmem_shared>>) offsets(%arg11 : memref<160xi32, #tpu.memory_space<vmem>>) semaphore(%run_scoped3A : memref<!tpu.dma_semaphore, #tpu.memory_space<semaphore_mem>>) {add = true}
          %dma_wait3A = arith.constant 0 : i32
          %dma_wait3A_339 = arith.constant 0 : i32
          %dma_wait3A_340 = tpu.memref_slice %arg13[%dma_wait3A, %dma_wait3A_339] : memref<10240x128xf32, #tpu.memory_space<vmem_shared>> -> memref<10240x128xf32, #tpu.memory_space<vmem_shared>>
          tpu.wait_indirect_dma semaphore(%run_scoped3A : memref<!tpu.dma_semaphore, #tpu.memory_space<semaphore_mem>>) src(%arg12 : memref<160x128xf32, #tpu.memory_space<vmem>>) dst(%dma_wait3A_340 : memref<10240x128xf32, #tpu.memory_space<vmem_shared>>)
          tpu.yield
        }) : () -> ()
      } else {
      }
      %barrier3A_261 = arith.constant 0 : index
      tpu.barrier barrier_id(%barrier3A_261)
      %eq3A_262 = arith.constant 12 : i32
      %eq3A_263 = arith.cmpi eq, %arg1, %eq3A_262 : i32
      %and3A_264 = arith.andi %lt3A_24, %eq3A_263 : i1
      %eq3A_265 = arith.constant 0 : i32
      %eq3A_266 = arith.cmpi eq, %arg0, %eq3A_265 : i32
      %and3A_267 = arith.andi %and3A_264, %eq3A_266 : i1
      %convert_element_type3A_268 = arith.extui %and3A_267 : i1 to i32
      %cond3A_269 = arith.constant 0 : i32
      %cond3A_270 = arith.cmpi ne, %convert_element_type3A_268, %cond3A_269 : i32
      scf.if %cond3A_270 {
        "tpu.region"() ({
          %run_scoped3A = tpu.sem_alloc : memref<!tpu.dma_semaphore, #tpu.memory_space<semaphore_mem>>
          %dma_start3A = arith.constant 0 : i32
          %dma_start3A_337 = arith.constant 0 : i32
          %dma_start3A_338 = tpu.memref_slice %arg13[%dma_start3A, %dma_start3A_337] : memref<10240x128xf32, #tpu.memory_space<vmem_shared>> -> memref<10240x128xf32, #tpu.memory_space<vmem_shared>>
          tpu.enqueue_indirect_dma source(%arg9 : memref<160x128xf32, #tpu.memory_space<vmem>>) target(%dma_start3A_338 : memref<10240x128xf32, #tpu.memory_space<vmem_shared>>) offsets(%arg8 : memref<160xi32, #tpu.memory_space<vmem>>) semaphore(%run_scoped3A : memref<!tpu.dma_semaphore, #tpu.memory_space<semaphore_mem>>) {add = true}
          %dma_wait3A = arith.constant 0 : i32
          %dma_wait3A_339 = arith.constant 0 : i32
          %dma_wait3A_340 = tpu.memref_slice %arg13[%dma_wait3A, %dma_wait3A_339] : memref<10240x128xf32, #tpu.memory_space<vmem_shared>> -> memref<10240x128xf32, #tpu.memory_space<vmem_shared>>
          tpu.wait_indirect_dma semaphore(%run_scoped3A : memref<!tpu.dma_semaphore, #tpu.memory_space<semaphore_mem>>) src(%arg9 : memref<160x128xf32, #tpu.memory_space<vmem>>) dst(%dma_wait3A_340 : memref<10240x128xf32, #tpu.memory_space<vmem_shared>>)
          tpu.yield
        }) : () -> ()
      } else {
      }
      %eq3A_271 = arith.constant 12 : i32
      %eq3A_272 = arith.cmpi eq, %arg1, %eq3A_271 : i32
      %and3A_273 = arith.andi %lt3A_24, %eq3A_272 : i1
      %eq3A_274 = arith.constant 1 : i32
      %eq3A_275 = arith.cmpi eq, %arg0, %eq3A_274 : i32
      %and3A_276 = arith.andi %and3A_273, %eq3A_275 : i1
      %convert_element_type3A_277 = arith.extui %and3A_276 : i1 to i32
      %cond3A_278 = arith.constant 0 : i32
      %cond3A_279 = arith.cmpi ne, %convert_element_type3A_277, %cond3A_278 : i32
      scf.if %cond3A_279 {
        "tpu.region"() ({
          %run_scoped3A = tpu.sem_alloc : memref<!tpu.dma_semaphore, #tpu.memory_space<semaphore_mem>>
          %dma_start3A = arith.constant 0 : i32
          %dma_start3A_337 = arith.constant 0 : i32
          %dma_start3A_338 = tpu.memref_slice %arg13[%dma_start3A, %dma_start3A_337] : memref<10240x128xf32, #tpu.memory_space<vmem_shared>> -> memref<10240x128xf32, #tpu.memory_space<vmem_shared>>
          tpu.enqueue_indirect_dma source(%arg12 : memref<160x128xf32, #tpu.memory_space<vmem>>) target(%dma_start3A_338 : memref<10240x128xf32, #tpu.memory_space<vmem_shared>>) offsets(%arg11 : memref<160xi32, #tpu.memory_space<vmem>>) semaphore(%run_scoped3A : memref<!tpu.dma_semaphore, #tpu.memory_space<semaphore_mem>>) {add = true}
          %dma_wait3A = arith.constant 0 : i32
          %dma_wait3A_339 = arith.constant 0 : i32
          %dma_wait3A_340 = tpu.memref_slice %arg13[%dma_wait3A, %dma_wait3A_339] : memref<10240x128xf32, #tpu.memory_space<vmem_shared>> -> memref<10240x128xf32, #tpu.memory_space<vmem_shared>>
          tpu.wait_indirect_dma semaphore(%run_scoped3A : memref<!tpu.dma_semaphore, #tpu.memory_space<semaphore_mem>>) src(%arg12 : memref<160x128xf32, #tpu.memory_space<vmem>>) dst(%dma_wait3A_340 : memref<10240x128xf32, #tpu.memory_space<vmem_shared>>)
          tpu.yield
        }) : () -> ()
      } else {
      }
      %barrier3A_280 = arith.constant 0 : index
      tpu.barrier barrier_id(%barrier3A_280)
      %eq3A_281 = arith.constant 13 : i32
      %eq3A_282 = arith.cmpi eq, %arg1, %eq3A_281 : i32
      %and3A_283 = arith.andi %lt3A_24, %eq3A_282 : i1
      %eq3A_284 = arith.constant 0 : i32
      %eq3A_285 = arith.cmpi eq, %arg0, %eq3A_284 : i32
      %and3A_286 = arith.andi %and3A_283, %eq3A_285 : i1
      %convert_element_type3A_287 = arith.extui %and3A_286 : i1 to i32
      %cond3A_288 = arith.constant 0 : i32
      %cond3A_289 = arith.cmpi ne, %convert_element_type3A_287, %cond3A_288 : i32
      scf.if %cond3A_289 {
        "tpu.region"() ({
          %run_scoped3A = tpu.sem_alloc : memref<!tpu.dma_semaphore, #tpu.memory_space<semaphore_mem>>
          %dma_start3A = arith.constant 0 : i32
          %dma_start3A_337 = arith.constant 0 : i32
          %dma_start3A_338 = tpu.memref_slice %arg13[%dma_start3A, %dma_start3A_337] : memref<10240x128xf32, #tpu.memory_space<vmem_shared>> -> memref<10240x128xf32, #tpu.memory_space<vmem_shared>>
          tpu.enqueue_indirect_dma source(%arg9 : memref<160x128xf32, #tpu.memory_space<vmem>>) target(%dma_start3A_338 : memref<10240x128xf32, #tpu.memory_space<vmem_shared>>) offsets(%arg8 : memref<160xi32, #tpu.memory_space<vmem>>) semaphore(%run_scoped3A : memref<!tpu.dma_semaphore, #tpu.memory_space<semaphore_mem>>) {add = true}
          %dma_wait3A = arith.constant 0 : i32
          %dma_wait3A_339 = arith.constant 0 : i32
          %dma_wait3A_340 = tpu.memref_slice %arg13[%dma_wait3A, %dma_wait3A_339] : memref<10240x128xf32, #tpu.memory_space<vmem_shared>> -> memref<10240x128xf32, #tpu.memory_space<vmem_shared>>
          tpu.wait_indirect_dma semaphore(%run_scoped3A : memref<!tpu.dma_semaphore, #tpu.memory_space<semaphore_mem>>) src(%arg9 : memref<160x128xf32, #tpu.memory_space<vmem>>) dst(%dma_wait3A_340 : memref<10240x128xf32, #tpu.memory_space<vmem_shared>>)
          tpu.yield
        }) : () -> ()
      } else {
      }
      %eq3A_290 = arith.constant 13 : i32
      %eq3A_291 = arith.cmpi eq, %arg1, %eq3A_290 : i32
      %and3A_292 = arith.andi %lt3A_24, %eq3A_291 : i1
      %eq3A_293 = arith.constant 1 : i32
      %eq3A_294 = arith.cmpi eq, %arg0, %eq3A_293 : i32
      %and3A_295 = arith.andi %and3A_292, %eq3A_294 : i1
      %convert_element_type3A_296 = arith.extui %and3A_295 : i1 to i32
      %cond3A_297 = arith.constant 0 : i32
      %cond3A_298 = arith.cmpi ne, %convert_element_type3A_296, %cond3A_297 : i32
      scf.if %cond3A_298 {
        "tpu.region"() ({
          %run_scoped3A = tpu.sem_alloc : memref<!tpu.dma_semaphore, #tpu.memory_space<semaphore_mem>>
          %dma_start3A = arith.constant 0 : i32
          %dma_start3A_337 = arith.constant 0 : i32
          %dma_start3A_338 = tpu.memref_slice %arg13[%dma_start3A, %dma_start3A_337] : memref<10240x128xf32, #tpu.memory_space<vmem_shared>> -> memref<10240x128xf32, #tpu.memory_space<vmem_shared>>
          tpu.enqueue_indirect_dma source(%arg12 : memref<160x128xf32, #tpu.memory_space<vmem>>) target(%dma_start3A_338 : memref<10240x128xf32, #tpu.memory_space<vmem_shared>>) offsets(%arg11 : memref<160xi32, #tpu.memory_space<vmem>>) semaphore(%run_scoped3A : memref<!tpu.dma_semaphore, #tpu.memory_space<semaphore_mem>>) {add = true}
          %dma_wait3A = arith.constant 0 : i32
          %dma_wait3A_339 = arith.constant 0 : i32
          %dma_wait3A_340 = tpu.memref_slice %arg13[%dma_wait3A, %dma_wait3A_339] : memref<10240x128xf32, #tpu.memory_space<vmem_shared>> -> memref<10240x128xf32, #tpu.memory_space<vmem_shared>>
          tpu.wait_indirect_dma semaphore(%run_scoped3A : memref<!tpu.dma_semaphore, #tpu.memory_space<semaphore_mem>>) src(%arg12 : memref<160x128xf32, #tpu.memory_space<vmem>>) dst(%dma_wait3A_340 : memref<10240x128xf32, #tpu.memory_space<vmem_shared>>)
          tpu.yield
        }) : () -> ()
      } else {
      }
      %barrier3A_299 = arith.constant 0 : index
      tpu.barrier barrier_id(%barrier3A_299)
      %eq3A_300 = arith.constant 14 : i32
      %eq3A_301 = arith.cmpi eq, %arg1, %eq3A_300 : i32
      %and3A_302 = arith.andi %lt3A_24, %eq3A_301 : i1
      %eq3A_303 = arith.constant 0 : i32
      %eq3A_304 = arith.cmpi eq, %arg0, %eq3A_303 : i32
      %and3A_305 = arith.andi %and3A_302, %eq3A_304 : i1
      %convert_element_type3A_306 = arith.extui %and3A_305 : i1 to i32
      %cond3A_307 = arith.constant 0 : i32
      %cond3A_308 = arith.cmpi ne, %convert_element_type3A_306, %cond3A_307 : i32
      scf.if %cond3A_308 {
        "tpu.region"() ({
          %run_scoped3A = tpu.sem_alloc : memref<!tpu.dma_semaphore, #tpu.memory_space<semaphore_mem>>
          %dma_start3A = arith.constant 0 : i32
          %dma_start3A_337 = arith.constant 0 : i32
          %dma_start3A_338 = tpu.memref_slice %arg13[%dma_start3A, %dma_start3A_337] : memref<10240x128xf32, #tpu.memory_space<vmem_shared>> -> memref<10240x128xf32, #tpu.memory_space<vmem_shared>>
          tpu.enqueue_indirect_dma source(%arg9 : memref<160x128xf32, #tpu.memory_space<vmem>>) target(%dma_start3A_338 : memref<10240x128xf32, #tpu.memory_space<vmem_shared>>) offsets(%arg8 : memref<160xi32, #tpu.memory_space<vmem>>) semaphore(%run_scoped3A : memref<!tpu.dma_semaphore, #tpu.memory_space<semaphore_mem>>) {add = true}
          %dma_wait3A = arith.constant 0 : i32
          %dma_wait3A_339 = arith.constant 0 : i32
          %dma_wait3A_340 = tpu.memref_slice %arg13[%dma_wait3A, %dma_wait3A_339] : memref<10240x128xf32, #tpu.memory_space<vmem_shared>> -> memref<10240x128xf32, #tpu.memory_space<vmem_shared>>
          tpu.wait_indirect_dma semaphore(%run_scoped3A : memref<!tpu.dma_semaphore, #tpu.memory_space<semaphore_mem>>) src(%arg9 : memref<160x128xf32, #tpu.memory_space<vmem>>) dst(%dma_wait3A_340 : memref<10240x128xf32, #tpu.memory_space<vmem_shared>>)
          tpu.yield
        }) : () -> ()
      } else {
      }
      %eq3A_309 = arith.constant 14 : i32
      %eq3A_310 = arith.cmpi eq, %arg1, %eq3A_309 : i32
      %and3A_311 = arith.andi %lt3A_24, %eq3A_310 : i1
      %eq3A_312 = arith.constant 1 : i32
      %eq3A_313 = arith.cmpi eq, %arg0, %eq3A_312 : i32
      %and3A_314 = arith.andi %and3A_311, %eq3A_313 : i1
      %convert_element_type3A_315 = arith.extui %and3A_314 : i1 to i32
      %cond3A_316 = arith.constant 0 : i32
      %cond3A_317 = arith.cmpi ne, %convert_element_type3A_315, %cond3A_316 : i32
      scf.if %cond3A_317 {
        "tpu.region"() ({
          %run_scoped3A = tpu.sem_alloc : memref<!tpu.dma_semaphore, #tpu.memory_space<semaphore_mem>>
          %dma_start3A = arith.constant 0 : i32
          %dma_start3A_337 = arith.constant 0 : i32
          %dma_start3A_338 = tpu.memref_slice %arg13[%dma_start3A, %dma_start3A_337] : memref<10240x128xf32, #tpu.memory_space<vmem_shared>> -> memref<10240x128xf32, #tpu.memory_space<vmem_shared>>
          tpu.enqueue_indirect_dma source(%arg12 : memref<160x128xf32, #tpu.memory_space<vmem>>) target(%dma_start3A_338 : memref<10240x128xf32, #tpu.memory_space<vmem_shared>>) offsets(%arg11 : memref<160xi32, #tpu.memory_space<vmem>>) semaphore(%run_scoped3A : memref<!tpu.dma_semaphore, #tpu.memory_space<semaphore_mem>>) {add = true}
          %dma_wait3A = arith.constant 0 : i32
          %dma_wait3A_339 = arith.constant 0 : i32
          %dma_wait3A_340 = tpu.memref_slice %arg13[%dma_wait3A, %dma_wait3A_339] : memref<10240x128xf32, #tpu.memory_space<vmem_shared>> -> memref<10240x128xf32, #tpu.memory_space<vmem_shared>>
          tpu.wait_indirect_dma semaphore(%run_scoped3A : memref<!tpu.dma_semaphore, #tpu.memory_space<semaphore_mem>>) src(%arg12 : memref<160x128xf32, #tpu.memory_space<vmem>>) dst(%dma_wait3A_340 : memref<10240x128xf32, #tpu.memory_space<vmem_shared>>)
          tpu.yield
        }) : () -> ()
      } else {
      }
      %barrier3A_318 = arith.constant 0 : index
      tpu.barrier barrier_id(%barrier3A_318)
      %eq3A_319 = arith.constant 15 : i32
      %eq3A_320 = arith.cmpi eq, %arg1, %eq3A_319 : i32
      %and3A_321 = arith.andi %lt3A_24, %eq3A_320 : i1
      %eq3A_322 = arith.constant 0 : i32
      %eq3A_323 = arith.cmpi eq, %arg0, %eq3A_322 : i32
      %and3A_324 = arith.andi %and3A_321, %eq3A_323 : i1
      %convert_element_type3A_325 = arith.extui %and3A_324 : i1 to i32
      %cond3A_326 = arith.constant 0 : i32
      %cond3A_327 = arith.cmpi ne, %convert_element_type3A_325, %cond3A_326 : i32
      scf.if %cond3A_327 {
        "tpu.region"() ({
          %run_scoped3A = tpu.sem_alloc : memref<!tpu.dma_semaphore, #tpu.memory_space<semaphore_mem>>
          %dma_start3A = arith.constant 0 : i32
          %dma_start3A_337 = arith.constant 0 : i32
          %dma_start3A_338 = tpu.memref_slice %arg13[%dma_start3A, %dma_start3A_337] : memref<10240x128xf32, #tpu.memory_space<vmem_shared>> -> memref<10240x128xf32, #tpu.memory_space<vmem_shared>>
          tpu.enqueue_indirect_dma source(%arg9 : memref<160x128xf32, #tpu.memory_space<vmem>>) target(%dma_start3A_338 : memref<10240x128xf32, #tpu.memory_space<vmem_shared>>) offsets(%arg8 : memref<160xi32, #tpu.memory_space<vmem>>) semaphore(%run_scoped3A : memref<!tpu.dma_semaphore, #tpu.memory_space<semaphore_mem>>) {add = true}
          %dma_wait3A = arith.constant 0 : i32
          %dma_wait3A_339 = arith.constant 0 : i32
          %dma_wait3A_340 = tpu.memref_slice %arg13[%dma_wait3A, %dma_wait3A_339] : memref<10240x128xf32, #tpu.memory_space<vmem_shared>> -> memref<10240x128xf32, #tpu.memory_space<vmem_shared>>
          tpu.wait_indirect_dma semaphore(%run_scoped3A : memref<!tpu.dma_semaphore, #tpu.memory_space<semaphore_mem>>) src(%arg9 : memref<160x128xf32, #tpu.memory_space<vmem>>) dst(%dma_wait3A_340 : memref<10240x128xf32, #tpu.memory_space<vmem_shared>>)
          tpu.yield
        }) : () -> ()
      } else {
      }
      %eq3A_328 = arith.constant 15 : i32
      %eq3A_329 = arith.cmpi eq, %arg1, %eq3A_328 : i32
      %and3A_330 = arith.andi %lt3A_24, %eq3A_329 : i1
      %eq3A_331 = arith.constant 1 : i32
      %eq3A_332 = arith.cmpi eq, %arg0, %eq3A_331 : i32
      %and3A_333 = arith.andi %and3A_330, %eq3A_332 : i1
      %convert_element_type3A_334 = arith.extui %and3A_333 : i1 to i32
      %cond3A_335 = arith.constant 0 : i32
      %cond3A_336 = arith.cmpi ne, %convert_element_type3A_334, %cond3A_335 : i32
      scf.if %cond3A_336 {
        "tpu.region"() ({
          %run_scoped3A = tpu.sem_alloc : memref<!tpu.dma_semaphore, #tpu.memory_space<semaphore_mem>>
          %dma_start3A = arith.constant 0 : i32
          %dma_start3A_337 = arith.constant 0 : i32
          %dma_start3A_338 = tpu.memref_slice %arg13[%dma_start3A, %dma_start3A_337] : memref<10240x128xf32, #tpu.memory_space<vmem_shared>> -> memref<10240x128xf32, #tpu.memory_space<vmem_shared>>
          tpu.enqueue_indirect_dma source(%arg12 : memref<160x128xf32, #tpu.memory_space<vmem>>) target(%dma_start3A_338 : memref<10240x128xf32, #tpu.memory_space<vmem_shared>>) offsets(%arg11 : memref<160xi32, #tpu.memory_space<vmem>>) semaphore(%run_scoped3A : memref<!tpu.dma_semaphore, #tpu.memory_space<semaphore_mem>>) {add = true}
          %dma_wait3A = arith.constant 0 : i32
          %dma_wait3A_339 = arith.constant 0 : i32
          %dma_wait3A_340 = tpu.memref_slice %arg13[%dma_wait3A, %dma_wait3A_339] : memref<10240x128xf32, #tpu.memory_space<vmem_shared>> -> memref<10240x128xf32, #tpu.memory_space<vmem_shared>>
          tpu.wait_indirect_dma semaphore(%run_scoped3A : memref<!tpu.dma_semaphore, #tpu.memory_space<semaphore_mem>>) src(%arg12 : memref<160x128xf32, #tpu.memory_space<vmem>>) dst(%dma_wait3A_340 : memref<10240x128xf32, #tpu.memory_space<vmem_shared>>)
          tpu.yield
        }) : () -> ()
      } else {
      }
    }
    %scan3A_12 = arith.constant 63 : i32
    %barrier3A_13 = arith.constant 0 : index
    tpu.barrier barrier_id(%barrier3A_13)
    %mul3A_14 = arith.constant 10240 : i32
    %mul3A_15 = arith.muli %arg0, %mul3A_14 : i32
    %add3A_16 = arith.addi %mul3A_15, %mul3A_0 : i32
    "tpu.region"() ({
      %run_scoped3A = tpu.sem_alloc : memref<!tpu.dma_semaphore, #tpu.memory_space<semaphore_mem>>
      %dma_start3A = arith.constant 0 : i32
      %dma_start3A_17 = tpu.memref_slice %arg6[%add3A_16, %dma_start3A] : memref<20480x128xf32, #tpu.memory_space<hbm>> -> memref<640x128xf32, #tpu.memory_space<hbm>>
      %dma_start3A_18 = arith.constant 0 : i32
      %dma_start3A_19 = tpu.memref_slice %arg13[%mul3A_0, %dma_start3A_18] : memref<10240x128xf32, #tpu.memory_space<vmem_shared>> -> memref<640x128xf32, #tpu.memory_space<vmem_shared>>
      tpu.enqueue_dma source(%dma_start3A_19 : memref<640x128xf32, #tpu.memory_space<vmem_shared>>) target(%dma_start3A_17 : memref<640x128xf32, #tpu.memory_space<hbm>>) target_semaphore(%run_scoped3A : memref<!tpu.dma_semaphore, #tpu.memory_space<semaphore_mem>>)
      %dma_wait3A = arith.constant 0 : i32
      %dma_wait3A_20 = tpu.memref_slice %arg6[%add3A_16, %dma_wait3A] : memref<20480x128xf32, #tpu.memory_space<hbm>> -> memref<640x128xf32, #tpu.memory_space<hbm>>
      %dma_wait3A_21 = arith.constant 0 : i32
      %dma_wait3A_22 = tpu.memref_slice %arg13[%mul3A_0, %dma_wait3A_21] : memref<10240x128xf32, #tpu.memory_space<vmem_shared>> -> memref<640x128xf32, #tpu.memory_space<vmem_shared>>
      tpu.wait_dma2 semaphore(%run_scoped3A : memref<!tpu.dma_semaphore, #tpu.memory_space<semaphore_mem>>) src(%dma_wait3A_22 : memref<640x128xf32, #tpu.memory_space<vmem_shared>>) dst(%dma_wait3A_20 : memref<640x128xf32, #tpu.memory_space<hbm>>)
      tpu.yield
    }) : () -> ()
    return
  }
}

#map = affine_map<(d0, d1) -> (0, 0)>
#map1 = affine_map<(d0, d1) -> (0)>
module attributes {stable_mosaic.version = 14 : i64} {
  func.func @_sc_deg_body(%arg0: i32, %arg1: i32, %arg2: memref<320x128xf32, #tpu.memory_space<hbm>>, %arg3: memref<320000xi32, #tpu.memory_space<hbm>>, %arg4: memref<320x128xf32, #tpu.memory_space<hbm>>, %arg5: memref<20480x128xf32, #tpu.memory_space<hbm>>, %arg6: memref<320xi32, #tpu.memory_space<vmem>>, %arg7: memref<320xi32, #tpu.memory_space<vmem>>, %arg8: memref<320x128xf32, #tpu.memory_space<vmem>>, %arg9: memref<10240x128xf32, #tpu.memory_space<vmem_shared>>, %arg10: memref<!tpu.dma_semaphore, #tpu.memory_space<semaphore_mem>>) attributes {dimension_semantics = [#tpu.dimension_semantics<core_parallel>, #tpu.dimension_semantics<subcore_parallel>], iteration_bounds = array<i64: 2, 16>, scalar_prefetch = 0 : i64, scratch_operands = 5 : i64, tpu.core_type = #tpu.core_type<sc_vector_subcore>, window_params = [{transform_indices = #map}, {transform_indices = #map1}, {transform_indices = #map}, {transform_indices = #map}]} {
    %mul3A = arith.constant 640 : i32
    %mul3A_0 = arith.muli %arg1, %mul3A : i32
    "tpu.region"() ({
      %run_scoped3A = tpu.sem_alloc : memref<!tpu.dma_semaphore, #tpu.memory_space<semaphore_mem>>
      tpu.enqueue_dma source(%arg2 : memref<320x128xf32, #tpu.memory_space<hbm>>) target(%arg8 : memref<320x128xf32, #tpu.memory_space<vmem>>) target_semaphore(%run_scoped3A : memref<!tpu.dma_semaphore, #tpu.memory_space<semaphore_mem>>)
      tpu.wait_dma2 semaphore(%run_scoped3A : memref<!tpu.dma_semaphore, #tpu.memory_space<semaphore_mem>>) src(%arg2 : memref<320x128xf32, #tpu.memory_space<hbm>>) dst(%arg8 : memref<320x128xf32, #tpu.memory_space<vmem>>)
      tpu.yield
    }) : () -> ()
    %add3A = arith.constant 0 : i32
    %add3A_1 = arith.addi %mul3A_0, %add3A : i32
    "tpu.region"() ({
      %run_scoped3A = tpu.sem_alloc : memref<!tpu.dma_semaphore, #tpu.memory_space<semaphore_mem>>
      %dma_start3A = arith.constant 0 : i32
      %dma_start3A_13 = tpu.memref_slice %arg9[%add3A_1, %dma_start3A] : memref<10240x128xf32, #tpu.memory_space<vmem_shared>> -> memref<320x128xf32, #tpu.memory_space<vmem_shared>>
      tpu.enqueue_dma source(%arg4 : memref<320x128xf32, #tpu.memory_space<hbm>>) target(%dma_start3A_13 : memref<320x128xf32, #tpu.memory_space<vmem_shared>>) target_semaphore(%run_scoped3A : memref<!tpu.dma_semaphore, #tpu.memory_space<semaphore_mem>>)
      %dma_wait3A = arith.constant 0 : i32
      %dma_wait3A_14 = tpu.memref_slice %arg9[%add3A_1, %dma_wait3A] : memref<10240x128xf32, #tpu.memory_space<vmem_shared>> -> memref<320x128xf32, #tpu.memory_space<vmem_shared>>
      tpu.wait_dma2 semaphore(%run_scoped3A : memref<!tpu.dma_semaphore, #tpu.memory_space<semaphore_mem>>) src(%arg4 : memref<320x128xf32, #tpu.memory_space<hbm>>) dst(%dma_wait3A_14 : memref<320x128xf32, #tpu.memory_space<vmem_shared>>)
      tpu.yield
    }) : () -> ()
    %add3A_2 = arith.constant 320 : i32
    %add3A_3 = arith.addi %mul3A_0, %add3A_2 : i32
    "tpu.region"() ({
      %run_scoped3A = tpu.sem_alloc : memref<!tpu.dma_semaphore, #tpu.memory_space<semaphore_mem>>
      %dma_start3A = arith.constant 0 : i32
      %dma_start3A_13 = tpu.memref_slice %arg9[%add3A_3, %dma_start3A] : memref<10240x128xf32, #tpu.memory_space<vmem_shared>> -> memref<320x128xf32, #tpu.memory_space<vmem_shared>>
      tpu.enqueue_dma source(%arg4 : memref<320x128xf32, #tpu.memory_space<hbm>>) target(%dma_start3A_13 : memref<320x128xf32, #tpu.memory_space<vmem_shared>>) target_semaphore(%run_scoped3A : memref<!tpu.dma_semaphore, #tpu.memory_space<semaphore_mem>>)
      %dma_wait3A = arith.constant 0 : i32
      %dma_wait3A_14 = tpu.memref_slice %arg9[%add3A_3, %dma_wait3A] : memref<10240x128xf32, #tpu.memory_space<vmem_shared>> -> memref<320x128xf32, #tpu.memory_space<vmem_shared>>
      tpu.wait_dma2 semaphore(%run_scoped3A : memref<!tpu.dma_semaphore, #tpu.memory_space<semaphore_mem>>) src(%arg4 : memref<320x128xf32, #tpu.memory_space<hbm>>) dst(%dma_wait3A_14 : memref<320x128xf32, #tpu.memory_space<vmem_shared>>)
      tpu.yield
    }) : () -> ()
    %barrier3A = arith.constant 0 : index
    tpu.barrier barrier_id(%barrier3A)
    %scan3A = arith.constant 0 : i32
    %scan3A_4 = arith.constant 0 : i32
    %scan3A_5 = arith.constant 32 : i32
    %scan3A_6 = arith.addi %scan3A_4, %scan3A_5 : i32
    %scan3A_7 = arith.constant 1 : i32
    scf.for %scan3A_13 = %scan3A_4 to %scan3A_6 step %scan3A_7  : i32 {
      %mul3A_14 = arith.constant 2 : i32
      %mul3A_15 = arith.muli %arg1, %mul3A_14 : i32
      %add3A_16 = arith.addi %mul3A_15, %arg0 : i32
      %mul3A_17 = arith.constant 32 : i32
      %mul3A_18 = arith.muli %mul3A_17, %scan3A_13 : i32
      %add3A_19 = arith.addi %add3A_16, %mul3A_18 : i32
      %lt3A = arith.constant 1000 : i32
      %lt3A_20 = arith.cmpi slt, %add3A_19, %lt3A : i32
      %eq3A = arith.constant 0 : i32
      %eq3A_21 = arith.cmpi eq, %arg0, %eq3A : i32
      %and3A = arith.andi %lt3A_20, %eq3A_21 : i1
      %convert_element_type3A = arith.extui %and3A : i1 to i32
      %cond3A = arith.constant 0 : i32
      %cond3A_22 = arith.cmpi ne, %convert_element_type3A, %cond3A : i32
      scf.if %cond3A_22 {
        %mul3A_333 = arith.constant 320 : i32
        %mul3A_334 = arith.muli %add3A_19, %mul3A_333 : i32
        "tpu.region"() ({
          %run_scoped3A = tpu.sem_alloc : memref<!tpu.dma_semaphore, #tpu.memory_space<semaphore_mem>>
          %dma_start3A = tpu.memref_slice %arg3[%mul3A_334] : memref<320000xi32, #tpu.memory_space<hbm>> -> memref<320xi32, #tpu.memory_space<hbm>>
          %dma_start3A_335 = tpu.memref_slice %arg3[%mul3A_334] : memref<320000xi32, #tpu.memory_space<hbm>> -> memref<320xi32, #tpu.memory_space<hbm>>
          tpu.enqueue_dma source(%dma_start3A_335 : memref<320xi32, #tpu.memory_space<hbm>>) target(%arg6 : memref<320xi32, #tpu.memory_space<vmem>>) target_semaphore(%run_scoped3A : memref<!tpu.dma_semaphore, #tpu.memory_space<semaphore_mem>>)
          %dma_wait3A = tpu.memref_slice %arg3[%mul3A_334] : memref<320000xi32, #tpu.memory_space<hbm>> -> memref<320xi32, #tpu.memory_space<hbm>>
          %dma_wait3A_336 = tpu.memref_slice %arg3[%mul3A_334] : memref<320000xi32, #tpu.memory_space<hbm>> -> memref<320xi32, #tpu.memory_space<hbm>>
          tpu.wait_dma2 semaphore(%run_scoped3A : memref<!tpu.dma_semaphore, #tpu.memory_space<semaphore_mem>>) src(%dma_wait3A_336 : memref<320xi32, #tpu.memory_space<hbm>>) dst(%arg6 : memref<320xi32, #tpu.memory_space<vmem>>)
          tpu.yield
        }) : () -> ()
      } else {
      }
      %eq3A_23 = arith.constant 1 : i32
      %eq3A_24 = arith.cmpi eq, %arg0, %eq3A_23 : i32
      %and3A_25 = arith.andi %lt3A_20, %eq3A_24 : i1
      %convert_element_type3A_26 = arith.extui %and3A_25 : i1 to i32
      %cond3A_27 = arith.constant 0 : i32
      %cond3A_28 = arith.cmpi ne, %convert_element_type3A_26, %cond3A_27 : i32
      scf.if %cond3A_28 {
        %mul3A_333 = arith.constant 320 : i32
        %mul3A_334 = arith.muli %add3A_19, %mul3A_333 : i32
        "tpu.region"() ({
          %run_scoped3A = tpu.sem_alloc : memref<!tpu.dma_semaphore, #tpu.memory_space<semaphore_mem>>
          %dma_start3A = tpu.memref_slice %arg3[%mul3A_334] : memref<320000xi32, #tpu.memory_space<hbm>> -> memref<320xi32, #tpu.memory_space<hbm>>
          %dma_start3A_335 = tpu.memref_slice %arg3[%mul3A_334] : memref<320000xi32, #tpu.memory_space<hbm>> -> memref<320xi32, #tpu.memory_space<hbm>>
          tpu.enqueue_dma source(%dma_start3A_335 : memref<320xi32, #tpu.memory_space<hbm>>) target(%arg7 : memref<320xi32, #tpu.memory_space<vmem>>) target_semaphore(%run_scoped3A : memref<!tpu.dma_semaphore, #tpu.memory_space<semaphore_mem>>)
          %dma_wait3A = tpu.memref_slice %arg3[%mul3A_334] : memref<320000xi32, #tpu.memory_space<hbm>> -> memref<320xi32, #tpu.memory_space<hbm>>
          %dma_wait3A_336 = tpu.memref_slice %arg3[%mul3A_334] : memref<320000xi32, #tpu.memory_space<hbm>> -> memref<320xi32, #tpu.memory_space<hbm>>
          tpu.wait_dma2 semaphore(%run_scoped3A : memref<!tpu.dma_semaphore, #tpu.memory_space<semaphore_mem>>) src(%dma_wait3A_336 : memref<320xi32, #tpu.memory_space<hbm>>) dst(%arg7 : memref<320xi32, #tpu.memory_space<vmem>>)
          tpu.yield
        }) : () -> ()
      } else {
      }
      %barrier3A_29 = arith.constant 0 : index
      tpu.barrier barrier_id(%barrier3A_29)
      %eq3A_30 = arith.constant 0 : i32
      %eq3A_31 = arith.cmpi eq, %arg1, %eq3A_30 : i32
      %and3A_32 = arith.andi %lt3A_20, %eq3A_31 : i1
      %eq3A_33 = arith.constant 0 : i32
      %eq3A_34 = arith.cmpi eq, %arg0, %eq3A_33 : i32
      %and3A_35 = arith.andi %and3A_32, %eq3A_34 : i1
      %convert_element_type3A_36 = arith.extui %and3A_35 : i1 to i32
      %cond3A_37 = arith.constant 0 : i32
      %cond3A_38 = arith.cmpi ne, %convert_element_type3A_36, %cond3A_37 : i32
      scf.if %cond3A_38 {
        "tpu.region"() ({
          %run_scoped3A = tpu.sem_alloc : memref<!tpu.dma_semaphore, #tpu.memory_space<semaphore_mem>>
          %dma_start3A = arith.constant 0 : i32
          %dma_start3A_333 = arith.constant 0 : i32
          %dma_start3A_334 = tpu.memref_slice %arg9[%dma_start3A, %dma_start3A_333] : memref<10240x128xf32, #tpu.memory_space<vmem_shared>> -> memref<10240x128xf32, #tpu.memory_space<vmem_shared>>
          tpu.enqueue_indirect_dma source(%arg8 : memref<320x128xf32, #tpu.memory_space<vmem>>) target(%dma_start3A_334 : memref<10240x128xf32, #tpu.memory_space<vmem_shared>>) offsets(%arg6 : memref<320xi32, #tpu.memory_space<vmem>>) semaphore(%run_scoped3A : memref<!tpu.dma_semaphore, #tpu.memory_space<semaphore_mem>>) {add = true}
          %dma_wait3A = arith.constant 0 : i32
          %dma_wait3A_335 = arith.constant 0 : i32
          %dma_wait3A_336 = tpu.memref_slice %arg9[%dma_wait3A, %dma_wait3A_335] : memref<10240x128xf32, #tpu.memory_space<vmem_shared>> -> memref<10240x128xf32, #tpu.memory_space<vmem_shared>>
          tpu.wait_indirect_dma semaphore(%run_scoped3A : memref<!tpu.dma_semaphore, #tpu.memory_space<semaphore_mem>>) src(%arg8 : memref<320x128xf32, #tpu.memory_space<vmem>>) dst(%dma_wait3A_336 : memref<10240x128xf32, #tpu.memory_space<vmem_shared>>)
          tpu.yield
        }) : () -> ()
      } else {
      }
      %eq3A_39 = arith.constant 0 : i32
      %eq3A_40 = arith.cmpi eq, %arg1, %eq3A_39 : i32
      %and3A_41 = arith.andi %lt3A_20, %eq3A_40 : i1
      %eq3A_42 = arith.constant 1 : i32
      %eq3A_43 = arith.cmpi eq, %arg0, %eq3A_42 : i32
      %and3A_44 = arith.andi %and3A_41, %eq3A_43 : i1
      %convert_element_type3A_45 = arith.extui %and3A_44 : i1 to i32
      %cond3A_46 = arith.constant 0 : i32
      %cond3A_47 = arith.cmpi ne, %convert_element_type3A_45, %cond3A_46 : i32
      scf.if %cond3A_47 {
        "tpu.region"() ({
          %run_scoped3A = tpu.sem_alloc : memref<!tpu.dma_semaphore, #tpu.memory_space<semaphore_mem>>
          %dma_start3A = arith.constant 0 : i32
          %dma_start3A_333 = arith.constant 0 : i32
          %dma_start3A_334 = tpu.memref_slice %arg9[%dma_start3A, %dma_start3A_333] : memref<10240x128xf32, #tpu.memory_space<vmem_shared>> -> memref<10240x128xf32, #tpu.memory_space<vmem_shared>>
          tpu.enqueue_indirect_dma source(%arg8 : memref<320x128xf32, #tpu.memory_space<vmem>>) target(%dma_start3A_334 : memref<10240x128xf32, #tpu.memory_space<vmem_shared>>) offsets(%arg7 : memref<320xi32, #tpu.memory_space<vmem>>) semaphore(%run_scoped3A : memref<!tpu.dma_semaphore, #tpu.memory_space<semaphore_mem>>) {add = true}
          %dma_wait3A = arith.constant 0 : i32
          %dma_wait3A_335 = arith.constant 0 : i32
          %dma_wait3A_336 = tpu.memref_slice %arg9[%dma_wait3A, %dma_wait3A_335] : memref<10240x128xf32, #tpu.memory_space<vmem_shared>> -> memref<10240x128xf32, #tpu.memory_space<vmem_shared>>
          tpu.wait_indirect_dma semaphore(%run_scoped3A : memref<!tpu.dma_semaphore, #tpu.memory_space<semaphore_mem>>) src(%arg8 : memref<320x128xf32, #tpu.memory_space<vmem>>) dst(%dma_wait3A_336 : memref<10240x128xf32, #tpu.memory_space<vmem_shared>>)
          tpu.yield
        }) : () -> ()
      } else {
      }
      %barrier3A_48 = arith.constant 0 : index
      tpu.barrier barrier_id(%barrier3A_48)
      %eq3A_49 = arith.constant 1 : i32
      %eq3A_50 = arith.cmpi eq, %arg1, %eq3A_49 : i32
      %and3A_51 = arith.andi %lt3A_20, %eq3A_50 : i1
      %eq3A_52 = arith.constant 0 : i32
      %eq3A_53 = arith.cmpi eq, %arg0, %eq3A_52 : i32
      %and3A_54 = arith.andi %and3A_51, %eq3A_53 : i1
      %convert_element_type3A_55 = arith.extui %and3A_54 : i1 to i32
      %cond3A_56 = arith.constant 0 : i32
      %cond3A_57 = arith.cmpi ne, %convert_element_type3A_55, %cond3A_56 : i32
      scf.if %cond3A_57 {
        "tpu.region"() ({
          %run_scoped3A = tpu.sem_alloc : memref<!tpu.dma_semaphore, #tpu.memory_space<semaphore_mem>>
          %dma_start3A = arith.constant 0 : i32
          %dma_start3A_333 = arith.constant 0 : i32
          %dma_start3A_334 = tpu.memref_slice %arg9[%dma_start3A, %dma_start3A_333] : memref<10240x128xf32, #tpu.memory_space<vmem_shared>> -> memref<10240x128xf32, #tpu.memory_space<vmem_shared>>
          tpu.enqueue_indirect_dma source(%arg8 : memref<320x128xf32, #tpu.memory_space<vmem>>) target(%dma_start3A_334 : memref<10240x128xf32, #tpu.memory_space<vmem_shared>>) offsets(%arg6 : memref<320xi32, #tpu.memory_space<vmem>>) semaphore(%run_scoped3A : memref<!tpu.dma_semaphore, #tpu.memory_space<semaphore_mem>>) {add = true}
          %dma_wait3A = arith.constant 0 : i32
          %dma_wait3A_335 = arith.constant 0 : i32
          %dma_wait3A_336 = tpu.memref_slice %arg9[%dma_wait3A, %dma_wait3A_335] : memref<10240x128xf32, #tpu.memory_space<vmem_shared>> -> memref<10240x128xf32, #tpu.memory_space<vmem_shared>>
          tpu.wait_indirect_dma semaphore(%run_scoped3A : memref<!tpu.dma_semaphore, #tpu.memory_space<semaphore_mem>>) src(%arg8 : memref<320x128xf32, #tpu.memory_space<vmem>>) dst(%dma_wait3A_336 : memref<10240x128xf32, #tpu.memory_space<vmem_shared>>)
          tpu.yield
        }) : () -> ()
      } else {
      }
      %eq3A_58 = arith.constant 1 : i32
      %eq3A_59 = arith.cmpi eq, %arg1, %eq3A_58 : i32
      %and3A_60 = arith.andi %lt3A_20, %eq3A_59 : i1
      %eq3A_61 = arith.constant 1 : i32
      %eq3A_62 = arith.cmpi eq, %arg0, %eq3A_61 : i32
      %and3A_63 = arith.andi %and3A_60, %eq3A_62 : i1
      %convert_element_type3A_64 = arith.extui %and3A_63 : i1 to i32
      %cond3A_65 = arith.constant 0 : i32
      %cond3A_66 = arith.cmpi ne, %convert_element_type3A_64, %cond3A_65 : i32
      scf.if %cond3A_66 {
        "tpu.region"() ({
          %run_scoped3A = tpu.sem_alloc : memref<!tpu.dma_semaphore, #tpu.memory_space<semaphore_mem>>
          %dma_start3A = arith.constant 0 : i32
          %dma_start3A_333 = arith.constant 0 : i32
          %dma_start3A_334 = tpu.memref_slice %arg9[%dma_start3A, %dma_start3A_333] : memref<10240x128xf32, #tpu.memory_space<vmem_shared>> -> memref<10240x128xf32, #tpu.memory_space<vmem_shared>>
          tpu.enqueue_indirect_dma source(%arg8 : memref<320x128xf32, #tpu.memory_space<vmem>>) target(%dma_start3A_334 : memref<10240x128xf32, #tpu.memory_space<vmem_shared>>) offsets(%arg7 : memref<320xi32, #tpu.memory_space<vmem>>) semaphore(%run_scoped3A : memref<!tpu.dma_semaphore, #tpu.memory_space<semaphore_mem>>) {add = true}
          %dma_wait3A = arith.constant 0 : i32
          %dma_wait3A_335 = arith.constant 0 : i32
          %dma_wait3A_336 = tpu.memref_slice %arg9[%dma_wait3A, %dma_wait3A_335] : memref<10240x128xf32, #tpu.memory_space<vmem_shared>> -> memref<10240x128xf32, #tpu.memory_space<vmem_shared>>
          tpu.wait_indirect_dma semaphore(%run_scoped3A : memref<!tpu.dma_semaphore, #tpu.memory_space<semaphore_mem>>) src(%arg8 : memref<320x128xf32, #tpu.memory_space<vmem>>) dst(%dma_wait3A_336 : memref<10240x128xf32, #tpu.memory_space<vmem_shared>>)
          tpu.yield
        }) : () -> ()
      } else {
      }
      %barrier3A_67 = arith.constant 0 : index
      tpu.barrier barrier_id(%barrier3A_67)
      %eq3A_68 = arith.constant 2 : i32
      %eq3A_69 = arith.cmpi eq, %arg1, %eq3A_68 : i32
      %and3A_70 = arith.andi %lt3A_20, %eq3A_69 : i1
      %eq3A_71 = arith.constant 0 : i32
      %eq3A_72 = arith.cmpi eq, %arg0, %eq3A_71 : i32
      %and3A_73 = arith.andi %and3A_70, %eq3A_72 : i1
      %convert_element_type3A_74 = arith.extui %and3A_73 : i1 to i32
      %cond3A_75 = arith.constant 0 : i32
      %cond3A_76 = arith.cmpi ne, %convert_element_type3A_74, %cond3A_75 : i32
      scf.if %cond3A_76 {
        "tpu.region"() ({
          %run_scoped3A = tpu.sem_alloc : memref<!tpu.dma_semaphore, #tpu.memory_space<semaphore_mem>>
          %dma_start3A = arith.constant 0 : i32
          %dma_start3A_333 = arith.constant 0 : i32
          %dma_start3A_334 = tpu.memref_slice %arg9[%dma_start3A, %dma_start3A_333] : memref<10240x128xf32, #tpu.memory_space<vmem_shared>> -> memref<10240x128xf32, #tpu.memory_space<vmem_shared>>
          tpu.enqueue_indirect_dma source(%arg8 : memref<320x128xf32, #tpu.memory_space<vmem>>) target(%dma_start3A_334 : memref<10240x128xf32, #tpu.memory_space<vmem_shared>>) offsets(%arg6 : memref<320xi32, #tpu.memory_space<vmem>>) semaphore(%run_scoped3A : memref<!tpu.dma_semaphore, #tpu.memory_space<semaphore_mem>>) {add = true}
          %dma_wait3A = arith.constant 0 : i32
          %dma_wait3A_335 = arith.constant 0 : i32
          %dma_wait3A_336 = tpu.memref_slice %arg9[%dma_wait3A, %dma_wait3A_335] : memref<10240x128xf32, #tpu.memory_space<vmem_shared>> -> memref<10240x128xf32, #tpu.memory_space<vmem_shared>>
          tpu.wait_indirect_dma semaphore(%run_scoped3A : memref<!tpu.dma_semaphore, #tpu.memory_space<semaphore_mem>>) src(%arg8 : memref<320x128xf32, #tpu.memory_space<vmem>>) dst(%dma_wait3A_336 : memref<10240x128xf32, #tpu.memory_space<vmem_shared>>)
          tpu.yield
        }) : () -> ()
      } else {
      }
      %eq3A_77 = arith.constant 2 : i32
      %eq3A_78 = arith.cmpi eq, %arg1, %eq3A_77 : i32
      %and3A_79 = arith.andi %lt3A_20, %eq3A_78 : i1
      %eq3A_80 = arith.constant 1 : i32
      %eq3A_81 = arith.cmpi eq, %arg0, %eq3A_80 : i32
      %and3A_82 = arith.andi %and3A_79, %eq3A_81 : i1
      %convert_element_type3A_83 = arith.extui %and3A_82 : i1 to i32
      %cond3A_84 = arith.constant 0 : i32
      %cond3A_85 = arith.cmpi ne, %convert_element_type3A_83, %cond3A_84 : i32
      scf.if %cond3A_85 {
        "tpu.region"() ({
          %run_scoped3A = tpu.sem_alloc : memref<!tpu.dma_semaphore, #tpu.memory_space<semaphore_mem>>
          %dma_start3A = arith.constant 0 : i32
          %dma_start3A_333 = arith.constant 0 : i32
          %dma_start3A_334 = tpu.memref_slice %arg9[%dma_start3A, %dma_start3A_333] : memref<10240x128xf32, #tpu.memory_space<vmem_shared>> -> memref<10240x128xf32, #tpu.memory_space<vmem_shared>>
          tpu.enqueue_indirect_dma source(%arg8 : memref<320x128xf32, #tpu.memory_space<vmem>>) target(%dma_start3A_334 : memref<10240x128xf32, #tpu.memory_space<vmem_shared>>) offsets(%arg7 : memref<320xi32, #tpu.memory_space<vmem>>) semaphore(%run_scoped3A : memref<!tpu.dma_semaphore, #tpu.memory_space<semaphore_mem>>) {add = true}
          %dma_wait3A = arith.constant 0 : i32
          %dma_wait3A_335 = arith.constant 0 : i32
          %dma_wait3A_336 = tpu.memref_slice %arg9[%dma_wait3A, %dma_wait3A_335] : memref<10240x128xf32, #tpu.memory_space<vmem_shared>> -> memref<10240x128xf32, #tpu.memory_space<vmem_shared>>
          tpu.wait_indirect_dma semaphore(%run_scoped3A : memref<!tpu.dma_semaphore, #tpu.memory_space<semaphore_mem>>) src(%arg8 : memref<320x128xf32, #tpu.memory_space<vmem>>) dst(%dma_wait3A_336 : memref<10240x128xf32, #tpu.memory_space<vmem_shared>>)
          tpu.yield
        }) : () -> ()
      } else {
      }
      %barrier3A_86 = arith.constant 0 : index
      tpu.barrier barrier_id(%barrier3A_86)
      %eq3A_87 = arith.constant 3 : i32
      %eq3A_88 = arith.cmpi eq, %arg1, %eq3A_87 : i32
      %and3A_89 = arith.andi %lt3A_20, %eq3A_88 : i1
      %eq3A_90 = arith.constant 0 : i32
      %eq3A_91 = arith.cmpi eq, %arg0, %eq3A_90 : i32
      %and3A_92 = arith.andi %and3A_89, %eq3A_91 : i1
      %convert_element_type3A_93 = arith.extui %and3A_92 : i1 to i32
      %cond3A_94 = arith.constant 0 : i32
      %cond3A_95 = arith.cmpi ne, %convert_element_type3A_93, %cond3A_94 : i32
      scf.if %cond3A_95 {
        "tpu.region"() ({
          %run_scoped3A = tpu.sem_alloc : memref<!tpu.dma_semaphore, #tpu.memory_space<semaphore_mem>>
          %dma_start3A = arith.constant 0 : i32
          %dma_start3A_333 = arith.constant 0 : i32
          %dma_start3A_334 = tpu.memref_slice %arg9[%dma_start3A, %dma_start3A_333] : memref<10240x128xf32, #tpu.memory_space<vmem_shared>> -> memref<10240x128xf32, #tpu.memory_space<vmem_shared>>
          tpu.enqueue_indirect_dma source(%arg8 : memref<320x128xf32, #tpu.memory_space<vmem>>) target(%dma_start3A_334 : memref<10240x128xf32, #tpu.memory_space<vmem_shared>>) offsets(%arg6 : memref<320xi32, #tpu.memory_space<vmem>>) semaphore(%run_scoped3A : memref<!tpu.dma_semaphore, #tpu.memory_space<semaphore_mem>>) {add = true}
          %dma_wait3A = arith.constant 0 : i32
          %dma_wait3A_335 = arith.constant 0 : i32
          %dma_wait3A_336 = tpu.memref_slice %arg9[%dma_wait3A, %dma_wait3A_335] : memref<10240x128xf32, #tpu.memory_space<vmem_shared>> -> memref<10240x128xf32, #tpu.memory_space<vmem_shared>>
          tpu.wait_indirect_dma semaphore(%run_scoped3A : memref<!tpu.dma_semaphore, #tpu.memory_space<semaphore_mem>>) src(%arg8 : memref<320x128xf32, #tpu.memory_space<vmem>>) dst(%dma_wait3A_336 : memref<10240x128xf32, #tpu.memory_space<vmem_shared>>)
          tpu.yield
        }) : () -> ()
      } else {
      }
      %eq3A_96 = arith.constant 3 : i32
      %eq3A_97 = arith.cmpi eq, %arg1, %eq3A_96 : i32
      %and3A_98 = arith.andi %lt3A_20, %eq3A_97 : i1
      %eq3A_99 = arith.constant 1 : i32
      %eq3A_100 = arith.cmpi eq, %arg0, %eq3A_99 : i32
      %and3A_101 = arith.andi %and3A_98, %eq3A_100 : i1
      %convert_element_type3A_102 = arith.extui %and3A_101 : i1 to i32
      %cond3A_103 = arith.constant 0 : i32
      %cond3A_104 = arith.cmpi ne, %convert_element_type3A_102, %cond3A_103 : i32
      scf.if %cond3A_104 {
        "tpu.region"() ({
          %run_scoped3A = tpu.sem_alloc : memref<!tpu.dma_semaphore, #tpu.memory_space<semaphore_mem>>
          %dma_start3A = arith.constant 0 : i32
          %dma_start3A_333 = arith.constant 0 : i32
          %dma_start3A_334 = tpu.memref_slice %arg9[%dma_start3A, %dma_start3A_333] : memref<10240x128xf32, #tpu.memory_space<vmem_shared>> -> memref<10240x128xf32, #tpu.memory_space<vmem_shared>>
          tpu.enqueue_indirect_dma source(%arg8 : memref<320x128xf32, #tpu.memory_space<vmem>>) target(%dma_start3A_334 : memref<10240x128xf32, #tpu.memory_space<vmem_shared>>) offsets(%arg7 : memref<320xi32, #tpu.memory_space<vmem>>) semaphore(%run_scoped3A : memref<!tpu.dma_semaphore, #tpu.memory_space<semaphore_mem>>) {add = true}
          %dma_wait3A = arith.constant 0 : i32
          %dma_wait3A_335 = arith.constant 0 : i32
          %dma_wait3A_336 = tpu.memref_slice %arg9[%dma_wait3A, %dma_wait3A_335] : memref<10240x128xf32, #tpu.memory_space<vmem_shared>> -> memref<10240x128xf32, #tpu.memory_space<vmem_shared>>
          tpu.wait_indirect_dma semaphore(%run_scoped3A : memref<!tpu.dma_semaphore, #tpu.memory_space<semaphore_mem>>) src(%arg8 : memref<320x128xf32, #tpu.memory_space<vmem>>) dst(%dma_wait3A_336 : memref<10240x128xf32, #tpu.memory_space<vmem_shared>>)
          tpu.yield
        }) : () -> ()
      } else {
      }
      %barrier3A_105 = arith.constant 0 : index
      tpu.barrier barrier_id(%barrier3A_105)
      %eq3A_106 = arith.constant 4 : i32
      %eq3A_107 = arith.cmpi eq, %arg1, %eq3A_106 : i32
      %and3A_108 = arith.andi %lt3A_20, %eq3A_107 : i1
      %eq3A_109 = arith.constant 0 : i32
      %eq3A_110 = arith.cmpi eq, %arg0, %eq3A_109 : i32
      %and3A_111 = arith.andi %and3A_108, %eq3A_110 : i1
      %convert_element_type3A_112 = arith.extui %and3A_111 : i1 to i32
      %cond3A_113 = arith.constant 0 : i32
      %cond3A_114 = arith.cmpi ne, %convert_element_type3A_112, %cond3A_113 : i32
      scf.if %cond3A_114 {
        "tpu.region"() ({
          %run_scoped3A = tpu.sem_alloc : memref<!tpu.dma_semaphore, #tpu.memory_space<semaphore_mem>>
          %dma_start3A = arith.constant 0 : i32
          %dma_start3A_333 = arith.constant 0 : i32
          %dma_start3A_334 = tpu.memref_slice %arg9[%dma_start3A, %dma_start3A_333] : memref<10240x128xf32, #tpu.memory_space<vmem_shared>> -> memref<10240x128xf32, #tpu.memory_space<vmem_shared>>
          tpu.enqueue_indirect_dma source(%arg8 : memref<320x128xf32, #tpu.memory_space<vmem>>) target(%dma_start3A_334 : memref<10240x128xf32, #tpu.memory_space<vmem_shared>>) offsets(%arg6 : memref<320xi32, #tpu.memory_space<vmem>>) semaphore(%run_scoped3A : memref<!tpu.dma_semaphore, #tpu.memory_space<semaphore_mem>>) {add = true}
          %dma_wait3A = arith.constant 0 : i32
          %dma_wait3A_335 = arith.constant 0 : i32
          %dma_wait3A_336 = tpu.memref_slice %arg9[%dma_wait3A, %dma_wait3A_335] : memref<10240x128xf32, #tpu.memory_space<vmem_shared>> -> memref<10240x128xf32, #tpu.memory_space<vmem_shared>>
          tpu.wait_indirect_dma semaphore(%run_scoped3A : memref<!tpu.dma_semaphore, #tpu.memory_space<semaphore_mem>>) src(%arg8 : memref<320x128xf32, #tpu.memory_space<vmem>>) dst(%dma_wait3A_336 : memref<10240x128xf32, #tpu.memory_space<vmem_shared>>)
          tpu.yield
        }) : () -> ()
      } else {
      }
      %eq3A_115 = arith.constant 4 : i32
      %eq3A_116 = arith.cmpi eq, %arg1, %eq3A_115 : i32
      %and3A_117 = arith.andi %lt3A_20, %eq3A_116 : i1
      %eq3A_118 = arith.constant 1 : i32
      %eq3A_119 = arith.cmpi eq, %arg0, %eq3A_118 : i32
      %and3A_120 = arith.andi %and3A_117, %eq3A_119 : i1
      %convert_element_type3A_121 = arith.extui %and3A_120 : i1 to i32
      %cond3A_122 = arith.constant 0 : i32
      %cond3A_123 = arith.cmpi ne, %convert_element_type3A_121, %cond3A_122 : i32
      scf.if %cond3A_123 {
        "tpu.region"() ({
          %run_scoped3A = tpu.sem_alloc : memref<!tpu.dma_semaphore, #tpu.memory_space<semaphore_mem>>
          %dma_start3A = arith.constant 0 : i32
          %dma_start3A_333 = arith.constant 0 : i32
          %dma_start3A_334 = tpu.memref_slice %arg9[%dma_start3A, %dma_start3A_333] : memref<10240x128xf32, #tpu.memory_space<vmem_shared>> -> memref<10240x128xf32, #tpu.memory_space<vmem_shared>>
          tpu.enqueue_indirect_dma source(%arg8 : memref<320x128xf32, #tpu.memory_space<vmem>>) target(%dma_start3A_334 : memref<10240x128xf32, #tpu.memory_space<vmem_shared>>) offsets(%arg7 : memref<320xi32, #tpu.memory_space<vmem>>) semaphore(%run_scoped3A : memref<!tpu.dma_semaphore, #tpu.memory_space<semaphore_mem>>) {add = true}
          %dma_wait3A = arith.constant 0 : i32
          %dma_wait3A_335 = arith.constant 0 : i32
          %dma_wait3A_336 = tpu.memref_slice %arg9[%dma_wait3A, %dma_wait3A_335] : memref<10240x128xf32, #tpu.memory_space<vmem_shared>> -> memref<10240x128xf32, #tpu.memory_space<vmem_shared>>
          tpu.wait_indirect_dma semaphore(%run_scoped3A : memref<!tpu.dma_semaphore, #tpu.memory_space<semaphore_mem>>) src(%arg8 : memref<320x128xf32, #tpu.memory_space<vmem>>) dst(%dma_wait3A_336 : memref<10240x128xf32, #tpu.memory_space<vmem_shared>>)
          tpu.yield
        }) : () -> ()
      } else {
      }
      %barrier3A_124 = arith.constant 0 : index
      tpu.barrier barrier_id(%barrier3A_124)
      %eq3A_125 = arith.constant 5 : i32
      %eq3A_126 = arith.cmpi eq, %arg1, %eq3A_125 : i32
      %and3A_127 = arith.andi %lt3A_20, %eq3A_126 : i1
      %eq3A_128 = arith.constant 0 : i32
      %eq3A_129 = arith.cmpi eq, %arg0, %eq3A_128 : i32
      %and3A_130 = arith.andi %and3A_127, %eq3A_129 : i1
      %convert_element_type3A_131 = arith.extui %and3A_130 : i1 to i32
      %cond3A_132 = arith.constant 0 : i32
      %cond3A_133 = arith.cmpi ne, %convert_element_type3A_131, %cond3A_132 : i32
      scf.if %cond3A_133 {
        "tpu.region"() ({
          %run_scoped3A = tpu.sem_alloc : memref<!tpu.dma_semaphore, #tpu.memory_space<semaphore_mem>>
          %dma_start3A = arith.constant 0 : i32
          %dma_start3A_333 = arith.constant 0 : i32
          %dma_start3A_334 = tpu.memref_slice %arg9[%dma_start3A, %dma_start3A_333] : memref<10240x128xf32, #tpu.memory_space<vmem_shared>> -> memref<10240x128xf32, #tpu.memory_space<vmem_shared>>
          tpu.enqueue_indirect_dma source(%arg8 : memref<320x128xf32, #tpu.memory_space<vmem>>) target(%dma_start3A_334 : memref<10240x128xf32, #tpu.memory_space<vmem_shared>>) offsets(%arg6 : memref<320xi32, #tpu.memory_space<vmem>>) semaphore(%run_scoped3A : memref<!tpu.dma_semaphore, #tpu.memory_space<semaphore_mem>>) {add = true}
          %dma_wait3A = arith.constant 0 : i32
          %dma_wait3A_335 = arith.constant 0 : i32
          %dma_wait3A_336 = tpu.memref_slice %arg9[%dma_wait3A, %dma_wait3A_335] : memref<10240x128xf32, #tpu.memory_space<vmem_shared>> -> memref<10240x128xf32, #tpu.memory_space<vmem_shared>>
          tpu.wait_indirect_dma semaphore(%run_scoped3A : memref<!tpu.dma_semaphore, #tpu.memory_space<semaphore_mem>>) src(%arg8 : memref<320x128xf32, #tpu.memory_space<vmem>>) dst(%dma_wait3A_336 : memref<10240x128xf32, #tpu.memory_space<vmem_shared>>)
          tpu.yield
        }) : () -> ()
      } else {
      }
      %eq3A_134 = arith.constant 5 : i32
      %eq3A_135 = arith.cmpi eq, %arg1, %eq3A_134 : i32
      %and3A_136 = arith.andi %lt3A_20, %eq3A_135 : i1
      %eq3A_137 = arith.constant 1 : i32
      %eq3A_138 = arith.cmpi eq, %arg0, %eq3A_137 : i32
      %and3A_139 = arith.andi %and3A_136, %eq3A_138 : i1
      %convert_element_type3A_140 = arith.extui %and3A_139 : i1 to i32
      %cond3A_141 = arith.constant 0 : i32
      %cond3A_142 = arith.cmpi ne, %convert_element_type3A_140, %cond3A_141 : i32
      scf.if %cond3A_142 {
        "tpu.region"() ({
          %run_scoped3A = tpu.sem_alloc : memref<!tpu.dma_semaphore, #tpu.memory_space<semaphore_mem>>
          %dma_start3A = arith.constant 0 : i32
          %dma_start3A_333 = arith.constant 0 : i32
          %dma_start3A_334 = tpu.memref_slice %arg9[%dma_start3A, %dma_start3A_333] : memref<10240x128xf32, #tpu.memory_space<vmem_shared>> -> memref<10240x128xf32, #tpu.memory_space<vmem_shared>>
          tpu.enqueue_indirect_dma source(%arg8 : memref<320x128xf32, #tpu.memory_space<vmem>>) target(%dma_start3A_334 : memref<10240x128xf32, #tpu.memory_space<vmem_shared>>) offsets(%arg7 : memref<320xi32, #tpu.memory_space<vmem>>) semaphore(%run_scoped3A : memref<!tpu.dma_semaphore, #tpu.memory_space<semaphore_mem>>) {add = true}
          %dma_wait3A = arith.constant 0 : i32
          %dma_wait3A_335 = arith.constant 0 : i32
          %dma_wait3A_336 = tpu.memref_slice %arg9[%dma_wait3A, %dma_wait3A_335] : memref<10240x128xf32, #tpu.memory_space<vmem_shared>> -> memref<10240x128xf32, #tpu.memory_space<vmem_shared>>
          tpu.wait_indirect_dma semaphore(%run_scoped3A : memref<!tpu.dma_semaphore, #tpu.memory_space<semaphore_mem>>) src(%arg8 : memref<320x128xf32, #tpu.memory_space<vmem>>) dst(%dma_wait3A_336 : memref<10240x128xf32, #tpu.memory_space<vmem_shared>>)
          tpu.yield
        }) : () -> ()
      } else {
      }
      %barrier3A_143 = arith.constant 0 : index
      tpu.barrier barrier_id(%barrier3A_143)
      %eq3A_144 = arith.constant 6 : i32
      %eq3A_145 = arith.cmpi eq, %arg1, %eq3A_144 : i32
      %and3A_146 = arith.andi %lt3A_20, %eq3A_145 : i1
      %eq3A_147 = arith.constant 0 : i32
      %eq3A_148 = arith.cmpi eq, %arg0, %eq3A_147 : i32
      %and3A_149 = arith.andi %and3A_146, %eq3A_148 : i1
      %convert_element_type3A_150 = arith.extui %and3A_149 : i1 to i32
      %cond3A_151 = arith.constant 0 : i32
      %cond3A_152 = arith.cmpi ne, %convert_element_type3A_150, %cond3A_151 : i32
      scf.if %cond3A_152 {
        "tpu.region"() ({
          %run_scoped3A = tpu.sem_alloc : memref<!tpu.dma_semaphore, #tpu.memory_space<semaphore_mem>>
          %dma_start3A = arith.constant 0 : i32
          %dma_start3A_333 = arith.constant 0 : i32
          %dma_start3A_334 = tpu.memref_slice %arg9[%dma_start3A, %dma_start3A_333] : memref<10240x128xf32, #tpu.memory_space<vmem_shared>> -> memref<10240x128xf32, #tpu.memory_space<vmem_shared>>
          tpu.enqueue_indirect_dma source(%arg8 : memref<320x128xf32, #tpu.memory_space<vmem>>) target(%dma_start3A_334 : memref<10240x128xf32, #tpu.memory_space<vmem_shared>>) offsets(%arg6 : memref<320xi32, #tpu.memory_space<vmem>>) semaphore(%run_scoped3A : memref<!tpu.dma_semaphore, #tpu.memory_space<semaphore_mem>>) {add = true}
          %dma_wait3A = arith.constant 0 : i32
          %dma_wait3A_335 = arith.constant 0 : i32
          %dma_wait3A_336 = tpu.memref_slice %arg9[%dma_wait3A, %dma_wait3A_335] : memref<10240x128xf32, #tpu.memory_space<vmem_shared>> -> memref<10240x128xf32, #tpu.memory_space<vmem_shared>>
          tpu.wait_indirect_dma semaphore(%run_scoped3A : memref<!tpu.dma_semaphore, #tpu.memory_space<semaphore_mem>>) src(%arg8 : memref<320x128xf32, #tpu.memory_space<vmem>>) dst(%dma_wait3A_336 : memref<10240x128xf32, #tpu.memory_space<vmem_shared>>)
          tpu.yield
        }) : () -> ()
      } else {
      }
      %eq3A_153 = arith.constant 6 : i32
      %eq3A_154 = arith.cmpi eq, %arg1, %eq3A_153 : i32
      %and3A_155 = arith.andi %lt3A_20, %eq3A_154 : i1
      %eq3A_156 = arith.constant 1 : i32
      %eq3A_157 = arith.cmpi eq, %arg0, %eq3A_156 : i32
      %and3A_158 = arith.andi %and3A_155, %eq3A_157 : i1
      %convert_element_type3A_159 = arith.extui %and3A_158 : i1 to i32
      %cond3A_160 = arith.constant 0 : i32
      %cond3A_161 = arith.cmpi ne, %convert_element_type3A_159, %cond3A_160 : i32
      scf.if %cond3A_161 {
        "tpu.region"() ({
          %run_scoped3A = tpu.sem_alloc : memref<!tpu.dma_semaphore, #tpu.memory_space<semaphore_mem>>
          %dma_start3A = arith.constant 0 : i32
          %dma_start3A_333 = arith.constant 0 : i32
          %dma_start3A_334 = tpu.memref_slice %arg9[%dma_start3A, %dma_start3A_333] : memref<10240x128xf32, #tpu.memory_space<vmem_shared>> -> memref<10240x128xf32, #tpu.memory_space<vmem_shared>>
          tpu.enqueue_indirect_dma source(%arg8 : memref<320x128xf32, #tpu.memory_space<vmem>>) target(%dma_start3A_334 : memref<10240x128xf32, #tpu.memory_space<vmem_shared>>) offsets(%arg7 : memref<320xi32, #tpu.memory_space<vmem>>) semaphore(%run_scoped3A : memref<!tpu.dma_semaphore, #tpu.memory_space<semaphore_mem>>) {add = true}
          %dma_wait3A = arith.constant 0 : i32
          %dma_wait3A_335 = arith.constant 0 : i32
          %dma_wait3A_336 = tpu.memref_slice %arg9[%dma_wait3A, %dma_wait3A_335] : memref<10240x128xf32, #tpu.memory_space<vmem_shared>> -> memref<10240x128xf32, #tpu.memory_space<vmem_shared>>
          tpu.wait_indirect_dma semaphore(%run_scoped3A : memref<!tpu.dma_semaphore, #tpu.memory_space<semaphore_mem>>) src(%arg8 : memref<320x128xf32, #tpu.memory_space<vmem>>) dst(%dma_wait3A_336 : memref<10240x128xf32, #tpu.memory_space<vmem_shared>>)
          tpu.yield
        }) : () -> ()
      } else {
      }
      %barrier3A_162 = arith.constant 0 : index
      tpu.barrier barrier_id(%barrier3A_162)
      %eq3A_163 = arith.constant 7 : i32
      %eq3A_164 = arith.cmpi eq, %arg1, %eq3A_163 : i32
      %and3A_165 = arith.andi %lt3A_20, %eq3A_164 : i1
      %eq3A_166 = arith.constant 0 : i32
      %eq3A_167 = arith.cmpi eq, %arg0, %eq3A_166 : i32
      %and3A_168 = arith.andi %and3A_165, %eq3A_167 : i1
      %convert_element_type3A_169 = arith.extui %and3A_168 : i1 to i32
      %cond3A_170 = arith.constant 0 : i32
      %cond3A_171 = arith.cmpi ne, %convert_element_type3A_169, %cond3A_170 : i32
      scf.if %cond3A_171 {
        "tpu.region"() ({
          %run_scoped3A = tpu.sem_alloc : memref<!tpu.dma_semaphore, #tpu.memory_space<semaphore_mem>>
          %dma_start3A = arith.constant 0 : i32
          %dma_start3A_333 = arith.constant 0 : i32
          %dma_start3A_334 = tpu.memref_slice %arg9[%dma_start3A, %dma_start3A_333] : memref<10240x128xf32, #tpu.memory_space<vmem_shared>> -> memref<10240x128xf32, #tpu.memory_space<vmem_shared>>
          tpu.enqueue_indirect_dma source(%arg8 : memref<320x128xf32, #tpu.memory_space<vmem>>) target(%dma_start3A_334 : memref<10240x128xf32, #tpu.memory_space<vmem_shared>>) offsets(%arg6 : memref<320xi32, #tpu.memory_space<vmem>>) semaphore(%run_scoped3A : memref<!tpu.dma_semaphore, #tpu.memory_space<semaphore_mem>>) {add = true}
          %dma_wait3A = arith.constant 0 : i32
          %dma_wait3A_335 = arith.constant 0 : i32
          %dma_wait3A_336 = tpu.memref_slice %arg9[%dma_wait3A, %dma_wait3A_335] : memref<10240x128xf32, #tpu.memory_space<vmem_shared>> -> memref<10240x128xf32, #tpu.memory_space<vmem_shared>>
          tpu.wait_indirect_dma semaphore(%run_scoped3A : memref<!tpu.dma_semaphore, #tpu.memory_space<semaphore_mem>>) src(%arg8 : memref<320x128xf32, #tpu.memory_space<vmem>>) dst(%dma_wait3A_336 : memref<10240x128xf32, #tpu.memory_space<vmem_shared>>)
          tpu.yield
        }) : () -> ()
      } else {
      }
      %eq3A_172 = arith.constant 7 : i32
      %eq3A_173 = arith.cmpi eq, %arg1, %eq3A_172 : i32
      %and3A_174 = arith.andi %lt3A_20, %eq3A_173 : i1
      %eq3A_175 = arith.constant 1 : i32
      %eq3A_176 = arith.cmpi eq, %arg0, %eq3A_175 : i32
      %and3A_177 = arith.andi %and3A_174, %eq3A_176 : i1
      %convert_element_type3A_178 = arith.extui %and3A_177 : i1 to i32
      %cond3A_179 = arith.constant 0 : i32
      %cond3A_180 = arith.cmpi ne, %convert_element_type3A_178, %cond3A_179 : i32
      scf.if %cond3A_180 {
        "tpu.region"() ({
          %run_scoped3A = tpu.sem_alloc : memref<!tpu.dma_semaphore, #tpu.memory_space<semaphore_mem>>
          %dma_start3A = arith.constant 0 : i32
          %dma_start3A_333 = arith.constant 0 : i32
          %dma_start3A_334 = tpu.memref_slice %arg9[%dma_start3A, %dma_start3A_333] : memref<10240x128xf32, #tpu.memory_space<vmem_shared>> -> memref<10240x128xf32, #tpu.memory_space<vmem_shared>>
          tpu.enqueue_indirect_dma source(%arg8 : memref<320x128xf32, #tpu.memory_space<vmem>>) target(%dma_start3A_334 : memref<10240x128xf32, #tpu.memory_space<vmem_shared>>) offsets(%arg7 : memref<320xi32, #tpu.memory_space<vmem>>) semaphore(%run_scoped3A : memref<!tpu.dma_semaphore, #tpu.memory_space<semaphore_mem>>) {add = true}
          %dma_wait3A = arith.constant 0 : i32
          %dma_wait3A_335 = arith.constant 0 : i32
          %dma_wait3A_336 = tpu.memref_slice %arg9[%dma_wait3A, %dma_wait3A_335] : memref<10240x128xf32, #tpu.memory_space<vmem_shared>> -> memref<10240x128xf32, #tpu.memory_space<vmem_shared>>
          tpu.wait_indirect_dma semaphore(%run_scoped3A : memref<!tpu.dma_semaphore, #tpu.memory_space<semaphore_mem>>) src(%arg8 : memref<320x128xf32, #tpu.memory_space<vmem>>) dst(%dma_wait3A_336 : memref<10240x128xf32, #tpu.memory_space<vmem_shared>>)
          tpu.yield
        }) : () -> ()
      } else {
      }
      %barrier3A_181 = arith.constant 0 : index
      tpu.barrier barrier_id(%barrier3A_181)
      %eq3A_182 = arith.constant 8 : i32
      %eq3A_183 = arith.cmpi eq, %arg1, %eq3A_182 : i32
      %and3A_184 = arith.andi %lt3A_20, %eq3A_183 : i1
      %eq3A_185 = arith.constant 0 : i32
      %eq3A_186 = arith.cmpi eq, %arg0, %eq3A_185 : i32
      %and3A_187 = arith.andi %and3A_184, %eq3A_186 : i1
      %convert_element_type3A_188 = arith.extui %and3A_187 : i1 to i32
      %cond3A_189 = arith.constant 0 : i32
      %cond3A_190 = arith.cmpi ne, %convert_element_type3A_188, %cond3A_189 : i32
      scf.if %cond3A_190 {
        "tpu.region"() ({
          %run_scoped3A = tpu.sem_alloc : memref<!tpu.dma_semaphore, #tpu.memory_space<semaphore_mem>>
          %dma_start3A = arith.constant 0 : i32
          %dma_start3A_333 = arith.constant 0 : i32
          %dma_start3A_334 = tpu.memref_slice %arg9[%dma_start3A, %dma_start3A_333] : memref<10240x128xf32, #tpu.memory_space<vmem_shared>> -> memref<10240x128xf32, #tpu.memory_space<vmem_shared>>
          tpu.enqueue_indirect_dma source(%arg8 : memref<320x128xf32, #tpu.memory_space<vmem>>) target(%dma_start3A_334 : memref<10240x128xf32, #tpu.memory_space<vmem_shared>>) offsets(%arg6 : memref<320xi32, #tpu.memory_space<vmem>>) semaphore(%run_scoped3A : memref<!tpu.dma_semaphore, #tpu.memory_space<semaphore_mem>>) {add = true}
          %dma_wait3A = arith.constant 0 : i32
          %dma_wait3A_335 = arith.constant 0 : i32
          %dma_wait3A_336 = tpu.memref_slice %arg9[%dma_wait3A, %dma_wait3A_335] : memref<10240x128xf32, #tpu.memory_space<vmem_shared>> -> memref<10240x128xf32, #tpu.memory_space<vmem_shared>>
          tpu.wait_indirect_dma semaphore(%run_scoped3A : memref<!tpu.dma_semaphore, #tpu.memory_space<semaphore_mem>>) src(%arg8 : memref<320x128xf32, #tpu.memory_space<vmem>>) dst(%dma_wait3A_336 : memref<10240x128xf32, #tpu.memory_space<vmem_shared>>)
          tpu.yield
        }) : () -> ()
      } else {
      }
      %eq3A_191 = arith.constant 8 : i32
      %eq3A_192 = arith.cmpi eq, %arg1, %eq3A_191 : i32
      %and3A_193 = arith.andi %lt3A_20, %eq3A_192 : i1
      %eq3A_194 = arith.constant 1 : i32
      %eq3A_195 = arith.cmpi eq, %arg0, %eq3A_194 : i32
      %and3A_196 = arith.andi %and3A_193, %eq3A_195 : i1
      %convert_element_type3A_197 = arith.extui %and3A_196 : i1 to i32
      %cond3A_198 = arith.constant 0 : i32
      %cond3A_199 = arith.cmpi ne, %convert_element_type3A_197, %cond3A_198 : i32
      scf.if %cond3A_199 {
        "tpu.region"() ({
          %run_scoped3A = tpu.sem_alloc : memref<!tpu.dma_semaphore, #tpu.memory_space<semaphore_mem>>
          %dma_start3A = arith.constant 0 : i32
          %dma_start3A_333 = arith.constant 0 : i32
          %dma_start3A_334 = tpu.memref_slice %arg9[%dma_start3A, %dma_start3A_333] : memref<10240x128xf32, #tpu.memory_space<vmem_shared>> -> memref<10240x128xf32, #tpu.memory_space<vmem_shared>>
          tpu.enqueue_indirect_dma source(%arg8 : memref<320x128xf32, #tpu.memory_space<vmem>>) target(%dma_start3A_334 : memref<10240x128xf32, #tpu.memory_space<vmem_shared>>) offsets(%arg7 : memref<320xi32, #tpu.memory_space<vmem>>) semaphore(%run_scoped3A : memref<!tpu.dma_semaphore, #tpu.memory_space<semaphore_mem>>) {add = true}
          %dma_wait3A = arith.constant 0 : i32
          %dma_wait3A_335 = arith.constant 0 : i32
          %dma_wait3A_336 = tpu.memref_slice %arg9[%dma_wait3A, %dma_wait3A_335] : memref<10240x128xf32, #tpu.memory_space<vmem_shared>> -> memref<10240x128xf32, #tpu.memory_space<vmem_shared>>
          tpu.wait_indirect_dma semaphore(%run_scoped3A : memref<!tpu.dma_semaphore, #tpu.memory_space<semaphore_mem>>) src(%arg8 : memref<320x128xf32, #tpu.memory_space<vmem>>) dst(%dma_wait3A_336 : memref<10240x128xf32, #tpu.memory_space<vmem_shared>>)
          tpu.yield
        }) : () -> ()
      } else {
      }
      %barrier3A_200 = arith.constant 0 : index
      tpu.barrier barrier_id(%barrier3A_200)
      %eq3A_201 = arith.constant 9 : i32
      %eq3A_202 = arith.cmpi eq, %arg1, %eq3A_201 : i32
      %and3A_203 = arith.andi %lt3A_20, %eq3A_202 : i1
      %eq3A_204 = arith.constant 0 : i32
      %eq3A_205 = arith.cmpi eq, %arg0, %eq3A_204 : i32
      %and3A_206 = arith.andi %and3A_203, %eq3A_205 : i1
      %convert_element_type3A_207 = arith.extui %and3A_206 : i1 to i32
      %cond3A_208 = arith.constant 0 : i32
      %cond3A_209 = arith.cmpi ne, %convert_element_type3A_207, %cond3A_208 : i32
      scf.if %cond3A_209 {
        "tpu.region"() ({
          %run_scoped3A = tpu.sem_alloc : memref<!tpu.dma_semaphore, #tpu.memory_space<semaphore_mem>>
          %dma_start3A = arith.constant 0 : i32
          %dma_start3A_333 = arith.constant 0 : i32
          %dma_start3A_334 = tpu.memref_slice %arg9[%dma_start3A, %dma_start3A_333] : memref<10240x128xf32, #tpu.memory_space<vmem_shared>> -> memref<10240x128xf32, #tpu.memory_space<vmem_shared>>
          tpu.enqueue_indirect_dma source(%arg8 : memref<320x128xf32, #tpu.memory_space<vmem>>) target(%dma_start3A_334 : memref<10240x128xf32, #tpu.memory_space<vmem_shared>>) offsets(%arg6 : memref<320xi32, #tpu.memory_space<vmem>>) semaphore(%run_scoped3A : memref<!tpu.dma_semaphore, #tpu.memory_space<semaphore_mem>>) {add = true}
          %dma_wait3A = arith.constant 0 : i32
          %dma_wait3A_335 = arith.constant 0 : i32
          %dma_wait3A_336 = tpu.memref_slice %arg9[%dma_wait3A, %dma_wait3A_335] : memref<10240x128xf32, #tpu.memory_space<vmem_shared>> -> memref<10240x128xf32, #tpu.memory_space<vmem_shared>>
          tpu.wait_indirect_dma semaphore(%run_scoped3A : memref<!tpu.dma_semaphore, #tpu.memory_space<semaphore_mem>>) src(%arg8 : memref<320x128xf32, #tpu.memory_space<vmem>>) dst(%dma_wait3A_336 : memref<10240x128xf32, #tpu.memory_space<vmem_shared>>)
          tpu.yield
        }) : () -> ()
      } else {
      }
      %eq3A_210 = arith.constant 9 : i32
      %eq3A_211 = arith.cmpi eq, %arg1, %eq3A_210 : i32
      %and3A_212 = arith.andi %lt3A_20, %eq3A_211 : i1
      %eq3A_213 = arith.constant 1 : i32
      %eq3A_214 = arith.cmpi eq, %arg0, %eq3A_213 : i32
      %and3A_215 = arith.andi %and3A_212, %eq3A_214 : i1
      %convert_element_type3A_216 = arith.extui %and3A_215 : i1 to i32
      %cond3A_217 = arith.constant 0 : i32
      %cond3A_218 = arith.cmpi ne, %convert_element_type3A_216, %cond3A_217 : i32
      scf.if %cond3A_218 {
        "tpu.region"() ({
          %run_scoped3A = tpu.sem_alloc : memref<!tpu.dma_semaphore, #tpu.memory_space<semaphore_mem>>
          %dma_start3A = arith.constant 0 : i32
          %dma_start3A_333 = arith.constant 0 : i32
          %dma_start3A_334 = tpu.memref_slice %arg9[%dma_start3A, %dma_start3A_333] : memref<10240x128xf32, #tpu.memory_space<vmem_shared>> -> memref<10240x128xf32, #tpu.memory_space<vmem_shared>>
          tpu.enqueue_indirect_dma source(%arg8 : memref<320x128xf32, #tpu.memory_space<vmem>>) target(%dma_start3A_334 : memref<10240x128xf32, #tpu.memory_space<vmem_shared>>) offsets(%arg7 : memref<320xi32, #tpu.memory_space<vmem>>) semaphore(%run_scoped3A : memref<!tpu.dma_semaphore, #tpu.memory_space<semaphore_mem>>) {add = true}
          %dma_wait3A = arith.constant 0 : i32
          %dma_wait3A_335 = arith.constant 0 : i32
          %dma_wait3A_336 = tpu.memref_slice %arg9[%dma_wait3A, %dma_wait3A_335] : memref<10240x128xf32, #tpu.memory_space<vmem_shared>> -> memref<10240x128xf32, #tpu.memory_space<vmem_shared>>
          tpu.wait_indirect_dma semaphore(%run_scoped3A : memref<!tpu.dma_semaphore, #tpu.memory_space<semaphore_mem>>) src(%arg8 : memref<320x128xf32, #tpu.memory_space<vmem>>) dst(%dma_wait3A_336 : memref<10240x128xf32, #tpu.memory_space<vmem_shared>>)
          tpu.yield
        }) : () -> ()
      } else {
      }
      %barrier3A_219 = arith.constant 0 : index
      tpu.barrier barrier_id(%barrier3A_219)
      %eq3A_220 = arith.constant 10 : i32
      %eq3A_221 = arith.cmpi eq, %arg1, %eq3A_220 : i32
      %and3A_222 = arith.andi %lt3A_20, %eq3A_221 : i1
      %eq3A_223 = arith.constant 0 : i32
      %eq3A_224 = arith.cmpi eq, %arg0, %eq3A_223 : i32
      %and3A_225 = arith.andi %and3A_222, %eq3A_224 : i1
      %convert_element_type3A_226 = arith.extui %and3A_225 : i1 to i32
      %cond3A_227 = arith.constant 0 : i32
      %cond3A_228 = arith.cmpi ne, %convert_element_type3A_226, %cond3A_227 : i32
      scf.if %cond3A_228 {
        "tpu.region"() ({
          %run_scoped3A = tpu.sem_alloc : memref<!tpu.dma_semaphore, #tpu.memory_space<semaphore_mem>>
          %dma_start3A = arith.constant 0 : i32
          %dma_start3A_333 = arith.constant 0 : i32
          %dma_start3A_334 = tpu.memref_slice %arg9[%dma_start3A, %dma_start3A_333] : memref<10240x128xf32, #tpu.memory_space<vmem_shared>> -> memref<10240x128xf32, #tpu.memory_space<vmem_shared>>
          tpu.enqueue_indirect_dma source(%arg8 : memref<320x128xf32, #tpu.memory_space<vmem>>) target(%dma_start3A_334 : memref<10240x128xf32, #tpu.memory_space<vmem_shared>>) offsets(%arg6 : memref<320xi32, #tpu.memory_space<vmem>>) semaphore(%run_scoped3A : memref<!tpu.dma_semaphore, #tpu.memory_space<semaphore_mem>>) {add = true}
          %dma_wait3A = arith.constant 0 : i32
          %dma_wait3A_335 = arith.constant 0 : i32
          %dma_wait3A_336 = tpu.memref_slice %arg9[%dma_wait3A, %dma_wait3A_335] : memref<10240x128xf32, #tpu.memory_space<vmem_shared>> -> memref<10240x128xf32, #tpu.memory_space<vmem_shared>>
          tpu.wait_indirect_dma semaphore(%run_scoped3A : memref<!tpu.dma_semaphore, #tpu.memory_space<semaphore_mem>>) src(%arg8 : memref<320x128xf32, #tpu.memory_space<vmem>>) dst(%dma_wait3A_336 : memref<10240x128xf32, #tpu.memory_space<vmem_shared>>)
          tpu.yield
        }) : () -> ()
      } else {
      }
      %eq3A_229 = arith.constant 10 : i32
      %eq3A_230 = arith.cmpi eq, %arg1, %eq3A_229 : i32
      %and3A_231 = arith.andi %lt3A_20, %eq3A_230 : i1
      %eq3A_232 = arith.constant 1 : i32
      %eq3A_233 = arith.cmpi eq, %arg0, %eq3A_232 : i32
      %and3A_234 = arith.andi %and3A_231, %eq3A_233 : i1
      %convert_element_type3A_235 = arith.extui %and3A_234 : i1 to i32
      %cond3A_236 = arith.constant 0 : i32
      %cond3A_237 = arith.cmpi ne, %convert_element_type3A_235, %cond3A_236 : i32
      scf.if %cond3A_237 {
        "tpu.region"() ({
          %run_scoped3A = tpu.sem_alloc : memref<!tpu.dma_semaphore, #tpu.memory_space<semaphore_mem>>
          %dma_start3A = arith.constant 0 : i32
          %dma_start3A_333 = arith.constant 0 : i32
          %dma_start3A_334 = tpu.memref_slice %arg9[%dma_start3A, %dma_start3A_333] : memref<10240x128xf32, #tpu.memory_space<vmem_shared>> -> memref<10240x128xf32, #tpu.memory_space<vmem_shared>>
          tpu.enqueue_indirect_dma source(%arg8 : memref<320x128xf32, #tpu.memory_space<vmem>>) target(%dma_start3A_334 : memref<10240x128xf32, #tpu.memory_space<vmem_shared>>) offsets(%arg7 : memref<320xi32, #tpu.memory_space<vmem>>) semaphore(%run_scoped3A : memref<!tpu.dma_semaphore, #tpu.memory_space<semaphore_mem>>) {add = true}
          %dma_wait3A = arith.constant 0 : i32
          %dma_wait3A_335 = arith.constant 0 : i32
          %dma_wait3A_336 = tpu.memref_slice %arg9[%dma_wait3A, %dma_wait3A_335] : memref<10240x128xf32, #tpu.memory_space<vmem_shared>> -> memref<10240x128xf32, #tpu.memory_space<vmem_shared>>
          tpu.wait_indirect_dma semaphore(%run_scoped3A : memref<!tpu.dma_semaphore, #tpu.memory_space<semaphore_mem>>) src(%arg8 : memref<320x128xf32, #tpu.memory_space<vmem>>) dst(%dma_wait3A_336 : memref<10240x128xf32, #tpu.memory_space<vmem_shared>>)
          tpu.yield
        }) : () -> ()
      } else {
      }
      %barrier3A_238 = arith.constant 0 : index
      tpu.barrier barrier_id(%barrier3A_238)
      %eq3A_239 = arith.constant 11 : i32
      %eq3A_240 = arith.cmpi eq, %arg1, %eq3A_239 : i32
      %and3A_241 = arith.andi %lt3A_20, %eq3A_240 : i1
      %eq3A_242 = arith.constant 0 : i32
      %eq3A_243 = arith.cmpi eq, %arg0, %eq3A_242 : i32
      %and3A_244 = arith.andi %and3A_241, %eq3A_243 : i1
      %convert_element_type3A_245 = arith.extui %and3A_244 : i1 to i32
      %cond3A_246 = arith.constant 0 : i32
      %cond3A_247 = arith.cmpi ne, %convert_element_type3A_245, %cond3A_246 : i32
      scf.if %cond3A_247 {
        "tpu.region"() ({
          %run_scoped3A = tpu.sem_alloc : memref<!tpu.dma_semaphore, #tpu.memory_space<semaphore_mem>>
          %dma_start3A = arith.constant 0 : i32
          %dma_start3A_333 = arith.constant 0 : i32
          %dma_start3A_334 = tpu.memref_slice %arg9[%dma_start3A, %dma_start3A_333] : memref<10240x128xf32, #tpu.memory_space<vmem_shared>> -> memref<10240x128xf32, #tpu.memory_space<vmem_shared>>
          tpu.enqueue_indirect_dma source(%arg8 : memref<320x128xf32, #tpu.memory_space<vmem>>) target(%dma_start3A_334 : memref<10240x128xf32, #tpu.memory_space<vmem_shared>>) offsets(%arg6 : memref<320xi32, #tpu.memory_space<vmem>>) semaphore(%run_scoped3A : memref<!tpu.dma_semaphore, #tpu.memory_space<semaphore_mem>>) {add = true}
          %dma_wait3A = arith.constant 0 : i32
          %dma_wait3A_335 = arith.constant 0 : i32
          %dma_wait3A_336 = tpu.memref_slice %arg9[%dma_wait3A, %dma_wait3A_335] : memref<10240x128xf32, #tpu.memory_space<vmem_shared>> -> memref<10240x128xf32, #tpu.memory_space<vmem_shared>>
          tpu.wait_indirect_dma semaphore(%run_scoped3A : memref<!tpu.dma_semaphore, #tpu.memory_space<semaphore_mem>>) src(%arg8 : memref<320x128xf32, #tpu.memory_space<vmem>>) dst(%dma_wait3A_336 : memref<10240x128xf32, #tpu.memory_space<vmem_shared>>)
          tpu.yield
        }) : () -> ()
      } else {
      }
      %eq3A_248 = arith.constant 11 : i32
      %eq3A_249 = arith.cmpi eq, %arg1, %eq3A_248 : i32
      %and3A_250 = arith.andi %lt3A_20, %eq3A_249 : i1
      %eq3A_251 = arith.constant 1 : i32
      %eq3A_252 = arith.cmpi eq, %arg0, %eq3A_251 : i32
      %and3A_253 = arith.andi %and3A_250, %eq3A_252 : i1
      %convert_element_type3A_254 = arith.extui %and3A_253 : i1 to i32
      %cond3A_255 = arith.constant 0 : i32
      %cond3A_256 = arith.cmpi ne, %convert_element_type3A_254, %cond3A_255 : i32
      scf.if %cond3A_256 {
        "tpu.region"() ({
          %run_scoped3A = tpu.sem_alloc : memref<!tpu.dma_semaphore, #tpu.memory_space<semaphore_mem>>
          %dma_start3A = arith.constant 0 : i32
          %dma_start3A_333 = arith.constant 0 : i32
          %dma_start3A_334 = tpu.memref_slice %arg9[%dma_start3A, %dma_start3A_333] : memref<10240x128xf32, #tpu.memory_space<vmem_shared>> -> memref<10240x128xf32, #tpu.memory_space<vmem_shared>>
          tpu.enqueue_indirect_dma source(%arg8 : memref<320x128xf32, #tpu.memory_space<vmem>>) target(%dma_start3A_334 : memref<10240x128xf32, #tpu.memory_space<vmem_shared>>) offsets(%arg7 : memref<320xi32, #tpu.memory_space<vmem>>) semaphore(%run_scoped3A : memref<!tpu.dma_semaphore, #tpu.memory_space<semaphore_mem>>) {add = true}
          %dma_wait3A = arith.constant 0 : i32
          %dma_wait3A_335 = arith.constant 0 : i32
          %dma_wait3A_336 = tpu.memref_slice %arg9[%dma_wait3A, %dma_wait3A_335] : memref<10240x128xf32, #tpu.memory_space<vmem_shared>> -> memref<10240x128xf32, #tpu.memory_space<vmem_shared>>
          tpu.wait_indirect_dma semaphore(%run_scoped3A : memref<!tpu.dma_semaphore, #tpu.memory_space<semaphore_mem>>) src(%arg8 : memref<320x128xf32, #tpu.memory_space<vmem>>) dst(%dma_wait3A_336 : memref<10240x128xf32, #tpu.memory_space<vmem_shared>>)
          tpu.yield
        }) : () -> ()
      } else {
      }
      %barrier3A_257 = arith.constant 0 : index
      tpu.barrier barrier_id(%barrier3A_257)
      %eq3A_258 = arith.constant 12 : i32
      %eq3A_259 = arith.cmpi eq, %arg1, %eq3A_258 : i32
      %and3A_260 = arith.andi %lt3A_20, %eq3A_259 : i1
      %eq3A_261 = arith.constant 0 : i32
      %eq3A_262 = arith.cmpi eq, %arg0, %eq3A_261 : i32
      %and3A_263 = arith.andi %and3A_260, %eq3A_262 : i1
      %convert_element_type3A_264 = arith.extui %and3A_263 : i1 to i32
      %cond3A_265 = arith.constant 0 : i32
      %cond3A_266 = arith.cmpi ne, %convert_element_type3A_264, %cond3A_265 : i32
      scf.if %cond3A_266 {
        "tpu.region"() ({
          %run_scoped3A = tpu.sem_alloc : memref<!tpu.dma_semaphore, #tpu.memory_space<semaphore_mem>>
          %dma_start3A = arith.constant 0 : i32
          %dma_start3A_333 = arith.constant 0 : i32
          %dma_start3A_334 = tpu.memref_slice %arg9[%dma_start3A, %dma_start3A_333] : memref<10240x128xf32, #tpu.memory_space<vmem_shared>> -> memref<10240x128xf32, #tpu.memory_space<vmem_shared>>
          tpu.enqueue_indirect_dma source(%arg8 : memref<320x128xf32, #tpu.memory_space<vmem>>) target(%dma_start3A_334 : memref<10240x128xf32, #tpu.memory_space<vmem_shared>>) offsets(%arg6 : memref<320xi32, #tpu.memory_space<vmem>>) semaphore(%run_scoped3A : memref<!tpu.dma_semaphore, #tpu.memory_space<semaphore_mem>>) {add = true}
          %dma_wait3A = arith.constant 0 : i32
          %dma_wait3A_335 = arith.constant 0 : i32
          %dma_wait3A_336 = tpu.memref_slice %arg9[%dma_wait3A, %dma_wait3A_335] : memref<10240x128xf32, #tpu.memory_space<vmem_shared>> -> memref<10240x128xf32, #tpu.memory_space<vmem_shared>>
          tpu.wait_indirect_dma semaphore(%run_scoped3A : memref<!tpu.dma_semaphore, #tpu.memory_space<semaphore_mem>>) src(%arg8 : memref<320x128xf32, #tpu.memory_space<vmem>>) dst(%dma_wait3A_336 : memref<10240x128xf32, #tpu.memory_space<vmem_shared>>)
          tpu.yield
        }) : () -> ()
      } else {
      }
      %eq3A_267 = arith.constant 12 : i32
      %eq3A_268 = arith.cmpi eq, %arg1, %eq3A_267 : i32
      %and3A_269 = arith.andi %lt3A_20, %eq3A_268 : i1
      %eq3A_270 = arith.constant 1 : i32
      %eq3A_271 = arith.cmpi eq, %arg0, %eq3A_270 : i32
      %and3A_272 = arith.andi %and3A_269, %eq3A_271 : i1
      %convert_element_type3A_273 = arith.extui %and3A_272 : i1 to i32
      %cond3A_274 = arith.constant 0 : i32
      %cond3A_275 = arith.cmpi ne, %convert_element_type3A_273, %cond3A_274 : i32
      scf.if %cond3A_275 {
        "tpu.region"() ({
          %run_scoped3A = tpu.sem_alloc : memref<!tpu.dma_semaphore, #tpu.memory_space<semaphore_mem>>
          %dma_start3A = arith.constant 0 : i32
          %dma_start3A_333 = arith.constant 0 : i32
          %dma_start3A_334 = tpu.memref_slice %arg9[%dma_start3A, %dma_start3A_333] : memref<10240x128xf32, #tpu.memory_space<vmem_shared>> -> memref<10240x128xf32, #tpu.memory_space<vmem_shared>>
          tpu.enqueue_indirect_dma source(%arg8 : memref<320x128xf32, #tpu.memory_space<vmem>>) target(%dma_start3A_334 : memref<10240x128xf32, #tpu.memory_space<vmem_shared>>) offsets(%arg7 : memref<320xi32, #tpu.memory_space<vmem>>) semaphore(%run_scoped3A : memref<!tpu.dma_semaphore, #tpu.memory_space<semaphore_mem>>) {add = true}
          %dma_wait3A = arith.constant 0 : i32
          %dma_wait3A_335 = arith.constant 0 : i32
          %dma_wait3A_336 = tpu.memref_slice %arg9[%dma_wait3A, %dma_wait3A_335] : memref<10240x128xf32, #tpu.memory_space<vmem_shared>> -> memref<10240x128xf32, #tpu.memory_space<vmem_shared>>
          tpu.wait_indirect_dma semaphore(%run_scoped3A : memref<!tpu.dma_semaphore, #tpu.memory_space<semaphore_mem>>) src(%arg8 : memref<320x128xf32, #tpu.memory_space<vmem>>) dst(%dma_wait3A_336 : memref<10240x128xf32, #tpu.memory_space<vmem_shared>>)
          tpu.yield
        }) : () -> ()
      } else {
      }
      %barrier3A_276 = arith.constant 0 : index
      tpu.barrier barrier_id(%barrier3A_276)
      %eq3A_277 = arith.constant 13 : i32
      %eq3A_278 = arith.cmpi eq, %arg1, %eq3A_277 : i32
      %and3A_279 = arith.andi %lt3A_20, %eq3A_278 : i1
      %eq3A_280 = arith.constant 0 : i32
      %eq3A_281 = arith.cmpi eq, %arg0, %eq3A_280 : i32
      %and3A_282 = arith.andi %and3A_279, %eq3A_281 : i1
      %convert_element_type3A_283 = arith.extui %and3A_282 : i1 to i32
      %cond3A_284 = arith.constant 0 : i32
      %cond3A_285 = arith.cmpi ne, %convert_element_type3A_283, %cond3A_284 : i32
      scf.if %cond3A_285 {
        "tpu.region"() ({
          %run_scoped3A = tpu.sem_alloc : memref<!tpu.dma_semaphore, #tpu.memory_space<semaphore_mem>>
          %dma_start3A = arith.constant 0 : i32
          %dma_start3A_333 = arith.constant 0 : i32
          %dma_start3A_334 = tpu.memref_slice %arg9[%dma_start3A, %dma_start3A_333] : memref<10240x128xf32, #tpu.memory_space<vmem_shared>> -> memref<10240x128xf32, #tpu.memory_space<vmem_shared>>
          tpu.enqueue_indirect_dma source(%arg8 : memref<320x128xf32, #tpu.memory_space<vmem>>) target(%dma_start3A_334 : memref<10240x128xf32, #tpu.memory_space<vmem_shared>>) offsets(%arg6 : memref<320xi32, #tpu.memory_space<vmem>>) semaphore(%run_scoped3A : memref<!tpu.dma_semaphore, #tpu.memory_space<semaphore_mem>>) {add = true}
          %dma_wait3A = arith.constant 0 : i32
          %dma_wait3A_335 = arith.constant 0 : i32
          %dma_wait3A_336 = tpu.memref_slice %arg9[%dma_wait3A, %dma_wait3A_335] : memref<10240x128xf32, #tpu.memory_space<vmem_shared>> -> memref<10240x128xf32, #tpu.memory_space<vmem_shared>>
          tpu.wait_indirect_dma semaphore(%run_scoped3A : memref<!tpu.dma_semaphore, #tpu.memory_space<semaphore_mem>>) src(%arg8 : memref<320x128xf32, #tpu.memory_space<vmem>>) dst(%dma_wait3A_336 : memref<10240x128xf32, #tpu.memory_space<vmem_shared>>)
          tpu.yield
        }) : () -> ()
      } else {
      }
      %eq3A_286 = arith.constant 13 : i32
      %eq3A_287 = arith.cmpi eq, %arg1, %eq3A_286 : i32
      %and3A_288 = arith.andi %lt3A_20, %eq3A_287 : i1
      %eq3A_289 = arith.constant 1 : i32
      %eq3A_290 = arith.cmpi eq, %arg0, %eq3A_289 : i32
      %and3A_291 = arith.andi %and3A_288, %eq3A_290 : i1
      %convert_element_type3A_292 = arith.extui %and3A_291 : i1 to i32
      %cond3A_293 = arith.constant 0 : i32
      %cond3A_294 = arith.cmpi ne, %convert_element_type3A_292, %cond3A_293 : i32
      scf.if %cond3A_294 {
        "tpu.region"() ({
          %run_scoped3A = tpu.sem_alloc : memref<!tpu.dma_semaphore, #tpu.memory_space<semaphore_mem>>
          %dma_start3A = arith.constant 0 : i32
          %dma_start3A_333 = arith.constant 0 : i32
          %dma_start3A_334 = tpu.memref_slice %arg9[%dma_start3A, %dma_start3A_333] : memref<10240x128xf32, #tpu.memory_space<vmem_shared>> -> memref<10240x128xf32, #tpu.memory_space<vmem_shared>>
          tpu.enqueue_indirect_dma source(%arg8 : memref<320x128xf32, #tpu.memory_space<vmem>>) target(%dma_start3A_334 : memref<10240x128xf32, #tpu.memory_space<vmem_shared>>) offsets(%arg7 : memref<320xi32, #tpu.memory_space<vmem>>) semaphore(%run_scoped3A : memref<!tpu.dma_semaphore, #tpu.memory_space<semaphore_mem>>) {add = true}
          %dma_wait3A = arith.constant 0 : i32
          %dma_wait3A_335 = arith.constant 0 : i32
          %dma_wait3A_336 = tpu.memref_slice %arg9[%dma_wait3A, %dma_wait3A_335] : memref<10240x128xf32, #tpu.memory_space<vmem_shared>> -> memref<10240x128xf32, #tpu.memory_space<vmem_shared>>
          tpu.wait_indirect_dma semaphore(%run_scoped3A : memref<!tpu.dma_semaphore, #tpu.memory_space<semaphore_mem>>) src(%arg8 : memref<320x128xf32, #tpu.memory_space<vmem>>) dst(%dma_wait3A_336 : memref<10240x128xf32, #tpu.memory_space<vmem_shared>>)
          tpu.yield
        }) : () -> ()
      } else {
      }
      %barrier3A_295 = arith.constant 0 : index
      tpu.barrier barrier_id(%barrier3A_295)
      %eq3A_296 = arith.constant 14 : i32
      %eq3A_297 = arith.cmpi eq, %arg1, %eq3A_296 : i32
      %and3A_298 = arith.andi %lt3A_20, %eq3A_297 : i1
      %eq3A_299 = arith.constant 0 : i32
      %eq3A_300 = arith.cmpi eq, %arg0, %eq3A_299 : i32
      %and3A_301 = arith.andi %and3A_298, %eq3A_300 : i1
      %convert_element_type3A_302 = arith.extui %and3A_301 : i1 to i32
      %cond3A_303 = arith.constant 0 : i32
      %cond3A_304 = arith.cmpi ne, %convert_element_type3A_302, %cond3A_303 : i32
      scf.if %cond3A_304 {
        "tpu.region"() ({
          %run_scoped3A = tpu.sem_alloc : memref<!tpu.dma_semaphore, #tpu.memory_space<semaphore_mem>>
          %dma_start3A = arith.constant 0 : i32
          %dma_start3A_333 = arith.constant 0 : i32
          %dma_start3A_334 = tpu.memref_slice %arg9[%dma_start3A, %dma_start3A_333] : memref<10240x128xf32, #tpu.memory_space<vmem_shared>> -> memref<10240x128xf32, #tpu.memory_space<vmem_shared>>
          tpu.enqueue_indirect_dma source(%arg8 : memref<320x128xf32, #tpu.memory_space<vmem>>) target(%dma_start3A_334 : memref<10240x128xf32, #tpu.memory_space<vmem_shared>>) offsets(%arg6 : memref<320xi32, #tpu.memory_space<vmem>>) semaphore(%run_scoped3A : memref<!tpu.dma_semaphore, #tpu.memory_space<semaphore_mem>>) {add = true}
          %dma_wait3A = arith.constant 0 : i32
          %dma_wait3A_335 = arith.constant 0 : i32
          %dma_wait3A_336 = tpu.memref_slice %arg9[%dma_wait3A, %dma_wait3A_335] : memref<10240x128xf32, #tpu.memory_space<vmem_shared>> -> memref<10240x128xf32, #tpu.memory_space<vmem_shared>>
          tpu.wait_indirect_dma semaphore(%run_scoped3A : memref<!tpu.dma_semaphore, #tpu.memory_space<semaphore_mem>>) src(%arg8 : memref<320x128xf32, #tpu.memory_space<vmem>>) dst(%dma_wait3A_336 : memref<10240x128xf32, #tpu.memory_space<vmem_shared>>)
          tpu.yield
        }) : () -> ()
      } else {
      }
      %eq3A_305 = arith.constant 14 : i32
      %eq3A_306 = arith.cmpi eq, %arg1, %eq3A_305 : i32
      %and3A_307 = arith.andi %lt3A_20, %eq3A_306 : i1
      %eq3A_308 = arith.constant 1 : i32
      %eq3A_309 = arith.cmpi eq, %arg0, %eq3A_308 : i32
      %and3A_310 = arith.andi %and3A_307, %eq3A_309 : i1
      %convert_element_type3A_311 = arith.extui %and3A_310 : i1 to i32
      %cond3A_312 = arith.constant 0 : i32
      %cond3A_313 = arith.cmpi ne, %convert_element_type3A_311, %cond3A_312 : i32
      scf.if %cond3A_313 {
        "tpu.region"() ({
          %run_scoped3A = tpu.sem_alloc : memref<!tpu.dma_semaphore, #tpu.memory_space<semaphore_mem>>
          %dma_start3A = arith.constant 0 : i32
          %dma_start3A_333 = arith.constant 0 : i32
          %dma_start3A_334 = tpu.memref_slice %arg9[%dma_start3A, %dma_start3A_333] : memref<10240x128xf32, #tpu.memory_space<vmem_shared>> -> memref<10240x128xf32, #tpu.memory_space<vmem_shared>>
          tpu.enqueue_indirect_dma source(%arg8 : memref<320x128xf32, #tpu.memory_space<vmem>>) target(%dma_start3A_334 : memref<10240x128xf32, #tpu.memory_space<vmem_shared>>) offsets(%arg7 : memref<320xi32, #tpu.memory_space<vmem>>) semaphore(%run_scoped3A : memref<!tpu.dma_semaphore, #tpu.memory_space<semaphore_mem>>) {add = true}
          %dma_wait3A = arith.constant 0 : i32
          %dma_wait3A_335 = arith.constant 0 : i32
          %dma_wait3A_336 = tpu.memref_slice %arg9[%dma_wait3A, %dma_wait3A_335] : memref<10240x128xf32, #tpu.memory_space<vmem_shared>> -> memref<10240x128xf32, #tpu.memory_space<vmem_shared>>
          tpu.wait_indirect_dma semaphore(%run_scoped3A : memref<!tpu.dma_semaphore, #tpu.memory_space<semaphore_mem>>) src(%arg8 : memref<320x128xf32, #tpu.memory_space<vmem>>) dst(%dma_wait3A_336 : memref<10240x128xf32, #tpu.memory_space<vmem_shared>>)
          tpu.yield
        }) : () -> ()
      } else {
      }
      %barrier3A_314 = arith.constant 0 : index
      tpu.barrier barrier_id(%barrier3A_314)
      %eq3A_315 = arith.constant 15 : i32
      %eq3A_316 = arith.cmpi eq, %arg1, %eq3A_315 : i32
      %and3A_317 = arith.andi %lt3A_20, %eq3A_316 : i1
      %eq3A_318 = arith.constant 0 : i32
      %eq3A_319 = arith.cmpi eq, %arg0, %eq3A_318 : i32
      %and3A_320 = arith.andi %and3A_317, %eq3A_319 : i1
      %convert_element_type3A_321 = arith.extui %and3A_320 : i1 to i32
      %cond3A_322 = arith.constant 0 : i32
      %cond3A_323 = arith.cmpi ne, %convert_element_type3A_321, %cond3A_322 : i32
      scf.if %cond3A_323 {
        "tpu.region"() ({
          %run_scoped3A = tpu.sem_alloc : memref<!tpu.dma_semaphore, #tpu.memory_space<semaphore_mem>>
          %dma_start3A = arith.constant 0 : i32
          %dma_start3A_333 = arith.constant 0 : i32
          %dma_start3A_334 = tpu.memref_slice %arg9[%dma_start3A, %dma_start3A_333] : memref<10240x128xf32, #tpu.memory_space<vmem_shared>> -> memref<10240x128xf32, #tpu.memory_space<vmem_shared>>
          tpu.enqueue_indirect_dma source(%arg8 : memref<320x128xf32, #tpu.memory_space<vmem>>) target(%dma_start3A_334 : memref<10240x128xf32, #tpu.memory_space<vmem_shared>>) offsets(%arg6 : memref<320xi32, #tpu.memory_space<vmem>>) semaphore(%run_scoped3A : memref<!tpu.dma_semaphore, #tpu.memory_space<semaphore_mem>>) {add = true}
          %dma_wait3A = arith.constant 0 : i32
          %dma_wait3A_335 = arith.constant 0 : i32
          %dma_wait3A_336 = tpu.memref_slice %arg9[%dma_wait3A, %dma_wait3A_335] : memref<10240x128xf32, #tpu.memory_space<vmem_shared>> -> memref<10240x128xf32, #tpu.memory_space<vmem_shared>>
          tpu.wait_indirect_dma semaphore(%run_scoped3A : memref<!tpu.dma_semaphore, #tpu.memory_space<semaphore_mem>>) src(%arg8 : memref<320x128xf32, #tpu.memory_space<vmem>>) dst(%dma_wait3A_336 : memref<10240x128xf32, #tpu.memory_space<vmem_shared>>)
          tpu.yield
        }) : () -> ()
      } else {
      }
      %eq3A_324 = arith.constant 15 : i32
      %eq3A_325 = arith.cmpi eq, %arg1, %eq3A_324 : i32
      %and3A_326 = arith.andi %lt3A_20, %eq3A_325 : i1
      %eq3A_327 = arith.constant 1 : i32
      %eq3A_328 = arith.cmpi eq, %arg0, %eq3A_327 : i32
      %and3A_329 = arith.andi %and3A_326, %eq3A_328 : i1
      %convert_element_type3A_330 = arith.extui %and3A_329 : i1 to i32
      %cond3A_331 = arith.constant 0 : i32
      %cond3A_332 = arith.cmpi ne, %convert_element_type3A_330, %cond3A_331 : i32
      scf.if %cond3A_332 {
        "tpu.region"() ({
          %run_scoped3A = tpu.sem_alloc : memref<!tpu.dma_semaphore, #tpu.memory_space<semaphore_mem>>
          %dma_start3A = arith.constant 0 : i32
          %dma_start3A_333 = arith.constant 0 : i32
          %dma_start3A_334 = tpu.memref_slice %arg9[%dma_start3A, %dma_start3A_333] : memref<10240x128xf32, #tpu.memory_space<vmem_shared>> -> memref<10240x128xf32, #tpu.memory_space<vmem_shared>>
          tpu.enqueue_indirect_dma source(%arg8 : memref<320x128xf32, #tpu.memory_space<vmem>>) target(%dma_start3A_334 : memref<10240x128xf32, #tpu.memory_space<vmem_shared>>) offsets(%arg7 : memref<320xi32, #tpu.memory_space<vmem>>) semaphore(%run_scoped3A : memref<!tpu.dma_semaphore, #tpu.memory_space<semaphore_mem>>) {add = true}
          %dma_wait3A = arith.constant 0 : i32
          %dma_wait3A_335 = arith.constant 0 : i32
          %dma_wait3A_336 = tpu.memref_slice %arg9[%dma_wait3A, %dma_wait3A_335] : memref<10240x128xf32, #tpu.memory_space<vmem_shared>> -> memref<10240x128xf32, #tpu.memory_space<vmem_shared>>
          tpu.wait_indirect_dma semaphore(%run_scoped3A : memref<!tpu.dma_semaphore, #tpu.memory_space<semaphore_mem>>) src(%arg8 : memref<320x128xf32, #tpu.memory_space<vmem>>) dst(%dma_wait3A_336 : memref<10240x128xf32, #tpu.memory_space<vmem_shared>>)
          tpu.yield
        }) : () -> ()
      } else {
      }
    }
    %scan3A_8 = arith.constant 32 : i32
    %barrier3A_9 = arith.constant 0 : index
    tpu.barrier barrier_id(%barrier3A_9)
    %mul3A_10 = arith.constant 10240 : i32
    %mul3A_11 = arith.muli %arg0, %mul3A_10 : i32
    %add3A_12 = arith.addi %mul3A_11, %mul3A_0 : i32
    "tpu.region"() ({
      %run_scoped3A = tpu.sem_alloc : memref<!tpu.dma_semaphore, #tpu.memory_space<semaphore_mem>>
      %dma_start3A = arith.constant 0 : i32
      %dma_start3A_13 = tpu.memref_slice %arg5[%add3A_12, %dma_start3A] : memref<20480x128xf32, #tpu.memory_space<hbm>> -> memref<640x128xf32, #tpu.memory_space<hbm>>
      %dma_start3A_14 = arith.constant 0 : i32
      %dma_start3A_15 = tpu.memref_slice %arg9[%mul3A_0, %dma_start3A_14] : memref<10240x128xf32, #tpu.memory_space<vmem_shared>> -> memref<640x128xf32, #tpu.memory_space<vmem_shared>>
      tpu.enqueue_dma source(%dma_start3A_15 : memref<640x128xf32, #tpu.memory_space<vmem_shared>>) target(%dma_start3A_13 : memref<640x128xf32, #tpu.memory_space<hbm>>) target_semaphore(%run_scoped3A : memref<!tpu.dma_semaphore, #tpu.memory_space<semaphore_mem>>)
      %dma_wait3A = arith.constant 0 : i32
      %dma_wait3A_16 = tpu.memref_slice %arg5[%add3A_12, %dma_wait3A] : memref<20480x128xf32, #tpu.memory_space<hbm>> -> memref<640x128xf32, #tpu.memory_space<hbm>>
      %dma_wait3A_17 = arith.constant 0 : i32
      %dma_wait3A_18 = tpu.memref_slice %arg9[%mul3A_0, %dma_wait3A_17] : memref<10240x128xf32, #tpu.memory_space<vmem_shared>> -> memref<640x128xf32, #tpu.memory_space<vmem_shared>>
      tpu.wait_dma2 semaphore(%run_scoped3A : memref<!tpu.dma_semaphore, #tpu.memory_space<semaphore_mem>>) src(%dma_wait3A_18 : memref<640x128xf32, #tpu.memory_space<vmem_shared>>) dst(%dma_wait3A_16 : memref<640x128xf32, #tpu.memory_space<hbm>>)
      tpu.yield
    }) : () -> ()
    return
  }
}

module attributes {stable_mosaic.version = 14 : i64} {
  func.func @_tc_pre_body(%arg0: memref<10000x128xf32, #tpu.memory_space<vmem>>, %arg1: memref<128x128xf32, #tpu.memory_space<vmem>>, %arg2: memref<20480x128xf32, #tpu.memory_space<vmem>>, %arg3: memref<10000x128xf32, #tpu.memory_space<vmem>>, %arg4: memref<10000x1xf32, #tpu.memory_space<vmem>>) attributes {dimension_semantics = [], scalar_prefetch = 0 : i64, scratch_operands = 0 : i64, tpu.core_type = #tpu.core_type<tc>} {
    %get3A = arith.constant 0 : index
    %get3A_0 = arith.constant 0 : index
    %get3A_1 = vector.load %arg2[%get3A, %get3A_0] : memref<20480x128xf32, #tpu.memory_space<vmem>>, vector<20480x128xf32>
    %slice3A = vector.extract_strided_slice %get3A_1 {offsets = [0, 0], sizes = [10000, 1], strides = [1, 1]} : vector<20480x128xf32> to vector<10000x1xf32>
    %slice3A_2 = vector.extract_strided_slice %get3A_1 {offsets = [10240, 0], sizes = [10000, 1], strides = [1, 1]} : vector<20480x128xf32> to vector<10000x1xf32>
    %add3A = arith.addf %slice3A, %slice3A_2 : vector<10000x1xf32>
    %add3A_3 = arith.constant 1.000000e+00 : f32
    %add3A_4 = vector.broadcast %add3A_3 : f32 to vector<10000x1xf32>
    %add3A_5 = arith.addf %add3A, %add3A_4 : vector<10000x1xf32>
    %rsqrt3A = math.rsqrt %add3A_5 : vector<10000x1xf32>
    %get3A_6 = arith.constant 0 : index
    %get3A_7 = arith.constant 0 : index
    %get3A_8 = vector.load %arg0[%get3A_6, %get3A_7] : memref<10000x128xf32, #tpu.memory_space<vmem>>, vector<10000x128xf32>
    %get3A_9 = arith.constant 0 : index
    %get3A_10 = arith.constant 0 : index
    %get3A_11 = vector.load %arg1[%get3A_9, %get3A_10] : memref<128x128xf32, #tpu.memory_space<vmem>>, vector<128x128xf32>
    %dot_general3A = arith.constant dense<0.000000e+00> : vector<10000x128xf32>
    %dot_general3A_12 = tpu.matmul %get3A_8, %get3A_11, %dot_general3A {dimension_numbers = #tpu.dot_dimension_numbers<[1], [0], [0], [1], [0, 0, 1, 1], [], []>, transpose_lhs_hint = false} : vector<10000x128xf32>, vector<128x128xf32>, vector<10000x128xf32> -> vector<10000x128xf32>
    %mul3A = vector.broadcast %rsqrt3A : vector<10000x1xf32> to vector<10000x128xf32>
    %mul3A_13 = arith.mulf %dot_general3A_12, %mul3A : vector<10000x128xf32>
    %swap3A = arith.constant 0 : index
    %swap3A_14 = arith.constant 0 : index
    %swap3A_15 = vector.load %arg3[%swap3A, %swap3A_14] : memref<10000x128xf32, #tpu.memory_space<vmem>>, vector<10000x128xf32>
    tpu.vector_store %arg3[%swap3A, %swap3A_14], %mul3A_13 {strides = array<i32>} : memref<10000x128xf32, #tpu.memory_space<vmem>>, vector<10000x128xf32>,
    %swap3A_16 = arith.constant 0 : index
    %swap3A_17 = arith.constant 0 : index
    %swap3A_18 = vector.load %arg4[%swap3A_16, %swap3A_17] : memref<10000x1xf32, #tpu.memory_space<vmem>>, vector<10000x1xf32>
    tpu.vector_store %arg4[%swap3A_16, %swap3A_17], %rsqrt3A {strides = array<i32>} : memref<10000x1xf32, #tpu.memory_space<vmem>>, vector<10000x1xf32>,
    return
  }
}

module attributes {stable_mosaic.version = 14 : i64} {
  func.func @_tc_mid_body(%arg0: memref<20480x128xf32, #tpu.memory_space<vmem>>, %arg1: memref<10000x128xf32, #tpu.memory_space<vmem>>, %arg2: memref<10000x1xf32, #tpu.memory_space<vmem>>, %arg3: memref<1x128xf32, #tpu.memory_space<vmem>>, %arg4: memref<128x128xf32, #tpu.memory_space<vmem>>, %arg5: memref<10000x128xf32, #tpu.memory_space<vmem>>) attributes {dimension_semantics = [], scalar_prefetch = 0 : i64, scratch_operands = 0 : i64, tpu.core_type = #tpu.core_type<tc>} {
    %get3A = arith.constant 0 : index
    %get3A_0 = arith.constant 0 : index
    %get3A_1 = vector.load %arg0[%get3A, %get3A_0] : memref<20480x128xf32, #tpu.memory_space<vmem>>, vector<20480x128xf32>
    %get3A_2 = arith.constant 0 : index
    %get3A_3 = arith.constant 0 : index
    %get3A_4 = vector.load %arg2[%get3A_2, %get3A_3] : memref<10000x1xf32, #tpu.memory_space<vmem>>, vector<10000x1xf32>
    %slice3A = vector.extract_strided_slice %get3A_1 {offsets = [0, 0], sizes = [10000, 128], strides = [1, 1]} : vector<20480x128xf32> to vector<10000x128xf32>
    %slice3A_5 = vector.extract_strided_slice %get3A_1 {offsets = [10240, 0], sizes = [10000, 128], strides = [1, 1]} : vector<20480x128xf32> to vector<10000x128xf32>
    %add3A = arith.addf %slice3A, %slice3A_5 : vector<10000x128xf32>
    %get3A_6 = arith.constant 0 : index
    %get3A_7 = arith.constant 0 : index
    %get3A_8 = vector.load %arg1[%get3A_6, %get3A_7] : memref<10000x128xf32, #tpu.memory_space<vmem>>, vector<10000x128xf32>
    %add3A_9 = arith.addf %add3A, %get3A_8 : vector<10000x128xf32>
    %mul3A = vector.broadcast %get3A_4 : vector<10000x1xf32> to vector<10000x128xf32>
    %mul3A_10 = arith.mulf %mul3A, %add3A_9 : vector<10000x128xf32>
    %get3A_11 = arith.constant 0 : index
    %get3A_12 = arith.constant 0 : index
    %get3A_13 = vector.load %arg3[%get3A_11, %get3A_12] : memref<1x128xf32, #tpu.memory_space<vmem>>, vector<1x128xf32>
    %add3A_14 = vector.broadcast %get3A_13 : vector<1x128xf32> to vector<10000x128xf32>
    %add3A_15 = arith.addf %mul3A_10, %add3A_14 : vector<10000x128xf32>
    %max3A = arith.constant 0.000000e+00 : f32
    %max3A_16 = vector.broadcast %max3A : f32 to vector<10000x128xf32>
    %max3A_17 = arith.maximumf %add3A_15, %max3A_16 : vector<10000x128xf32>
    %get3A_18 = arith.constant 0 : index
    %get3A_19 = arith.constant 0 : index
    %get3A_20 = vector.load %arg4[%get3A_18, %get3A_19] : memref<128x128xf32, #tpu.memory_space<vmem>>, vector<128x128xf32>
    %dot_general3A = arith.constant dense<0.000000e+00> : vector<10000x128xf32>
    %dot_general3A_21 = tpu.matmul %max3A_17, %get3A_20, %dot_general3A {dimension_numbers = #tpu.dot_dimension_numbers<[1], [0], [0], [1], [0, 0, 1, 1], [], []>, transpose_lhs_hint = false} : vector<10000x128xf32>, vector<128x128xf32>, vector<10000x128xf32> -> vector<10000x128xf32>
    %mul3A_22 = vector.broadcast %get3A_4 : vector<10000x1xf32> to vector<10000x128xf32>
    %mul3A_23 = arith.mulf %mul3A_22, %dot_general3A_21 : vector<10000x128xf32>
    %swap3A = arith.constant 0 : index
    %swap3A_24 = arith.constant 0 : index
    %swap3A_25 = vector.load %arg5[%swap3A, %swap3A_24] : memref<10000x128xf32, #tpu.memory_space<vmem>>, vector<10000x128xf32>
    tpu.vector_store %arg5[%swap3A, %swap3A_24], %mul3A_23 {strides = array<i32>} : memref<10000x128xf32, #tpu.memory_space<vmem>>, vector<10000x128xf32>,
    return
  }
}

module attributes {stable_mosaic.version = 14 : i64} {
  func.func @_tc_post_body(%arg0: memref<20480x128xf32, #tpu.memory_space<vmem>>, %arg1: memref<10000x128xf32, #tpu.memory_space<vmem>>, %arg2: memref<10000x1xf32, #tpu.memory_space<vmem>>, %arg3: memref<1x128xf32, #tpu.memory_space<vmem>>, %arg4: memref<10000x128xf32, #tpu.memory_space<vmem>>) attributes {dimension_semantics = [], scalar_prefetch = 0 : i64, scratch_operands = 0 : i64, tpu.core_type = #tpu.core_type<tc>} {
    %get3A = arith.constant 0 : index
    %get3A_0 = arith.constant 0 : index
    %get3A_1 = vector.load %arg0[%get3A, %get3A_0] : memref<20480x128xf32, #tpu.memory_space<vmem>>, vector<20480x128xf32>
    %get3A_2 = arith.constant 0 : index
    %get3A_3 = arith.constant 0 : index
    %get3A_4 = vector.load %arg2[%get3A_2, %get3A_3] : memref<10000x1xf32, #tpu.memory_space<vmem>>, vector<10000x1xf32>
    %slice3A = vector.extract_strided_slice %get3A_1 {offsets = [0, 0], sizes = [10000, 128], strides = [1, 1]} : vector<20480x128xf32> to vector<10000x128xf32>
    %slice3A_5 = vector.extract_strided_slice %get3A_1 {offsets = [10240, 0], sizes = [10000, 128], strides = [1, 1]} : vector<20480x128xf32> to vector<10000x128xf32>
    %add3A = arith.addf %slice3A, %slice3A_5 : vector<10000x128xf32>
    %get3A_6 = arith.constant 0 : index
    %get3A_7 = arith.constant 0 : index
    %get3A_8 = vector.load %arg1[%get3A_6, %get3A_7] : memref<10000x128xf32, #tpu.memory_space<vmem>>, vector<10000x128xf32>
    %add3A_9 = arith.addf %add3A, %get3A_8 : vector<10000x128xf32>
    %mul3A = vector.broadcast %get3A_4 : vector<10000x1xf32> to vector<10000x128xf32>
    %mul3A_10 = arith.mulf %mul3A, %add3A_9 : vector<10000x128xf32>
    %get3A_11 = arith.constant 0 : index
    %get3A_12 = arith.constant 0 : index
    %get3A_13 = vector.load %arg3[%get3A_11, %get3A_12] : memref<1x128xf32, #tpu.memory_space<vmem>>, vector<1x128xf32>
    %add3A_14 = vector.broadcast %get3A_13 : vector<1x128xf32> to vector<10000x128xf32>
    %add3A_15 = arith.addf %mul3A_10, %add3A_14 : vector<10000x128xf32>
    %swap3A = arith.constant 0 : index
    %swap3A_16 = arith.constant 0 : index
    %swap3A_17 = vector.load %arg4[%swap3A, %swap3A_16] : memref<10000x128xf32, #tpu.memory_space<vmem>>, vector<10000x128xf32>
    tpu.vector_store %arg4[%swap3A, %swap3A_16], %add3A_15 {strides = array<i32>} : memref<10000x128xf32, #tpu.memory_space<vmem>>, vector<10000x128xf32>,
    return
  }
}

</mosaic_0001>

<sc_bundles>
// kernel: kernel.11.cloned.1.call-start
scs
__scs_entry_jumppad:
0x0: {  	(pc) =	sbr.rel $0x88, $3  }
0x1: {  	(tag) =	ssettag $0x0;
	lr =	simm.s32 $0x1  }
0x2: {  	[smem:$0x3F9B] =	sst lr;
	_ =	strace $0xD0000000  }
0x3: {  	_ = 	snop  }
0x4: {  	_ = 	snop  }
0x5: {  	_ = 	snop  }
0x6: {  	_ = 	snop  }
0x7: {  	_ = 	snop  }
__scs_overlays_trampoline_lowered:
0x8: {  	[smem:$0x3FAA] =	sst s0  }
0x9: {  	[smem:$0x3FAB] =	sst s1  }
0xa: {  	[smem:$0x3FAC] =	sst s2  }
0xb: {  	[smem:$0x3FAD] =	sst s3  }
0xc: {  	[smem:$0x3FAE] =	sst s4  }
0xd: {  	[smem:$0x3FAF] =	sst s5  }
0xe: {  	[smem:$0x3FB0] =	sst s6  }
0xf: {  	[smem:$0x3FB1] =	sst s7  }
0x10: {  	[smem:$0x3FB2] =	sst s8  }
0x11: {  	[smem:$0x3FB3] =	sst s9;
	s0 =	simm.s32 @!p0 $0x0  }
0x12: {  	s1 =	sld [smem:$0x3F99];
	s0 =	simm.s32 @p0 $0x1  }
0x13: {  	[smem:$0x3FB4] =	sst s0;
	s0 =	simm.s32 @!p1 $0x0  }
0x14: {  	s2 =	sld [smem:$0x3F98];
	s0 =	simm.s32 @p1 $0x1  }
0x15: {  	[smem:$0x3FB5] =	sst s0;
	s0 =	simm.s32 @!p2 $0x0  }
0x16: {  	s3 =	sld [smem:$0x3FDB];
	s0 =	simm.s32 @p2 $0x1  }
0x17: {  	s4 =	simm.s32 $0x1BF5;
	[smem:$0x3FB7] =	sst s0  }
0x18: {  	s0 =	sld [smem:$0x3F9A];
	_ =	swait.ge [sflag:s4], $0x0  }
0x19: {  	s7 =	sld [smem:$0x3F9B]  }
0x1a: {  	s8 =	sadd.s32 $0xFFFFE003, lr  }
0x1b: {  	s9 =	sadd.s32 $0xFFFFFEF7, lr;
	s5 =	simm.s32 $0xFFFFFFFF;
	p2 =	slt.u32 s8, $0xFFFFF086  }
0x1c: {  	p1 =	slt.u32 s9, $0xF7A;
	s5 =	simm.s32 @!p2 $0x0  }
0x1d: {  	s5 =	simm.s32 @p1 $0x1;
	p0 =	seq.s32 s7, s2  }
0x1e: {  	s7 =	smul.u32 @!p0 $0xF7A, s2;
	p2 =	seq.s32 @!p0 s5, $0x0  }
0x1f: {  	s9 =	smul.u32 $0xF7A, s1;
	s8 =	simm.s32 @!p0 $0x1BF5;
	p2 =	por !p2, p0  }
0x20: {  	[sflag:s8] =	ssyncset.s32 @!p0 $0xFFFFF086;
	s6 =	sadd.s32 @!p0 s3, s7;
	s7 =	simm.s32 @!p0 $0x108  }
0x21: {  	s3 =	sadd.s32 s3, s9;
	s6 =	sadd.s32 @!p0 $0x88, s6;
	s7 =	simm.s32 @p2 $0x1082  }
0x22: {  	[simem:s7], [sflag:s8] =	dma.local @!p0 [hbm:s6], $0xF7A  }
0x23: {  	s9 =	sor.u32 $0xD0000000, s2;
	s6 =	simm.s32 $0x108;
	_ =	swait.ge @!p0 [sflag:s8], $0x0  }
0x24: {  	s3 =	sadd.s32 $0x88, s3;
	s6 =	simm.s32 @!p1 $0x1082;
	[sflag:s4] =	ssyncset.s32 $0xFFFFF086  }
0x25: {  	[simem:s6], [sflag:s4] =	dma.local [hbm:s3], $0xF7A  }
0x26: {  	[smem:$0x3F9B] =	sst s1;
	(tag) =	ssettag s2;
	_ =	strace s9  }
0x27: {  	s1 =	sld [smem:$0x3FAB]  }
0x28: {  	s2 =	sld [smem:$0x3FAC]  }
0x29: {  	s4 =	sld [smem:$0x3FAE]  }
0x2a: {  	p0 =	seq.s32 s5, $0x0;
	s5 =	sld [smem:$0x3FAF]  }
0x2b: {  	s6 =	sld [smem:$0x3FB0]  }
0x2c: {  	s7 =	sld [smem:$0x3FB1]  }
0x2d: {  	s3 =	simm.s32 $0x108;
	s8 =	sld [smem:$0x3FB2]  }
0x2e: {  	s3 =	simm.s32 @!p0 $0x1082;
	s9 =	sld [smem:$0x3FB3]  }
0x2f: {  	lr =	sadd.s32 s0, s3;
	s0 =	sld [smem:$0x3FAA]  }
0x30: {  	s3 =	sld [smem:$0x3FAD]  }
0x31: {  	[smem:$0x3FB6] =	sst s10  }
0x32: {  	s10 =	sld [smem:$0x3FB4];
	_ =	sdelay $0x3  }
0x33: {  	p0 =	seq.s32 s10, $0x1;
	s10 =	sld [smem:$0x3FB6];
	_ =	sdelay $0x3  }
0x34: {  	[smem:$0x3FB6] =	sst s10  }
0x35: {  	s10 =	sld [smem:$0x3FB5];
	_ =	sdelay $0x3  }
0x36: {  	p1 =	seq.s32 s10, $0x1;
	s10 =	sld [smem:$0x3FB6];
	_ =	sdelay $0x3  }
0x37: {  	[smem:$0x3FB6] =	sst s10  }
0x38: {  	s10 =	sld [smem:$0x3FB7]  }
0x39: {  	_ = 	snop;
	(pc) =	sbr.ind lr, $3  }
0x3a: {  	_ = 	snop  }
0x3b: {  	_ = 	snop  }
0x3c: {  	p2 =	seq.s32 s10, $0x1;
	s10 =	sld [smem:$0x3FB6]  }
0x3d: {  	_ =	shalt  }
0x3e: {  	_ =	shalt  }
0x3f: {  	_ =	shalt  }
0x40: {  	_ =	shalt  }
0x41: {  	_ =	shalt  }
0x42: {  	_ =	shalt  }
0x43: {  	_ =	shalt  }
0x44: {  	_ =	shalt  }
0x45: {  	_ =	shalt  }
0x46: {  	_ =	shalt  }
0x47: {  	_ =	shalt  }
0x48: {  	_ =	shalt  }
0x49: {  	_ =	shalt  }
0x4a: {  	_ =	shalt  }
0x4b: {  	_ =	shalt  }
0x4c: {  	_ =	shalt  }
0x4d: {  	_ =	shalt  }
0x4e: {  	_ =	shalt  }
0x4f: {  	_ =	shalt  }
0x50: {  	_ =	shalt  }
0x51: {  	_ =	shalt  }
0x52: {  	_ =	shalt  }
0x53: {  	_ =	shalt  }
0x54: {  	_ =	shalt  }
0x55: {  	_ =	shalt  }
0x56: {  	_ =	shalt  }
0x57: {  	_ =	shalt  }
0x58: {  	_ =	shalt  }
0x59: {  	_ =	shalt  }
0x5a: {  	_ =	shalt  }
0x5b: {  	_ =	shalt  }
0x5c: {  	_ =	shalt  }
0x5d: {  	_ =	shalt  }
0x5e: {  	_ =	shalt  }
0x5f: {  	_ =	shalt  }
0x60: {  	_ =	shalt  }
0x61: {  	_ =	shalt  }
0x62: {  	_ =	shalt  }
0x63: {  	_ =	shalt  }
0x64: {  	_ =	shalt  }
0x65: {  	_ =	shalt  }
0x66: {  	_ =	shalt  }
0x67: {  	_ =	shalt  }
0x68: {  	_ =	shalt  }
0x69: {  	_ =	shalt  }
0x6a: {  	_ =	shalt  }
0x6b: {  	_ =	shalt  }
0x6c: {  	_ =	shalt  }
0x6d: {  	_ =	shalt  }
0x6e: {  	_ =	shalt  }
0x6f: {  	_ =	shalt  }
0x70: {  	_ =	shalt  }
0x71: {  	_ =	shalt  }
0x72: {  	_ =	shalt  }
0x73: {  	_ =	shalt  }
0x74: {  	_ =	shalt  }
0x75: {  	_ =	shalt  }
0x76: {  	_ =	shalt  }
0x77: {  	_ =	shalt  }
0x78: {  	_ =	shalt  }
0x79: {  	_ =	shalt  }
0x7a: {  	_ =	shalt  }
0x7b: {  	_ =	shalt  }
0x7c: {  	_ =	shalt  }
0x7d: {  	_ =	shalt  }
0x7e: {  	_ =	shalt  }
0x7f: {  	_ =	shalt  }
0x80: {  	_ =	shalt  }
0x81: {  	_ =	shalt  }
0x82: {  	_ =	shalt  }
0x83: {  	_ =	shalt  }
0x84: {  	_ =	shalt  }
0x85: {  	_ =	shalt  }
0x86: {  	_ =	shalt  }
0x87: {  	_ =	shalt  }
.Lfunc_end0:
.L_simem_size_0:
called_computation.1_lowered:
.L_overlay_start_0:
0x88: {  	s2 =	sld [smem:$0x3FD9]  }
0x89: {  	s3 =	sld [smem:$0x3FFE];
	_ =	sdelay $0x1  }
0x8a: {  	s1 =	srdreg.scid  }
0x8b: {  	s0 =	sand.u32 $0x1, s1  }
0x8c: {  	s17 =	sshll.u32 s0, $0xA;
	s2 =	sadd.s32 s3, s2  }
0x8d: {  	s2 =	sadd.s32 s2, s17  }
0x8e: {  	[smem:$0x3FC2] =	sst s2  }
0x8f: {  	_ = 	snop  }
0x90: {  	s2 =	sld [smem:$0x3FD0];
	(tm) =	ssettm $0x1  }
0x91: {  	s18 =	sld [smem:$0x3FFB];
	_ =	sdelay $0x3  }
0x92: {  	_ =	strace s18  }
0x93: {  	s3 =	sld [smem:$0x3FFC];
	_ =	sdelay $0x3  }
0x94: {  	_ =	strace s3  }
0x95: {  	s3 =	sld [smem:$0x3FFD];
	_ =	sdelay $0x3  }
0x96: {  	_ =	strace s3  }
0x97: {  	_ =	strace $0x8FFFFFFF  }
0x98: {  	s19 =	sld [smem:$0x3FDB];
	_ =	sdelay $0x1  }
0x99: {  	s4 =	simm.s32 $_scs_section_size  }
0x9a: {  	s5 =	simm.s32 $_size__tile_overlayer_lowered;
	s6 =	simm.s32 $_tile_overlayer_lowered  }
0x9b: {  	s22 =	simm.s32 $0x1BFF;
	s21 =	sshll.u32 s6, $0x1;
	s3 =	sadd.s32 s4, s19  }
0x9c: {  	s7 =	simm.s32 $0x0;
	s20 =	sshll.u32 s5, $0x1;
	s5 =	sadd.s32 s21, s3  }
0x9d: {  	[timem:s7], [sflag:s22] =	dma.local [hbm:s5], s20  }
0x9e: {  	_ =	swait.ge [sflag:s22], s20  }
0x9f: {  	s4 =	ssub.s32 $0x0, s20;
	[sflag:s22] =	ssyncset.done $0x0  }
0xa0: {  	[sflag:s22] =	ssyncadd.s32 s4;
	_ =	sdelay $0x1  }
0xa1: {  	s23 =	simm.s32 $0x1B8B  }
0xa2: {  	_ =	swait.ge [sflag:s23], $0x1  }
0xa3: {  	[sflag:s23] =	ssyncset.done $0x0  }
0xa4: {  	s25 =	simm.s32 $0x1B8E;
	s24 =	sld [smem:$0x3FFE];
	[sflag:s23] =	ssyncadd.s32 $0xFFFFFFFF  }
0xa5: {  	s26 =	simm.s32 $execute0_lowered;
	[smem:$0x3FD2] =	sst s25  }
0xa6: {  	s5 =	sshll.u32 s26, $0x1;
	_ =	strace $0x80000049;
	[dreg:$0x1] =	wrdreg $0xFFFFFFFF  }
0xa7: {  	s28 =	simm.s32 $_size_execute0_lowered;
	s3 =	sadd.s32 s3, s5;
	[dreg:$0x0] =	wrdreg $0x0  }
0xa8: {  	s5 =	sshll.u32 s28, $0x1;
	[dreg:$0x2] =	wrdreg s3  }
0xa9: {  	[dreg:$0x3] =	wrdreg s5  }
0xaa: {  	[dreg:$0x4] =	wrdreg $0xC0  }
0xab: {  	_ =	task [dreg:s7], $0x5FFFF  }
0xac: {  	[dreg:$0x1] =	wrdreg $0xFFFFFFFF  }
0xad: {  	[dreg:$0x0] =	wrdreg $0x60  }
0xae: {  	[dreg:$0x2] =	wrdreg s2  }
0xaf: {  	[dreg:$0x3] =	wrdreg s24  }
0xb0: {  	[dreg:$0x4] =	wrdreg $0xA4000  }
0xb1: {  	[dreg:$0x5] =	wrdreg $0x9  }
0xb2: {  	_ =	task.clear_ibuf [dreg:s7], $0x6FFFF;
	_ =	strace $0x90000049  }
0xb3: {  	s29 =	simm.s32 $0x9;
	_ =	strace $0x8000004B  }
0xb4: {  	_ =	swait.ge [sflag:s29], $0x1  }
0xb5: {  	[sflag:s29] =	ssyncadd.s32 $0xFFFFFFFF  }
0xb6: {  	_ =	strace $0x9000004B  }
0xb7: {  	_ =	sfence  }
0xb8: {  	s30 =	sld [smem:$0x0];
	_ =	sdelay $0x2  }
0xb9: {  	s31 =	sshll.u32 s1, $0xD;
	s1 =	sshrl.u32 s1, $0x2  }
0xba: {  	s3 =	sand.u32 $0x4000, s31;
	s1 =	sadd.s32 s1, s30  }
0xbb: {  	s0 =	sor.u32 s3, s0;
	s1 =	sshll.u32 s1, $0x11  }
0xbc: {  	s0 =	sor.u32 s1, s0  }
0xbd: {  	s0 =	sadd.s32 $0x8F2B, s0  }
0xbe: {  	[sflag:s0] =	ssyncadd.remote.s32 $0x1  }
0xbf: {  	_ =	sfence.sel $0xFFFF  }
0xc0: {  	[dreg:$0x0] =	wrdreg $0xFFFFFFFF;
	(pc) =	sbr.abs _section_cstart, $3  }
0xc1: {  	[dreg:$0x1] =	wrdreg $0xFFFFFFFF  }
0xc2: {  	_ =	task.clear_ibuf [dreg:s7], $0x2FFFF;
	_ =	strace $0x9FFFFFFF  }
0xc3: {  	(tm) =	ssettm $0x7FFFFFFF  }
tec
execute0_lowered:
.L_overlay_start_1:
0x0: {  	(tag) =	ssettag $0x1  }
0x1: {  	s1 =	rddreg [dreg:$0x0]  }
0x2: {  	s7 =	rddreg [dreg:$0x1]  }
0x3: {  	s3 =	rddreg [dreg:$0x2]  }
0x4: {  	s0 =	rddreg [dreg:$0x3]  }
0x5: {  	s2 =	stileid.u32;
	s5 =	srdreg.scid  }
0x6: {  	s4 =	simm.s32 $0x0;
	s5 =	sand.u32 $0x1, s5;
	s8 =	smul.u32 $0x2800, s2  }
0x7: {  	[smem:$0x7FF] =	sst s4;
	p1 =	seq.s32 s2, $0x0;
	s9 =	smul.u32 $0x28000, s5  }
0x8: {  	p3 =	seq.s32 s2, $0x1;
	_ =	strace $0x8000004A;
	p0 =	seq.s32 s5, $0x1  }
0x9: {  	p1 =	por !p1, !p0;
	s8 =	sadd.s32 s8, s9;
	s9 =	simm.s32 @!p3 $0x0  }
0xa: {  	p2 =	seq.s32 s5, $0x0;
	p1 =	por !p1, !p1;
	s9 =	simm.s32 @p3 $0x1  }
0xb: {  	p3 =	por !p2, !p3;
	[smem:$0x7EB] =	sst s9;
	s9 =	simm.s32 @!p1 $0x0  }
0xc: {  	s9 =	simm.s32 @p1 $0x1;
	p1 =	por !p3, !p3  }
0xd: {  	[smem:$0x7EC] =	sst s9;
	s9 =	simm.s32 @!p1 $0x0  }
0xe: {  	s9 =	simm.s32 @p1 $0x1;
	p1 =	seq.s32 s2, $0x2  }
0xf: {  	[smem:$0x7ED] =	sst s9;
	s9 =	simm.s32 @!p1 $0x0  }
0x10: {  	s9 =	simm.s32 @p1 $0x1;
	p1 =	por !p2, !p1  }
0x11: {  	s14 =	simm.s32 $0x3;
	s18 =	simm.s32 $0xA0;
	p1 =	por !p1, !p1  }
0x12: {  	s19 =	simm.s32 $0x5300;
	[smem:$0x7EE] =	sst s9;
	s9 =	simm.s32 @!p1 $0x0  }
0x13: {  	s20 =	simm.s32 $0x5400;
	p3 =	seq.s32 s2, $0x3;
	s9 =	simm.s32 @p1 $0x1  }
0x14: {  	s21 =	simm.s32 $0x4;
	[smem:$0x7EF] =	sst s9;
	s9 =	simm.s32 @!p3 $0x0  }
0x15: {  	s6 =	smul.u32 $0x28, s2;
	p4 =	seq.s32 s2, $0x4;
	s9 =	simm.s32 @p3 $0x1  }
0x16: {  	p3 =	por !p2, !p3;
	[smem:$0x7F0] =	sst s9;
	s9 =	simm.s32 @!p4 $0x0  }
0x17: {  	s10 =	smul.u32 $0x50000, s2;
	p1 =	por !p3, !p3;
	s9 =	simm.s32 @p4 $0x1  }
0x18: {  	p4 =	por !p2, !p4;
	[smem:$0x7F1] =	sst s9;
	s9 =	simm.s32 @!p1 $0x0  }
0x19: {  	s31 =	sshll.u32 s2, $0x6;
	s9 =	simm.s32 @p1 $0x1;
	p1 =	por !p4, !p4  }
0x1a: {  	s26 =	ssub.s32 $0x2, s5;
	[smem:$0x7F2] =	sst s9;
	s9 =	simm.s32 @!p1 $0x0  }
0x1b: {  	s22 =	sor.u32 s2, s5;
	s9 =	simm.s32 @p1 $0x1;
	p1 =	seq.s32 s2, $0x5  }
0x1c: {  	[smem:$0x7F3] =	sst s9;
	s9 =	simm.s32 @!p1 $0x0;
	p5 =	por !p2, !p1  }
0x1d: {  	s12 =	sadd.s32 s6, s7;
	s9 =	simm.s32 @p1 $0x1;
	p3 =	por !p5, !p5  }
0x1e: {  	s6 =	sadd.s32 $0x15C00, s7;
	[smem:$0x7F4] =	sst s9;
	s9 =	simm.s32 @!p3 $0x0  }
0x1f: {  	s28 =	sshrl.u32 s26, $0x1;
	p1 =	seq.s32 s2, $0x6;
	s9 =	simm.s32 @p3 $0x1  }
0x20: {  	s29 =	sshrl.u32 s10, $0x2;
	[smem:$0x7F5] =	sst s9;
	s9 =	simm.s32 @!p1 $0x0  }
0x21: {  	s30 =	ssub.s32 s26, s28;
	p4 =	seq.s32 s2, $0x7;
	s9 =	simm.s32 @p1 $0x1  }
0x22: {  	p6 =	por !p2, !p1;
	[smem:$0x7F6] =	sst s9;
	s9 =	simm.s32 @!p4 $0x0  }
0x23: {  	s13 =	sadd.s32 s29, s3;
	p1 =	por !p6, !p6;
	s9 =	simm.s32 @p4 $0x1  }
0x24: {  	p2 =	por !p2, !p4;
	[smem:$0x7F7] =	sst s9;
	s9 =	simm.s32 @!p1 $0x0  }
0x25: {  	s11 =	sadd.s32 s8, s7;
	s9 =	simm.s32 @p1 $0x1;
	p1 =	por !p2, !p2  }
0x26: {  	s7 =	sor.u32 $0x1C03, s31;
	[smem:$0x7F8] =	sst s9;
	s9 =	simm.s32 @!p1 $0x0  }
0x27: {  	s15 =	sadd.s32 $0x5000, s13;
	s9 =	simm.s32 @p1 $0x1;
	p1 =	sne.s32 s22, $0x0  }
0x28: {  	s16 =	sadd.s32 $0xA000, s13;
	s17 =	sadd.s32 $0xF000, s13;
	s22 =	simm.s32 @!p1 $0x0  }
0x29: {  	s8 =	sshll.u32 s2, $0x1;
	s22 =	simm.s32 @p1 $0x1;
	p1 =	sne.s32 s5, $0x0  }
0x2a: {  	s10 =	smax.u32 s30, $0x1;
	[smem:$0x7FA] =	sst s22;
	s22 =	simm.s32 @!p1 $0x0  }
0x2b: {  	s13 =	sshrl.u32 s13, $0x3;
	s15 =	sshrl.u32 s15, $0x3;
	s22 =	simm.s32 @p1 $0x1  }
.Ltmp0:
0x2c: {  	[smem:$0x7FB] =	sst s22;
	s22 =	simm.s32 @!p0 $0x0;
	(pc) =	sbr.rel .LBB2_1-.Ltmp0, $4  }
0x2d: {  	s16 =	sshrl.u32 s16, $0x3;
	s22 =	simm.s32 @p0 $0x1;
	p0 =	por !p0, !p0  }
0x2e: {  	s17 =	sshrl.u32 s17, $0x3;
	[smem:$0x7FC] =	sst s22;
	s22 =	simm.s32 @!p0 $0x0  }
0x2f: {  	[smem:$0x7F9] =	sst s9;
	s9 =	sadd.s32 $0x16600, s11;
	s22 =	simm.s32 @p0 $0x1  }
0x30: {  	s11 =	sadd.s32 $0xBE00, s12;
	s12 =	sadd.s32 $0x2000, s12;
	[smem:$0x7FD] =	sst s22  }
.LBB2_8:
0x31: {  	s4 =	sadd.s32 $0x1, s4  }
0x32: {  	p0 =	sne.s32 s4, s10  }
.Ltmp1:
0x33: {  	[bflag:$0x0] =	sbarrier.arrive $0xFFFF;
	(pc) =	sbr.rel @!p0 .LBB2_9-.Ltmp1, $4  }
0x34: {  	[hbm:s9], [sflag:s7] =	dma.local [spmem:s13], $0x2800  }
0x35: {  	_ =	swait.ge [sflag:s14], $0x2800  }
0x36: {  	[sflag:s14] =	ssyncset.done $0x0  }
0x37: {  	[sflag:s14] =	ssyncadd.s32 $0xFFFFD800  }
.LBB2_1:
0x38: {  	[spmem:s13], [sflag:s7] =	dma.local [hbm:s6], $0xA00  }
0x39: {  	_ =	swait.ge [sflag:s14], $0xA00  }
0x3a: {  	[sflag:s14] =	ssyncset.done $0x0  }
0x3b: {  	[sflag:s14] =	ssyncadd.s32 $0xFFFFF600  }
0x3c: {  	[spmem:s15], [sflag:s7] =	dma.local [hbm:s6], $0xA00  }
0x3d: {  	_ =	swait.ge [sflag:s14], $0xA00  }
0x3e: {  	[sflag:s14] =	ssyncset.done $0x0  }
0x3f: {  	[sflag:s14] =	ssyncadd.s32 $0xFFFFF600  }
0x40: {  	[spmem:s16], [sflag:s7] =	dma.local [hbm:s6], $0xA00  }
0x41: {  	_ =	swait.ge [sflag:s14], $0xA00  }
0x42: {  	[sflag:s14] =	ssyncset.done $0x0  }
0x43: {  	[sflag:s14] =	ssyncadd.s32 $0xFFFFF600  }
0x44: {  	[spmem:s17], [sflag:s7] =	dma.local [hbm:s6], $0xA00  }
.Ltmp2:
0x45: {  	_ =	swait.ge [sflag:s14], $0xA00;
	(pc) =	sbr.rel .LBB2_2-.Ltmp2, $4  }
0x46: {  	[sflag:s14] =	ssyncset.done $0x0  }
0x47: {  	[sflag:s14] =	ssyncadd.s32 $0xFFFFF600  }
0x48: {  	[bflag:$0x0] =	sbarrier.arrive $0xFFFF  }
0x49: {  	s22 =	smov.u32 s8;
	s23 =	simm.s32 $0x0  }
.LBB2_6:
0x4a: {  	[spmem:s3] =	stream.indirect.scatter.add.f32 [tilespmem:s20], [sflag:$0x4], $0x80, s19, s18, $0xb8;
	[tilespmem:$0x1E400] =	vst v63  }
0x4b: {  	_ =	swait.ge [sflag:s21], $0x5000  }
0x4c: {  	[sflag:s21] =	ssyncset.done $0x0  }
0x4d: {  	[sflag:s21] =	ssyncadd.s32 $0xFFFFB000  }
0x4e: {  	[bflag:$0x0] =	sbarrier.arrive $0xFFFF  }
0x4f: {  	s24 =	sld [smem:$0x7EE];
	_ =	sdelay $0x2  }
0x50: {  	p2 =	seq.s32 s24, $0x1  }
.LBB2_7:
0x51: {  	s24 =	sld [smem:$0x7FC];
	_ =	sdelay $0x2  }
0x52: {  	p1 =	seq.s32 s24, $0x1  }
0x53: {  	p2 =	por !p2, !p1  }
0x54: {  	p2 =	por !p2, !p2  }
0x55: {  	[bflag:$0x0] =	sbarrier.arrive @!p2 $0xFFFF  }
0x56: {  	s26 =	sld [smem:$0x7F2];
	_ =	sdelay $0x2  }
0x57: {  	p0 =	seq.s32 s26, $0x1  }
0x58: {  	p3 =	por !p0, p2  }
0x59: {  	s24 =	simm.s32 @!p3 $0xA0;
	s25 =	simm.s32 @!p3 $0x100;
	s26 =	simm.s32 @!p3 $0x200  }
0x5a: {  	[spmem:s3] =	stream.indirect.scatter.add.f32 @!p3 [tilespmem:s26], [sflag:$0x4], $0x80, s25, s24, $0xb8;
	[tilespmem:$0x1E400] =	vst v63  }
0x5b: {  	s24 =	simm.s32 @!p3 $0x4  }
0x5c: {  	_ =	swait.ge @!p3 [sflag:s24], $0x5000  }
0x5d: {  	s25 =	simm.s32 @p2 $0x5300;
	[sflag:s24] =	ssyncset.done @!p3 $0x0;
	s28 =	sld [smem:$0x7F0]  }
0x5e: {  	s26 =	simm.s32 @p2 $0x5400;
	[sflag:s24] =	ssyncadd.s32 @!p3 $0xFFFFB000;
	s24 =	simm.s32 @p2 $0xA0  }
0x5f: {  	[spmem:s3] =	stream.indirect.scatter.add.f32 @p2 [tilespmem:s26], [sflag:$0x4], $0x80, s25, s24, $0xb8;
	[tilespmem:$0x1E400] =	vst v63  }
0x60: {  	s24 =	simm.s32 @p2 $0x4;
	p6 =	seq.s32 s28, $0x1  }
0x61: {  	p4 =	por @!p3 $0x1, $0x1;
	_ =	swait.ge @p2 [sflag:s24], $0x5000;
	p5 =	por p6, p6  }
0x62: {  	[sflag:s24] =	ssyncset.done @p2 $0x0;
	p5 =	por @!p3 p4, p4;
	p3 =	por p6, p6  }
0x63: {  	[sflag:s24] =	ssyncadd.s32 @p2 $0xFFFFB000;
	p3 =	por @!p2 p5, p5  }
0x64: {  	[bflag:$0x0] =	sbarrier.arrive @p2 $0xFFFF;
	p3 =	por !p3, !p1  }
0x65: {  	p2 =	por !p3, !p3  }
0x66: {  	[bflag:$0x0] =	sbarrier.arrive @!p2 $0xFFFF  }
0x67: {  	s29 =	sld [smem:$0x7F3];
	_ =	sdelay $0x2  }
0x68: {  	p5 =	seq.s32 s29, $0x1  }
0x69: {  	p3 =	por !p5, p2  }
0x6a: {  	s24 =	simm.s32 @!p3 $0xA0;
	s25 =	simm.s32 @!p3 $0x100;
	s26 =	simm.s32 @!p3 $0x200  }
0x6b: {  	[spmem:s3] =	stream.indirect.scatter.add.f32 @!p3 [tilespmem:s26], [sflag:$0x4], $0x80, s25, s24, $0xb8;
	[tilespmem:$0x1E400] =	vst v63  }
0x6c: {  	s24 =	simm.s32 @!p3 $0x4  }
0x6d: {  	_ =	swait.ge @!p3 [sflag:s24], $0x5000  }
0x6e: {  	s25 =	simm.s32 @p2 $0x5300;
	[sflag:s24] =	ssyncset.done @!p3 $0x0;
	s30 =	sld [smem:$0x7F1]  }
0x6f: {  	s26 =	simm.s32 @p2 $0x5400;
	[sflag:s24] =	ssyncadd.s32 @!p3 $0xFFFFB000;
	s24 =	simm.s32 @p2 $0xA0  }
0x70: {  	[spmem:s3] =	stream.indirect.scatter.add.f32 @p2 [tilespmem:s26], [sflag:$0x4], $0x80, s25, s24, $0xb8;
	[tilespmem:$0x1E400] =	vst v63  }
0x71: {  	s24 =	simm.s32 @p2 $0x4;
	p6 =	seq.s32 s30, $0x1  }
0x72: {  	p4 =	por @!p3 $0x1, $0x1;
	_ =	swait.ge @p2 [sflag:s24], $0x5000;
	p5 =	por p6, p6  }
0x73: {  	[sflag:s24] =	ssyncset.done @p2 $0x0;
	p5 =	por @!p3 p4, p4;
	p3 =	por p6, p6  }
0x74: {  	[sflag:s24] =	ssyncadd.s32 @p2 $0xFFFFB000;
	p3 =	por @!p2 p5, p5  }
0x75: {  	[bflag:$0x0] =	sbarrier.arrive @p2 $0xFFFF;
	p3 =	por !p3, !p1  }
0x76: {  	p2 =	por !p3, !p3  }
0x77: {  	[bflag:$0x0] =	sbarrier.arrive @!p2 $0xFFFF  }
0x78: {  	s31 =	sld [smem:$0x7F5];
	_ =	sdelay $0x2  }
0x79: {  	p5 =	seq.s32 s31, $0x1  }
0x7a: {  	p3 =	por !p5, p2  }
0x7b: {  	s24 =	simm.s32 @!p3 $0xA0;
	s25 =	simm.s32 @!p3 $0x100;
	s26 =	simm.s32 @!p3 $0x200  }
0x7c: {  	[spmem:s3] =	stream.indirect.scatter.add.f32 @!p3 [tilespmem:s26], [sflag:$0x4], $0x80, s25, s24, $0xb8;
	[tilespmem:$0x1E400] =	vst v63  }
0x7d: {  	s24 =	simm.s32 @!p3 $0x4  }
0x7e: {  	_ =	swait.ge @!p3 [sflag:s24], $0x5000  }
0x7f: {  	s25 =	simm.s32 @p2 $0x5300;
	[sflag:s24] =	ssyncset.done @!p3 $0x0  }
0x80: {  	s26 =	simm.s32 @p2 $0x5400;
	[sflag:s24] =	ssyncadd.s32 @!p3 $0xFFFFB000;
	s24 =	simm.s32 @p2 $0xA0  }
0x81: {  	[spmem:s3] =	stream.indirect.scatter.add.f32 @p2 [tilespmem:s26], [sflag:$0x4], $0x80, s25, s24, $0xb8;
	[tilespmem:$0x1E400] =	vst v63  }
0x82: {  	s25 =	sld [smem:$0x7F4];
	_ =	sdelay $0x2  }
0x83: {  	s24 =	simm.s32 @p2 $0x4;
	p6 =	seq.s32 s25, $0x1  }
0x84: {  	p4 =	por @!p3 $0x1, $0x1;
	_ =	swait.ge @p2 [sflag:s24], $0x5000;
	p5 =	por p6, p6  }
0x85: {  	[sflag:s24] =	ssyncset.done @p2 $0x0;
	p5 =	por @!p3 p4, p4;
	p3 =	por p6, p6  }
0x86: {  	[sflag:s24] =	ssyncadd.s32 @p2 $0xFFFFB000;
	p3 =	por @!p2 p5, p5  }
0x87: {  	[bflag:$0x0] =	sbarrier.arrive @p2 $0xFFFF;
	p3 =	por !p3, !p1  }
0x88: {  	p2 =	por !p3, !p3  }
0x89: {  	[bflag:$0x0] =	sbarrier.arrive @!p2 $0xFFFF  }
0x8a: {  	s26 =	sld [smem:$0x7F8];
	_ =	sdelay $0x2  }
0x8b: {  	p5 =	seq.s32 s26, $0x1  }
0x8c: {  	p3 =	por !p5, p2  }
0x8d: {  	s24 =	simm.s32 @!p3 $0xA0;
	s25 =	simm.s32 @!p3 $0x100;
	s26 =	simm.s32 @!p3 $0x200  }
0x8e: {  	[spmem:s3] =	stream.indirect.scatter.add.f32 @!p3 [tilespmem:s26], [sflag:$0x4], $0x80, s25, s24, $0xb8;
	[tilespmem:$0x1E400] =	vst v63  }
0x8f: {  	s24 =	simm.s32 @!p3 $0x4  }
0x90: {  	_ =	swait.ge @!p3 [sflag:s24], $0x5000  }
0x91: {  	s25 =	simm.s32 @p2 $0x5300;
	[sflag:s24] =	ssyncset.done @!p3 $0x0;
	s28 =	sld [smem:$0x7F6]  }
0x92: {  	s26 =	simm.s32 @p2 $0x5400;
	[sflag:s24] =	ssyncadd.s32 @!p3 $0xFFFFB000;
	s24 =	simm.s32 @p2 $0xA0  }
0x93: {  	[spmem:s3] =	stream.indirect.scatter.add.f32 @p2 [tilespmem:s26], [sflag:$0x4], $0x80, s25, s24, $0xb8;
	[tilespmem:$0x1E400] =	vst v63  }
0x94: {  	p6 =	seq.s32 s28, $0x1  }
0x95: {  	p4 =	por @!p3 $0x1, $0x1;
	s24 =	simm.s32 @p2 $0x4;
	p5 =	por p6, p6  }
0x96: {  	_ =	swait.ge @p2 [sflag:s24], $0x5000;
	p5 =	por @!p3 p4, p4;
	p3 =	por p6, p6  }
0x97: {  	[sflag:s24] =	ssyncset.done @p2 $0x0;
	p3 =	por @!p2 p5, p5  }
0x98: {  	[sflag:s24] =	ssyncadd.s32 @p2 $0xFFFFB000;
	p3 =	por !p3, !p1  }
0x99: {  	[bflag:$0x0] =	sbarrier.arrive @p2 $0xFFFF;
	p5 =	por !p3, !p3  }
0x9a: {  	[bflag:$0x0] =	sbarrier.arrive @!p5 $0xFFFF  }
0x9b: {  	s29 =	sld [smem:$0x7F9];
	_ =	sdelay $0x2  }
0x9c: {  	p4 =	seq.s32 s29, $0x1  }
0x9d: {  	p2 =	por !p4, p5  }
0x9e: {  	s24 =	simm.s32 @!p2 $0xA0;
	s25 =	simm.s32 @!p2 $0x100;
	s26 =	simm.s32 @!p2 $0x200  }
0x9f: {  	[spmem:s3] =	stream.indirect.scatter.add.f32 @!p2 [tilespmem:s26], [sflag:$0x4], $0x80, s25, s24, $0xb8;
	[tilespmem:$0x1E400] =	vst v63  }
0xa0: {  	s24 =	simm.s32 @!p2 $0x4  }
0xa1: {  	_ =	swait.ge @!p2 [sflag:s24], $0x5000  }
0xa2: {  	s25 =	simm.s32 @p5 $0x5300;
	[sflag:s24] =	ssyncset.done @!p2 $0x0;
	s30 =	sld [smem:$0x7F7]  }
0xa3: {  	s26 =	simm.s32 @p5 $0x5400;
	[sflag:s24] =	ssyncadd.s32 @!p2 $0xFFFFB000;
	s24 =	simm.s32 @p5 $0xA0  }
0xa4: {  	[spmem:s3] =	stream.indirect.scatter.add.f32 @p5 [tilespmem:s26], [sflag:$0x4], $0x80, s25, s24, $0xb8;
	[tilespmem:$0x1E400] =	vst v63  }
0xa5: {  	p6 =	seq.s32 s30, $0x1  }
0xa6: {  	p3 =	por @!p2 $0x1, $0x1;
	p4 =	por p6, p6  }
0xa7: {  	p4 =	por @!p2 p3, p3;
	p2 =	por p6, p6  }
0xa8: {  	p2 =	por @!p5 p4, p4  }
0xa9: {  	s24 =	simm.s32 @p5 $0x4;
	p2 =	por !p2, !p1  }
0xaa: {  	_ =	swait.ge @p5 [sflag:s24], $0x5000;
	p4 =	por !p2, !p2  }
0xab: {  	[sflag:s24] =	ssyncset.done @p5 $0x0;
	p2 =	slt.u32 @!p4 s22, $0x7D0;
	p3 =	seq.s32 @!p4 s2, $0x8  }
0xac: {  	[sflag:s24] =	ssyncadd.s32 @p5 $0xFFFFB000;
	p2 =	por @!p4 !p3, !p2  }
0xad: {  	[bflag:$0x0] =	sbarrier.arrive @p5 $0xFFFF;
	p3 =	sne.s32 @!p4 s5, $0x0;
	p2 =	por @!p4 !p2, !p2  }
0xae: {  	p5 =	por @!p4 !p2, p3  }
0xaf: {  	[bflag:$0x0] =	sbarrier.arrive @!p4 $0xFFFF;
	p1 =	por p5, p4  }
0xb0: {  	s24 =	simm.s32 @!p1 $0xA0;
	s25 =	simm.s32 @!p1 $0x100;
	s26 =	simm.s32 @!p1 $0x200  }
0xb1: {  	[spmem:s3] =	stream.indirect.scatter.add.f32 @!p1 [tilespmem:s26], [sflag:$0x4], $0x80, s25, s24, $0xb8;
	[tilespmem:$0x1E400] =	vst v63  }
0xb2: {  	p6 =	slt.u32 @p4 s22, $0x7D0;
	p0 =	seq.s32 @p4 s2, $0x8;
	s24 =	simm.s32 @!p1 $0x4  }
0xb3: {  	p5 =	por !p5, p4;
	s25 =	simm.s32 @p4 $0x5300;
	_ =	swait.ge @!p1 [sflag:s24], $0x5000  }
0xb4: {  	s26 =	simm.s32 @p4 $0x5400;
	[sflag:s24] =	ssyncset.done @!p1 $0x0;
	s31 =	sld [smem:$0x7FC]  }
0xb5: {  	[sflag:s24] =	ssyncadd.s32 @!p1 $0xFFFFB000;
	p1 =	por @!p1 $0x1, $0x1;
	s24 =	simm.s32 @p4 $0xA0  }
0xb6: {  	[spmem:s3] =	stream.indirect.scatter.add.f32 @p4 [tilespmem:s26], [sflag:$0x4], $0x80, s25, s24, $0xb8;
	[tilespmem:$0x1E400] =	vst v63  }
0xb7: {  	p0 =	por @p4 !p0, !p6;
	p3 =	por !p3, p4;
	p1 =	por @!p5 p2, p2  }
0xb8: {  	p0 =	por @p4 !p0, !p0;
	p1 =	por @!p3 p2, p2  }
0xb9: {  	p6 =	seq.s32 s31, $0x1;
	p0 =	por @!p4 p1, p1  }
0xba: {  	p0 =	por !p0, !p6  }
0xbb: {  	s24 =	simm.s32 @p4 $0x4;
	p5 =	por !p0, !p0  }
0xbc: {  	_ =	swait.ge @p4 [sflag:s24], $0x5000;
	p0 =	slt.u32 @!p5 s22, $0x7D0;
	p1 =	seq.s32 @!p5 s2, $0x9  }
0xbd: {  	[sflag:s24] =	ssyncset.done @p4 $0x0;
	p0 =	por @!p5 !p1, !p0  }
0xbe: {  	[sflag:s24] =	ssyncadd.s32 @p4 $0xFFFFB000;
	p3 =	sne.s32 @!p5 s5, $0x0;
	p2 =	por @!p5 !p0, !p0  }
0xbf: {  	[bflag:$0x0] =	sbarrier.arrive @p4 $0xFFFF;
	p0 =	por @!p5 !p2, p3  }
0xc0: {  	[bflag:$0x0] =	sbarrier.arrive @!p5 $0xFFFF;
	p1 =	por p0, p5  }
0xc1: {  	s24 =	simm.s32 @!p1 $0xA0;
	s25 =	simm.s32 @!p1 $0x100;
	s26 =	simm.s32 @!p1 $0x200  }
0xc2: {  	[spmem:s3] =	stream.indirect.scatter.add.f32 @!p1 [tilespmem:s26], [sflag:$0x4], $0x80, s25, s24, $0xb8;
	[tilespmem:$0x1E400] =	vst v63  }
0xc3: {  	s24 =	simm.s32 @!p1 $0x4  }
0xc4: {  	p4 =	slt.u32 @p5 s22, $0x7D0;
	_ =	swait.ge @!p1 [sflag:s24], $0x5000  }
0xc5: {  	p6 =	seq.s32 @p5 s2, $0x9;
	s25 =	simm.s32 @p5 $0x5300;
	[sflag:s24] =	ssyncset.done @!p1 $0x0  }
0xc6: {  	s26 =	simm.s32 @p5 $0x5400;
	[sflag:s24] =	ssyncadd.s32 @!p1 $0xFFFFB000;
	s24 =	simm.s32 @p5 $0xA0  }
0xc7: {  	[spmem:s3] =	stream.indirect.scatter.add.f32 @p5 [tilespmem:s26], [sflag:$0x4], $0x80, s25, s24, $0xb8;
	[tilespmem:$0x1E400] =	vst v63  }
0xc8: {  	p0 =	por !p0, p5;
	p1 =	por @!p1 $0x1, $0x1;
	s25 =	sld [smem:$0x7FC]  }
0xc9: {  	p1 =	por @!p0 p2, p2;
	p0 =	por !p3, p5;
	p3 =	por @p5 !p6, !p4  }
0xca: {  	p1 =	por @!p0 p2, p2;
	p0 =	por @p5 !p3, !p3  }
0xcb: {  	p0 =	por @!p5 p1, p1;
	p2 =	seq.s32 s25, $0x1  }
0xcc: {  	p0 =	por !p0, !p2  }
0xcd: {  	s24 =	simm.s32 @p5 $0x4;
	p4 =	por !p0, !p0  }
0xce: {  	_ =	swait.ge @p5 [sflag:s24], $0x5000;
	p0 =	slt.u32 @!p4 s22, $0x7D0;
	p1 =	seq.s32 @!p4 s2, $0xA  }
0xcf: {  	[sflag:s24] =	ssyncset.done @p5 $0x0;
	p0 =	por @!p4 !p1, !p0  }
0xd0: {  	[sflag:s24] =	ssyncadd.s32 @p5 $0xFFFFB000;
	p3 =	sne.s32 @!p4 s5, $0x0;
	p2 =	por @!p4 !p0, !p0  }
0xd1: {  	[bflag:$0x0] =	sbarrier.arrive @p5 $0xFFFF;
	p0 =	por @!p4 !p2, p3  }
0xd2: {  	[bflag:$0x0] =	sbarrier.arrive @!p4 $0xFFFF;
	p1 =	por p0, p4  }
0xd3: {  	s24 =	simm.s32 @!p1 $0xA0;
	s25 =	simm.s32 @!p1 $0x100;
	s26 =	simm.s32 @!p1 $0x200  }
0xd4: {  	[spmem:s3] =	stream.indirect.scatter.add.f32 @!p1 [tilespmem:s26], [sflag:$0x4], $0x80, s25, s24, $0xb8;
	[tilespmem:$0x1E400] =	vst v63  }
0xd5: {  	s24 =	simm.s32 @!p1 $0x4  }
0xd6: {  	p5 =	slt.u32 @p4 s22, $0x7D0;
	_ =	swait.ge @!p1 [sflag:s24], $0x5000  }
0xd7: {  	p6 =	seq.s32 @p4 s2, $0xA;
	s25 =	simm.s32 @p4 $0x5300;
	[sflag:s24] =	ssyncset.done @!p1 $0x0  }
0xd8: {  	s26 =	simm.s32 @p4 $0x5400;
	[sflag:s24] =	ssyncadd.s32 @!p1 $0xFFFFB000;
	s24 =	simm.s32 @p4 $0xA0  }
0xd9: {  	[spmem:s3] =	stream.indirect.scatter.add.f32 @p4 [tilespmem:s26], [sflag:$0x4], $0x80, s25, s24, $0xb8;
	[tilespmem:$0x1E400] =	vst v63  }
0xda: {  	p0 =	por !p0, p4;
	p1 =	por @!p1 $0x1, $0x1;
	s26 =	sld [smem:$0x7FC]  }
0xdb: {  	p1 =	por @!p0 p2, p2;
	p0 =	por !p3, p4;
	p3 =	por @p4 !p6, !p5  }
0xdc: {  	p1 =	por @!p0 p2, p2;
	p0 =	por @p4 !p3, !p3  }
0xdd: {  	p0 =	por @!p4 p1, p1;
	p3 =	seq.s32 s26, $0x1  }
0xde: {  	p0 =	por !p0, !p3  }
0xdf: {  	s24 =	simm.s32 @p4 $0x4;
	p5 =	por !p0, !p0  }
0xe0: {  	_ =	swait.ge @p4 [sflag:s24], $0x5000;
	p0 =	slt.u32 @!p5 s22, $0x7D0;
	p1 =	seq.s32 @!p5 s2, $0xB  }
0xe1: {  	[sflag:s24] =	ssyncset.done @p4 $0x0;
	p0 =	por @!p5 !p1, !p0  }
0xe2: {  	[sflag:s24] =	ssyncadd.s32 @p4 $0xFFFFB000;
	p3 =	sne.s32 @!p5 s5, $0x0;
	p2 =	por @!p5 !p0, !p0  }
0xe3: {  	[bflag:$0x0] =	sbarrier.arrive @p4 $0xFFFF;
	p0 =	por @!p5 !p2, p3  }
0xe4: {  	[bflag:$0x0] =	sbarrier.arrive @!p5 $0xFFFF;
	p1 =	por p0, p5  }
0xe5: {  	s24 =	simm.s32 @!p1 $0xA0;
	s25 =	simm.s32 @!p1 $0x100;
	s26 =	simm.s32 @!p1 $0x200  }
0xe6: {  	[spmem:s3] =	stream.indirect.scatter.add.f32 @!p1 [tilespmem:s26], [sflag:$0x4], $0x80, s25, s24, $0xb8;
	[tilespmem:$0x1E400] =	vst v63  }
0xe7: {  	p4 =	slt.u32 @p5 s22, $0x7D0;
	p6 =	seq.s32 @p5 s2, $0xB;
	s24 =	simm.s32 @!p1 $0x4  }
0xe8: {  	p0 =	por !p0, p5;
	s25 =	simm.s32 @p5 $0x5300;
	_ =	swait.ge @!p1 [sflag:s24], $0x5000  }
0xe9: {  	s26 =	simm.s32 @p5 $0x5400;
	[sflag:s24] =	ssyncset.done @!p1 $0x0;
	s28 =	sld [smem:$0x7FC]  }
0xea: {  	[sflag:s24] =	ssyncadd.s32 @!p1 $0xFFFFB000;
	p1 =	por @!p1 $0x1, $0x1;
	s24 =	simm.s32 @p5 $0xA0  }
0xeb: {  	[spmem:s3] =	stream.indirect.scatter.add.f32 @p5 [tilespmem:s26], [sflag:$0x4], $0x80, s25, s24, $0xb8;
	[tilespmem:$0x1E400] =	vst v63  }
0xec: {  	p1 =	por @!p0 p2, p2;
	p0 =	por !p3, p5;
	p3 =	por @p5 !p6, !p4  }
0xed: {  	p1 =	por @!p0 p2, p2;
	p0 =	por @p5 !p3, !p3  }
0xee: {  	p4 =	seq.s32 s28, $0x1;
	p0 =	por @!p5 p1, p1  }
0xef: {  	p0 =	por !p0, !p4  }
0xf0: {  	s24 =	simm.s32 @p5 $0x4;
	p4 =	por !p0, !p0  }
0xf1: {  	_ =	swait.ge @p5 [sflag:s24], $0x5000;
	p0 =	slt.u32 @!p4 s22, $0x7D0;
	p1 =	seq.s32 @!p4 s2, $0xC  }
0xf2: {  	[sflag:s24] =	ssyncset.done @p5 $0x0;
	p0 =	por @!p4 !p1, !p0  }
0xf3: {  	[sflag:s24] =	ssyncadd.s32 @p5 $0xFFFFB000;
	p3 =	sne.s32 @!p4 s5, $0x0;
	p2 =	por @!p4 !p0, !p0  }
0xf4: {  	[bflag:$0x0] =	sbarrier.arrive @p5 $0xFFFF;
	p0 =	por @!p4 !p2, p3  }
0xf5: {  	[bflag:$0x0] =	sbarrier.arrive @!p4 $0xFFFF;
	p1 =	por p0, p4  }
0xf6: {  	s24 =	simm.s32 @!p1 $0xA0;
	s25 =	simm.s32 @!p1 $0x100;
	s26 =	simm.s32 @!p1 $0x200  }
0xf7: {  	[spmem:s3] =	stream.indirect.scatter.add.f32 @!p1 [tilespmem:s26], [sflag:$0x4], $0x80, s25, s24, $0xb8;
	[tilespmem:$0x1E400] =	vst v63  }
0xf8: {  	p5 =	slt.u32 @p4 s22, $0x7D0;
	p6 =	seq.s32 @p4 s2, $0xC;
	s24 =	simm.s32 @!p1 $0x4  }
0xf9: {  	p0 =	por !p0, p4;
	s25 =	simm.s32 @p4 $0x5300;
	_ =	swait.ge @!p1 [sflag:s24], $0x5000  }
0xfa: {  	s26 =	simm.s32 @p4 $0x5400;
	[sflag:s24] =	ssyncset.done @!p1 $0x0;
	s29 =	sld [smem:$0x7FC]  }
0xfb: {  	[sflag:s24] =	ssyncadd.s32 @!p1 $0xFFFFB000;
	p1 =	por @!p1 $0x1, $0x1;
	s24 =	simm.s32 @p4 $0xA0  }
0xfc: {  	[spmem:s3] =	stream.indirect.scatter.add.f32 @p4 [tilespmem:s26], [sflag:$0x4], $0x80, s25, s24, $0xb8;
	[tilespmem:$0x1E400] =	vst v63  }
0xfd: {  	p1 =	por @!p0 p2, p2;
	p0 =	por !p3, p4;
	p3 =	por @p4 !p6, !p5  }
0xfe: {  	p1 =	por @!p0 p2, p2;
	p0 =	por @p4 !p3, !p3  }
0xff: {  	p5 =	seq.s32 s29, $0x1;
	p0 =	por @!p4 p1, p1  }
0x100: {  	p0 =	por !p0, !p5  }
0x101: {  	s24 =	simm.s32 @p4 $0x4;
	p5 =	por !p0, !p0  }
0x102: {  	_ =	swait.ge @p4 [sflag:s24], $0x5000;
	p0 =	slt.u32 @!p5 s22, $0x7D0;
	p1 =	seq.s32 @!p5 s2, $0xD  }
0x103: {  	[sflag:s24] =	ssyncset.done @p4 $0x0;
	p0 =	por @!p5 !p1, !p0  }
0x104: {  	[sflag:s24] =	ssyncadd.s32 @p4 $0xFFFFB000;
	p3 =	sne.s32 @!p5 s5, $0x0;
	p2 =	por @!p5 !p0, !p0  }
0x105: {  	[bflag:$0x0] =	sbarrier.arrive @p4 $0xFFFF;
	p0 =	por @!p5 !p2, p3  }
0x106: {  	[bflag:$0x0] =	sbarrier.arrive @!p5 $0xFFFF;
	p1 =	por p0, p5  }
0x107: {  	s24 =	simm.s32 @!p1 $0xA0;
	s25 =	simm.s32 @!p1 $0x100;
	s26 =	simm.s32 @!p1 $0x200  }
0x108: {  	[spmem:s3] =	stream.indirect.scatter.add.f32 @!p1 [tilespmem:s26], [sflag:$0x4], $0x80, s25, s24, $0xb8;
	[tilespmem:$0x1E400] =	vst v63  }
0x109: {  	p4 =	slt.u32 @p5 s22, $0x7D0;
	p6 =	seq.s32 @p5 s2, $0xD;
	s24 =	simm.s32 @!p1 $0x4  }
0x10a: {  	p0 =	por !p0, p5;
	s25 =	simm.s32 @p5 $0x5300;
	_ =	swait.ge @!p1 [sflag:s24], $0x5000  }
0x10b: {  	s26 =	simm.s32 @p5 $0x5400;
	[sflag:s24] =	ssyncset.done @!p1 $0x0;
	s30 =	sld [smem:$0x7FC]  }
0x10c: {  	[sflag:s24] =	ssyncadd.s32 @!p1 $0xFFFFB000;
	p1 =	por @!p1 $0x1, $0x1;
	s24 =	simm.s32 @p5 $0xA0  }
0x10d: {  	[spmem:s3] =	stream.indirect.scatter.add.f32 @p5 [tilespmem:s26], [sflag:$0x4], $0x80, s25, s24, $0xb8;
	[tilespmem:$0x1E400] =	vst v63  }
0x10e: {  	p1 =	por @!p0 p2, p2;
	p0 =	por !p3, p5;
	p3 =	por @p5 !p6, !p4  }
0x10f: {  	p1 =	por @!p0 p2, p2;
	p0 =	por @p5 !p3, !p3  }
0x110: {  	p6 =	seq.s32 s30, $0x1;
	p0 =	por @!p5 p1, p1  }
0x111: {  	p0 =	por !p0, !p6  }
0x112: {  	s24 =	simm.s32 @p5 $0x4;
	p4 =	por !p0, !p0  }
0x113: {  	_ =	swait.ge @p5 [sflag:s24], $0x5000;
	p0 =	slt.u32 @!p4 s22, $0x7D0;
	p1 =	seq.s32 @!p4 s2, $0xE  }
0x114: {  	[sflag:s24] =	ssyncset.done @p5 $0x0;
	p0 =	por @!p4 !p1, !p0  }
0x115: {  	[sflag:s24] =	ssyncadd.s32 @p5 $0xFFFFB000;
	p3 =	sne.s32 @!p4 s5, $0x0;
	p2 =	por @!p4 !p0, !p0  }
0x116: {  	[bflag:$0x0] =	sbarrier.arrive @p5 $0xFFFF;
	p0 =	por @!p4 !p2, p3  }
0x117: {  	[bflag:$0x0] =	sbarrier.arrive @!p4 $0xFFFF;
	p1 =	por p0, p4  }
0x118: {  	s24 =	simm.s32 @!p1 $0xA0;
	s25 =	simm.s32 @!p1 $0x100;
	s26 =	simm.s32 @!p1 $0x200  }
0x119: {  	[spmem:s3] =	stream.indirect.scatter.add.f32 @!p1 [tilespmem:s26], [sflag:$0x4], $0x80, s25, s24, $0xb8;
	[tilespmem:$0x1E400] =	vst v63  }
0x11a: {  	p5 =	slt.u32 @p4 s22, $0x7D0;
	p6 =	seq.s32 @p4 s2, $0xE;
	s24 =	simm.s32 @!p1 $0x4  }
0x11b: {  	p0 =	por !p0, p4;
	s25 =	simm.s32 @p4 $0x5300;
	_ =	swait.ge @!p1 [sflag:s24], $0x5000  }
0x11c: {  	s26 =	simm.s32 @p4 $0x5400;
	[sflag:s24] =	ssyncset.done @!p1 $0x0;
	s31 =	sld [smem:$0x7FC]  }
0x11d: {  	[sflag:s24] =	ssyncadd.s32 @!p1 $0xFFFFB000;
	p1 =	por @!p1 $0x1, $0x1;
	s24 =	simm.s32 @p4 $0xA0  }
0x11e: {  	[spmem:s3] =	stream.indirect.scatter.add.f32 @p4 [tilespmem:s26], [sflag:$0x4], $0x80, s25, s24, $0xb8;
	[tilespmem:$0x1E400] =	vst v63  }
0x11f: {  	p1 =	por @!p0 p2, p2;
	p0 =	por !p3, p4;
	p3 =	por @p4 !p6, !p5  }
0x120: {  	p1 =	por @!p0 p2, p2;
	p0 =	por @p4 !p3, !p3  }
0x121: {  	p6 =	seq.s32 s31, $0x1;
	p0 =	por @!p4 p1, p1  }
0x122: {  	p0 =	por !p0, !p6  }
0x123: {  	s24 =	simm.s32 @p4 $0x4;
	p5 =	por !p0, !p0  }
0x124: {  	_ =	swait.ge @p4 [sflag:s24], $0x5000;
	p0 =	slt.u32 @!p5 s22, $0x7D0;
	p1 =	seq.s32 @!p5 s2, $0xF  }
0x125: {  	[sflag:s24] =	ssyncset.done @p4 $0x0;
	p0 =	por @!p5 !p1, !p0  }
0x126: {  	[sflag:s24] =	ssyncadd.s32 @p4 $0xFFFFB000;
	p3 =	sne.s32 @!p5 s5, $0x0;
	p2 =	por @!p5 !p0, !p0  }
0x127: {  	[bflag:$0x0] =	sbarrier.arrive @p4 $0xFFFF;
	p0 =	por @!p5 !p2, p3  }
0x128: {  	[bflag:$0x0] =	sbarrier.arrive @!p5 $0xFFFF;
	p1 =	por p0, p5  }
0x129: {  	s24 =	simm.s32 @!p1 $0xA0;
	s25 =	simm.s32 @!p1 $0x100;
	s26 =	simm.s32 @!p1 $0x200  }
0x12a: {  	[spmem:s3] =	stream.indirect.scatter.add.f32 @!p1 [tilespmem:s26], [sflag:$0x4], $0x80, s25, s24, $0xb8;
	[tilespmem:$0x1E400] =	vst v63  }
0x12b: {  	p0 =	por !p0, p5;
	p4 =	por @!p1 $0x1, $0x1;
	s24 =	simm.s32 @!p1 $0x4  }
0x12c: {  	p4 =	por @!p0 p2, p2;
	p0 =	slt.u32 @p5 s22, $0x7D0;
	_ =	swait.ge @!p1 [sflag:s24], $0x5000  }
0x12d: {  	s25 =	simm.s32 @p5 $0x5300;
	s26 =	simm.s32 @p5 $0x5400;
	[sflag:s24] =	ssyncset.done @!p1 $0x0  }
0x12e: {  	[sflag:s24] =	ssyncadd.s32 @!p1 $0xFFFFB000;
	p1 =	seq.s32 @p5 s2, $0xF;
	s24 =	simm.s32 @p5 $0xA0  }
0x12f: {  	[spmem:s3] =	stream.indirect.scatter.add.f32 @p5 [tilespmem:s26], [sflag:$0x4], $0x80, s25, s24, $0xb8;
	[tilespmem:$0x1E400] =	vst v63  }
0x130: {  	p0 =	por @p5 !p1, !p0;
	p1 =	por !p3, p5;
	s24 =	simm.s32 @p5 $0x4  }
0x131: {  	p4 =	por @!p1 p2, p2;
	_ =	swait.ge @p5 [sflag:s24], $0x5000;
	p0 =	por @p5 !p0, !p0  }
0x132: {  	p0 =	por @!p5 p4, p4;
	[sflag:s24] =	ssyncset.done @p5 $0x0  }
0x133: {  	s23 =	sadd.s32 $0x280, s23;
	[sflag:s24] =	ssyncadd.s32 @p5 $0xFFFFB000;
	p0 =	por !p0, !p6  }
0x134: {  	p1 =	sne.s32 s23, $0x9D80;
	[bflag:$0x0] =	sbarrier.arrive @p5 $0xFFFF;
	p0 =	por !p0, !p0  }
0x135: {  	s24 =	simm.s32 @p0 $0xA0;
	s25 =	simm.s32 @p0 $0x5300;
	s26 =	simm.s32 @p0 $0x5400  }
0x136: {  	[spmem:s3] =	stream.indirect.scatter.add.f32 @p0 [tilespmem:s26], [sflag:$0x3], $0x80, s25, s24, $0xb8;
	[tilespmem:$0x1E400] =	vst v63  }
.Ltmp3:
0x137: {  	_ = 	snop;
	(pc) =	sbr.rel @!p1 .LBB2_8-.Ltmp3, $4  }
0x138: {  	s24 =	simm.s32 @p0 $0x3  }
0x139: {  	_ =	swait.ge @p0 [sflag:s24], $0x5000  }
0x13a: {  	[sflag:s24] =	ssyncset.done @p0 $0x0  }
0x13b: {  	s22 =	sadd.s32 $0x20, s22;
	[sflag:s24] =	ssyncadd.s32 @p0 $0xFFFFB000  }
.LBB2_2:
0x13c: {  	s24 =	sld [smem:$0x7FB];
	_ =	sdelay $0x2  }
0x13d: {  	p0 =	seq.s32 s24, $0x1  }
0x13e: {  	p2 =	sgt.u32 @!p0 s22, $0x7CF  }
0x13f: {  	p3 =	por p2, p0  }
0x140: {  	s24 =	sadd.s32 @!p3 s23, s12;
	s25 =	simm.s32 @!p3 $0x0  }
0x141: {  	[tilespmem:s25], [sflag:$0x4] =	stream.linear.gather @!p3 [hbm4b:s24+s25], $0xA0, $0x38;
	[tilespmem:$0x1E400] =	vst v63  }
0x142: {  	s24 =	simm.s32 @!p3 $0x4  }
0x143: {  	_ =	swait.ge @!p3 [sflag:s24], $0xA0  }
0x144: {  	[sflag:s24] =	ssyncset.done @!p3 $0x0  }
0x145: {  	s26 =	sadd.s32 @!p3 s23, s11;
	s28 =	simm.s32 @!p3 $0x100;
	[sflag:s24] =	ssyncadd.s32 @!p3 $0xFFFFFF60  }
0x146: {  	[tilespmem:s28], [sflag:$0x4] =	stream.linear.gather @!p3 [hbm4b:s26+s25], $0xA0, $0x38;
	[tilespmem:$0x1E400] =	vst v63  }
0x147: {  	_ =	swait.ge @!p3 [sflag:s24], $0xA0  }
0x148: {  	[sflag:s24] =	ssyncset.done @!p3 $0x0  }
0x149: {  	s26 =	simm.s32 @!p3 $0x200;
	[sflag:s24] =	ssyncadd.s32 @!p3 $0xFFFFFF60;
	s24 =	simm.s32 @!p3 $0xA0  }
0x14a: {  	[tilespmem:s26], [sflag:$0x1] =	stream.indirect.gather @!p3 [hbm4b:s1+s24], $0x80, s25, s24, $0xb8;
	[tilespmem:$0x1E400] =	vst v63  }
0x14b: {  	s24 =	simm.s32 @!p3 $0x1  }
0x14c: {  	_ =	swait.ge @!p3 [sflag:s24], $0x5000  }
0x14d: {  	s29 =	sld [smem:$0x7FD];
	_ =	sdelay $0x2  }
0x14e: {  	p5 =	sgt.u32 s22, $0x7CF;
	p6 =	seq.s32 s29, $0x1  }
0x14f: {  	[sflag:s24] =	ssyncset.done @!p3 $0x0;
	p2 =	por p5, p6  }
0x150: {  	[sflag:s24] =	ssyncadd.s32 @!p3 $0xFFFFB000;
	s24 =	sadd.s32 @!p2 s23, s12  }
0x151: {  	s25 =	simm.s32 @!p2 $0x0;
	s26 =	simm.s32 @!p2 $0x5200;
	s24 =	sadd.s32 @!p2 $0x14, s24  }
0x152: {  	[tilespmem:s26], [sflag:$0x4] =	stream.linear.gather @!p2 [hbm4b:s24+s25], $0xA0, $0x38;
	[tilespmem:$0x1E400] =	vst v63  }
0x153: {  	s24 =	simm.s32 @!p2 $0x4  }
0x154: {  	_ =	swait.ge @!p2 [sflag:s24], $0xA0  }
0x155: {  	s28 =	sadd.s32 @!p2 s23, s11;
	[sflag:s24] =	ssyncset.done @!p2 $0x0  }
0x156: {  	s29 =	simm.s32 @!p2 $0x5300;
	s28 =	sadd.s32 @!p2 $0x14, s28;
	[sflag:s24] =	ssyncadd.s32 @!p2 $0xFFFFFF60  }
0x157: {  	[tilespmem:s29], [sflag:$0x4] =	stream.linear.gather @!p2 [hbm4b:s28+s25], $0xA0, $0x38;
	[tilespmem:$0x1E400] =	vst v63  }
0x158: {  	_ =	swait.ge @!p2 [sflag:s24], $0xA0  }
0x159: {  	[sflag:s24] =	ssyncset.done @!p2 $0x0  }
0x15a: {  	s25 =	simm.s32 @!p2 $0x5400;
	[sflag:s24] =	ssyncadd.s32 @!p2 $0xFFFFFF60;
	s24 =	simm.s32 @!p2 $0xA0  }
0x15b: {  	[tilespmem:s25], [sflag:$0x2] =	stream.indirect.gather @!p2 [hbm4b:s1+s24], $0x80, s26, s24, $0xb8;
	[tilespmem:$0x1E400] =	vst v63  }
0x15c: {  	s24 =	simm.s32 @!p2 $0x2  }
0x15d: {  	_ =	swait.ge @!p2 [sflag:s24], $0x5000  }
0x15e: {  	[sflag:s24] =	ssyncset.done @!p2 $0x0  }
0x15f: {  	[sflag:s24] =	ssyncadd.s32 @!p2 $0xFFFFB000  }
0x160: {  	[bflag:$0x0] =	sbarrier.arrive $0xFFFF  }
0x161: {  	s30 =	sld [smem:$0x7FA];
	_ =	sdelay $0x2  }
0x162: {  	p0 =	seq.s32 s30, $0x1  }
0x163: {  	s24 =	simm.s32 @!p0 $0xA0;
	s25 =	simm.s32 @!p0 $0x100;
	s26 =	simm.s32 @!p0 $0x200  }
0x164: {  	[spmem:s3] =	stream.indirect.scatter.add.f32 @!p0 [tilespmem:s26], [sflag:$0x4], $0x80, s25, s24, $0xb8;
	[tilespmem:$0x1E400] =	vst v63  }
0x165: {  	s24 =	simm.s32 @!p0 $0x4  }
0x166: {  	_ =	swait.ge @!p0 [sflag:s24], $0x5000  }
0x167: {  	s31 =	sld [smem:$0x7EC];
	_ =	sdelay $0x1  }
0x168: {  	[sflag:s24] =	ssyncset.done @!p0 $0x0  }
0x169: {  	[sflag:s24] =	ssyncadd.s32 @!p0 $0xFFFFB000;
	p0 =	seq.s32 s31, $0x1  }
.Ltmp4:
0x16a: {  	_ = 	snop;
	(pc) =	sbr.rel @!p0 .LBB2_5-.Ltmp4, $1  }
0x16b: {  	_ =	sdelay $0x3  }
0x16c: {  	[spmem:s3] =	stream.indirect.scatter.add.f32 [tilespmem:s20], [sflag:$0x4], $0x80, s19, s18, $0xb8;
	[tilespmem:$0x1E400] =	vst v63  }
.Ltmp5:
0x16d: {  	_ =	swait.ge [sflag:s21], $0x5000;
	(pc) =	sbr.rel .LBB2_4-.Ltmp5, $3  }
0x16e: {  	[sflag:s21] =	ssyncset.done $0x0  }
0x16f: {  	[sflag:s21] =	ssyncadd.s32 $0xFFFFB000  }
0x170: {  	[bflag:$0x0] =	sbarrier.arrive $0xFFFF;
	_ =	sdelay $0x1  }
.LBB2_5:
0x171: {  	[bflag:$0x0] =	sbarrier.arrive $0xFFFF  }
0x172: {  	s24 =	sld [smem:$0x7ED];
	_ =	sdelay $0x2  }
0x173: {  	p1 =	seq.s32 s24, $0x1  }
0x174: {  	s24 =	simm.s32 @p1 $0xA0;
	s25 =	simm.s32 @p1 $0x100;
	s26 =	simm.s32 @p1 $0x200  }
0x175: {  	[spmem:s3] =	stream.indirect.scatter.add.f32 @p1 [tilespmem:s26], [sflag:$0x4], $0x80, s25, s24, $0xb8;
	[tilespmem:$0x1E400] =	vst v63  }
0x176: {  	s24 =	simm.s32 @p1 $0x4  }
0x177: {  	s30 =	sld [smem:$0x7EB];
	_ =	swait.ge @p1 [sflag:s24], $0x5000  }
0x178: {  	s31 =	sld [smem:$0x7FC];
	_ =	sdelay $0x1  }
0x179: {  	p0 =	seq.s32 s30, $0x1;
	p2 =	por @p1 $0x1, $0x1  }
0x17a: {  	p2 =	por @!p1 p0, p0;
	p6 =	seq.s32 s31, $0x1  }
0x17b: {  	p2 =	por !p2, !p6  }
0x17c: {  	p2 =	por !p2, !p2  }
.Ltmp6:
0x17d: {  	_ = 	snop;
	(pc) =	sbr.rel @p2 .LBB2_6-.Ltmp6, $3  }
0x17e: {  	_ =	sdelay $0x1  }
0x17f: {  	[sflag:s24] =	ssyncset.done @p1 $0x0  }
0x180: {  	[sflag:s24] =	ssyncadd.s32 @p1 $0xFFFFB000  }
.LBB2_4:
0x181: {  	[bflag:$0x0] =	sbarrier.arrive $0xFFFF  }
0x182: {  	s24 =	sld [smem:$0x7EF];
	_ =	sdelay $0x2  }
0x183: {  	p1 =	seq.s32 s24, $0x1  }
0x184: {  	s24 =	simm.s32 @p1 $0xA0;
	s25 =	simm.s32 @p1 $0x100;
	s26 =	simm.s32 @p1 $0x200  }
0x185: {  	[spmem:s3] =	stream.indirect.scatter.add.f32 @p1 [tilespmem:s26], [sflag:$0x4], $0x80, s25, s24, $0xb8;
	[tilespmem:$0x1E400] =	vst v63  }
0x186: {  	s24 =	simm.s32 @p1 $0x4  }
0x187: {  	_ =	swait.ge @p1 [sflag:s24], $0x5000  }
.Ltmp7:
0x188: {  	s31 =	sld [smem:$0x7EE];
	(pc) =	sbr.rel .LBB2_7-.Ltmp7, $3  }
0x189: {  	_ =	sdelay $0x1  }
0x18a: {  	p2 =	por @p1 $0x1, $0x1;
	[sflag:s24] =	ssyncset.done @p1 $0x0;
	p0 =	seq.s32 s31, $0x1  }
0x18b: {  	[sflag:s24] =	ssyncadd.s32 @p1 $0xFFFFB000;
	p2 =	por @!p1 p0, p0  }
.LBB2_9:
0x18c: {  	_ =	sfence.sel $0x180000  }
0x18d: {  	[bflag:$0x0] =	sbarrier.arrive $0xFFFF  }
0x18e: {  	p0 =	sne.s32 s2, $0x0;
	_ =	strace $0x9000004A  }
0x18f: {  	s0 =	sadd.s32 @!p0 $0x100000, s0;
	[bflag:$0x2] =	sbarrier.arrive $0xFFFF  }
0x190: {  	[sflag:s0] =	ssyncadd.tile.s32 @!p0 $0x1;
	_ =	shalt  }
.Lfunc_end2:
_tile_overlayer_lowered:
.L_overlay_start_2:
0x191: {  	(tag) =	ssettag $0x2  }
0x192: {  	s0 =	rddreg [dreg:$0x0];
	s2 =	stileid.u32  }
0x193: {  	s1 =	rddreg [dreg:$0x1];
	p0 =	sne.s32 s2, $0x0  }
0x194: {  	s3 =	rddreg [dreg:$0x2];
	[bflag:$0x3] =	sbarrier.arrive $0xFFFF;
	s2 =	simm.s32 @!p0 $0x1C03  }
0x195: {  	[timem:s3], [sflag:s2] =	dma.local @!p0 [hbm:s0], s1  }
0x196: {  	s0 =	simm.s32 @!p0 $0x3  }
0x197: {  	_ =	swait.ge @!p0 [sflag:s0], s1  }
0x198: {  	s1 =	ssub.s32 @!p0 $0x0, s1;
	[sflag:s0] =	ssyncset.done @!p0 $0x0  }
0x199: {  	[sflag:s0] =	ssyncadd.s32 @!p0 s1  }
0x19a: {  	[bflag:$0x3] =	sbarrier.arrive $0xFFFF  }
0x19b: {  	_ =	shalt  }

// kernel: kernel.14.cloned.1.call-start
scs
__scs_entry_jumppad:
0x0: {  	(pc) =	sbr.rel $0x88, $3  }
0x1: {  	(tag) =	ssettag $0x0;
	lr =	simm.s32 $0x1  }
0x2: {  	[smem:$0x3F9B] =	sst lr;
	_ =	strace $0xD0000000  }
0x3: {  	_ = 	snop  }
0x4: {  	_ = 	snop  }
0x5: {  	_ = 	snop  }
0x6: {  	_ = 	snop  }
0x7: {  	_ = 	snop  }
__scs_overlays_trampoline_lowered:
0x8: {  	[smem:$0x3FAA] =	sst s0  }
0x9: {  	[smem:$0x3FAB] =	sst s1  }
0xa: {  	[smem:$0x3FAC] =	sst s2  }
0xb: {  	[smem:$0x3FAD] =	sst s3  }
0xc: {  	[smem:$0x3FAE] =	sst s4  }
0xd: {  	[smem:$0x3FAF] =	sst s5  }
0xe: {  	[smem:$0x3FB0] =	sst s6  }
0xf: {  	[smem:$0x3FB1] =	sst s7  }
0x10: {  	[smem:$0x3FB2] =	sst s8  }
0x11: {  	[smem:$0x3FB3] =	sst s9;
	s0 =	simm.s32 @!p0 $0x0  }
0x12: {  	s1 =	sld [smem:$0x3F99];
	s0 =	simm.s32 @p0 $0x1  }
0x13: {  	[smem:$0x3FB4] =	sst s0;
	s0 =	simm.s32 @!p1 $0x0  }
0x14: {  	s2 =	sld [smem:$0x3F98];
	s0 =	simm.s32 @p1 $0x1  }
0x15: {  	[smem:$0x3FB5] =	sst s0;
	s0 =	simm.s32 @!p2 $0x0  }
0x16: {  	s3 =	sld [smem:$0x3FDB];
	s0 =	simm.s32 @p2 $0x1  }
0x17: {  	s4 =	simm.s32 $0x1BF5;
	[smem:$0x3FB7] =	sst s0  }
0x18: {  	s0 =	sld [smem:$0x3F9A];
	_ =	swait.ge [sflag:s4], $0x0  }
0x19: {  	s7 =	sld [smem:$0x3F9B]  }
0x1a: {  	s8 =	sadd.s32 $0xFFFFE003, lr  }
0x1b: {  	s9 =	sadd.s32 $0xFFFFFEF7, lr;
	s5 =	simm.s32 $0xFFFFFFFF;
	p2 =	slt.u32 s8, $0xFFFFF086  }
0x1c: {  	p1 =	slt.u32 s9, $0xF7A;
	s5 =	simm.s32 @!p2 $0x0  }
0x1d: {  	s5 =	simm.s32 @p1 $0x1;
	p0 =	seq.s32 s7, s2  }
0x1e: {  	s7 =	smul.u32 @!p0 $0xF7A, s2;
	p2 =	seq.s32 @!p0 s5, $0x0  }
0x1f: {  	s9 =	smul.u32 $0xF7A, s1;
	s8 =	simm.s32 @!p0 $0x1BF5;
	p2 =	por !p2, p0  }
0x20: {  	[sflag:s8] =	ssyncset.s32 @!p0 $0xFFFFF086;
	s6 =	sadd.s32 @!p0 s3, s7;
	s7 =	simm.s32 @!p0 $0x108  }
0x21: {  	s3 =	sadd.s32 s3, s9;
	s6 =	sadd.s32 @!p0 $0x88, s6;
	s7 =	simm.s32 @p2 $0x1082  }
0x22: {  	[simem:s7], [sflag:s8] =	dma.local @!p0 [hbm:s6], $0xF7A  }
0x23: {  	s9 =	sor.u32 $0xD0000000, s2;
	s6 =	simm.s32 $0x108;
	_ =	swait.ge @!p0 [sflag:s8], $0x0  }
0x24: {  	s3 =	sadd.s32 $0x88, s3;
	s6 =	simm.s32 @!p1 $0x1082;
	[sflag:s4] =	ssyncset.s32 $0xFFFFF086  }
0x25: {  	[simem:s6], [sflag:s4] =	dma.local [hbm:s3], $0xF7A  }
0x26: {  	[smem:$0x3F9B] =	sst s1;
	(tag) =	ssettag s2;
	_ =	strace s9  }
0x27: {  	s1 =	sld [smem:$0x3FAB]  }
0x28: {  	s2 =	sld [smem:$0x3FAC]  }
0x29: {  	s4 =	sld [smem:$0x3FAE]  }
0x2a: {  	p0 =	seq.s32 s5, $0x0;
	s5 =	sld [smem:$0x3FAF]  }
0x2b: {  	s6 =	sld [smem:$0x3FB0]  }
0x2c: {  	s7 =	sld [smem:$0x3FB1]  }
0x2d: {  	s3 =	simm.s32 $0x108;
	s8 =	sld [smem:$0x3FB2]  }
0x2e: {  	s3 =	simm.s32 @!p0 $0x1082;
	s9 =	sld [smem:$0x3FB3]  }
0x2f: {  	lr =	sadd.s32 s0, s3;
	s0 =	sld [smem:$0x3FAA]  }
0x30: {  	s3 =	sld [smem:$0x3FAD]  }
0x31: {  	[smem:$0x3FB6] =	sst s10  }
0x32: {  	s10 =	sld [smem:$0x3FB4];
	_ =	sdelay $0x3  }
0x33: {  	p0 =	seq.s32 s10, $0x1;
	s10 =	sld [smem:$0x3FB6];
	_ =	sdelay $0x3  }
0x34: {  	[smem:$0x3FB6] =	sst s10  }
0x35: {  	s10 =	sld [smem:$0x3FB5];
	_ =	sdelay $0x3  }
0x36: {  	p1 =	seq.s32 s10, $0x1;
	s10 =	sld [smem:$0x3FB6];
	_ =	sdelay $0x3  }
0x37: {  	[smem:$0x3FB6] =	sst s10  }
0x38: {  	s10 =	sld [smem:$0x3FB7]  }
0x39: {  	_ = 	snop;
	(pc) =	sbr.ind lr, $3  }
0x3a: {  	_ = 	snop  }
0x3b: {  	_ = 	snop  }
0x3c: {  	p2 =	seq.s32 s10, $0x1;
	s10 =	sld [smem:$0x3FB6]  }
0x3d: {  	_ =	shalt  }
0x3e: {  	_ =	shalt  }
0x3f: {  	_ =	shalt  }
0x40: {  	_ =	shalt  }
0x41: {  	_ =	shalt  }
0x42: {  	_ =	shalt  }
0x43: {  	_ =	shalt  }
0x44: {  	_ =	shalt  }
0x45: {  	_ =	shalt  }
0x46: {  	_ =	shalt  }
0x47: {  	_ =	shalt  }
0x48: {  	_ =	shalt  }
0x49: {  	_ =	shalt  }
0x4a: {  	_ =	shalt  }
0x4b: {  	_ =	shalt  }
0x4c: {  	_ =	shalt  }
0x4d: {  	_ =	shalt  }
0x4e: {  	_ =	shalt  }
0x4f: {  	_ =	shalt  }
0x50: {  	_ =	shalt  }
0x51: {  	_ =	shalt  }
0x52: {  	_ =	shalt  }
0x53: {  	_ =	shalt  }
0x54: {  	_ =	shalt  }
0x55: {  	_ =	shalt  }
0x56: {  	_ =	shalt  }
0x57: {  	_ =	shalt  }
0x58: {  	_ =	shalt  }
0x59: {  	_ =	shalt  }
0x5a: {  	_ =	shalt  }
0x5b: {  	_ =	shalt  }
0x5c: {  	_ =	shalt  }
0x5d: {  	_ =	shalt  }
0x5e: {  	_ =	shalt  }
0x5f: {  	_ =	shalt  }
0x60: {  	_ =	shalt  }
0x61: {  	_ =	shalt  }
0x62: {  	_ =	shalt  }
0x63: {  	_ =	shalt  }
0x64: {  	_ =	shalt  }
0x65: {  	_ =	shalt  }
0x66: {  	_ =	shalt  }
0x67: {  	_ =	shalt  }
0x68: {  	_ =	shalt  }
0x69: {  	_ =	shalt  }
0x6a: {  	_ =	shalt  }
0x6b: {  	_ =	shalt  }
0x6c: {  	_ =	shalt  }
0x6d: {  	_ =	shalt  }
0x6e: {  	_ =	shalt  }
0x6f: {  	_ =	shalt  }
0x70: {  	_ =	shalt  }
0x71: {  	_ =	shalt  }
0x72: {  	_ =	shalt  }
0x73: {  	_ =	shalt  }
0x74: {  	_ =	shalt  }
0x75: {  	_ =	shalt  }
0x76: {  	_ =	shalt  }
0x77: {  	_ =	shalt  }
0x78: {  	_ =	shalt  }
0x79: {  	_ =	shalt  }
0x7a: {  	_ =	shalt  }
0x7b: {  	_ =	shalt  }
0x7c: {  	_ =	shalt  }
0x7d: {  	_ =	shalt  }
0x7e: {  	_ =	shalt  }
0x7f: {  	_ =	shalt  }
0x80: {  	_ =	shalt  }
0x81: {  	_ =	shalt  }
0x82: {  	_ =	shalt  }
0x83: {  	_ =	shalt  }
0x84: {  	_ =	shalt  }
0x85: {  	_ =	shalt  }
0x86: {  	_ =	shalt  }
0x87: {  	_ =	shalt  }
.Lfunc_end0:
.L_simem_size_0:
called_computation.2_lowered:
.L_overlay_start_0:
0x88: {  	s2 =	sld [smem:$0x3FD9]  }
0x89: {  	s3 =	sld [smem:$0x3FFE];
	_ =	sdelay $0x1  }
0x8a: {  	s1 =	srdreg.scid  }
0x8b: {  	s0 =	sand.u32 $0x1, s1  }
0x8c: {  	s17 =	sshll.u32 s0, $0xA;
	s2 =	sadd.s32 s3, s2  }
0x8d: {  	s2 =	sadd.s32 s2, s17  }
0x8e: {  	[smem:$0x3FC2] =	sst s2  }
0x8f: {  	_ = 	snop  }
0x90: {  	s2 =	sld [smem:$0x3FD0];
	(tm) =	ssettm $0x1  }
0x91: {  	s18 =	sld [smem:$0x3FFB];
	_ =	sdelay $0x3  }
0x92: {  	_ =	strace s18  }
0x93: {  	s3 =	sld [smem:$0x3FFC];
	_ =	sdelay $0x3  }
0x94: {  	_ =	strace s3  }
0x95: {  	s3 =	sld [smem:$0x3FFD];
	_ =	sdelay $0x3  }
0x96: {  	_ =	strace s3  }
0x97: {  	_ =	strace $0x8FFFFFFF  }
0x98: {  	s19 =	sld [smem:$0x3FDB];
	_ =	sdelay $0x1  }
0x99: {  	s4 =	simm.s32 $_scs_section_size  }
0x9a: {  	s5 =	simm.s32 $_size__tile_overlayer_lowered;
	s6 =	simm.s32 $_tile_overlayer_lowered  }
0x9b: {  	s22 =	simm.s32 $0x1BFF;
	s21 =	sshll.u32 s6, $0x1;
	s3 =	sadd.s32 s4, s19  }
0x9c: {  	s7 =	simm.s32 $0x0;
	s20 =	sshll.u32 s5, $0x1;
	s5 =	sadd.s32 s21, s3  }
0x9d: {  	[timem:s7], [sflag:s22] =	dma.local [hbm:s5], s20  }
0x9e: {  	_ =	swait.ge [sflag:s22], s20  }
0x9f: {  	s4 =	ssub.s32 $0x0, s20;
	[sflag:s22] =	ssyncset.done $0x0  }
0xa0: {  	[sflag:s22] =	ssyncadd.s32 s4;
	_ =	sdelay $0x1  }
0xa1: {  	s23 =	simm.s32 $0x1B8B  }
0xa2: {  	_ =	swait.ge [sflag:s23], $0x1  }
0xa3: {  	[sflag:s23] =	ssyncset.done $0x0  }
0xa4: {  	s25 =	simm.s32 $0x1B8E;
	s24 =	sld [smem:$0x3FFE];
	[sflag:s23] =	ssyncadd.s32 $0xFFFFFFFF  }
0xa5: {  	s26 =	simm.s32 $execute0_lowered;
	[smem:$0x3FD2] =	sst s25  }
0xa6: {  	s5 =	sshll.u32 s26, $0x1;
	_ =	strace $0x8000004C;
	[dreg:$0x1] =	wrdreg $0xFFFFFFFF  }
0xa7: {  	s28 =	simm.s32 $_size_execute0_lowered;
	s3 =	sadd.s32 s3, s5;
	[dreg:$0x0] =	wrdreg $0x0  }
0xa8: {  	s5 =	sshll.u32 s28, $0x1;
	[dreg:$0x2] =	wrdreg s3  }
0xa9: {  	[dreg:$0x3] =	wrdreg s5  }
0xaa: {  	[dreg:$0x4] =	wrdreg $0xC0  }
0xab: {  	_ =	task [dreg:s7], $0x5FFFF  }
0xac: {  	[dreg:$0x1] =	wrdreg $0xFFFFFFFF  }
0xad: {  	[dreg:$0x0] =	wrdreg $0x60  }
0xae: {  	[dreg:$0x2] =	wrdreg s2  }
0xaf: {  	[dreg:$0x3] =	wrdreg s24  }
0xb0: {  	[dreg:$0x4] =	wrdreg $0xA4000  }
0xb1: {  	[dreg:$0x5] =	wrdreg $0x9  }
0xb2: {  	_ =	task.clear_ibuf [dreg:s7], $0x6FFFF;
	_ =	strace $0x9000004C  }
0xb3: {  	s29 =	simm.s32 $0x9;
	_ =	strace $0x8000004E  }
0xb4: {  	_ =	swait.ge [sflag:s29], $0x1  }
0xb5: {  	[sflag:s29] =	ssyncadd.s32 $0xFFFFFFFF  }
0xb6: {  	_ =	strace $0x9000004E  }
0xb7: {  	_ =	sfence  }
0xb8: {  	s30 =	sld [smem:$0x0];
	_ =	sdelay $0x2  }
0xb9: {  	s31 =	sshll.u32 s1, $0xD;
	s1 =	sshrl.u32 s1, $0x2  }
0xba: {  	s3 =	sand.u32 $0x4000, s31;
	s1 =	sadd.s32 s1, s30  }
0xbb: {  	s0 =	sor.u32 s3, s0;
	s1 =	sshll.u32 s1, $0x11  }
0xbc: {  	s0 =	sor.u32 s1, s0  }
0xbd: {  	s0 =	sadd.s32 $0x8F2B, s0  }
0xbe: {  	[sflag:s0] =	ssyncadd.remote.s32 $0x1  }
0xbf: {  	_ =	sfence.sel $0xFFFF  }
0xc0: {  	[dreg:$0x0] =	wrdreg $0xFFFFFFFF;
	(pc) =	sbr.abs _section_cstart, $3  }
0xc1: {  	[dreg:$0x1] =	wrdreg $0xFFFFFFFF  }
0xc2: {  	_ =	task.clear_ibuf [dreg:s7], $0x2FFFF;
	_ =	strace $0x9FFFFFFF  }
0xc3: {  	(tm) =	ssettm $0x7FFFFFFF  }
tec
execute0_lowered:
.L_overlay_start_1:
0x0: {  	(tag) =	ssettag $0x1  }
0x1: {  	s1 =	rddreg [dreg:$0x0]  }
0x2: {  	s7 =	rddreg [dreg:$0x1]  }
0x3: {  	s3 =	rddreg [dreg:$0x2]  }
0x4: {  	s0 =	rddreg [dreg:$0x3]  }
0x5: {  	s2 =	stileid.u32;
	s5 =	srdreg.scid  }
0x6: {  	s4 =	simm.s32 $0x0;
	s5 =	sand.u32 $0x1, s5;
	s8 =	smul.u32 $0x2800, s2  }
0x7: {  	[smem:$0x7FF] =	sst s4;
	p1 =	seq.s32 s2, $0x0;
	s9 =	smul.u32 $0x28000, s5  }
0x8: {  	p3 =	seq.s32 s2, $0x1;
	_ =	strace $0x8000004D;
	p0 =	seq.s32 s5, $0x1  }
0x9: {  	p1 =	por !p1, !p0;
	s8 =	sadd.s32 s8, s9;
	s9 =	simm.s32 @!p3 $0x0  }
0xa: {  	p2 =	seq.s32 s5, $0x0;
	p1 =	por !p1, !p1;
	s9 =	simm.s32 @p3 $0x1  }
0xb: {  	p3 =	por !p2, !p3;
	[smem:$0x7EB] =	sst s9;
	s9 =	simm.s32 @!p1 $0x0  }
0xc: {  	s9 =	simm.s32 @p1 $0x1;
	p1 =	por !p3, !p3  }
0xd: {  	[smem:$0x7EC] =	sst s9;
	s9 =	simm.s32 @!p1 $0x0  }
0xe: {  	s9 =	simm.s32 @p1 $0x1;
	p1 =	seq.s32 s2, $0x2  }
0xf: {  	[smem:$0x7ED] =	sst s9;
	s9 =	simm.s32 @!p1 $0x0  }
0x10: {  	s9 =	simm.s32 @p1 $0x1;
	p1 =	por !p2, !p1  }
0x11: {  	s14 =	simm.s32 $0x3;
	s18 =	simm.s32 $0xA0;
	p1 =	por !p1, !p1  }
0x12: {  	s19 =	simm.s32 $0x5300;
	[smem:$0x7EE] =	sst s9;
	s9 =	simm.s32 @!p1 $0x0  }
0x13: {  	s20 =	simm.s32 $0x5400;
	p3 =	seq.s32 s2, $0x3;
	s9 =	simm.s32 @p1 $0x1  }
0x14: {  	s21 =	simm.s32 $0x4;
	[smem:$0x7EF] =	sst s9;
	s9 =	simm.s32 @!p3 $0x0  }
0x15: {  	s6 =	smul.u32 $0x28, s2;
	p4 =	seq.s32 s2, $0x4;
	s9 =	simm.s32 @p3 $0x1  }
0x16: {  	p3 =	por !p2, !p3;
	[smem:$0x7F0] =	sst s9;
	s9 =	simm.s32 @!p4 $0x0  }
0x17: {  	s10 =	smul.u32 $0x50000, s2;
	p1 =	por !p3, !p3;
	s9 =	simm.s32 @p4 $0x1  }
0x18: {  	p4 =	por !p2, !p4;
	[smem:$0x7F1] =	sst s9;
	s9 =	simm.s32 @!p1 $0x0  }
0x19: {  	s31 =	sshll.u32 s2, $0x6;
	s9 =	simm.s32 @p1 $0x1;
	p1 =	por !p4, !p4  }
0x1a: {  	s26 =	ssub.s32 $0x2, s5;
	[smem:$0x7F2] =	sst s9;
	s9 =	simm.s32 @!p1 $0x0  }
0x1b: {  	s22 =	sor.u32 s2, s5;
	s9 =	simm.s32 @p1 $0x1;
	p1 =	seq.s32 s2, $0x5  }
0x1c: {  	[smem:$0x7F3] =	sst s9;
	s9 =	simm.s32 @!p1 $0x0;
	p5 =	por !p2, !p1  }
0x1d: {  	s12 =	sadd.s32 s6, s7;
	s9 =	simm.s32 @p1 $0x1;
	p3 =	por !p5, !p5  }
0x1e: {  	s6 =	sadd.s32 $0x15C00, s7;
	[smem:$0x7F4] =	sst s9;
	s9 =	simm.s32 @!p3 $0x0  }
0x1f: {  	s28 =	sshrl.u32 s26, $0x1;
	p1 =	seq.s32 s2, $0x6;
	s9 =	simm.s32 @p3 $0x1  }
0x20: {  	s29 =	sshrl.u32 s10, $0x2;
	[smem:$0x7F5] =	sst s9;
	s9 =	simm.s32 @!p1 $0x0  }
0x21: {  	s30 =	ssub.s32 s26, s28;
	p4 =	seq.s32 s2, $0x7;
	s9 =	simm.s32 @p1 $0x1  }
0x22: {  	p6 =	por !p2, !p1;
	[smem:$0x7F6] =	sst s9;
	s9 =	simm.s32 @!p4 $0x0  }
0x23: {  	s13 =	sadd.s32 s29, s3;
	p1 =	por !p6, !p6;
	s9 =	simm.s32 @p4 $0x1  }
0x24: {  	p2 =	por !p2, !p4;
	[smem:$0x7F7] =	sst s9;
	s9 =	simm.s32 @!p1 $0x0  }
0x25: {  	s11 =	sadd.s32 s8, s7;
	s9 =	simm.s32 @p1 $0x1;
	p1 =	por !p2, !p2  }
0x26: {  	s7 =	sor.u32 $0x1C03, s31;
	[smem:$0x7F8] =	sst s9;
	s9 =	simm.s32 @!p1 $0x0  }
0x27: {  	s15 =	sadd.s32 $0x5000, s13;
	s9 =	simm.s32 @p1 $0x1;
	p1 =	sne.s32 s22, $0x0  }
0x28: {  	s16 =	sadd.s32 $0xA000, s13;
	s17 =	sadd.s32 $0xF000, s13;
	s22 =	simm.s32 @!p1 $0x0  }
0x29: {  	s8 =	sshll.u32 s2, $0x1;
	s22 =	simm.s32 @p1 $0x1;
	p1 =	sne.s32 s5, $0x0  }
0x2a: {  	s10 =	smax.u32 s30, $0x1;
	[smem:$0x7FA] =	sst s22;
	s22 =	simm.s32 @!p1 $0x0  }
0x2b: {  	s13 =	sshrl.u32 s13, $0x3;
	s15 =	sshrl.u32 s15, $0x3;
	s22 =	simm.s32 @p1 $0x1  }
.Ltmp0:
0x2c: {  	[smem:$0x7FB] =	sst s22;
	s22 =	simm.s32 @!p0 $0x0;
	(pc) =	sbr.rel .LBB2_1-.Ltmp0, $4  }
0x2d: {  	s16 =	sshrl.u32 s16, $0x3;
	s22 =	simm.s32 @p0 $0x1;
	p0 =	por !p0, !p0  }
0x2e: {  	s17 =	sshrl.u32 s17, $0x3;
	[smem:$0x7FC] =	sst s22;
	s22 =	simm.s32 @!p0 $0x0  }
0x2f: {  	[smem:$0x7F9] =	sst s9;
	s9 =	sadd.s32 $0x16600, s11;
	s22 =	simm.s32 @p0 $0x1  }
0x30: {  	s11 =	sadd.s32 $0xBE00, s12;
	s12 =	sadd.s32 $0x2000, s12;
	[smem:$0x7FD] =	sst s22  }
.LBB2_8:
0x31: {  	s4 =	sadd.s32 $0x1, s4  }
0x32: {  	p0 =	sne.s32 s4, s10  }
.Ltmp1:
0x33: {  	[bflag:$0x0] =	sbarrier.arrive $0xFFFF;
	(pc) =	sbr.rel @!p0 .LBB2_9-.Ltmp1, $4  }
0x34: {  	[hbm:s9], [sflag:s7] =	dma.local [spmem:s13], $0x2800  }
0x35: {  	_ =	swait.ge [sflag:s14], $0x2800  }
0x36: {  	[sflag:s14] =	ssyncset.done $0x0  }
0x37: {  	[sflag:s14] =	ssyncadd.s32 $0xFFFFD800  }
.LBB2_1:
0x38: {  	[spmem:s13], [sflag:s7] =	dma.local [hbm:s6], $0xA00  }
0x39: {  	_ =	swait.ge [sflag:s14], $0xA00  }
0x3a: {  	[sflag:s14] =	ssyncset.done $0x0  }
0x3b: {  	[sflag:s14] =	ssyncadd.s32 $0xFFFFF600  }
0x3c: {  	[spmem:s15], [sflag:s7] =	dma.local [hbm:s6], $0xA00  }
0x3d: {  	_ =	swait.ge [sflag:s14], $0xA00  }
0x3e: {  	[sflag:s14] =	ssyncset.done $0x0  }
0x3f: {  	[sflag:s14] =	ssyncadd.s32 $0xFFFFF600  }
0x40: {  	[spmem:s16], [sflag:s7] =	dma.local [hbm:s6], $0xA00  }
0x41: {  	_ =	swait.ge [sflag:s14], $0xA00  }
0x42: {  	[sflag:s14] =	ssyncset.done $0x0  }
0x43: {  	[sflag:s14] =	ssyncadd.s32 $0xFFFFF600  }
0x44: {  	[spmem:s17], [sflag:s7] =	dma.local [hbm:s6], $0xA00  }
.Ltmp2:
0x45: {  	_ =	swait.ge [sflag:s14], $0xA00;
	(pc) =	sbr.rel .LBB2_2-.Ltmp2, $4  }
0x46: {  	[sflag:s14] =	ssyncset.done $0x0  }
0x47: {  	[sflag:s14] =	ssyncadd.s32 $0xFFFFF600  }
0x48: {  	[bflag:$0x0] =	sbarrier.arrive $0xFFFF  }
0x49: {  	s22 =	smov.u32 s8;
	s23 =	simm.s32 $0x0  }
.LBB2_6:
0x4a: {  	[spmem:s3] =	stream.indirect.scatter.add.f32 [tilespmem:s20], [sflag:$0x4], $0x80, s19, s18, $0xb8;
	[tilespmem:$0x1E400] =	vst v63  }
0x4b: {  	_ =	swait.ge [sflag:s21], $0x5000  }
0x4c: {  	[sflag:s21] =	ssyncset.done $0x0  }
0x4d: {  	[sflag:s21] =	ssyncadd.s32 $0xFFFFB000  }
0x4e: {  	[bflag:$0x0] =	sbarrier.arrive $0xFFFF  }
0x4f: {  	s24 =	sld [smem:$0x7EE];
	_ =	sdelay $0x2  }
0x50: {  	p2 =	seq.s32 s24, $0x1  }
.LBB2_7:
0x51: {  	s24 =	sld [smem:$0x7FC];
	_ =	sdelay $0x2  }
0x52: {  	p1 =	seq.s32 s24, $0x1  }
0x53: {  	p2 =	por !p2, !p1  }
0x54: {  	p2 =	por !p2, !p2  }
0x55: {  	[bflag:$0x0] =	sbarrier.arrive @!p2 $0xFFFF  }
0x56: {  	s26 =	sld [smem:$0x7F2];
	_ =	sdelay $0x2  }
0x57: {  	p0 =	seq.s32 s26, $0x1  }
0x58: {  	p3 =	por !p0, p2  }
0x59: {  	s24 =	simm.s32 @!p3 $0xA0;
	s25 =	simm.s32 @!p3 $0x100;
	s26 =	simm.s32 @!p3 $0x200  }
0x5a: {  	[spmem:s3] =	stream.indirect.scatter.add.f32 @!p3 [tilespmem:s26], [sflag:$0x4], $0x80, s25, s24, $0xb8;
	[tilespmem:$0x1E400] =	vst v63  }
0x5b: {  	s24 =	simm.s32 @!p3 $0x4  }
0x5c: {  	_ =	swait.ge @!p3 [sflag:s24], $0x5000  }
0x5d: {  	s25 =	simm.s32 @p2 $0x5300;
	[sflag:s24] =	ssyncset.done @!p3 $0x0;
	s28 =	sld [smem:$0x7F0]  }
0x5e: {  	s26 =	simm.s32 @p2 $0x5400;
	[sflag:s24] =	ssyncadd.s32 @!p3 $0xFFFFB000;
	s24 =	simm.s32 @p2 $0xA0  }
0x5f: {  	[spmem:s3] =	stream.indirect.scatter.add.f32 @p2 [tilespmem:s26], [sflag:$0x4], $0x80, s25, s24, $0xb8;
	[tilespmem:$0x1E400] =	vst v63  }
0x60: {  	s24 =	simm.s32 @p2 $0x4;
	p6 =	seq.s32 s28, $0x1  }
0x61: {  	p4 =	por @!p3 $0x1, $0x1;
	_ =	swait.ge @p2 [sflag:s24], $0x5000;
	p5 =	por p6, p6  }
0x62: {  	[sflag:s24] =	ssyncset.done @p2 $0x0;
	p5 =	por @!p3 p4, p4;
	p3 =	por p6, p6  }
0x63: {  	[sflag:s24] =	ssyncadd.s32 @p2 $0xFFFFB000;
	p3 =	por @!p2 p5, p5  }
0x64: {  	[bflag:$0x0] =	sbarrier.arrive @p2 $0xFFFF;
	p3 =	por !p3, !p1  }
0x65: {  	p2 =	por !p3, !p3  }
0x66: {  	[bflag:$0x0] =	sbarrier.arrive @!p2 $0xFFFF  }
0x67: {  	s29 =	sld [smem:$0x7F3];
	_ =	sdelay $0x2  }
0x68: {  	p5 =	seq.s32 s29, $0x1  }
0x69: {  	p3 =	por !p5, p2  }
0x6a: {  	s24 =	simm.s32 @!p3 $0xA0;
	s25 =	simm.s32 @!p3 $0x100;
	s26 =	simm.s32 @!p3 $0x200  }
0x6b: {  	[spmem:s3] =	stream.indirect.scatter.add.f32 @!p3 [tilespmem:s26], [sflag:$0x4], $0x80, s25, s24, $0xb8;
	[tilespmem:$0x1E400] =	vst v63  }
0x6c: {  	s24 =	simm.s32 @!p3 $0x4  }
0x6d: {  	_ =	swait.ge @!p3 [sflag:s24], $0x5000  }
0x6e: {  	s25 =	simm.s32 @p2 $0x5300;
	[sflag:s24] =	ssyncset.done @!p3 $0x0;
	s30 =	sld [smem:$0x7F1]  }
0x6f: {  	s26 =	simm.s32 @p2 $0x5400;
	[sflag:s24] =	ssyncadd.s32 @!p3 $0xFFFFB000;
	s24 =	simm.s32 @p2 $0xA0  }
0x70: {  	[spmem:s3] =	stream.indirect.scatter.add.f32 @p2 [tilespmem:s26], [sflag:$0x4], $0x80, s25, s24, $0xb8;
	[tilespmem:$0x1E400] =	vst v63  }
0x71: {  	s24 =	simm.s32 @p2 $0x4;
	p6 =	seq.s32 s30, $0x1  }
0x72: {  	p4 =	por @!p3 $0x1, $0x1;
	_ =	swait.ge @p2 [sflag:s24], $0x5000;
	p5 =	por p6, p6  }
0x73: {  	[sflag:s24] =	ssyncset.done @p2 $0x0;
	p5 =	por @!p3 p4, p4;
	p3 =	por p6, p6  }
0x74: {  	[sflag:s24] =	ssyncadd.s32 @p2 $0xFFFFB000;
	p3 =	por @!p2 p5, p5  }
0x75: {  	[bflag:$0x0] =	sbarrier.arrive @p2 $0xFFFF;
	p3 =	por !p3, !p1  }
0x76: {  	p2 =	por !p3, !p3  }
0x77: {  	[bflag:$0x0] =	sbarrier.arrive @!p2 $0xFFFF  }
0x78: {  	s31 =	sld [smem:$0x7F5];
	_ =	sdelay $0x2  }
0x79: {  	p5 =	seq.s32 s31, $0x1  }
0x7a: {  	p3 =	por !p5, p2  }
0x7b: {  	s24 =	simm.s32 @!p3 $0xA0;
	s25 =	simm.s32 @!p3 $0x100;
	s26 =	simm.s32 @!p3 $0x200  }
0x7c: {  	[spmem:s3] =	stream.indirect.scatter.add.f32 @!p3 [tilespmem:s26], [sflag:$0x4], $0x80, s25, s24, $0xb8;
	[tilespmem:$0x1E400] =	vst v63  }
0x7d: {  	s24 =	simm.s32 @!p3 $0x4  }
0x7e: {  	_ =	swait.ge @!p3 [sflag:s24], $0x5000  }
0x7f: {  	s25 =	simm.s32 @p2 $0x5300;
	[sflag:s24] =	ssyncset.done @!p3 $0x0  }
0x80: {  	s26 =	simm.s32 @p2 $0x5400;
	[sflag:s24] =	ssyncadd.s32 @!p3 $0xFFFFB000;
	s24 =	simm.s32 @p2 $0xA0  }
0x81: {  	[spmem:s3] =	stream.indirect.scatter.add.f32 @p2 [tilespmem:s26], [sflag:$0x4], $0x80, s25, s24, $0xb8;
	[tilespmem:$0x1E400] =	vst v63  }
0x82: {  	s25 =	sld [smem:$0x7F4];
	_ =	sdelay $0x2  }
0x83: {  	s24 =	simm.s32 @p2 $0x4;
	p6 =	seq.s32 s25, $0x1  }
0x84: {  	p4 =	por @!p3 $0x1, $0x1;
	_ =	swait.ge @p2 [sflag:s24], $0x5000;
	p5 =	por p6, p6  }
0x85: {  	[sflag:s24] =	ssyncset.done @p2 $0x0;
	p5 =	por @!p3 p4, p4;
	p3 =	por p6, p6  }
0x86: {  	[sflag:s24] =	ssyncadd.s32 @p2 $0xFFFFB000;
	p3 =	por @!p2 p5, p5  }
0x87: {  	[bflag:$0x0] =	sbarrier.arrive @p2 $0xFFFF;
	p3 =	por !p3, !p1  }
0x88: {  	p2 =	por !p3, !p3  }
0x89: {  	[bflag:$0x0] =	sbarrier.arrive @!p2 $0xFFFF  }
0x8a: {  	s26 =	sld [smem:$0x7F8];
	_ =	sdelay $0x2  }
0x8b: {  	p5 =	seq.s32 s26, $0x1  }
0x8c: {  	p3 =	por !p5, p2  }
0x8d: {  	s24 =	simm.s32 @!p3 $0xA0;
	s25 =	simm.s32 @!p3 $0x100;
	s26 =	simm.s32 @!p3 $0x200  }
0x8e: {  	[spmem:s3] =	stream.indirect.scatter.add.f32 @!p3 [tilespmem:s26], [sflag:$0x4], $0x80, s25, s24, $0xb8;
	[tilespmem:$0x1E400] =	vst v63  }
0x8f: {  	s24 =	simm.s32 @!p3 $0x4  }
0x90: {  	_ =	swait.ge @!p3 [sflag:s24], $0x5000  }
0x91: {  	s25 =	simm.s32 @p2 $0x5300;
	[sflag:s24] =	ssyncset.done @!p3 $0x0;
	s28 =	sld [smem:$0x7F6]  }
0x92: {  	s26 =	simm.s32 @p2 $0x5400;
	[sflag:s24] =	ssyncadd.s32 @!p3 $0xFFFFB000;
	s24 =	simm.s32 @p2 $0xA0  }
0x93: {  	[spmem:s3] =	stream.indirect.scatter.add.f32 @p2 [tilespmem:s26], [sflag:$0x4], $0x80, s25, s24, $0xb8;
	[tilespmem:$0x1E400] =	vst v63  }
0x94: {  	p6 =	seq.s32 s28, $0x1  }
0x95: {  	p4 =	por @!p3 $0x1, $0x1;
	s24 =	simm.s32 @p2 $0x4;
	p5 =	por p6, p6  }
0x96: {  	_ =	swait.ge @p2 [sflag:s24], $0x5000;
	p5 =	por @!p3 p4, p4;
	p3 =	por p6, p6  }
0x97: {  	[sflag:s24] =	ssyncset.done @p2 $0x0;
	p3 =	por @!p2 p5, p5  }
0x98: {  	[sflag:s24] =	ssyncadd.s32 @p2 $0xFFFFB000;
	p3 =	por !p3, !p1  }
0x99: {  	[bflag:$0x0] =	sbarrier.arrive @p2 $0xFFFF;
	p5 =	por !p3, !p3  }
0x9a: {  	[bflag:$0x0] =	sbarrier.arrive @!p5 $0xFFFF  }
0x9b: {  	s29 =	sld [smem:$0x7F9];
	_ =	sdelay $0x2  }
0x9c: {  	p4 =	seq.s32 s29, $0x1  }
0x9d: {  	p2 =	por !p4, p5  }
0x9e: {  	s24 =	simm.s32 @!p2 $0xA0;
	s25 =	simm.s32 @!p2 $0x100;
	s26 =	simm.s32 @!p2 $0x200  }
0x9f: {  	[spmem:s3] =	stream.indirect.scatter.add.f32 @!p2 [tilespmem:s26], [sflag:$0x4], $0x80, s25, s24, $0xb8;
	[tilespmem:$0x1E400] =	vst v63  }
0xa0: {  	s24 =	simm.s32 @!p2 $0x4  }
0xa1: {  	_ =	swait.ge @!p2 [sflag:s24], $0x5000  }
0xa2: {  	s25 =	simm.s32 @p5 $0x5300;
	[sflag:s24] =	ssyncset.done @!p2 $0x0;
	s30 =	sld [smem:$0x7F7]  }
0xa3: {  	s26 =	simm.s32 @p5 $0x5400;
	[sflag:s24] =	ssyncadd.s32 @!p2 $0xFFFFB000;
	s24 =	simm.s32 @p5 $0xA0  }
0xa4: {  	[spmem:s3] =	stream.indirect.scatter.add.f32 @p5 [tilespmem:s26], [sflag:$0x4], $0x80, s25, s24, $0xb8;
	[tilespmem:$0x1E400] =	vst v63  }
0xa5: {  	p6 =	seq.s32 s30, $0x1  }
0xa6: {  	p3 =	por @!p2 $0x1, $0x1;
	p4 =	por p6, p6  }
0xa7: {  	p4 =	por @!p2 p3, p3;
	p2 =	por p6, p6  }
0xa8: {  	p2 =	por @!p5 p4, p4  }
0xa9: {  	s24 =	simm.s32 @p5 $0x4;
	p2 =	por !p2, !p1  }
0xaa: {  	_ =	swait.ge @p5 [sflag:s24], $0x5000;
	p4 =	por !p2, !p2  }
0xab: {  	[sflag:s24] =	ssyncset.done @p5 $0x0;
	p2 =	slt.u32 @!p4 s22, $0x7D0;
	p3 =	seq.s32 @!p4 s2, $0x8  }
0xac: {  	[sflag:s24] =	ssyncadd.s32 @p5 $0xFFFFB000;
	p2 =	por @!p4 !p3, !p2  }
0xad: {  	[bflag:$0x0] =	sbarrier.arrive @p5 $0xFFFF;
	p3 =	sne.s32 @!p4 s5, $0x0;
	p2 =	por @!p4 !p2, !p2  }
0xae: {  	p5 =	por @!p4 !p2, p3  }
0xaf: {  	[bflag:$0x0] =	sbarrier.arrive @!p4 $0xFFFF;
	p1 =	por p5, p4  }
0xb0: {  	s24 =	simm.s32 @!p1 $0xA0;
	s25 =	simm.s32 @!p1 $0x100;
	s26 =	simm.s32 @!p1 $0x200  }
0xb1: {  	[spmem:s3] =	stream.indirect.scatter.add.f32 @!p1 [tilespmem:s26], [sflag:$0x4], $0x80, s25, s24, $0xb8;
	[tilespmem:$0x1E400] =	vst v63  }
0xb2: {  	p6 =	slt.u32 @p4 s22, $0x7D0;
	p0 =	seq.s32 @p4 s2, $0x8;
	s24 =	simm.s32 @!p1 $0x4  }
0xb3: {  	p5 =	por !p5, p4;
	s25 =	simm.s32 @p4 $0x5300;
	_ =	swait.ge @!p1 [sflag:s24], $0x5000  }
0xb4: {  	s26 =	simm.s32 @p4 $0x5400;
	[sflag:s24] =	ssyncset.done @!p1 $0x0;
	s31 =	sld [smem:$0x7FC]  }
0xb5: {  	[sflag:s24] =	ssyncadd.s32 @!p1 $0xFFFFB000;
	p1 =	por @!p1 $0x1, $0x1;
	s24 =	simm.s32 @p4 $0xA0  }
0xb6: {  	[spmem:s3] =	stream.indirect.scatter.add.f32 @p4 [tilespmem:s26], [sflag:$0x4], $0x80, s25, s24, $0xb8;
	[tilespmem:$0x1E400] =	vst v63  }
0xb7: {  	p0 =	por @p4 !p0, !p6;
	p3 =	por !p3, p4;
	p1 =	por @!p5 p2, p2  }
0xb8: {  	p0 =	por @p4 !p0, !p0;
	p1 =	por @!p3 p2, p2  }
0xb9: {  	p6 =	seq.s32 s31, $0x1;
	p0 =	por @!p4 p1, p1  }
0xba: {  	p0 =	por !p0, !p6  }
0xbb: {  	s24 =	simm.s32 @p4 $0x4;
	p5 =	por !p0, !p0  }
0xbc: {  	_ =	swait.ge @p4 [sflag:s24], $0x5000;
	p0 =	slt.u32 @!p5 s22, $0x7D0;
	p1 =	seq.s32 @!p5 s2, $0x9  }
0xbd: {  	[sflag:s24] =	ssyncset.done @p4 $0x0;
	p0 =	por @!p5 !p1, !p0  }
0xbe: {  	[sflag:s24] =	ssyncadd.s32 @p4 $0xFFFFB000;
	p3 =	sne.s32 @!p5 s5, $0x0;
	p2 =	por @!p5 !p0, !p0  }
0xbf: {  	[bflag:$0x0] =	sbarrier.arrive @p4 $0xFFFF;
	p0 =	por @!p5 !p2, p3  }
0xc0: {  	[bflag:$0x0] =	sbarrier.arrive @!p5 $0xFFFF;
	p1 =	por p0, p5  }
0xc1: {  	s24 =	simm.s32 @!p1 $0xA0;
	s25 =	simm.s32 @!p1 $0x100;
	s26 =	simm.s32 @!p1 $0x200  }
0xc2: {  	[spmem:s3] =	stream.indirect.scatter.add.f32 @!p1 [tilespmem:s26], [sflag:$0x4], $0x80, s25, s24, $0xb8;
	[tilespmem:$0x1E400] =	vst v63  }
0xc3: {  	s24 =	simm.s32 @!p1 $0x4  }
0xc4: {  	p4 =	slt.u32 @p5 s22, $0x7D0;
	_ =	swait.ge @!p1 [sflag:s24], $0x5000  }
0xc5: {  	p6 =	seq.s32 @p5 s2, $0x9;
	s25 =	simm.s32 @p5 $0x5300;
	[sflag:s24] =	ssyncset.done @!p1 $0x0  }
0xc6: {  	s26 =	simm.s32 @p5 $0x5400;
	[sflag:s24] =	ssyncadd.s32 @!p1 $0xFFFFB000;
	s24 =	simm.s32 @p5 $0xA0  }
0xc7: {  	[spmem:s3] =	stream.indirect.scatter.add.f32 @p5 [tilespmem:s26], [sflag:$0x4], $0x80, s25, s24, $0xb8;
	[tilespmem:$0x1E400] =	vst v63  }
0xc8: {  	p0 =	por !p0, p5;
	p1 =	por @!p1 $0x1, $0x1;
	s25 =	sld [smem:$0x7FC]  }
0xc9: {  	p1 =	por @!p0 p2, p2;
	p0 =	por !p3, p5;
	p3 =	por @p5 !p6, !p4  }
0xca: {  	p1 =	por @!p0 p2, p2;
	p0 =	por @p5 !p3, !p3  }
0xcb: {  	p0 =	por @!p5 p1, p1;
	p2 =	seq.s32 s25, $0x1  }
0xcc: {  	p0 =	por !p0, !p2  }
0xcd: {  	s24 =	simm.s32 @p5 $0x4;
	p4 =	por !p0, !p0  }
0xce: {  	_ =	swait.ge @p5 [sflag:s24], $0x5000;
	p0 =	slt.u32 @!p4 s22, $0x7D0;
	p1 =	seq.s32 @!p4 s2, $0xA  }
0xcf: {  	[sflag:s24] =	ssyncset.done @p5 $0x0;
	p0 =	por @!p4 !p1, !p0  }
0xd0: {  	[sflag:s24] =	ssyncadd.s32 @p5 $0xFFFFB000;
	p3 =	sne.s32 @!p4 s5, $0x0;
	p2 =	por @!p4 !p0, !p0  }
0xd1: {  	[bflag:$0x0] =	sbarrier.arrive @p5 $0xFFFF;
	p0 =	por @!p4 !p2, p3  }
0xd2: {  	[bflag:$0x0] =	sbarrier.arrive @!p4 $0xFFFF;
	p1 =	por p0, p4  }
0xd3: {  	s24 =	simm.s32 @!p1 $0xA0;
	s25 =	simm.s32 @!p1 $0x100;
	s26 =	simm.s32 @!p1 $0x200  }
0xd4: {  	[spmem:s3] =	stream.indirect.scatter.add.f32 @!p1 [tilespmem:s26], [sflag:$0x4], $0x80, s25, s24, $0xb8;
	[tilespmem:$0x1E400] =	vst v63  }
0xd5: {  	s24 =	simm.s32 @!p1 $0x4  }
0xd6: {  	p5 =	slt.u32 @p4 s22, $0x7D0;
	_ =	swait.ge @!p1 [sflag:s24], $0x5000  }
0xd7: {  	p6 =	seq.s32 @p4 s2, $0xA;
	s25 =	simm.s32 @p4 $0x5300;
	[sflag:s24] =	ssyncset.done @!p1 $0x0  }
0xd8: {  	s26 =	simm.s32 @p4 $0x5400;
	[sflag:s24] =	ssyncadd.s32 @!p1 $0xFFFFB000;
	s24 =	simm.s32 @p4 $0xA0  }
0xd9: {  	[spmem:s3] =	stream.indirect.scatter.add.f32 @p4 [tilespmem:s26], [sflag:$0x4], $0x80, s25, s24, $0xb8;
	[tilespmem:$0x1E400] =	vst v63  }
0xda: {  	p0 =	por !p0, p4;
	p1 =	por @!p1 $0x1, $0x1;
	s26 =	sld [smem:$0x7FC]  }
0xdb: {  	p1 =	por @!p0 p2, p2;
	p0 =	por !p3, p4;
	p3 =	por @p4 !p6, !p5  }
0xdc: {  	p1 =	por @!p0 p2, p2;
	p0 =	por @p4 !p3, !p3  }
0xdd: {  	p0 =	por @!p4 p1, p1;
	p3 =	seq.s32 s26, $0x1  }
0xde: {  	p0 =	por !p0, !p3  }
0xdf: {  	s24 =	simm.s32 @p4 $0x4;
	p5 =	por !p0, !p0  }
0xe0: {  	_ =	swait.ge @p4 [sflag:s24], $0x5000;
	p0 =	slt.u32 @!p5 s22, $0x7D0;
	p1 =	seq.s32 @!p5 s2, $0xB  }
0xe1: {  	[sflag:s24] =	ssyncset.done @p4 $0x0;
	p0 =	por @!p5 !p1, !p0  }
0xe2: {  	[sflag:s24] =	ssyncadd.s32 @p4 $0xFFFFB000;
	p3 =	sne.s32 @!p5 s5, $0x0;
	p2 =	por @!p5 !p0, !p0  }
0xe3: {  	[bflag:$0x0] =	sbarrier.arrive @p4 $0xFFFF;
	p0 =	por @!p5 !p2, p3  }
0xe4: {  	[bflag:$0x0] =	sbarrier.arrive @!p5 $0xFFFF;
	p1 =	por p0, p5  }
0xe5: {  	s24 =	simm.s32 @!p1 $0xA0;
	s25 =	simm.s32 @!p1 $0x100;
	s26 =	simm.s32 @!p1 $0x200  }
0xe6: {  	[spmem:s3] =	stream.indirect.scatter.add.f32 @!p1 [tilespmem:s26], [sflag:$0x4], $0x80, s25, s24, $0xb8;
	[tilespmem:$0x1E400] =	vst v63  }
0xe7: {  	p4 =	slt.u32 @p5 s22, $0x7D0;
	p6 =	seq.s32 @p5 s2, $0xB;
	s24 =	simm.s32 @!p1 $0x4  }
0xe8: {  	p0 =	por !p0, p5;
	s25 =	simm.s32 @p5 $0x5300;
	_ =	swait.ge @!p1 [sflag:s24], $0x5000  }
0xe9: {  	s26 =	simm.s32 @p5 $0x5400;
	[sflag:s24] =	ssyncset.done @!p1 $0x0;
	s28 =	sld [smem:$0x7FC]  }
0xea: {  	[sflag:s24] =	ssyncadd.s32 @!p1 $0xFFFFB000;
	p1 =	por @!p1 $0x1, $0x1;
	s24 =	simm.s32 @p5 $0xA0  }
0xeb: {  	[spmem:s3] =	stream.indirect.scatter.add.f32 @p5 [tilespmem:s26], [sflag:$0x4], $0x80, s25, s24, $0xb8;
	[tilespmem:$0x1E400] =	vst v63  }
0xec: {  	p1 =	por @!p0 p2, p2;
	p0 =	por !p3, p5;
	p3 =	por @p5 !p6, !p4  }
0xed: {  	p1 =	por @!p0 p2, p2;
	p0 =	por @p5 !p3, !p3  }
0xee: {  	p4 =	seq.s32 s28, $0x1;
	p0 =	por @!p5 p1, p1  }
0xef: {  	p0 =	por !p0, !p4  }
0xf0: {  	s24 =	simm.s32 @p5 $0x4;
	p4 =	por !p0, !p0  }
0xf1: {  	_ =	swait.ge @p5 [sflag:s24], $0x5000;
	p0 =	slt.u32 @!p4 s22, $0x7D0;
	p1 =	seq.s32 @!p4 s2, $0xC  }
0xf2: {  	[sflag:s24] =	ssyncset.done @p5 $0x0;
	p0 =	por @!p4 !p1, !p0  }
0xf3: {  	[sflag:s24] =	ssyncadd.s32 @p5 $0xFFFFB000;
	p3 =	sne.s32 @!p4 s5, $0x0;
	p2 =	por @!p4 !p0, !p0  }
0xf4: {  	[bflag:$0x0] =	sbarrier.arrive @p5 $0xFFFF;
	p0 =	por @!p4 !p2, p3  }
0xf5: {  	[bflag:$0x0] =	sbarrier.arrive @!p4 $0xFFFF;
	p1 =	por p0, p4  }
0xf6: {  	s24 =	simm.s32 @!p1 $0xA0;
	s25 =	simm.s32 @!p1 $0x100;
	s26 =	simm.s32 @!p1 $0x200  }
0xf7: {  	[spmem:s3] =	stream.indirect.scatter.add.f32 @!p1 [tilespmem:s26], [sflag:$0x4], $0x80, s25, s24, $0xb8;
	[tilespmem:$0x1E400] =	vst v63  }
0xf8: {  	p5 =	slt.u32 @p4 s22, $0x7D0;
	p6 =	seq.s32 @p4 s2, $0xC;
	s24 =	simm.s32 @!p1 $0x4  }
0xf9: {  	p0 =	por !p0, p4;
	s25 =	simm.s32 @p4 $0x5300;
	_ =	swait.ge @!p1 [sflag:s24], $0x5000  }
0xfa: {  	s26 =	simm.s32 @p4 $0x5400;
	[sflag:s24] =	ssyncset.done @!p1 $0x0;
	s29 =	sld [smem:$0x7FC]  }
0xfb: {  	[sflag:s24] =	ssyncadd.s32 @!p1 $0xFFFFB000;
	p1 =	por @!p1 $0x1, $0x1;
	s24 =	simm.s32 @p4 $0xA0  }
0xfc: {  	[spmem:s3] =	stream.indirect.scatter.add.f32 @p4 [tilespmem:s26], [sflag:$0x4], $0x80, s25, s24, $0xb8;
	[tilespmem:$0x1E400] =	vst v63  }
0xfd: {  	p1 =	por @!p0 p2, p2;
	p0 =	por !p3, p4;
	p3 =	por @p4 !p6, !p5  }
0xfe: {  	p1 =	por @!p0 p2, p2;
	p0 =	por @p4 !p3, !p3  }
0xff: {  	p5 =	seq.s32 s29, $0x1;
	p0 =	por @!p4 p1, p1  }
0x100: {  	p0 =	por !p0, !p5  }
0x101: {  	s24 =	simm.s32 @p4 $0x4;
	p5 =	por !p0, !p0  }
0x102: {  	_ =	swait.ge @p4 [sflag:s24], $0x5000;
	p0 =	slt.u32 @!p5 s22, $0x7D0;
	p1 =	seq.s32 @!p5 s2, $0xD  }
0x103: {  	[sflag:s24] =	ssyncset.done @p4 $0x0;
	p0 =	por @!p5 !p1, !p0  }
0x104: {  	[sflag:s24] =	ssyncadd.s32 @p4 $0xFFFFB000;
	p3 =	sne.s32 @!p5 s5, $0x0;
	p2 =	por @!p5 !p0, !p0  }
0x105: {  	[bflag:$0x0] =	sbarrier.arrive @p4 $0xFFFF;
	p0 =	por @!p5 !p2, p3  }
0x106: {  	[bflag:$0x0] =	sbarrier.arrive @!p5 $0xFFFF;
	p1 =	por p0, p5  }
0x107: {  	s24 =	simm.s32 @!p1 $0xA0;
	s25 =	simm.s32 @!p1 $0x100;
	s26 =	simm.s32 @!p1 $0x200  }
0x108: {  	[spmem:s3] =	stream.indirect.scatter.add.f32 @!p1 [tilespmem:s26], [sflag:$0x4], $0x80, s25, s24, $0xb8;
	[tilespmem:$0x1E400] =	vst v63  }
0x109: {  	p4 =	slt.u32 @p5 s22, $0x7D0;
	p6 =	seq.s32 @p5 s2, $0xD;
	s24 =	simm.s32 @!p1 $0x4  }
0x10a: {  	p0 =	por !p0, p5;
	s25 =	simm.s32 @p5 $0x5300;
	_ =	swait.ge @!p1 [sflag:s24], $0x5000  }
0x10b: {  	s26 =	simm.s32 @p5 $0x5400;
	[sflag:s24] =	ssyncset.done @!p1 $0x0;
	s30 =	sld [smem:$0x7FC]  }
0x10c: {  	[sflag:s24] =	ssyncadd.s32 @!p1 $0xFFFFB000;
	p1 =	por @!p1 $0x1, $0x1;
	s24 =	simm.s32 @p5 $0xA0  }
0x10d: {  	[spmem:s3] =	stream.indirect.scatter.add.f32 @p5 [tilespmem:s26], [sflag:$0x4], $0x80, s25, s24, $0xb8;
	[tilespmem:$0x1E400] =	vst v63  }
0x10e: {  	p1 =	por @!p0 p2, p2;
	p0 =	por !p3, p5;
	p3 =	por @p5 !p6, !p4  }
0x10f: {  	p1 =	por @!p0 p2, p2;
	p0 =	por @p5 !p3, !p3  }
0x110: {  	p6 =	seq.s32 s30, $0x1;
	p0 =	por @!p5 p1, p1  }
0x111: {  	p0 =	por !p0, !p6  }
0x112: {  	s24 =	simm.s32 @p5 $0x4;
	p4 =	por !p0, !p0  }
0x113: {  	_ =	swait.ge @p5 [sflag:s24], $0x5000;
	p0 =	slt.u32 @!p4 s22, $0x7D0;
	p1 =	seq.s32 @!p4 s2, $0xE  }
0x114: {  	[sflag:s24] =	ssyncset.done @p5 $0x0;
	p0 =	por @!p4 !p1, !p0  }
0x115: {  	[sflag:s24] =	ssyncadd.s32 @p5 $0xFFFFB000;
	p3 =	sne.s32 @!p4 s5, $0x0;
	p2 =	por @!p4 !p0, !p0  }
0x116: {  	[bflag:$0x0] =	sbarrier.arrive @p5 $0xFFFF;
	p0 =	por @!p4 !p2, p3  }
0x117: {  	[bflag:$0x0] =	sbarrier.arrive @!p4 $0xFFFF;
	p1 =	por p0, p4  }
0x118: {  	s24 =	simm.s32 @!p1 $0xA0;
	s25 =	simm.s32 @!p1 $0x100;
	s26 =	simm.s32 @!p1 $0x200  }
0x119: {  	[spmem:s3] =	stream.indirect.scatter.add.f32 @!p1 [tilespmem:s26], [sflag:$0x4], $0x80, s25, s24, $0xb8;
	[tilespmem:$0x1E400] =	vst v63  }
0x11a: {  	p5 =	slt.u32 @p4 s22, $0x7D0;
	p6 =	seq.s32 @p4 s2, $0xE;
	s24 =	simm.s32 @!p1 $0x4  }
0x11b: {  	p0 =	por !p0, p4;
	s25 =	simm.s32 @p4 $0x5300;
	_ =	swait.ge @!p1 [sflag:s24], $0x5000  }
0x11c: {  	s26 =	simm.s32 @p4 $0x5400;
	[sflag:s24] =	ssyncset.done @!p1 $0x0;
	s31 =	sld [smem:$0x7FC]  }
0x11d: {  	[sflag:s24] =	ssyncadd.s32 @!p1 $0xFFFFB000;
	p1 =	por @!p1 $0x1, $0x1;
	s24 =	simm.s32 @p4 $0xA0  }
0x11e: {  	[spmem:s3] =	stream.indirect.scatter.add.f32 @p4 [tilespmem:s26], [sflag:$0x4], $0x80, s25, s24, $0xb8;
	[tilespmem:$0x1E400] =	vst v63  }
0x11f: {  	p1 =	por @!p0 p2, p2;
	p0 =	por !p3, p4;
	p3 =	por @p4 !p6, !p5  }
0x120: {  	p1 =	por @!p0 p2, p2;
	p0 =	por @p4 !p3, !p3  }
0x121: {  	p6 =	seq.s32 s31, $0x1;
	p0 =	por @!p4 p1, p1  }
0x122: {  	p0 =	por !p0, !p6  }
0x123: {  	s24 =	simm.s32 @p4 $0x4;
	p5 =	por !p0, !p0  }
0x124: {  	_ =	swait.ge @p4 [sflag:s24], $0x5000;
	p0 =	slt.u32 @!p5 s22, $0x7D0;
	p1 =	seq.s32 @!p5 s2, $0xF  }
0x125: {  	[sflag:s24] =	ssyncset.done @p4 $0x0;
	p0 =	por @!p5 !p1, !p0  }
0x126: {  	[sflag:s24] =	ssyncadd.s32 @p4 $0xFFFFB000;
	p3 =	sne.s32 @!p5 s5, $0x0;
	p2 =	por @!p5 !p0, !p0  }
0x127: {  	[bflag:$0x0] =	sbarrier.arrive @p4 $0xFFFF;
	p0 =	por @!p5 !p2, p3  }
0x128: {  	[bflag:$0x0] =	sbarrier.arrive @!p5 $0xFFFF;
	p1 =	por p0, p5  }
0x129: {  	s24 =	simm.s32 @!p1 $0xA0;
	s25 =	simm.s32 @!p1 $0x100;
	s26 =	simm.s32 @!p1 $0x200  }
0x12a: {  	[spmem:s3] =	stream.indirect.scatter.add.f32 @!p1 [tilespmem:s26], [sflag:$0x4], $0x80, s25, s24, $0xb8;
	[tilespmem:$0x1E400] =	vst v63  }
0x12b: {  	p0 =	por !p0, p5;
	p4 =	por @!p1 $0x1, $0x1;
	s24 =	simm.s32 @!p1 $0x4  }
0x12c: {  	p4 =	por @!p0 p2, p2;
	p0 =	slt.u32 @p5 s22, $0x7D0;
	_ =	swait.ge @!p1 [sflag:s24], $0x5000  }
0x12d: {  	s25 =	simm.s32 @p5 $0x5300;
	s26 =	simm.s32 @p5 $0x5400;
	[sflag:s24] =	ssyncset.done @!p1 $0x0  }
0x12e: {  	[sflag:s24] =	ssyncadd.s32 @!p1 $0xFFFFB000;
	p1 =	seq.s32 @p5 s2, $0xF;
	s24 =	simm.s32 @p5 $0xA0  }
0x12f: {  	[spmem:s3] =	stream.indirect.scatter.add.f32 @p5 [tilespmem:s26], [sflag:$0x4], $0x80, s25, s24, $0xb8;
	[tilespmem:$0x1E400] =	vst v63  }
0x130: {  	p0 =	por @p5 !p1, !p0;
	p1 =	por !p3, p5;
	s24 =	simm.s32 @p5 $0x4  }
0x131: {  	p4 =	por @!p1 p2, p2;
	_ =	swait.ge @p5 [sflag:s24], $0x5000;
	p0 =	por @p5 !p0, !p0  }
0x132: {  	p0 =	por @!p5 p4, p4;
	[sflag:s24] =	ssyncset.done @p5 $0x0  }
0x133: {  	s23 =	sadd.s32 $0x280, s23;
	[sflag:s24] =	ssyncadd.s32 @p5 $0xFFFFB000;
	p0 =	por !p0, !p6  }
0x134: {  	p1 =	sne.s32 s23, $0x9D80;
	[bflag:$0x0] =	sbarrier.arrive @p5 $0xFFFF;
	p0 =	por !p0, !p0  }
0x135: {  	s24 =	simm.s32 @p0 $0xA0;
	s25 =	simm.s32 @p0 $0x5300;
	s26 =	simm.s32 @p0 $0x5400  }
0x136: {  	[spmem:s3] =	stream.indirect.scatter.add.f32 @p0 [tilespmem:s26], [sflag:$0x3], $0x80, s25, s24, $0xb8;
	[tilespmem:$0x1E400] =	vst v63  }
.Ltmp3:
0x137: {  	_ = 	snop;
	(pc) =	sbr.rel @!p1 .LBB2_8-.Ltmp3, $4  }
0x138: {  	s24 =	simm.s32 @p0 $0x3  }
0x139: {  	_ =	swait.ge @p0 [sflag:s24], $0x5000  }
0x13a: {  	[sflag:s24] =	ssyncset.done @p0 $0x0  }
0x13b: {  	s22 =	sadd.s32 $0x20, s22;
	[sflag:s24] =	ssyncadd.s32 @p0 $0xFFFFB000  }
.LBB2_2:
0x13c: {  	s24 =	sld [smem:$0x7FB];
	_ =	sdelay $0x2  }
0x13d: {  	p0 =	seq.s32 s24, $0x1  }
0x13e: {  	p2 =	sgt.u32 @!p0 s22, $0x7CF  }
0x13f: {  	p3 =	por p2, p0  }
0x140: {  	s24 =	sadd.s32 @!p3 s23, s12;
	s25 =	simm.s32 @!p3 $0x0  }
0x141: {  	[tilespmem:s25], [sflag:$0x4] =	stream.linear.gather @!p3 [hbm4b:s24+s25], $0xA0, $0x38;
	[tilespmem:$0x1E400] =	vst v63  }
0x142: {  	s24 =	simm.s32 @!p3 $0x4  }
0x143: {  	_ =	swait.ge @!p3 [sflag:s24], $0xA0  }
0x144: {  	[sflag:s24] =	ssyncset.done @!p3 $0x0  }
0x145: {  	s26 =	sadd.s32 @!p3 s23, s11;
	s28 =	simm.s32 @!p3 $0x100;
	[sflag:s24] =	ssyncadd.s32 @!p3 $0xFFFFFF60  }
0x146: {  	[tilespmem:s28], [sflag:$0x4] =	stream.linear.gather @!p3 [hbm4b:s26+s25], $0xA0, $0x38;
	[tilespmem:$0x1E400] =	vst v63  }
0x147: {  	_ =	swait.ge @!p3 [sflag:s24], $0xA0  }
0x148: {  	[sflag:s24] =	ssyncset.done @!p3 $0x0  }
0x149: {  	s26 =	simm.s32 @!p3 $0x200;
	[sflag:s24] =	ssyncadd.s32 @!p3 $0xFFFFFF60;
	s24 =	simm.s32 @!p3 $0xA0  }
0x14a: {  	[tilespmem:s26], [sflag:$0x1] =	stream.indirect.gather @!p3 [hbm4b:s1+s24], $0x80, s25, s24, $0xb8;
	[tilespmem:$0x1E400] =	vst v63  }
0x14b: {  	s24 =	simm.s32 @!p3 $0x1  }
0x14c: {  	_ =	swait.ge @!p3 [sflag:s24], $0x5000  }
0x14d: {  	s29 =	sld [smem:$0x7FD];
	_ =	sdelay $0x2  }
0x14e: {  	p5 =	sgt.u32 s22, $0x7CF;
	p6 =	seq.s32 s29, $0x1  }
0x14f: {  	[sflag:s24] =	ssyncset.done @!p3 $0x0;
	p2 =	por p5, p6  }
0x150: {  	[sflag:s24] =	ssyncadd.s32 @!p3 $0xFFFFB000;
	s24 =	sadd.s32 @!p2 s23, s12  }
0x151: {  	s25 =	simm.s32 @!p2 $0x0;
	s26 =	simm.s32 @!p2 $0x5200;
	s24 =	sadd.s32 @!p2 $0x14, s24  }
0x152: {  	[tilespmem:s26], [sflag:$0x4] =	stream.linear.gather @!p2 [hbm4b:s24+s25], $0xA0, $0x38;
	[tilespmem:$0x1E400] =	vst v63  }
0x153: {  	s24 =	simm.s32 @!p2 $0x4  }
0x154: {  	_ =	swait.ge @!p2 [sflag:s24], $0xA0  }
0x155: {  	s28 =	sadd.s32 @!p2 s23, s11;
	[sflag:s24] =	ssyncset.done @!p2 $0x0  }
0x156: {  	s29 =	simm.s32 @!p2 $0x5300;
	s28 =	sadd.s32 @!p2 $0x14, s28;
	[sflag:s24] =	ssyncadd.s32 @!p2 $0xFFFFFF60  }
0x157: {  	[tilespmem:s29], [sflag:$0x4] =	stream.linear.gather @!p2 [hbm4b:s28+s25], $0xA0, $0x38;
	[tilespmem:$0x1E400] =	vst v63  }
0x158: {  	_ =	swait.ge @!p2 [sflag:s24], $0xA0  }
0x159: {  	[sflag:s24] =	ssyncset.done @!p2 $0x0  }
0x15a: {  	s25 =	simm.s32 @!p2 $0x5400;
	[sflag:s24] =	ssyncadd.s32 @!p2 $0xFFFFFF60;
	s24 =	simm.s32 @!p2 $0xA0  }
0x15b: {  	[tilespmem:s25], [sflag:$0x2] =	stream.indirect.gather @!p2 [hbm4b:s1+s24], $0x80, s26, s24, $0xb8;
	[tilespmem:$0x1E400] =	vst v63  }
0x15c: {  	s24 =	simm.s32 @!p2 $0x2  }
0x15d: {  	_ =	swait.ge @!p2 [sflag:s24], $0x5000  }
0x15e: {  	[sflag:s24] =	ssyncset.done @!p2 $0x0  }
0x15f: {  	[sflag:s24] =	ssyncadd.s32 @!p2 $0xFFFFB000  }
0x160: {  	[bflag:$0x0] =	sbarrier.arrive $0xFFFF  }
0x161: {  	s30 =	sld [smem:$0x7FA];
	_ =	sdelay $0x2  }
0x162: {  	p0 =	seq.s32 s30, $0x1  }
0x163: {  	s24 =	simm.s32 @!p0 $0xA0;
	s25 =	simm.s32 @!p0 $0x100;
	s26 =	simm.s32 @!p0 $0x200  }
0x164: {  	[spmem:s3] =	stream.indirect.scatter.add.f32 @!p0 [tilespmem:s26], [sflag:$0x4], $0x80, s25, s24, $0xb8;
	[tilespmem:$0x1E400] =	vst v63  }
0x165: {  	s24 =	simm.s32 @!p0 $0x4  }
0x166: {  	_ =	swait.ge @!p0 [sflag:s24], $0x5000  }
0x167: {  	s31 =	sld [smem:$0x7EC];
	_ =	sdelay $0x1  }
0x168: {  	[sflag:s24] =	ssyncset.done @!p0 $0x0  }
0x169: {  	[sflag:s24] =	ssyncadd.s32 @!p0 $0xFFFFB000;
	p0 =	seq.s32 s31, $0x1  }
.Ltmp4:
0x16a: {  	_ = 	snop;
	(pc) =	sbr.rel @!p0 .LBB2_5-.Ltmp4, $1  }
0x16b: {  	_ =	sdelay $0x3  }
0x16c: {  	[spmem:s3] =	stream.indirect.scatter.add.f32 [tilespmem:s20], [sflag:$0x4], $0x80, s19, s18, $0xb8;
	[tilespmem:$0x1E400] =	vst v63  }
.Ltmp5:
0x16d: {  	_ =	swait.ge [sflag:s21], $0x5000;
	(pc) =	sbr.rel .LBB2_4-.Ltmp5, $3  }
0x16e: {  	[sflag:s21] =	ssyncset.done $0x0  }
0x16f: {  	[sflag:s21] =	ssyncadd.s32 $0xFFFFB000  }
0x170: {  	[bflag:$0x0] =	sbarrier.arrive $0xFFFF;
	_ =	sdelay $0x1  }
.LBB2_5:
0x171: {  	[bflag:$0x0] =	sbarrier.arrive $0xFFFF  }
0x172: {  	s24 =	sld [smem:$0x7ED];
	_ =	sdelay $0x2  }
0x173: {  	p1 =	seq.s32 s24, $0x1  }
0x174: {  	s24 =	simm.s32 @p1 $0xA0;
	s25 =	simm.s32 @p1 $0x100;
	s26 =	simm.s32 @p1 $0x200  }
0x175: {  	[spmem:s3] =	stream.indirect.scatter.add.f32 @p1 [tilespmem:s26], [sflag:$0x4], $0x80, s25, s24, $0xb8;
	[tilespmem:$0x1E400] =	vst v63  }
0x176: {  	s24 =	simm.s32 @p1 $0x4  }
0x177: {  	s30 =	sld [smem:$0x7EB];
	_ =	swait.ge @p1 [sflag:s24], $0x5000  }
0x178: {  	s31 =	sld [smem:$0x7FC];
	_ =	sdelay $0x1  }
0x179: {  	p0 =	seq.s32 s30, $0x1;
	p2 =	por @p1 $0x1, $0x1  }
0x17a: {  	p2 =	por @!p1 p0, p0;
	p6 =	seq.s32 s31, $0x1  }
0x17b: {  	p2 =	por !p2, !p6  }
0x17c: {  	p2 =	por !p2, !p2  }
.Ltmp6:
0x17d: {  	_ = 	snop;
	(pc) =	sbr.rel @p2 .LBB2_6-.Ltmp6, $3  }
0x17e: {  	_ =	sdelay $0x1  }
0x17f: {  	[sflag:s24] =	ssyncset.done @p1 $0x0  }
0x180: {  	[sflag:s24] =	ssyncadd.s32 @p1 $0xFFFFB000  }
.LBB2_4:
0x181: {  	[bflag:$0x0] =	sbarrier.arrive $0xFFFF  }
0x182: {  	s24 =	sld [smem:$0x7EF];
	_ =	sdelay $0x2  }
0x183: {  	p1 =	seq.s32 s24, $0x1  }
0x184: {  	s24 =	simm.s32 @p1 $0xA0;
	s25 =	simm.s32 @p1 $0x100;
	s26 =	simm.s32 @p1 $0x200  }
0x185: {  	[spmem:s3] =	stream.indirect.scatter.add.f32 @p1 [tilespmem:s26], [sflag:$0x4], $0x80, s25, s24, $0xb8;
	[tilespmem:$0x1E400] =	vst v63  }
0x186: {  	s24 =	simm.s32 @p1 $0x4  }
0x187: {  	_ =	swait.ge @p1 [sflag:s24], $0x5000  }
.Ltmp7:
0x188: {  	s31 =	sld [smem:$0x7EE];
	(pc) =	sbr.rel .LBB2_7-.Ltmp7, $3  }
0x189: {  	_ =	sdelay $0x1  }
0x18a: {  	p2 =	por @p1 $0x1, $0x1;
	[sflag:s24] =	ssyncset.done @p1 $0x0;
	p0 =	seq.s32 s31, $0x1  }
0x18b: {  	[sflag:s24] =	ssyncadd.s32 @p1 $0xFFFFB000;
	p2 =	por @!p1 p0, p0  }
.LBB2_9:
0x18c: {  	_ =	sfence.sel $0x180000  }
0x18d: {  	[bflag:$0x0] =	sbarrier.arrive $0xFFFF  }
0x18e: {  	p0 =	sne.s32 s2, $0x0;
	_ =	strace $0x9000004D  }
0x18f: {  	s0 =	sadd.s32 @!p0 $0x100000, s0;
	[bflag:$0x2] =	sbarrier.arrive $0xFFFF  }
0x190: {  	[sflag:s0] =	ssyncadd.tile.s32 @!p0 $0x1;
	_ =	shalt  }
.Lfunc_end2:
_tile_overlayer_lowered:
.L_overlay_start_2:
0x191: {  	(tag) =	ssettag $0x2  }
0x192: {  	s0 =	rddreg [dreg:$0x0];
	s2 =	stileid.u32  }
0x193: {  	s1 =	rddreg [dreg:$0x1];
	p0 =	sne.s32 s2, $0x0  }
0x194: {  	s3 =	rddreg [dreg:$0x2];
	[bflag:$0x3] =	sbarrier.arrive $0xFFFF;
	s2 =	simm.s32 @!p0 $0x1C03  }
0x195: {  	[timem:s3], [sflag:s2] =	dma.local @!p0 [hbm:s0], s1  }
0x196: {  	s0 =	simm.s32 @!p0 $0x3  }
0x197: {  	_ =	swait.ge @!p0 [sflag:s0], s1  }
0x198: {  	s1 =	ssub.s32 @!p0 $0x0, s1;
	[sflag:s0] =	ssyncset.done @!p0 $0x0  }
0x199: {  	[sflag:s0] =	ssyncadd.s32 @!p0 s1  }
0x19a: {  	[bflag:$0x3] =	sbarrier.arrive $0xFFFF  }
0x19b: {  	_ =	shalt  }

// kernel: kernel.8.cloned.1.call-start
scs
__scs_entry_jumppad:
0x0: {  	(pc) =	sbr.rel $0x88, $3  }
0x1: {  	(tag) =	ssettag $0x0;
	lr =	simm.s32 $0x1  }
0x2: {  	[smem:$0x3F9B] =	sst lr;
	_ =	strace $0xD0000000  }
0x3: {  	_ = 	snop  }
0x4: {  	_ = 	snop  }
0x5: {  	_ = 	snop  }
0x6: {  	_ = 	snop  }
0x7: {  	_ = 	snop  }
__scs_overlays_trampoline_lowered:
0x8: {  	[smem:$0x3FAA] =	sst s0  }
0x9: {  	[smem:$0x3FAB] =	sst s1  }
0xa: {  	[smem:$0x3FAC] =	sst s2  }
0xb: {  	[smem:$0x3FAD] =	sst s3  }
0xc: {  	[smem:$0x3FAE] =	sst s4  }
0xd: {  	[smem:$0x3FAF] =	sst s5  }
0xe: {  	[smem:$0x3FB0] =	sst s6  }
0xf: {  	[smem:$0x3FB1] =	sst s7  }
0x10: {  	[smem:$0x3FB2] =	sst s8  }
0x11: {  	[smem:$0x3FB3] =	sst s9;
	s0 =	simm.s32 @!p0 $0x0  }
0x12: {  	s1 =	sld [smem:$0x3F99];
	s0 =	simm.s32 @p0 $0x1  }
0x13: {  	[smem:$0x3FB4] =	sst s0;
	s0 =	simm.s32 @!p1 $0x0  }
0x14: {  	s2 =	sld [smem:$0x3F98];
	s0 =	simm.s32 @p1 $0x1  }
0x15: {  	[smem:$0x3FB5] =	sst s0;
	s0 =	simm.s32 @!p2 $0x0  }
0x16: {  	s3 =	sld [smem:$0x3FDB];
	s0 =	simm.s32 @p2 $0x1  }
0x17: {  	s4 =	simm.s32 $0x1BF5;
	[smem:$0x3FB7] =	sst s0  }
0x18: {  	s0 =	sld [smem:$0x3F9A];
	_ =	swait.ge [sflag:s4], $0x0  }
0x19: {  	s7 =	sld [smem:$0x3F9B]  }
0x1a: {  	s8 =	sadd.s32 $0xFFFFE003, lr  }
0x1b: {  	s9 =	sadd.s32 $0xFFFFFEF7, lr;
	s5 =	simm.s32 $0xFFFFFFFF;
	p2 =	slt.u32 s8, $0xFFFFF086  }
0x1c: {  	p1 =	slt.u32 s9, $0xF7A;
	s5 =	simm.s32 @!p2 $0x0  }
0x1d: {  	s5 =	simm.s32 @p1 $0x1;
	p0 =	seq.s32 s7, s2  }
0x1e: {  	s7 =	smul.u32 @!p0 $0xF7A, s2;
	p2 =	seq.s32 @!p0 s5, $0x0  }
0x1f: {  	s9 =	smul.u32 $0xF7A, s1;
	s8 =	simm.s32 @!p0 $0x1BF5;
	p2 =	por !p2, p0  }
0x20: {  	[sflag:s8] =	ssyncset.s32 @!p0 $0xFFFFF086;
	s6 =	sadd.s32 @!p0 s3, s7;
	s7 =	simm.s32 @!p0 $0x108  }
0x21: {  	s3 =	sadd.s32 s3, s9;
	s6 =	sadd.s32 @!p0 $0x88, s6;
	s7 =	simm.s32 @p2 $0x1082  }
0x22: {  	[simem:s7], [sflag:s8] =	dma.local @!p0 [hbm:s6], $0xF7A  }
0x23: {  	s9 =	sor.u32 $0xD0000000, s2;
	s6 =	simm.s32 $0x108;
	_ =	swait.ge @!p0 [sflag:s8], $0x0  }
0x24: {  	s3 =	sadd.s32 $0x88, s3;
	s6 =	simm.s32 @!p1 $0x1082;
	[sflag:s4] =	ssyncset.s32 $0xFFFFF086  }
0x25: {  	[simem:s6], [sflag:s4] =	dma.local [hbm:s3], $0xF7A  }
0x26: {  	[smem:$0x3F9B] =	sst s1;
	(tag) =	ssettag s2;
	_ =	strace s9  }
0x27: {  	s1 =	sld [smem:$0x3FAB]  }
0x28: {  	s2 =	sld [smem:$0x3FAC]  }
0x29: {  	s4 =	sld [smem:$0x3FAE]  }
0x2a: {  	p0 =	seq.s32 s5, $0x0;
	s5 =	sld [smem:$0x3FAF]  }
0x2b: {  	s6 =	sld [smem:$0x3FB0]  }
0x2c: {  	s7 =	sld [smem:$0x3FB1]  }
0x2d: {  	s3 =	simm.s32 $0x108;
	s8 =	sld [smem:$0x3FB2]  }
0x2e: {  	s3 =	simm.s32 @!p0 $0x1082;
	s9 =	sld [smem:$0x3FB3]  }
0x2f: {  	lr =	sadd.s32 s0, s3;
	s0 =	sld [smem:$0x3FAA]  }
0x30: {  	s3 =	sld [smem:$0x3FAD]  }
0x31: {  	[smem:$0x3FB6] =	sst s10  }
0x32: {  	s10 =	sld [smem:$0x3FB4];
	_ =	sdelay $0x3  }
0x33: {  	p0 =	seq.s32 s10, $0x1;
	s10 =	sld [smem:$0x3FB6];
	_ =	sdelay $0x3  }
0x34: {  	[smem:$0x3FB6] =	sst s10  }
0x35: {  	s10 =	sld [smem:$0x3FB5];
	_ =	sdelay $0x3  }
0x36: {  	p1 =	seq.s32 s10, $0x1;
	s10 =	sld [smem:$0x3FB6];
	_ =	sdelay $0x3  }
0x37: {  	[smem:$0x3FB6] =	sst s10  }
0x38: {  	s10 =	sld [smem:$0x3FB7]  }
0x39: {  	_ = 	snop;
	(pc) =	sbr.ind lr, $3  }
0x3a: {  	_ = 	snop  }
0x3b: {  	_ = 	snop  }
0x3c: {  	p2 =	seq.s32 s10, $0x1;
	s10 =	sld [smem:$0x3FB6]  }
0x3d: {  	_ =	shalt  }
0x3e: {  	_ =	shalt  }
0x3f: {  	_ =	shalt  }
0x40: {  	_ =	shalt  }
0x41: {  	_ =	shalt  }
0x42: {  	_ =	shalt  }
0x43: {  	_ =	shalt  }
0x44: {  	_ =	shalt  }
0x45: {  	_ =	shalt  }
0x46: {  	_ =	shalt  }
0x47: {  	_ =	shalt  }
0x48: {  	_ =	shalt  }
0x49: {  	_ =	shalt  }
0x4a: {  	_ =	shalt  }
0x4b: {  	_ =	shalt  }
0x4c: {  	_ =	shalt  }
0x4d: {  	_ =	shalt  }
0x4e: {  	_ =	shalt  }
0x4f: {  	_ =	shalt  }
0x50: {  	_ =	shalt  }
0x51: {  	_ =	shalt  }
0x52: {  	_ =	shalt  }
0x53: {  	_ =	shalt  }
0x54: {  	_ =	shalt  }
0x55: {  	_ =	shalt  }
0x56: {  	_ =	shalt  }
0x57: {  	_ =	shalt  }
0x58: {  	_ =	shalt  }
0x59: {  	_ =	shalt  }
0x5a: {  	_ =	shalt  }
0x5b: {  	_ =	shalt  }
0x5c: {  	_ =	shalt  }
0x5d: {  	_ =	shalt  }
0x5e: {  	_ =	shalt  }
0x5f: {  	_ =	shalt  }
0x60: {  	_ =	shalt  }
0x61: {  	_ =	shalt  }
0x62: {  	_ =	shalt  }
0x63: {  	_ =	shalt  }
0x64: {  	_ =	shalt  }
0x65: {  	_ =	shalt  }
0x66: {  	_ =	shalt  }
0x67: {  	_ =	shalt  }
0x68: {  	_ =	shalt  }
0x69: {  	_ =	shalt  }
0x6a: {  	_ =	shalt  }
0x6b: {  	_ =	shalt  }
0x6c: {  	_ =	shalt  }
0x6d: {  	_ =	shalt  }
0x6e: {  	_ =	shalt  }
0x6f: {  	_ =	shalt  }
0x70: {  	_ =	shalt  }
0x71: {  	_ =	shalt  }
0x72: {  	_ =	shalt  }
0x73: {  	_ =	shalt  }
0x74: {  	_ =	shalt  }
0x75: {  	_ =	shalt  }
0x76: {  	_ =	shalt  }
0x77: {  	_ =	shalt  }
0x78: {  	_ =	shalt  }
0x79: {  	_ =	shalt  }
0x7a: {  	_ =	shalt  }
0x7b: {  	_ =	shalt  }
0x7c: {  	_ =	shalt  }
0x7d: {  	_ =	shalt  }
0x7e: {  	_ =	shalt  }
0x7f: {  	_ =	shalt  }
0x80: {  	_ =	shalt  }
0x81: {  	_ =	shalt  }
0x82: {  	_ =	shalt  }
0x83: {  	_ =	shalt  }
0x84: {  	_ =	shalt  }
0x85: {  	_ =	shalt  }
0x86: {  	_ =	shalt  }
0x87: {  	_ =	shalt  }
.Lfunc_end0:
.L_simem_size_0:
called_computation_lowered:
.L_overlay_start_0:
0x88: {  	s2 =	sld [smem:$0x3FD9]  }
0x89: {  	s3 =	sld [smem:$0x3FFE];
	_ =	sdelay $0x1  }
0x8a: {  	s1 =	srdreg.scid  }
0x8b: {  	s0 =	sand.u32 $0x1, s1  }
0x8c: {  	s17 =	sshll.u32 s0, $0xA;
	s2 =	sadd.s32 s3, s2  }
0x8d: {  	s2 =	sadd.s32 s2, s17  }
0x8e: {  	[smem:$0x3FC2] =	sst s2  }
0x8f: {  	_ = 	snop  }
0x90: {  	s2 =	sld [smem:$0x3FD0];
	(tm) =	ssettm $0x1  }
0x91: {  	s18 =	sld [smem:$0x3FFB];
	_ =	sdelay $0x3  }
0x92: {  	_ =	strace s18  }
0x93: {  	s3 =	sld [smem:$0x3FFC];
	_ =	sdelay $0x3  }
0x94: {  	_ =	strace s3  }
0x95: {  	s3 =	sld [smem:$0x3FFD];
	_ =	sdelay $0x3  }
0x96: {  	_ =	strace s3  }
0x97: {  	_ =	strace $0x8FFFFFFF  }
0x98: {  	s19 =	sld [smem:$0x3FDB];
	_ =	sdelay $0x1  }
0x99: {  	s4 =	simm.s32 $_scs_section_size  }
0x9a: {  	s5 =	simm.s32 $_size__tile_overlayer_lowered;
	s6 =	simm.s32 $_tile_overlayer_lowered  }
0x9b: {  	s22 =	simm.s32 $0x1BFF;
	s21 =	sshll.u32 s6, $0x1;
	s3 =	sadd.s32 s4, s19  }
0x9c: {  	s7 =	simm.s32 $0x0;
	s20 =	sshll.u32 s5, $0x1;
	s5 =	sadd.s32 s21, s3  }
0x9d: {  	[timem:s7], [sflag:s22] =	dma.local [hbm:s5], s20  }
0x9e: {  	_ =	swait.ge [sflag:s22], s20  }
0x9f: {  	s4 =	ssub.s32 $0x0, s20;
	[sflag:s22] =	ssyncset.done $0x0  }
0xa0: {  	[sflag:s22] =	ssyncadd.s32 s4;
	_ =	sdelay $0x1  }
0xa1: {  	s23 =	simm.s32 $0x1B8B  }
0xa2: {  	_ =	swait.ge [sflag:s23], $0x1  }
0xa3: {  	[sflag:s23] =	ssyncset.done $0x0  }
0xa4: {  	s25 =	simm.s32 $0x1B8E;
	s24 =	sld [smem:$0x3FFE];
	[sflag:s23] =	ssyncadd.s32 $0xFFFFFFFF  }
0xa5: {  	s26 =	simm.s32 $execute0_lowered;
	[smem:$0x3FD2] =	sst s25  }
0xa6: {  	s5 =	sshll.u32 s26, $0x1;
	_ =	strace $0x80000046;
	[dreg:$0x1] =	wrdreg $0xFFFFFFFF  }
0xa7: {  	s28 =	simm.s32 $_size_execute0_lowered;
	s3 =	sadd.s32 s3, s5;
	[dreg:$0x0] =	wrdreg $0x0  }
0xa8: {  	s5 =	sshll.u32 s28, $0x1;
	[dreg:$0x2] =	wrdreg s3  }
0xa9: {  	[dreg:$0x3] =	wrdreg s5  }
0xaa: {  	[dreg:$0x4] =	wrdreg $0xC0  }
0xab: {  	_ =	task [dreg:s7], $0x5FFFF  }
0xac: {  	[dreg:$0x1] =	wrdreg $0xFFFFFFFF  }
0xad: {  	[dreg:$0x0] =	wrdreg $0x60  }
0xae: {  	[dreg:$0x2] =	wrdreg s2  }
0xaf: {  	[dreg:$0x3] =	wrdreg s24  }
0xb0: {  	[dreg:$0x4] =	wrdreg $0xA3000  }
0xb1: {  	[dreg:$0x5] =	wrdreg $0x9  }
0xb2: {  	_ =	task.clear_ibuf [dreg:s7], $0x6FFFF;
	_ =	strace $0x90000046  }
0xb3: {  	s29 =	simm.s32 $0x9;
	_ =	strace $0x80000048  }
0xb4: {  	_ =	swait.ge [sflag:s29], $0x1  }
0xb5: {  	[sflag:s29] =	ssyncadd.s32 $0xFFFFFFFF  }
0xb6: {  	_ =	strace $0x90000048  }
0xb7: {  	_ =	sfence  }
0xb8: {  	s30 =	sld [smem:$0x0];
	_ =	sdelay $0x2  }
0xb9: {  	s31 =	sshll.u32 s1, $0xD;
	s1 =	sshrl.u32 s1, $0x2  }
0xba: {  	s3 =	sand.u32 $0x4000, s31;
	s1 =	sadd.s32 s1, s30  }
0xbb: {  	s0 =	sor.u32 s3, s0;
	s1 =	sshll.u32 s1, $0x11  }
0xbc: {  	s0 =	sor.u32 s1, s0  }
0xbd: {  	s0 =	sadd.s32 $0x8F2B, s0  }
0xbe: {  	[sflag:s0] =	ssyncadd.remote.s32 $0x1  }
0xbf: {  	_ =	sfence.sel $0xFFFF  }
0xc0: {  	[dreg:$0x0] =	wrdreg $0xFFFFFFFF;
	(pc) =	sbr.abs _section_cstart, $3  }
0xc1: {  	[dreg:$0x1] =	wrdreg $0xFFFFFFFF  }
0xc2: {  	_ =	task.clear_ibuf [dreg:s7], $0x2FFFF;
	_ =	strace $0x9FFFFFFF  }
0xc3: {  	(tm) =	ssettm $0x7FFFFFFF  }
tec
execute0_lowered:
.L_overlay_start_1:
0x0: {  	(tag) =	ssettag $0x1  }
0x1: {  	s1 =	rddreg [dreg:$0x0]  }
0x2: {  	s7 =	rddreg [dreg:$0x1]  }
0x3: {  	s3 =	rddreg [dreg:$0x2]  }
0x4: {  	s0 =	rddreg [dreg:$0x3]  }
0x5: {  	s2 =	stileid.u32;
	s5 =	srdreg.scid  }
0x6: {  	s4 =	simm.s32 $0x0;
	s16 =	simm.s32 $0x140;
	s5 =	sand.u32 $0x1, s5  }
0x7: {  	s10 =	smul.u32 $0x50000, s2;
	p1 =	seq.s32 s2, $0x0;
	p0 =	seq.s32 s5, $0x1  }
0x8: {  	s17 =	simm.s32 $0x180;
	s18 =	simm.s32 $0x2;
	p1 =	por !p1, !p0  }
0x9: {  	s19 =	simm.s32 $0x0;
	s10 =	sshrl.u32 s10, $0x2;
	p1 =	por !p1, !p1  }
0xa: {  	[smem:$0x7FF] =	sst s4;
	s14 =	sadd.s32 s10, s3;
	s10 =	simm.s32 @!p1 $0x0  }
0xb: {  	_ =	strace $0x80000047;
	s10 =	simm.s32 @p1 $0x1;
	p1 =	seq.s32 s2, $0x1  }
0xc: {  	p2 =	seq.s32 s5, $0x0;
	[smem:$0x7F3] =	sst s10;
	s10 =	simm.s32 @!p1 $0x0  }
0xd: {  	s6 =	smul.u32 $0x50, s2;
	s10 =	simm.s32 @p1 $0x1;
	p1 =	por !p2, !p1  }
0xe: {  	s8 =	smul.u32 $0x2800, s2;
	p3 =	seq.s32 s2, $0x2;
	p1 =	por !p1, !p1  }
0xf: {  	p4 =	seq.s32 s2, $0x3;
	[smem:$0x7F4] =	sst s10;
	s10 =	simm.s32 @!p1 $0x0  }
0x10: {  	s13 =	sshll.u32 s2, $0x6;
	s9 =	smul.u32 $0x28000, s5;
	s10 =	simm.s32 @p1 $0x1  }
0x11: {  	s12 =	ssub.s32 $0x2, s5;
	[smem:$0x7F5] =	sst s10;
	s10 =	simm.s32 @!p3 $0x0  }
0x12: {  	s20 =	sor.u32 s2, s5;
	s13 =	sor.u32 $0x1C01, s13;
	s10 =	simm.s32 @p3 $0x1  }
0x13: {  	p6 =	por !p2, !p3;
	[smem:$0x7F6] =	sst s10;
	s10 =	simm.s32 @!p4 $0x0  }
0x14: {  	s11 =	sadd.s32 s6, s7;
	p1 =	por !p6, !p6;
	s10 =	simm.s32 @p4 $0x1  }
0x15: {  	p2 =	por !p2, !p4;
	[smem:$0x7F7] =	sst s10;
	s10 =	simm.s32 @!p1 $0x0  }
0x16: {  	s6 =	sadd.s32 $0x15C00, s7;
	s10 =	simm.s32 @p1 $0x1;
	p1 =	por !p2, !p2  }
0x17: {  	s31 =	sshrl.u32 s12, $0x1;
	[smem:$0x7F8] =	sst s10;
	s10 =	simm.s32 @!p1 $0x0  }
0x18: {  	s8 =	sadd.s32 s8, s9;
	s10 =	simm.s32 @p1 $0x1;
	p1 =	sne.s32 s20, $0x0  }
0x19: {  	s9 =	ssub.s32 s12, s31;
	s12 =	simm.s32 $0x1;
	s20 =	simm.s32 @!p1 $0x0  }
0x1a: {  	s8 =	sadd.s32 s8, s7;
	s20 =	simm.s32 @p1 $0x1;
	p1 =	sne.s32 s5, $0x0  }
0x1b: {  	s15 =	sadd.s32 $0xA000, s14;
	[smem:$0x7FA] =	sst s20;
	s20 =	simm.s32 @!p1 $0x0  }
0x1c: {  	s7 =	sshll.u32 s2, $0x1;
	s9 =	smax.u32 s9, $0x1;
	s20 =	simm.s32 @p1 $0x1  }
.Ltmp0:
0x1d: {  	[smem:$0x7FB] =	sst s20;
	s20 =	simm.s32 @!p0 $0x0;
	(pc) =	sbr.rel .LBB2_1-.Ltmp0, $4  }
0x1e: {  	s14 =	sshrl.u32 s14, $0x3;
	s20 =	simm.s32 @p0 $0x1;
	p0 =	por !p0, !p0  }
0x1f: {  	s8 =	sadd.s32 $0x17000, s8;
	[smem:$0x7FC] =	sst s20;
	s20 =	simm.s32 @!p0 $0x0  }
0x20: {  	s15 =	sshrl.u32 s15, $0x3;
	[smem:$0x7F9] =	sst s10;
	s20 =	simm.s32 @p0 $0x1  }
0x21: {  	s10 =	sadd.s32 $0xBE28, s11;
	s11 =	simm.s32 $0x300;
	[smem:$0x7FD] =	sst s20  }
.LBB2_8:
0x22: {  	s19 =	sadd.s32 $0x1, s19  }
0x23: {  	p0 =	sne.s32 s19, s9  }
.Ltmp1:
0x24: {  	[bflag:$0x0] =	sbarrier.arrive $0xFFFF;
	(pc) =	sbr.rel @!p0 .LBB2_9-.Ltmp1, $4  }
0x25: {  	[hbm:s8], [sflag:s13] =	dma.local [spmem:s14], $0x2800  }
0x26: {  	_ =	swait.ge [sflag:s12], $0x2800  }
0x27: {  	[sflag:s12] =	ssyncset.done $0x0  }
0x28: {  	[sflag:s12] =	ssyncadd.s32 $0xFFFFD800  }
.LBB2_1:
0x29: {  	[tilespmem:s11], [sflag:$0x1] =	stream.linear.gather [hbm4b:s1+s4], $0xA000, $0x38;
	[tilespmem:$0x1E300] =	vst v63  }
0x2a: {  	_ =	swait.ge [sflag:s12], $0xA000  }
0x2b: {  	[sflag:s12] =	ssyncset.done $0x0  }
0x2c: {  	[sflag:s12] =	ssyncadd.s32 $0xFFFF6000  }
0x2d: {  	[spmem:s14], [sflag:s13] =	dma.local [hbm:s6], $0x1400  }
0x2e: {  	_ =	swait.ge [sflag:s12], $0x1400  }
0x2f: {  	[sflag:s12] =	ssyncset.done $0x0  }
0x30: {  	[sflag:s12] =	ssyncadd.s32 $0xFFFFEC00  }
0x31: {  	[spmem:s15], [sflag:s13] =	dma.local [hbm:s6], $0x1400  }
.Ltmp2:
0x32: {  	_ =	swait.ge [sflag:s12], $0x1400;
	(pc) =	sbr.rel .LBB2_2-.Ltmp2, $4  }
0x33: {  	[sflag:s12] =	ssyncset.done $0x0  }
0x34: {  	[sflag:s12] =	ssyncadd.s32 $0xFFFFEC00  }
0x35: {  	[bflag:$0x0] =	sbarrier.arrive $0xFFFF  }
0x36: {  	s20 =	smov.u32 s10;
	s21 =	simm.s32 $0x0  }
.LBB2_6:
0x37: {  	[spmem:s3] =	stream.indirect.scatter.add.f32 [tilespmem:s11], [sflag:$0x2], $0x80, s17, s16, $0xb8;
	[tilespmem:$0x1E300] =	vst v63  }
0x38: {  	_ =	swait.ge [sflag:s18], $0xA000  }
0x39: {  	[sflag:s18] =	ssyncset.done $0x0  }
0x3a: {  	[sflag:s18] =	ssyncadd.s32 $0xFFFF6000  }
0x3b: {  	[bflag:$0x0] =	sbarrier.arrive $0xFFFF  }
0x3c: {  	s23 =	sld [smem:$0x7F6];
	_ =	sdelay $0x2  }
0x3d: {  	p2 =	seq.s32 s23, $0x1  }
.LBB2_7:
0x3e: {  	s23 =	sld [smem:$0x7FC];
	_ =	sdelay $0x2  }
0x3f: {  	p1 =	seq.s32 s23, $0x1  }
0x40: {  	p2 =	por !p2, !p1  }
0x41: {  	p4 =	por !p2, !p2  }
0x42: {  	[bflag:$0x0] =	sbarrier.arrive @!p4 $0xFFFF  }
0x43: {  	s25 =	sld [smem:$0x7F9];
	_ =	sdelay $0x2  }
0x44: {  	p0 =	seq.s32 s25, $0x1  }
0x45: {  	p2 =	por !p0, p4  }
0x46: {  	s23 =	simm.s32 @!p2 $0x140;
	s24 =	simm.s32 @!p2 $0x0;
	s25 =	simm.s32 @!p2 $0x300  }
0x47: {  	[spmem:s3] =	stream.indirect.scatter.add.f32 @!p2 [tilespmem:s25], [sflag:$0x2], $0x80, s24, s23, $0xb8;
	[tilespmem:$0x1E300] =	vst v63  }
0x48: {  	s23 =	simm.s32 @!p2 $0x2  }
0x49: {  	_ =	swait.ge @!p2 [sflag:s23], $0xA000  }
0x4a: {  	s24 =	simm.s32 @p4 $0x180;
	[sflag:s23] =	ssyncset.done @!p2 $0x0;
	s26 =	sld [smem:$0x7F7]  }
0x4b: {  	s25 =	simm.s32 @p4 $0x300;
	[sflag:s23] =	ssyncadd.s32 @!p2 $0xFFFF6000;
	s23 =	simm.s32 @p4 $0x140  }
0x4c: {  	[spmem:s3] =	stream.indirect.scatter.add.f32 @p4 [tilespmem:s25], [sflag:$0x2], $0x80, s24, s23, $0xb8;
	[tilespmem:$0x1E300] =	vst v63  }
0x4d: {  	p6 =	seq.s32 s26, $0x1  }
0x4e: {  	p3 =	por @!p2 $0x1, $0x1;
	p5 =	por p6, p6  }
0x4f: {  	p5 =	por @!p2 p3, p3;
	p2 =	por p6, p6  }
0x50: {  	p2 =	por @!p4 p5, p5  }
0x51: {  	s23 =	simm.s32 @p4 $0x2;
	p2 =	por !p2, !p1  }
0x52: {  	_ =	swait.ge @p4 [sflag:s23], $0xA000;
	p3 =	por !p2, !p2  }
0x53: {  	[sflag:s23] =	ssyncset.done @p4 $0x0;
	p2 =	slt.u32 @!p3 s22, $0x3E8;
	p5 =	seq.s32 @!p3 s2, $0x4  }
0x54: {  	[sflag:s23] =	ssyncadd.s32 @p4 $0xFFFF6000;
	p2 =	por @!p3 !p5, !p2  }
0x55: {  	[bflag:$0x0] =	sbarrier.arrive @p4 $0xFFFF;
	p5 =	sne.s32 @!p3 s5, $0x0;
	p2 =	por @!p3 !p2, !p2  }
0x56: {  	p4 =	por @!p3 !p2, p5  }
0x57: {  	[bflag:$0x0] =	sbarrier.arrive @!p3 $0xFFFF;
	p6 =	por p4, p3  }
0x58: {  	s23 =	simm.s32 @!p6 $0x140;
	s24 =	simm.s32 @!p6 $0x0;
	s25 =	simm.s32 @!p6 $0x300  }
0x59: {  	[spmem:s3] =	stream.indirect.scatter.add.f32 @!p6 [tilespmem:s25], [sflag:$0x2], $0x80, s24, s23, $0xb8;
	[tilespmem:$0x1E300] =	vst v63  }
0x5a: {  	p1 =	slt.u32 @p3 s22, $0x3E8;
	p0 =	seq.s32 @p3 s2, $0x4;
	s23 =	simm.s32 @!p6 $0x2  }
0x5b: {  	p4 =	por !p4, p3;
	s24 =	simm.s32 @p3 $0x180;
	_ =	swait.ge @!p6 [sflag:s23], $0xA000  }
0x5c: {  	s25 =	simm.s32 @p3 $0x300;
	[sflag:s23] =	ssyncset.done @!p6 $0x0;
	s28 =	sld [smem:$0x7FC]  }
0x5d: {  	[sflag:s23] =	ssyncadd.s32 @!p6 $0xFFFF6000;
	p6 =	por @!p6 $0x1, $0x1;
	s23 =	simm.s32 @p3 $0x140  }
0x5e: {  	[spmem:s3] =	stream.indirect.scatter.add.f32 @p3 [tilespmem:s25], [sflag:$0x2], $0x80, s24, s23, $0xb8;
	[tilespmem:$0x1E300] =	vst v63  }
0x5f: {  	p0 =	por @p3 !p0, !p1;
	p6 =	por @!p4 p2, p2;
	p4 =	por !p5, p3  }
0x60: {  	p0 =	por @p3 !p0, !p0;
	p6 =	por @!p4 p2, p2  }
0x61: {  	p5 =	seq.s32 s28, $0x1;
	p0 =	por @!p3 p6, p6  }
0x62: {  	p0 =	por !p0, !p5  }
0x63: {  	s23 =	simm.s32 @p3 $0x2;
	p4 =	por !p0, !p0  }
0x64: {  	_ =	swait.ge @p3 [sflag:s23], $0xA000;
	p0 =	slt.u32 @!p4 s22, $0x3E8;
	p1 =	seq.s32 @!p4 s2, $0x5  }
0x65: {  	[sflag:s23] =	ssyncset.done @p3 $0x0;
	p0 =	por @!p4 !p1, !p0  }
0x66: {  	[sflag:s23] =	ssyncadd.s32 @p3 $0xFFFF6000;
	p5 =	sne.s32 @!p4 s5, $0x0;
	p2 =	por @!p4 !p0, !p0  }
0x67: {  	[bflag:$0x0] =	sbarrier.arrive @p3 $0xFFFF;
	p0 =	por @!p4 !p2, p5  }
0x68: {  	[bflag:$0x0] =	sbarrier.arrive @!p4 $0xFFFF;
	p1 =	por p0, p4  }
0x69: {  	s23 =	simm.s32 @!p1 $0x140;
	s24 =	simm.s32 @!p1 $0x0;
	s25 =	simm.s32 @!p1 $0x300  }
0x6a: {  	[spmem:s3] =	stream.indirect.scatter.add.f32 @!p1 [tilespmem:s25], [sflag:$0x2], $0x80, s24, s23, $0xb8;
	[tilespmem:$0x1E300] =	vst v63  }
0x6b: {  	p3 =	slt.u32 @p4 s22, $0x3E8;
	p6 =	seq.s32 @p4 s2, $0x5;
	s23 =	simm.s32 @!p1 $0x2  }
0x6c: {  	p0 =	por !p0, p4;
	s24 =	simm.s32 @p4 $0x180;
	_ =	swait.ge @!p1 [sflag:s23], $0xA000  }
0x6d: {  	s25 =	simm.s32 @p4 $0x300;
	[sflag:s23] =	ssyncset.done @!p1 $0x0;
	s29 =	sld [smem:$0x7FC]  }
0x6e: {  	[sflag:s23] =	ssyncadd.s32 @!p1 $0xFFFF6000;
	p1 =	por @!p1 $0x1, $0x1;
	s23 =	simm.s32 @p4 $0x140  }
0x6f: {  	[spmem:s3] =	stream.indirect.scatter.add.f32 @p4 [tilespmem:s25], [sflag:$0x2], $0x80, s24, s23, $0xb8;
	[tilespmem:$0x1E300] =	vst v63  }
0x70: {  	p3 =	por @p4 !p6, !p3;
	p1 =	por @!p0 p2, p2;
	p0 =	por !p5, p4  }
0x71: {  	p1 =	por @!p0 p2, p2;
	p0 =	por @p4 !p3, !p3  }
0x72: {  	p6 =	seq.s32 s29, $0x1;
	p0 =	por @!p4 p1, p1  }
0x73: {  	p0 =	por !p0, !p6  }
0x74: {  	s23 =	simm.s32 @p4 $0x2;
	p3 =	por !p0, !p0  }
0x75: {  	_ =	swait.ge @p4 [sflag:s23], $0xA000;
	p0 =	slt.u32 @!p3 s22, $0x3E8;
	p1 =	seq.s32 @!p3 s2, $0x6  }
0x76: {  	[sflag:s23] =	ssyncset.done @p4 $0x0;
	p0 =	por @!p3 !p1, !p0  }
0x77: {  	[sflag:s23] =	ssyncadd.s32 @p4 $0xFFFF6000;
	p5 =	sne.s32 @!p3 s5, $0x0;
	p2 =	por @!p3 !p0, !p0  }
0x78: {  	[bflag:$0x0] =	sbarrier.arrive @p4 $0xFFFF;
	p0 =	por @!p3 !p2, p5  }
0x79: {  	[bflag:$0x0] =	sbarrier.arrive @!p3 $0xFFFF;
	p1 =	por p0, p3  }
0x7a: {  	s23 =	simm.s32 @!p1 $0x140;
	s24 =	simm.s32 @!p1 $0x0;
	s25 =	simm.s32 @!p1 $0x300  }
0x7b: {  	[spmem:s3] =	stream.indirect.scatter.add.f32 @!p1 [tilespmem:s25], [sflag:$0x2], $0x80, s24, s23, $0xb8;
	[tilespmem:$0x1E300] =	vst v63  }
0x7c: {  	p4 =	slt.u32 @p3 s22, $0x3E8;
	p6 =	seq.s32 @p3 s2, $0x6;
	s23 =	simm.s32 @!p1 $0x2  }
0x7d: {  	p0 =	por !p0, p3;
	s24 =	simm.s32 @p3 $0x180;
	_ =	swait.ge @!p1 [sflag:s23], $0xA000  }
0x7e: {  	s25 =	simm.s32 @p3 $0x300;
	[sflag:s23] =	ssyncset.done @!p1 $0x0;
	s30 =	sld [smem:$0x7FC]  }
0x7f: {  	[sflag:s23] =	ssyncadd.s32 @!p1 $0xFFFF6000;
	p1 =	por @!p1 $0x1, $0x1;
	s23 =	simm.s32 @p3 $0x140  }
0x80: {  	[spmem:s3] =	stream.indirect.scatter.add.f32 @p3 [tilespmem:s25], [sflag:$0x2], $0x80, s24, s23, $0xb8;
	[tilespmem:$0x1E300] =	vst v63  }
0x81: {  	p4 =	por @p3 !p6, !p4;
	p1 =	por @!p0 p2, p2;
	p0 =	por !p5, p3  }
0x82: {  	p1 =	por @!p0 p2, p2;
	p0 =	por @p3 !p4, !p4  }
0x83: {  	p2 =	seq.s32 s30, $0x1;
	p0 =	por @!p3 p1, p1  }
0x84: {  	p0 =	por !p0, !p2  }
0x85: {  	s23 =	simm.s32 @p3 $0x2;
	p4 =	por !p0, !p0  }
0x86: {  	_ =	swait.ge @p3 [sflag:s23], $0xA000;
	p0 =	slt.u32 @!p4 s22, $0x3E8;
	p1 =	seq.s32 @!p4 s2, $0x7  }
0x87: {  	[sflag:s23] =	ssyncset.done @p3 $0x0;
	p0 =	por @!p4 !p1, !p0  }
0x88: {  	[sflag:s23] =	ssyncadd.s32 @p3 $0xFFFF6000;
	p5 =	sne.s32 @!p4 s5, $0x0;
	p2 =	por @!p4 !p0, !p0  }
0x89: {  	[bflag:$0x0] =	sbarrier.arrive @p3 $0xFFFF;
	p0 =	por @!p4 !p2, p5  }
0x8a: {  	[bflag:$0x0] =	sbarrier.arrive @!p4 $0xFFFF;
	p1 =	por p0, p4  }
0x8b: {  	s23 =	simm.s32 @!p1 $0x140;
	s24 =	simm.s32 @!p1 $0x0;
	s25 =	simm.s32 @!p1 $0x300  }
0x8c: {  	[spmem:s3] =	stream.indirect.scatter.add.f32 @!p1 [tilespmem:s25], [sflag:$0x2], $0x80, s24, s23, $0xb8;
	[tilespmem:$0x1E300] =	vst v63  }
0x8d: {  	p3 =	slt.u32 @p4 s22, $0x3E8;
	p6 =	seq.s32 @p4 s2, $0x7;
	s23 =	simm.s32 @!p1 $0x2  }
0x8e: {  	p0 =	por !p0, p4;
	s24 =	simm.s32 @p4 $0x180;
	_ =	swait.ge @!p1 [sflag:s23], $0xA000  }
0x8f: {  	s25 =	simm.s32 @p4 $0x300;
	[sflag:s23] =	ssyncset.done @!p1 $0x0;
	s31 =	sld [smem:$0x7FC]  }
0x90: {  	[sflag:s23] =	ssyncadd.s32 @!p1 $0xFFFF6000;
	p1 =	por @!p1 $0x1, $0x1;
	s23 =	simm.s32 @p4 $0x140  }
0x91: {  	[spmem:s3] =	stream.indirect.scatter.add.f32 @p4 [tilespmem:s25], [sflag:$0x2], $0x80, s24, s23, $0xb8;
	[tilespmem:$0x1E300] =	vst v63  }
0x92: {  	p3 =	por @p4 !p6, !p3;
	p1 =	por @!p0 p2, p2;
	p0 =	por !p5, p4  }
0x93: {  	p1 =	por @!p0 p2, p2;
	p0 =	por @p4 !p3, !p3  }
0x94: {  	p3 =	seq.s32 s31, $0x1;
	p0 =	por @!p4 p1, p1  }
0x95: {  	p0 =	por !p0, !p3  }
0x96: {  	s23 =	simm.s32 @p4 $0x2;
	p3 =	por !p0, !p0  }
0x97: {  	_ =	swait.ge @p4 [sflag:s23], $0xA000;
	p0 =	slt.u32 @!p3 s22, $0x3E8;
	p1 =	seq.s32 @!p3 s2, $0x8  }
0x98: {  	[sflag:s23] =	ssyncset.done @p4 $0x0;
	p0 =	por @!p3 !p1, !p0  }
0x99: {  	[sflag:s23] =	ssyncadd.s32 @p4 $0xFFFF6000;
	p5 =	sne.s32 @!p3 s5, $0x0;
	p2 =	por @!p3 !p0, !p0  }
0x9a: {  	[bflag:$0x0] =	sbarrier.arrive @p4 $0xFFFF;
	p0 =	por @!p3 !p2, p5  }
0x9b: {  	[bflag:$0x0] =	sbarrier.arrive @!p3 $0xFFFF;
	p1 =	por p0, p3  }
0x9c: {  	s23 =	simm.s32 @!p1 $0x140;
	s24 =	simm.s32 @!p1 $0x0;
	s25 =	simm.s32 @!p1 $0x300  }
0x9d: {  	[spmem:s3] =	stream.indirect.scatter.add.f32 @!p1 [tilespmem:s25], [sflag:$0x2], $0x80, s24, s23, $0xb8;
	[tilespmem:$0x1E300] =	vst v63  }
0x9e: {  	s23 =	simm.s32 @!p1 $0x2  }
0x9f: {  	p4 =	slt.u32 @p3 s22, $0x3E8;
	_ =	swait.ge @!p1 [sflag:s23], $0xA000  }
0xa0: {  	p6 =	seq.s32 @p3 s2, $0x8;
	s24 =	simm.s32 @p3 $0x180;
	[sflag:s23] =	ssyncset.done @!p1 $0x0  }
0xa1: {  	s25 =	simm.s32 @p3 $0x300;
	[sflag:s23] =	ssyncadd.s32 @!p1 $0xFFFF6000;
	s23 =	simm.s32 @p3 $0x140  }
0xa2: {  	[spmem:s3] =	stream.indirect.scatter.add.f32 @p3 [tilespmem:s25], [sflag:$0x2], $0x80, s24, s23, $0xb8;
	[tilespmem:$0x1E300] =	vst v63  }
0xa3: {  	p0 =	por !p0, p3;
	p1 =	por @!p1 $0x1, $0x1;
	s24 =	sld [smem:$0x7FC]  }
0xa4: {  	p4 =	por @p3 !p6, !p4;
	p1 =	por @!p0 p2, p2;
	p0 =	por !p5, p3  }
0xa5: {  	p1 =	por @!p0 p2, p2;
	p0 =	por @p3 !p4, !p4  }
0xa6: {  	p0 =	por @!p3 p1, p1;
	p5 =	seq.s32 s24, $0x1  }
0xa7: {  	p0 =	por !p0, !p5  }
0xa8: {  	s23 =	simm.s32 @p3 $0x2;
	p4 =	por !p0, !p0  }
0xa9: {  	_ =	swait.ge @p3 [sflag:s23], $0xA000;
	p0 =	slt.u32 @!p4 s22, $0x3E8;
	p1 =	seq.s32 @!p4 s2, $0x9  }
0xaa: {  	[sflag:s23] =	ssyncset.done @p3 $0x0;
	p0 =	por @!p4 !p1, !p0  }
0xab: {  	[sflag:s23] =	ssyncadd.s32 @p3 $0xFFFF6000;
	p5 =	sne.s32 @!p4 s5, $0x0;
	p2 =	por @!p4 !p0, !p0  }
0xac: {  	[bflag:$0x0] =	sbarrier.arrive @p3 $0xFFFF;
	p0 =	por @!p4 !p2, p5  }
0xad: {  	[bflag:$0x0] =	sbarrier.arrive @!p4 $0xFFFF;
	p1 =	por p0, p4  }
0xae: {  	s23 =	simm.s32 @!p1 $0x140;
	s24 =	simm.s32 @!p1 $0x0;
	s25 =	simm.s32 @!p1 $0x300  }
0xaf: {  	[spmem:s3] =	stream.indirect.scatter.add.f32 @!p1 [tilespmem:s25], [sflag:$0x2], $0x80, s24, s23, $0xb8;
	[tilespmem:$0x1E300] =	vst v63  }
0xb0: {  	s23 =	simm.s32 @!p1 $0x2  }
0xb1: {  	p3 =	slt.u32 @p4 s22, $0x3E8;
	_ =	swait.ge @!p1 [sflag:s23], $0xA000  }
0xb2: {  	p6 =	seq.s32 @p4 s2, $0x9;
	s24 =	simm.s32 @p4 $0x180;
	[sflag:s23] =	ssyncset.done @!p1 $0x0  }
0xb3: {  	s25 =	simm.s32 @p4 $0x300;
	[sflag:s23] =	ssyncadd.s32 @!p1 $0xFFFF6000;
	s23 =	simm.s32 @p4 $0x140  }
0xb4: {  	[spmem:s3] =	stream.indirect.scatter.add.f32 @p4 [tilespmem:s25], [sflag:$0x2], $0x80, s24, s23, $0xb8;
	[tilespmem:$0x1E300] =	vst v63  }
0xb5: {  	p0 =	por !p0, p4;
	p1 =	por @!p1 $0x1, $0x1;
	s25 =	sld [smem:$0x7FC]  }
0xb6: {  	p3 =	por @p4 !p6, !p3;
	p1 =	por @!p0 p2, p2;
	p0 =	por !p5, p4  }
0xb7: {  	p1 =	por @!p0 p2, p2;
	p0 =	por @p4 !p3, !p3  }
0xb8: {  	p0 =	por @!p4 p1, p1;
	p6 =	seq.s32 s25, $0x1  }
0xb9: {  	p0 =	por !p0, !p6  }
0xba: {  	s23 =	simm.s32 @p4 $0x2;
	p3 =	por !p0, !p0  }
0xbb: {  	_ =	swait.ge @p4 [sflag:s23], $0xA000;
	p0 =	slt.u32 @!p3 s22, $0x3E8;
	p1 =	seq.s32 @!p3 s2, $0xA  }
0xbc: {  	[sflag:s23] =	ssyncset.done @p4 $0x0;
	p0 =	por @!p3 !p1, !p0  }
0xbd: {  	[sflag:s23] =	ssyncadd.s32 @p4 $0xFFFF6000;
	p5 =	sne.s32 @!p3 s5, $0x0;
	p2 =	por @!p3 !p0, !p0  }
0xbe: {  	[bflag:$0x0] =	sbarrier.arrive @p4 $0xFFFF;
	p0 =	por @!p3 !p2, p5  }
0xbf: {  	[bflag:$0x0] =	sbarrier.arrive @!p3 $0xFFFF;
	p1 =	por p0, p3  }
0xc0: {  	s23 =	simm.s32 @!p1 $0x140;
	s24 =	simm.s32 @!p1 $0x0;
	s25 =	simm.s32 @!p1 $0x300  }
0xc1: {  	[spmem:s3] =	stream.indirect.scatter.add.f32 @!p1 [tilespmem:s25], [sflag:$0x2], $0x80, s24, s23, $0xb8;
	[tilespmem:$0x1E300] =	vst v63  }
0xc2: {  	p4 =	slt.u32 @p3 s22, $0x3E8;
	p6 =	seq.s32 @p3 s2, $0xA;
	s23 =	simm.s32 @!p1 $0x2  }
0xc3: {  	p0 =	por !p0, p3;
	s24 =	simm.s32 @p3 $0x180;
	_ =	swait.ge @!p1 [sflag:s23], $0xA000  }
0xc4: {  	s25 =	simm.s32 @p3 $0x300;
	[sflag:s23] =	ssyncset.done @!p1 $0x0;
	s26 =	sld [smem:$0x7FC]  }
0xc5: {  	[sflag:s23] =	ssyncadd.s32 @!p1 $0xFFFF6000;
	p1 =	por @!p1 $0x1, $0x1;
	s23 =	simm.s32 @p3 $0x140  }
0xc6: {  	[spmem:s3] =	stream.indirect.scatter.add.f32 @p3 [tilespmem:s25], [sflag:$0x2], $0x80, s24, s23, $0xb8;
	[tilespmem:$0x1E300] =	vst v63  }
0xc7: {  	p4 =	por @p3 !p6, !p4;
	p1 =	por @!p0 p2, p2;
	p0 =	por !p5, p3  }
0xc8: {  	p1 =	por @!p0 p2, p2;
	p0 =	por @p3 !p4, !p4  }
0xc9: {  	p2 =	seq.s32 s26, $0x1;
	p0 =	por @!p3 p1, p1  }
0xca: {  	p0 =	por !p0, !p2  }
0xcb: {  	s23 =	simm.s32 @p3 $0x2;
	p4 =	por !p0, !p0  }
0xcc: {  	_ =	swait.ge @p3 [sflag:s23], $0xA000;
	p0 =	slt.u32 @!p4 s22, $0x3E8;
	p1 =	seq.s32 @!p4 s2, $0xB  }
0xcd: {  	[sflag:s23] =	ssyncset.done @p3 $0x0;
	p0 =	por @!p4 !p1, !p0  }
0xce: {  	[sflag:s23] =	ssyncadd.s32 @p3 $0xFFFF6000;
	p5 =	sne.s32 @!p4 s5, $0x0;
	p2 =	por @!p4 !p0, !p0  }
0xcf: {  	[bflag:$0x0] =	sbarrier.arrive @p3 $0xFFFF;
	p0 =	por @!p4 !p2, p5  }
0xd0: {  	[bflag:$0x0] =	sbarrier.arrive @!p4 $0xFFFF;
	p1 =	por p0, p4  }
0xd1: {  	s23 =	simm.s32 @!p1 $0x140;
	s24 =	simm.s32 @!p1 $0x0;
	s25 =	simm.s32 @!p1 $0x300  }
0xd2: {  	[spmem:s3] =	stream.indirect.scatter.add.f32 @!p1 [tilespmem:s25], [sflag:$0x2], $0x80, s24, s23, $0xb8;
	[tilespmem:$0x1E300] =	vst v63  }
0xd3: {  	p3 =	slt.u32 @p4 s22, $0x3E8;
	p6 =	seq.s32 @p4 s2, $0xB;
	s23 =	simm.s32 @!p1 $0x2  }
0xd4: {  	p0 =	por !p0, p4;
	s24 =	simm.s32 @p4 $0x180;
	_ =	swait.ge @!p1 [sflag:s23], $0xA000  }
0xd5: {  	s25 =	simm.s32 @p4 $0x300;
	[sflag:s23] =	ssyncset.done @!p1 $0x0;
	s28 =	sld [smem:$0x7FC]  }
0xd6: {  	[sflag:s23] =	ssyncadd.s32 @!p1 $0xFFFF6000;
	p1 =	por @!p1 $0x1, $0x1;
	s23 =	simm.s32 @p4 $0x140  }
0xd7: {  	[spmem:s3] =	stream.indirect.scatter.add.f32 @p4 [tilespmem:s25], [sflag:$0x2], $0x80, s24, s23, $0xb8;
	[tilespmem:$0x1E300] =	vst v63  }
0xd8: {  	p3 =	por @p4 !p6, !p3;
	p1 =	por @!p0 p2, p2;
	p0 =	por !p5, p4  }
0xd9: {  	p1 =	por @!p0 p2, p2;
	p0 =	por @p4 !p3, !p3  }
0xda: {  	p3 =	seq.s32 s28, $0x1;
	p0 =	por @!p4 p1, p1  }
0xdb: {  	p0 =	por !p0, !p3  }
0xdc: {  	s23 =	simm.s32 @p4 $0x2;
	p3 =	por !p0, !p0  }
0xdd: {  	_ =	swait.ge @p4 [sflag:s23], $0xA000;
	p0 =	slt.u32 @!p3 s22, $0x3E8;
	p1 =	seq.s32 @!p3 s2, $0xC  }
0xde: {  	[sflag:s23] =	ssyncset.done @p4 $0x0;
	p0 =	por @!p3 !p1, !p0  }
0xdf: {  	[sflag:s23] =	ssyncadd.s32 @p4 $0xFFFF6000;
	p5 =	sne.s32 @!p3 s5, $0x0;
	p2 =	por @!p3 !p0, !p0  }
0xe0: {  	[bflag:$0x0] =	sbarrier.arrive @p4 $0xFFFF;
	p0 =	por @!p3 !p2, p5  }
0xe1: {  	[bflag:$0x0] =	sbarrier.arrive @!p3 $0xFFFF;
	p1 =	por p0, p3  }
0xe2: {  	s23 =	simm.s32 @!p1 $0x140;
	s24 =	simm.s32 @!p1 $0x0;
	s25 =	simm.s32 @!p1 $0x300  }
0xe3: {  	[spmem:s3] =	stream.indirect.scatter.add.f32 @!p1 [tilespmem:s25], [sflag:$0x2], $0x80, s24, s23, $0xb8;
	[tilespmem:$0x1E300] =	vst v63  }
0xe4: {  	p4 =	slt.u32 @p3 s22, $0x3E8;
	p6 =	seq.s32 @p3 s2, $0xC;
	s23 =	simm.s32 @!p1 $0x2  }
0xe5: {  	p0 =	por !p0, p3;
	s24 =	simm.s32 @p3 $0x180;
	_ =	swait.ge @!p1 [sflag:s23], $0xA000  }
0xe6: {  	s25 =	simm.s32 @p3 $0x300;
	[sflag:s23] =	ssyncset.done @!p1 $0x0;
	s29 =	sld [smem:$0x7FC]  }
0xe7: {  	[sflag:s23] =	ssyncadd.s32 @!p1 $0xFFFF6000;
	p1 =	por @!p1 $0x1, $0x1;
	s23 =	simm.s32 @p3 $0x140  }
0xe8: {  	[spmem:s3] =	stream.indirect.scatter.add.f32 @p3 [tilespmem:s25], [sflag:$0x2], $0x80, s24, s23, $0xb8;
	[tilespmem:$0x1E300] =	vst v63  }
0xe9: {  	p4 =	por @p3 !p6, !p4;
	p1 =	por @!p0 p2, p2;
	p0 =	por !p5, p3  }
0xea: {  	p1 =	por @!p0 p2, p2;
	p0 =	por @p3 !p4, !p4  }
0xeb: {  	p5 =	seq.s32 s29, $0x1;
	p0 =	por @!p3 p1, p1  }
0xec: {  	p0 =	por !p0, !p5  }
0xed: {  	s23 =	simm.s32 @p3 $0x2;
	p4 =	por !p0, !p0  }
0xee: {  	_ =	swait.ge @p3 [sflag:s23], $0xA000;
	p0 =	slt.u32 @!p4 s22, $0x3E8;
	p1 =	seq.s32 @!p4 s2, $0xD  }
0xef: {  	[sflag:s23] =	ssyncset.done @p3 $0x0;
	p0 =	por @!p4 !p1, !p0  }
0xf0: {  	[sflag:s23] =	ssyncadd.s32 @p3 $0xFFFF6000;
	p5 =	sne.s32 @!p4 s5, $0x0;
	p2 =	por @!p4 !p0, !p0  }
0xf1: {  	[bflag:$0x0] =	sbarrier.arrive @p3 $0xFFFF;
	p0 =	por @!p4 !p2, p5  }
0xf2: {  	[bflag:$0x0] =	sbarrier.arrive @!p4 $0xFFFF;
	p1 =	por p0, p4  }
0xf3: {  	s23 =	simm.s32 @!p1 $0x140;
	s24 =	simm.s32 @!p1 $0x0;
	s25 =	simm.s32 @!p1 $0x300  }
0xf4: {  	[spmem:s3] =	stream.indirect.scatter.add.f32 @!p1 [tilespmem:s25], [sflag:$0x2], $0x80, s24, s23, $0xb8;
	[tilespmem:$0x1E300] =	vst v63  }
0xf5: {  	p3 =	slt.u32 @p4 s22, $0x3E8;
	p6 =	seq.s32 @p4 s2, $0xD;
	s23 =	simm.s32 @!p1 $0x2  }
0xf6: {  	p0 =	por !p0, p4;
	s24 =	simm.s32 @p4 $0x180;
	_ =	swait.ge @!p1 [sflag:s23], $0xA000  }
0xf7: {  	s25 =	simm.s32 @p4 $0x300;
	[sflag:s23] =	ssyncset.done @!p1 $0x0;
	s30 =	sld [smem:$0x7FC]  }
0xf8: {  	[sflag:s23] =	ssyncadd.s32 @!p1 $0xFFFF6000;
	p1 =	por @!p1 $0x1, $0x1;
	s23 =	simm.s32 @p4 $0x140  }
0xf9: {  	[spmem:s3] =	stream.indirect.scatter.add.f32 @p4 [tilespmem:s25], [sflag:$0x2], $0x80, s24, s23, $0xb8;
	[tilespmem:$0x1E300] =	vst v63  }
0xfa: {  	p3 =	por @p4 !p6, !p3;
	p1 =	por @!p0 p2, p2;
	p0 =	por !p5, p4  }
0xfb: {  	p1 =	por @!p0 p2, p2;
	p0 =	por @p4 !p3, !p3  }
0xfc: {  	p6 =	seq.s32 s30, $0x1;
	p0 =	por @!p4 p1, p1  }
0xfd: {  	p0 =	por !p0, !p6  }
0xfe: {  	s23 =	simm.s32 @p4 $0x2;
	p3 =	por !p0, !p0  }
0xff: {  	_ =	swait.ge @p4 [sflag:s23], $0xA000;
	p0 =	slt.u32 @!p3 s22, $0x3E8;
	p1 =	seq.s32 @!p3 s2, $0xE  }
0x100: {  	[sflag:s23] =	ssyncset.done @p4 $0x0;
	p0 =	por @!p3 !p1, !p0  }
0x101: {  	[sflag:s23] =	ssyncadd.s32 @p4 $0xFFFF6000;
	p5 =	sne.s32 @!p3 s5, $0x0;
	p2 =	por @!p3 !p0, !p0  }
0x102: {  	[bflag:$0x0] =	sbarrier.arrive @p4 $0xFFFF;
	p0 =	por @!p3 !p2, p5  }
0x103: {  	[bflag:$0x0] =	sbarrier.arrive @!p3 $0xFFFF;
	p1 =	por p0, p3  }
0x104: {  	s23 =	simm.s32 @!p1 $0x140;
	s24 =	simm.s32 @!p1 $0x0;
	s25 =	simm.s32 @!p1 $0x300  }
0x105: {  	[spmem:s3] =	stream.indirect.scatter.add.f32 @!p1 [tilespmem:s25], [sflag:$0x2], $0x80, s24, s23, $0xb8;
	[tilespmem:$0x1E300] =	vst v63  }
0x106: {  	p4 =	slt.u32 @p3 s22, $0x3E8;
	p6 =	seq.s32 @p3 s2, $0xE;
	s23 =	simm.s32 @!p1 $0x2  }
0x107: {  	p0 =	por !p0, p3;
	s24 =	simm.s32 @p3 $0x180;
	_ =	swait.ge @!p1 [sflag:s23], $0xA000  }
0x108: {  	s25 =	simm.s32 @p3 $0x300;
	[sflag:s23] =	ssyncset.done @!p1 $0x0;
	s31 =	sld [smem:$0x7FC]  }
0x109: {  	[sflag:s23] =	ssyncadd.s32 @!p1 $0xFFFF6000;
	p1 =	por @!p1 $0x1, $0x1;
	s23 =	simm.s32 @p3 $0x140  }
0x10a: {  	[spmem:s3] =	stream.indirect.scatter.add.f32 @p3 [tilespmem:s25], [sflag:$0x2], $0x80, s24, s23, $0xb8;
	[tilespmem:$0x1E300] =	vst v63  }
0x10b: {  	p4 =	por @p3 !p6, !p4;
	p1 =	por @!p0 p2, p2;
	p0 =	por !p5, p3  }
0x10c: {  	p1 =	por @!p0 p2, p2;
	p0 =	por @p3 !p4, !p4  }
0x10d: {  	p6 =	seq.s32 s31, $0x1;
	p0 =	por @!p3 p1, p1  }
0x10e: {  	p0 =	por !p0, !p6  }
0x10f: {  	s23 =	simm.s32 @p3 $0x2;
	p4 =	por !p0, !p0  }
0x110: {  	_ =	swait.ge @p3 [sflag:s23], $0xA000;
	p0 =	slt.u32 @!p4 s22, $0x3E8;
	p1 =	seq.s32 @!p4 s2, $0xF  }
0x111: {  	[sflag:s23] =	ssyncset.done @p3 $0x0;
	p0 =	por @!p4 !p1, !p0  }
0x112: {  	[sflag:s23] =	ssyncadd.s32 @p3 $0xFFFF6000;
	p5 =	sne.s32 @!p4 s5, $0x0;
	p2 =	por @!p4 !p0, !p0  }
0x113: {  	[bflag:$0x0] =	sbarrier.arrive @p3 $0xFFFF;
	p0 =	por @!p4 !p2, p5  }
0x114: {  	[bflag:$0x0] =	sbarrier.arrive @!p4 $0xFFFF;
	p1 =	por p0, p4  }
0x115: {  	s23 =	simm.s32 @!p1 $0x140;
	s24 =	simm.s32 @!p1 $0x0;
	s25 =	simm.s32 @!p1 $0x300  }
0x116: {  	[spmem:s3] =	stream.indirect.scatter.add.f32 @!p1 [tilespmem:s25], [sflag:$0x2], $0x80, s24, s23, $0xb8;
	[tilespmem:$0x1E300] =	vst v63  }
0x117: {  	p0 =	por !p0, p4;
	p3 =	por @!p1 $0x1, $0x1;
	s23 =	simm.s32 @!p1 $0x2  }
0x118: {  	p3 =	por @!p0 p2, p2;
	p0 =	slt.u32 @p4 s22, $0x3E8;
	_ =	swait.ge @!p1 [sflag:s23], $0xA000  }
0x119: {  	s22 =	simm.s32 @p4 $0x140;
	s24 =	simm.s32 @p4 $0x300;
	[sflag:s23] =	ssyncset.done @!p1 $0x0  }
0x11a: {  	[sflag:s23] =	ssyncadd.s32 @!p1 $0xFFFF6000;
	p1 =	seq.s32 @p4 s2, $0xF;
	s23 =	simm.s32 @p4 $0x180  }
0x11b: {  	[spmem:s3] =	stream.indirect.scatter.add.f32 @p4 [tilespmem:s24], [sflag:$0x2], $0x80, s23, s22, $0xb8;
	[tilespmem:$0x1E300] =	vst v63  }
0x11c: {  	p0 =	por @p4 !p1, !p0;
	p1 =	por !p5, p4;
	s22 =	simm.s32 @p4 $0x2  }
0x11d: {  	p3 =	por @!p1 p2, p2;
	_ =	swait.ge @p4 [sflag:s22], $0xA000;
	p0 =	por @p4 !p0, !p0  }
0x11e: {  	p0 =	por @!p4 p3, p3;
	[sflag:s22] =	ssyncset.done @p4 $0x0  }
0x11f: {  	s21 =	sadd.s32 $0x20, s21;
	[sflag:s22] =	ssyncadd.s32 @p4 $0xFFFF6000;
	p0 =	por !p0, !p6  }
0x120: {  	p1 =	sne.s32 s21, $0x400;
	[bflag:$0x0] =	sbarrier.arrive @p4 $0xFFFF;
	p0 =	por !p0, !p0  }
0x121: {  	s22 =	simm.s32 @p0 $0x140;
	s23 =	simm.s32 @p0 $0x180;
	s24 =	simm.s32 @p0 $0x300  }
0x122: {  	[spmem:s3] =	stream.indirect.scatter.add.f32 @p0 [tilespmem:s24], [sflag:$0x1], $0x80, s23, s22, $0xb8;
	[tilespmem:$0x1E300] =	vst v63  }
.Ltmp3:
0x123: {  	_ = 	snop;
	(pc) =	sbr.rel @!p1 .LBB2_8-.Ltmp3, $4  }
0x124: {  	s22 =	simm.s32 @p0 $0x1  }
0x125: {  	_ =	swait.ge @p0 [sflag:s22], $0xA000  }
0x126: {  	[sflag:s22] =	ssyncset.done @p0 $0x0  }
0x127: {  	s20 =	sadd.s32 $0x500, s20;
	[sflag:s22] =	ssyncadd.s32 @p0 $0xFFFF6000  }
.LBB2_2:
0x128: {  	s23 =	sld [smem:$0x7FB];
	_ =	sdelay $0x2  }
0x129: {  	s22 =	sadd.s32 s21, s7;
	p0 =	seq.s32 s23, $0x1  }
0x12a: {  	p2 =	sgt.u32 @!p0 s22, $0x3E7  }
0x12b: {  	p2 =	por p2, p0  }
0x12c: {  	s23 =	sadd.s32 @!p2 $0xFFFFFFD8, s20;
	s24 =	simm.s32 @!p2 $0x0  }
0x12d: {  	[tilespmem:s24], [sflag:$0x2] =	stream.linear.gather @!p2 [hbm4b:s23+s24], $0x140, $0x38;
	[tilespmem:$0x1E300] =	vst v63  }
0x12e: {  	s23 =	simm.s32 @!p2 $0x2  }
0x12f: {  	_ =	swait.ge @!p2 [sflag:s23], $0x140  }
0x130: {  	s29 =	sld [smem:$0x7FD];
	_ =	sdelay $0x2  }
0x131: {  	p3 =	sgt.u32 s22, $0x3E7;
	p6 =	seq.s32 s29, $0x1  }
0x132: {  	[sflag:s23] =	ssyncset.done @!p2 $0x0;
	p3 =	por p3, p6  }
0x133: {  	[sflag:s23] =	ssyncadd.s32 @!p2 $0xFFFFFEC0;
	s23 =	simm.s32 @!p3 $0x0;
	s24 =	simm.s32 @!p3 $0x180  }
0x134: {  	[tilespmem:s24], [sflag:$0x2] =	stream.linear.gather @!p3 [hbm4b:s20+s23], $0x140, $0x38;
	[tilespmem:$0x1E300] =	vst v63  }
0x135: {  	s23 =	simm.s32 @!p3 $0x2  }
0x136: {  	_ =	swait.ge @!p3 [sflag:s23], $0x140  }
0x137: {  	[sflag:s23] =	ssyncset.done @!p3 $0x0  }
0x138: {  	[sflag:s23] =	ssyncadd.s32 @!p3 $0xFFFFFEC0  }
0x139: {  	[bflag:$0x0] =	sbarrier.arrive $0xFFFF  }
0x13a: {  	s30 =	sld [smem:$0x7FA];
	_ =	sdelay $0x2  }
0x13b: {  	p0 =	seq.s32 s30, $0x1  }
0x13c: {  	s23 =	simm.s32 @!p0 $0x140;
	s24 =	simm.s32 @!p0 $0x0;
	s25 =	simm.s32 @!p0 $0x300  }
0x13d: {  	[spmem:s3] =	stream.indirect.scatter.add.f32 @!p0 [tilespmem:s25], [sflag:$0x2], $0x80, s24, s23, $0xb8;
	[tilespmem:$0x1E300] =	vst v63  }
0x13e: {  	s23 =	simm.s32 @!p0 $0x2  }
0x13f: {  	_ =	swait.ge @!p0 [sflag:s23], $0xA000  }
0x140: {  	s31 =	sld [smem:$0x7F3];
	_ =	sdelay $0x1  }
0x141: {  	[sflag:s23] =	ssyncset.done @!p0 $0x0  }
0x142: {  	[sflag:s23] =	ssyncadd.s32 @!p0 $0xFFFF6000;
	p0 =	seq.s32 s31, $0x1  }
.Ltmp4:
0x143: {  	_ = 	snop;
	(pc) =	sbr.rel @!p0 .LBB2_5-.Ltmp4, $1  }
0x144: {  	_ =	sdelay $0x3  }
0x145: {  	[spmem:s3] =	stream.indirect.scatter.add.f32 [tilespmem:s11], [sflag:$0x2], $0x80, s17, s16, $0xb8;
	[tilespmem:$0x1E300] =	vst v63  }
.Ltmp5:
0x146: {  	_ =	swait.ge [sflag:s18], $0xA000;
	(pc) =	sbr.rel .LBB2_4-.Ltmp5, $3  }
0x147: {  	[sflag:s18] =	ssyncset.done $0x0  }
0x148: {  	[sflag:s18] =	ssyncadd.s32 $0xFFFF6000  }
0x149: {  	[bflag:$0x0] =	sbarrier.arrive $0xFFFF;
	_ =	sdelay $0x1  }
.LBB2_5:
0x14a: {  	[bflag:$0x0] =	sbarrier.arrive $0xFFFF  }
0x14b: {  	s23 =	sld [smem:$0x7F5];
	_ =	sdelay $0x2  }
0x14c: {  	p1 =	seq.s32 s23, $0x1  }
0x14d: {  	s23 =	simm.s32 @p1 $0x140;
	s24 =	simm.s32 @p1 $0x0;
	s25 =	simm.s32 @p1 $0x300  }
0x14e: {  	[spmem:s3] =	stream.indirect.scatter.add.f32 @p1 [tilespmem:s25], [sflag:$0x2], $0x80, s24, s23, $0xb8;
	[tilespmem:$0x1E300] =	vst v63  }
0x14f: {  	s23 =	simm.s32 @p1 $0x2  }
0x150: {  	s30 =	sld [smem:$0x7F4];
	_ =	swait.ge @p1 [sflag:s23], $0xA000  }
0x151: {  	s31 =	sld [smem:$0x7FC];
	_ =	sdelay $0x1  }
0x152: {  	p0 =	seq.s32 s30, $0x1;
	p2 =	por @p1 $0x1, $0x1  }
0x153: {  	p2 =	por @!p1 p0, p0;
	p6 =	seq.s32 s31, $0x1  }
0x154: {  	p2 =	por !p2, !p6  }
0x155: {  	p2 =	por !p2, !p2  }
.Ltmp6:
0x156: {  	_ = 	snop;
	(pc) =	sbr.rel @p2 .LBB2_6-.Ltmp6, $3  }
0x157: {  	_ =	sdelay $0x1  }
0x158: {  	[sflag:s23] =	ssyncset.done @p1 $0x0  }
0x159: {  	[sflag:s23] =	ssyncadd.s32 @p1 $0xFFFF6000  }
.LBB2_4:
0x15a: {  	[bflag:$0x0] =	sbarrier.arrive $0xFFFF  }
0x15b: {  	s23 =	sld [smem:$0x7F8];
	_ =	sdelay $0x2  }
0x15c: {  	p1 =	seq.s32 s23, $0x1  }
0x15d: {  	s23 =	simm.s32 @p1 $0x140;
	s24 =	simm.s32 @p1 $0x0;
	s25 =	simm.s32 @p1 $0x300  }
0x15e: {  	[spmem:s3] =	stream.indirect.scatter.add.f32 @p1 [tilespmem:s25], [sflag:$0x2], $0x80, s24, s23, $0xb8;
	[tilespmem:$0x1E300] =	vst v63  }
0x15f: {  	s23 =	simm.s32 @p1 $0x2  }
0x160: {  	_ =	swait.ge @p1 [sflag:s23], $0xA000  }
.Ltmp7:
0x161: {  	s31 =	sld [smem:$0x7F6];
	(pc) =	sbr.rel .LBB2_7-.Ltmp7, $3  }
0x162: {  	_ =	sdelay $0x1  }
0x163: {  	p2 =	por @p1 $0x1, $0x1;
	[sflag:s23] =	ssyncset.done @p1 $0x0;
	p0 =	seq.s32 s31, $0x1  }
0x164: {  	[sflag:s23] =	ssyncadd.s32 @p1 $0xFFFF6000;
	p2 =	por @!p1 p0, p0  }
.LBB2_9:
0x165: {  	_ =	sfence.sel $0x180000  }
0x166: {  	[bflag:$0x0] =	sbarrier.arrive $0xFFFF  }
0x167: {  	p0 =	sne.s32 s2, $0x0;
	_ =	strace $0x90000047  }
0x168: {  	s0 =	sadd.s32 @!p0 $0x100000, s0;
	[bflag:$0x2] =	sbarrier.arrive $0xFFFF  }
0x169: {  	[sflag:s0] =	ssyncadd.tile.s32 @!p0 $0x1;
	_ =	shalt  }
.Lfunc_end2:
_tile_overlayer_lowered:
.L_overlay_start_2:
0x16a: {  	(tag) =	ssettag $0x2  }
0x16b: {  	s0 =	rddreg [dreg:$0x0];
	s2 =	stileid.u32  }
0x16c: {  	s1 =	rddreg [dreg:$0x1];
	p0 =	sne.s32 s2, $0x0  }
0x16d: {  	s3 =	rddreg [dreg:$0x2];
	[bflag:$0x3] =	sbarrier.arrive $0xFFFF;
	s2 =	simm.s32 @!p0 $0x1C01  }
0x16e: {  	[timem:s3], [sflag:s2] =	dma.local @!p0 [hbm:s0], s1  }
0x16f: {  	s0 =	simm.s32 @!p0 $0x1  }
0x170: {  	_ =	swait.ge @!p0 [sflag:s0], s1  }
0x171: {  	s1 =	ssub.s32 @!p0 $0x0, s1;
	[sflag:s0] =	ssyncset.done @!p0 $0x0  }
0x172: {  	[sflag:s0] =	ssyncadd.s32 @!p0 s1  }
0x173: {  	[bflag:$0x3] =	sbarrier.arrive $0xFFFF  }
0x174: {  	_ =	shalt  }

</sc_bundles>
